<compile_context>
chip_gen: v7x
topology: tpu7x:2x2x1
jax: 0.10.2.dev20260603
libtpu: 0.0.44.dev20260713+nightly
codegen_flags: <defaults>
</compile_context>

<pallas_src>
import jax
import jax.numpy as jnp
from jax import lax
from jax.experimental import pallas as pl
from jax.experimental.pallas import tpu as pltpu
from jax.experimental.pallas import tpu_sc as plsc

SEQ = 200
BATCH = 4096
DIM = 32
VOCAB = 1000000
NC, NS = 2, 16
NW = NC * NS
BPW = BATCH // NW
NB = 8
TROW = SEQ // NB

TBLK = 32768
SUB = TBLK // 4
LB = TBLK.bit_length() - 1
SB = SUB.bit_length() - 1
TGRID = (VOCAB + TBLK - 1) // TBLK
VROWS = TGRID * SUB
VPAD = VROWS * 4


def _sc_body(sent_hbm, table_hbm, out_hbm, idx_v, *scr):
    bufs = scr[:NB]
    sems = scr[NB:]
    wid = lax.axis_index("s") * NC + lax.axis_index("c")

    pltpu.sync_copy(sent_hbm.at[:, wid], idx_v)

    def pbody(t, c):
        for r in range(NB):
            for j in range(BPW // 16):
                v = idx_v[t, r, pl.ds(j * 16, 16)]
                idx_v[t, r, pl.ds(j * 16, 16)] = (
                    ((v >> LB) << LB) | ((v & (SUB - 1)) << 2)
                    | ((v >> SB) & 3))
        return c
    lax.fori_loop(0, TROW, pbody, 0)

    for b in range(NB):
        pltpu.async_copy(table_hbm.at[idx_v.at[0, b]], bufs[b], sems[b])

    def step(k, c):
        for b in range(NB):
            pltpu.make_async_copy(table_hbm.at[idx_v.at[0, 0]], bufs[b],
                                  sems[b]).wait()
            pltpu.async_copy(table_hbm.at[idx_v.at[k + 1, b]], bufs[b],
                             sems[b], add=True)
        return c
    lax.fori_loop(0, TROW - 1, step, 0)

    for b in range(NB):
        pltpu.make_async_copy(table_hbm.at[idx_v.at[0, 0]], bufs[b],
                              sems[b]).wait()

    inv = jnp.float32(1.0 / SEQ)

    def tree_sum(vals):
        while len(vals) > 1:
            vals = [vals[j] + vals[j + 1] for j in range(0, len(vals) - 1, 2)] \
                + ([vals[-1]] if len(vals) % 2 else [])
        return vals[0]

    def fbody(i, c):
        for off in (0, 16):
            s = tree_sum([buf[i, pl.ds(off, 16)] for buf in bufs])
            bufs[0][i, pl.ds(off, 16)] = s * inv
        return c
    lax.fori_loop(0, BPW, fbody, 0, unroll=8)

    pltpu.sync_copy(bufs[0], out_hbm.at[pl.ds(wid * BPW, BPW), :])


def _tc_transpose_body(x_ref, o_ref):
    y = jnp.concatenate(
        [x_ref[:, q * SUB:(q + 1) * SUB] for q in range(4)], axis=0)
    o_ref[...] = y.T


def _relayout_table(table):
    tableT = table.T
    tbl = pl.pallas_call(
        _tc_transpose_body,
        grid=(TGRID,),
        in_specs=[pl.BlockSpec((DIM, TBLK), lambda i: (0, i))],
        out_specs=pl.BlockSpec((SUB, 128), lambda i: (i, 0)),
        out_shape=jax.ShapeDtypeStruct((VROWS, 128), jnp.float32),
    )(tableT)
    return tbl.reshape(VPAD, DIM)


def kernel(sentence, table):
    sent4 = sentence.reshape(TROW, NB, NW, BPW).transpose(0, 2, 1, 3)
    k = pl.kernel(
        _sc_body,
        out_type=jax.ShapeDtypeStruct((BATCH, DIM), jnp.float32),
        mesh=plsc.VectorSubcoreMesh(core_axis_name="c", subcore_axis_name="s"),
        compiler_params=pltpu.CompilerParams(use_tc_tiling_on_sc=False),
        scratch_types=(
            [pltpu.VMEM((TROW, NB, BPW), jnp.int32)]
            + [pltpu.VMEM((BPW, DIM), jnp.float32)] * NB
            + [pltpu.SemaphoreType.DMA] * NB
        ),
    )
    return k(sent4, _relayout_table(table))

# --- scband reference (transcript-rebuilt; emitter-appended) ---
"""Pipeline reference for scband-lstm-5454608465966 (READ-ONLY COPY).

The authoritative reference and input builder live on the scoring server;
editing this copy changes nothing except your own understanding.
"""

import jax, jax.numpy as jnp
import numpy as np

VOCAB = 1000000
EMBED_DIM = 32
SEQ_LEN = 200
BATCH = 4096

def setup_inputs(seed: int = 0) -> dict:
    key = jax.random.key(seed)
    k1, k2 = jax.random.split(key)
    sentence = jax.random.randint(k1, (SEQ_LEN, BATCH), 0, VOCAB, dtype=jnp.int64 if jax.config.jax_enable_x64 else jnp.int32).astype(jnp.int32)
    # learned embedding table (nn.Embedding default init ~ N(0,1))
    table = jax.random.normal(k2, (VOCAB, EMBED_DIM), dtype=jnp.float32)
    return {"sentence": sentence, "table": table}

def reference(sentence, table):
    # x = self.word_embeddings(sentence)  -> gather rows
    x = jnp.take(table, sentence, axis=0)  # [SEQ_LEN, BATCH, EMBED_DIM]
    # x = torch.mean(x, dim=0)
    x = jnp.mean(x, axis=0)  # [BATCH, EMBED_DIM]
    return x

if __name__ == "__main__":
    import jax
    _d = setup_inputs()
    print(jax.jit(kernel)(*tuple(_d.values())))

</pallas_src>

<mosaic_0001>
#map = affine_map<(d0, d1) -> (0, 0, 0, 0)>
#map1 = affine_map<(d0, d1) -> (0, 0)>
module attributes {stable_mosaic.version = 14 : i64} {
  func.func @_sc_body(%arg0: i32, %arg1: i32, %arg2: memref<25x32x8x128xi32, #tpu.memory_space<hbm>>, %arg3: memref<1015808x32xf32, #tpu.memory_space<hbm>>, %arg4: memref<4096x32xf32, #tpu.memory_space<hbm>>, %arg5: memref<25x8x128xi32, #tpu.memory_space<vmem>>, %arg6: memref<128x32xf32, #tpu.memory_space<vmem>>, %arg7: memref<128x32xf32, #tpu.memory_space<vmem>>, %arg8: memref<128x32xf32, #tpu.memory_space<vmem>>, %arg9: memref<128x32xf32, #tpu.memory_space<vmem>>, %arg10: memref<128x32xf32, #tpu.memory_space<vmem>>, %arg11: memref<128x32xf32, #tpu.memory_space<vmem>>, %arg12: memref<128x32xf32, #tpu.memory_space<vmem>>, %arg13: memref<128x32xf32, #tpu.memory_space<vmem>>, %arg14: memref<!tpu.dma_semaphore, #tpu.memory_space<semaphore_mem>>, %arg15: memref<!tpu.dma_semaphore, #tpu.memory_space<semaphore_mem>>, %arg16: memref<!tpu.dma_semaphore, #tpu.memory_space<semaphore_mem>>, %arg17: memref<!tpu.dma_semaphore, #tpu.memory_space<semaphore_mem>>, %arg18: memref<!tpu.dma_semaphore, #tpu.memory_space<semaphore_mem>>, %arg19: memref<!tpu.dma_semaphore, #tpu.memory_space<semaphore_mem>>, %arg20: memref<!tpu.dma_semaphore, #tpu.memory_space<semaphore_mem>>, %arg21: memref<!tpu.dma_semaphore, #tpu.memory_space<semaphore_mem>>) attributes {dimension_semantics = [#tpu.dimension_semantics<core_parallel>, #tpu.dimension_semantics<subcore_parallel>], iteration_bounds = array<i64: 2, 16>, scalar_prefetch = 0 : i64, scratch_operands = 17 : i64, tpu.core_type = #tpu.core_type<sc_vector_subcore>, window_params = [{transform_indices = #map}, {transform_indices = #map1}, {transform_indices = #map1}]} {
    %mul3A = arith.constant 2 : i32
    %mul3A_0 = arith.muli %arg1, %mul3A : i32
    %add3A = arith.addi %mul3A_0, %arg0 : i32
    "tpu.region"() ({
      %run_scoped3A = tpu.sem_alloc : memref<!tpu.dma_semaphore, #tpu.memory_space<semaphore_mem>>
      %dma_start3A_147 = arith.constant 0 : i32
      %dma_start3A_148 = arith.constant 0 : i32
      %dma_start3A_149 = arith.constant 0 : i32
      %dma_start3A_150 = tpu.memref_slice %arg2[%dma_start3A_147, %add3A, %dma_start3A_148, %dma_start3A_149] : memref<25x32x8x128xi32, #tpu.memory_space<hbm>> -> memref<25x1x8x128xi32, #tpu.memory_space<hbm>>
      %dma_start3A_151 = tpu.memref_squeeze %dma_start3A_150 : memref<25x1x8x128xi32, #tpu.memory_space<hbm>> -> memref<25x8x128xi32, #tpu.memory_space<hbm>>
      %dma_start3A_152 = arith.constant 0 : i32
      %dma_start3A_153 = arith.constant 0 : i32
      %dma_start3A_154 = arith.constant 0 : i32
      %dma_start3A_155 = tpu.memref_slice %arg2[%dma_start3A_152, %add3A, %dma_start3A_153, %dma_start3A_154] : memref<25x32x8x128xi32, #tpu.memory_space<hbm>> -> memref<25x1x8x128xi32, #tpu.memory_space<hbm>>
      %dma_start3A_156 = tpu.memref_squeeze %dma_start3A_155 : memref<25x1x8x128xi32, #tpu.memory_space<hbm>> -> memref<25x8x128xi32, #tpu.memory_space<hbm>>
      tpu.enqueue_dma source(%dma_start3A_156 : memref<25x8x128xi32, #tpu.memory_space<hbm>>) target(%arg5 : memref<25x8x128xi32, #tpu.memory_space<vmem>>) target_semaphore(%run_scoped3A : memref<!tpu.dma_semaphore, #tpu.memory_space<semaphore_mem>>)
      %dma_wait3A_157 = arith.constant 0 : i32
      %dma_wait3A_158 = arith.constant 0 : i32
      %dma_wait3A_159 = arith.constant 0 : i32
      %dma_wait3A_160 = tpu.memref_slice %arg2[%dma_wait3A_157, %add3A, %dma_wait3A_158, %dma_wait3A_159] : memref<25x32x8x128xi32, #tpu.memory_space<hbm>> -> memref<25x1x8x128xi32, #tpu.memory_space<hbm>>
      %dma_wait3A_161 = tpu.memref_squeeze %dma_wait3A_160 : memref<25x1x8x128xi32, #tpu.memory_space<hbm>> -> memref<25x8x128xi32, #tpu.memory_space<hbm>>
      %dma_wait3A_162 = arith.constant 0 : i32
      %dma_wait3A_163 = arith.constant 0 : i32
      %dma_wait3A_164 = arith.constant 0 : i32
      %dma_wait3A_165 = tpu.memref_slice %arg2[%dma_wait3A_162, %add3A, %dma_wait3A_163, %dma_wait3A_164] : memref<25x32x8x128xi32, #tpu.memory_space<hbm>> -> memref<25x1x8x128xi32, #tpu.memory_space<hbm>>
      %dma_wait3A_166 = tpu.memref_squeeze %dma_wait3A_165 : memref<25x1x8x128xi32, #tpu.memory_space<hbm>> -> memref<25x8x128xi32, #tpu.memory_space<hbm>>
      tpu.wait_dma2 semaphore(%run_scoped3A : memref<!tpu.dma_semaphore, #tpu.memory_space<semaphore_mem>>) src(%dma_wait3A_166 : memref<25x8x128xi32, #tpu.memory_space<hbm>>) dst(%arg5 : memref<25x8x128xi32, #tpu.memory_space<vmem>>)
      tpu.yield
    }) : () -> ()
    %scan3A = arith.constant 0 : i32
    %scan3A_1 = arith.constant 0 : i32
    %scan3A_2 = arith.constant 25 : i32
    %scan3A_3 = arith.addi %scan3A_1, %scan3A_2 : i32
    %scan3A_4 = arith.constant 1 : i32
    scf.for %scan3A_147 = %scan3A_1 to %scan3A_3 step %scan3A_4  : i32 {
      %get3A = arith.constant 0 : i32
      %get3A_148 = arith.index_cast %scan3A_147 : i32 to index
      %get3A_149 = arith.index_cast %get3A : i32 to index
      %get3A_150 = arith.constant 0 : index
      %get3A_151 = tpu.vector_load %arg5[%get3A_148, %get3A_149, %get3A_150] {strides = array<i32>} : memref<25x8x128xi32, #tpu.memory_space<vmem>>, vector<1x1x16xi32>,
      %get3A_152 = vector.shape_cast %get3A_151 : vector<1x1x16xi32> to vector<16xi32>
      %shift_right_arithmetic3A = arith.constant 15 : i32
      %shift_right_arithmetic3A_153 = vector.broadcast %shift_right_arithmetic3A : i32 to vector<16xi32>
      %shift_right_arithmetic3A_154 = arith.shrsi %get3A_152, %shift_right_arithmetic3A_153 : vector<16xi32>
      %shift_left3A = arith.constant 15 : i32
      %shift_left3A_155 = vector.broadcast %shift_left3A : i32 to vector<16xi32>
      %shift_left3A_156 = arith.shli %shift_right_arithmetic3A_154, %shift_left3A_155 : vector<16xi32>
      %and3A = arith.constant 8191 : i32
      %and3A_157 = vector.broadcast %and3A : i32 to vector<16xi32>
      %and3A_158 = arith.andi %get3A_152, %and3A_157 : vector<16xi32>
      %shift_left3A_159 = arith.constant 2 : i32
      %shift_left3A_160 = vector.broadcast %shift_left3A_159 : i32 to vector<16xi32>
      %shift_left3A_161 = arith.shli %and3A_158, %shift_left3A_160 : vector<16xi32>
      %or3A = arith.ori %shift_left3A_156, %shift_left3A_161 : vector<16xi32>
      %shift_right_arithmetic3A_162 = arith.constant 13 : i32
      %shift_right_arithmetic3A_163 = vector.broadcast %shift_right_arithmetic3A_162 : i32 to vector<16xi32>
      %shift_right_arithmetic3A_164 = arith.shrsi %get3A_152, %shift_right_arithmetic3A_163 : vector<16xi32>
      %and3A_165 = arith.constant 3 : i32
      %and3A_166 = vector.broadcast %and3A_165 : i32 to vector<16xi32>
      %and3A_167 = arith.andi %shift_right_arithmetic3A_164, %and3A_166 : vector<16xi32>
      %or3A_168 = arith.ori %or3A, %and3A_167 : vector<16xi32>
      %swap3A = arith.constant 0 : i32
      %swap3A_169 = arith.index_cast %scan3A_147 : i32 to index
      %swap3A_170 = arith.index_cast %swap3A : i32 to index
      %swap3A_171 = arith.constant 0 : index
      %swap3A_172 = tpu.vector_load %arg5[%swap3A_169, %swap3A_170, %swap3A_171] {strides = array<i32>} : memref<25x8x128xi32, #tpu.memory_space<vmem>>, vector<1x1x16xi32>,
      %swap3A_173 = vector.shape_cast %swap3A_172 : vector<1x1x16xi32> to vector<16xi32>
      %swap3A_174 = vector.shape_cast %or3A_168 : vector<16xi32> to vector<1x1x16xi32>
      tpu.vector_store %arg5[%swap3A_169, %swap3A_170, %swap3A_171], %swap3A_174 {strides = array<i32>} : memref<25x8x128xi32, #tpu.memory_space<vmem>>, vector<1x1x16xi32>,
      %get3A_175 = arith.constant 0 : i32
      %get3A_176 = arith.index_cast %scan3A_147 : i32 to index
      %get3A_177 = arith.index_cast %get3A_175 : i32 to index
      %get3A_178 = arith.constant 16 : index
      %get3A_179 = tpu.vector_load %arg5[%get3A_176, %get3A_177, %get3A_178] {strides = array<i32>} : memref<25x8x128xi32, #tpu.memory_space<vmem>>, vector<1x1x16xi32>,
      %get3A_180 = vector.shape_cast %get3A_179 : vector<1x1x16xi32> to vector<16xi32>
      %shift_right_arithmetic3A_181 = arith.constant 15 : i32
      %shift_right_arithmetic3A_182 = vector.broadcast %shift_right_arithmetic3A_181 : i32 to vector<16xi32>
      %shift_right_arithmetic3A_183 = arith.shrsi %get3A_180, %shift_right_arithmetic3A_182 : vector<16xi32>
      %shift_left3A_184 = arith.constant 15 : i32
      %shift_left3A_185 = vector.broadcast %shift_left3A_184 : i32 to vector<16xi32>
      %shift_left3A_186 = arith.shli %shift_right_arithmetic3A_183, %shift_left3A_185 : vector<16xi32>
      %and3A_187 = arith.constant 8191 : i32
      %and3A_188 = vector.broadcast %and3A_187 : i32 to vector<16xi32>
      %and3A_189 = arith.andi %get3A_180, %and3A_188 : vector<16xi32>
      %shift_left3A_190 = arith.constant 2 : i32
      %shift_left3A_191 = vector.broadcast %shift_left3A_190 : i32 to vector<16xi32>
      %shift_left3A_192 = arith.shli %and3A_189, %shift_left3A_191 : vector<16xi32>
      %or3A_193 = arith.ori %shift_left3A_186, %shift_left3A_192 : vector<16xi32>
      %shift_right_arithmetic3A_194 = arith.constant 13 : i32
      %shift_right_arithmetic3A_195 = vector.broadcast %shift_right_arithmetic3A_194 : i32 to vector<16xi32>
      %shift_right_arithmetic3A_196 = arith.shrsi %get3A_180, %shift_right_arithmetic3A_195 : vector<16xi32>
      %and3A_197 = arith.constant 3 : i32
      %and3A_198 = vector.broadcast %and3A_197 : i32 to vector<16xi32>
      %and3A_199 = arith.andi %shift_right_arithmetic3A_196, %and3A_198 : vector<16xi32>
      %or3A_200 = arith.ori %or3A_193, %and3A_199 : vector<16xi32>
      %swap3A_201 = arith.constant 0 : i32
      %swap3A_202 = arith.index_cast %scan3A_147 : i32 to index
      %swap3A_203 = arith.index_cast %swap3A_201 : i32 to index
      %swap3A_204 = arith.constant 16 : index
      %swap3A_205 = tpu.vector_load %arg5[%swap3A_202, %swap3A_203, %swap3A_204] {strides = array<i32>} : memref<25x8x128xi32, #tpu.memory_space<vmem>>, vector<1x1x16xi32>,
      %swap3A_206 = vector.shape_cast %swap3A_205 : vector<1x1x16xi32> to vector<16xi32>
      %swap3A_207 = vector.shape_cast %or3A_200 : vector<16xi32> to vector<1x1x16xi32>
      tpu.vector_store %arg5[%swap3A_202, %swap3A_203, %swap3A_204], %swap3A_207 {strides = array<i32>} : memref<25x8x128xi32, #tpu.memory_space<vmem>>, vector<1x1x16xi32>,
      %get3A_208 = arith.constant 0 : i32
      %get3A_209 = arith.index_cast %scan3A_147 : i32 to index
      %get3A_210 = arith.index_cast %get3A_208 : i32 to index
      %get3A_211 = arith.constant 32 : index
      %get3A_212 = tpu.vector_load %arg5[%get3A_209, %get3A_210, %get3A_211] {strides = array<i32>} : memref<25x8x128xi32, #tpu.memory_space<vmem>>, vector<1x1x16xi32>,
      %get3A_213 = vector.shape_cast %get3A_212 : vector<1x1x16xi32> to vector<16xi32>
      %shift_right_arithmetic3A_214 = arith.constant 15 : i32
      %shift_right_arithmetic3A_215 = vector.broadcast %shift_right_arithmetic3A_214 : i32 to vector<16xi32>
      %shift_right_arithmetic3A_216 = arith.shrsi %get3A_213, %shift_right_arithmetic3A_215 : vector<16xi32>
      %shift_left3A_217 = arith.constant 15 : i32
      %shift_left3A_218 = vector.broadcast %shift_left3A_217 : i32 to vector<16xi32>
      %shift_left3A_219 = arith.shli %shift_right_arithmetic3A_216, %shift_left3A_218 : vector<16xi32>
      %and3A_220 = arith.constant 8191 : i32
      %and3A_221 = vector.broadcast %and3A_220 : i32 to vector<16xi32>
      %and3A_222 = arith.andi %get3A_213, %and3A_221 : vector<16xi32>
      %shift_left3A_223 = arith.constant 2 : i32
      %shift_left3A_224 = vector.broadcast %shift_left3A_223 : i32 to vector<16xi32>
      %shift_left3A_225 = arith.shli %and3A_222, %shift_left3A_224 : vector<16xi32>
      %or3A_226 = arith.ori %shift_left3A_219, %shift_left3A_225 : vector<16xi32>
      %shift_right_arithmetic3A_227 = arith.constant 13 : i32
      %shift_right_arithmetic3A_228 = vector.broadcast %shift_right_arithmetic3A_227 : i32 to vector<16xi32>
      %shift_right_arithmetic3A_229 = arith.shrsi %get3A_213, %shift_right_arithmetic3A_228 : vector<16xi32>
      %and3A_230 = arith.constant 3 : i32
      %and3A_231 = vector.broadcast %and3A_230 : i32 to vector<16xi32>
      %and3A_232 = arith.andi %shift_right_arithmetic3A_229, %and3A_231 : vector<16xi32>
      %or3A_233 = arith.ori %or3A_226, %and3A_232 : vector<16xi32>
      %swap3A_234 = arith.constant 0 : i32
      %swap3A_235 = arith.index_cast %scan3A_147 : i32 to index
      %swap3A_236 = arith.index_cast %swap3A_234 : i32 to index
      %swap3A_237 = arith.constant 32 : index
      %swap3A_238 = tpu.vector_load %arg5[%swap3A_235, %swap3A_236, %swap3A_237] {strides = array<i32>} : memref<25x8x128xi32, #tpu.memory_space<vmem>>, vector<1x1x16xi32>,
      %swap3A_239 = vector.shape_cast %swap3A_238 : vector<1x1x16xi32> to vector<16xi32>
      %swap3A_240 = vector.shape_cast %or3A_233 : vector<16xi32> to vector<1x1x16xi32>
      tpu.vector_store %arg5[%swap3A_235, %swap3A_236, %swap3A_237], %swap3A_240 {strides = array<i32>} : memref<25x8x128xi32, #tpu.memory_space<vmem>>, vector<1x1x16xi32>,
      %get3A_241 = arith.constant 0 : i32
      %get3A_242 = arith.index_cast %scan3A_147 : i32 to index
      %get3A_243 = arith.index_cast %get3A_241 : i32 to index
      %get3A_244 = arith.constant 48 : index
      %get3A_245 = tpu.vector_load %arg5[%get3A_242, %get3A_243, %get3A_244] {strides = array<i32>} : memref<25x8x128xi32, #tpu.memory_space<vmem>>, vector<1x1x16xi32>,
      %get3A_246 = vector.shape_cast %get3A_245 : vector<1x1x16xi32> to vector<16xi32>
      %shift_right_arithmetic3A_247 = arith.constant 15 : i32
      %shift_right_arithmetic3A_248 = vector.broadcast %shift_right_arithmetic3A_247 : i32 to vector<16xi32>
      %shift_right_arithmetic3A_249 = arith.shrsi %get3A_246, %shift_right_arithmetic3A_248 : vector<16xi32>
      %shift_left3A_250 = arith.constant 15 : i32
      %shift_left3A_251 = vector.broadcast %shift_left3A_250 : i32 to vector<16xi32>
      %shift_left3A_252 = arith.shli %shift_right_arithmetic3A_249, %shift_left3A_251 : vector<16xi32>
      %and3A_253 = arith.constant 8191 : i32
      %and3A_254 = vector.broadcast %and3A_253 : i32 to vector<16xi32>
      %and3A_255 = arith.andi %get3A_246, %and3A_254 : vector<16xi32>
      %shift_left3A_256 = arith.constant 2 : i32
      %shift_left3A_257 = vector.broadcast %shift_left3A_256 : i32 to vector<16xi32>
      %shift_left3A_258 = arith.shli %and3A_255, %shift_left3A_257 : vector<16xi32>
      %or3A_259 = arith.ori %shift_left3A_252, %shift_left3A_258 : vector<16xi32>
      %shift_right_arithmetic3A_260 = arith.constant 13 : i32
      %shift_right_arithmetic3A_261 = vector.broadcast %shift_right_arithmetic3A_260 : i32 to vector<16xi32>
      %shift_right_arithmetic3A_262 = arith.shrsi %get3A_246, %shift_right_arithmetic3A_261 : vector<16xi32>
      %and3A_263 = arith.constant 3 : i32
      %and3A_264 = vector.broadcast %and3A_263 : i32 to vector<16xi32>
      %and3A_265 = arith.andi %shift_right_arithmetic3A_262, %and3A_264 : vector<16xi32>
      %or3A_266 = arith.ori %or3A_259, %and3A_265 : vector<16xi32>
      %swap3A_267 = arith.constant 0 : i32
      %swap3A_268 = arith.index_cast %scan3A_147 : i32 to index
      %swap3A_269 = arith.index_cast %swap3A_267 : i32 to index
      %swap3A_270 = arith.constant 48 : index
      %swap3A_271 = tpu.vector_load %arg5[%swap3A_268, %swap3A_269, %swap3A_270] {strides = array<i32>} : memref<25x8x128xi32, #tpu.memory_space<vmem>>, vector<1x1x16xi32>,
      %swap3A_272 = vector.shape_cast %swap3A_271 : vector<1x1x16xi32> to vector<16xi32>
      %swap3A_273 = vector.shape_cast %or3A_266 : vector<16xi32> to vector<1x1x16xi32>
      tpu.vector_store %arg5[%swap3A_268, %swap3A_269, %swap3A_270], %swap3A_273 {strides = array<i32>} : memref<25x8x128xi32, #tpu.memory_space<vmem>>, vector<1x1x16xi32>,
      %get3A_274 = arith.constant 0 : i32
      %get3A_275 = arith.index_cast %scan3A_147 : i32 to index
      %get3A_276 = arith.index_cast %get3A_274 : i32 to index
      %get3A_277 = arith.constant 64 : index
      %get3A_278 = tpu.vector_load %arg5[%get3A_275, %get3A_276, %get3A_277] {strides = array<i32>} : memref<25x8x128xi32, #tpu.memory_space<vmem>>, vector<1x1x16xi32>,
      %get3A_279 = vector.shape_cast %get3A_278 : vector<1x1x16xi32> to vector<16xi32>
      %shift_right_arithmetic3A_280 = arith.constant 15 : i32
      %shift_right_arithmetic3A_281 = vector.broadcast %shift_right_arithmetic3A_280 : i32 to vector<16xi32>
      %shift_right_arithmetic3A_282 = arith.shrsi %get3A_279, %shift_right_arithmetic3A_281 : vector<16xi32>
      %shift_left3A_283 = arith.constant 15 : i32
      %shift_left3A_284 = vector.broadcast %shift_left3A_283 : i32 to vector<16xi32>
      %shift_left3A_285 = arith.shli %shift_right_arithmetic3A_282, %shift_left3A_284 : vector<16xi32>
      %and3A_286 = arith.constant 8191 : i32
      %and3A_287 = vector.broadcast %and3A_286 : i32 to vector<16xi32>
      %and3A_288 = arith.andi %get3A_279, %and3A_287 : vector<16xi32>
      %shift_left3A_289 = arith.constant 2 : i32
      %shift_left3A_290 = vector.broadcast %shift_left3A_289 : i32 to vector<16xi32>
      %shift_left3A_291 = arith.shli %and3A_288, %shift_left3A_290 : vector<16xi32>
      %or3A_292 = arith.ori %shift_left3A_285, %shift_left3A_291 : vector<16xi32>
      %shift_right_arithmetic3A_293 = arith.constant 13 : i32
      %shift_right_arithmetic3A_294 = vector.broadcast %shift_right_arithmetic3A_293 : i32 to vector<16xi32>
      %shift_right_arithmetic3A_295 = arith.shrsi %get3A_279, %shift_right_arithmetic3A_294 : vector<16xi32>
      %and3A_296 = arith.constant 3 : i32
      %and3A_297 = vector.broadcast %and3A_296 : i32 to vector<16xi32>
      %and3A_298 = arith.andi %shift_right_arithmetic3A_295, %and3A_297 : vector<16xi32>
      %or3A_299 = arith.ori %or3A_292, %and3A_298 : vector<16xi32>
      %swap3A_300 = arith.constant 0 : i32
      %swap3A_301 = arith.index_cast %scan3A_147 : i32 to index
      %swap3A_302 = arith.index_cast %swap3A_300 : i32 to index
      %swap3A_303 = arith.constant 64 : index
      %swap3A_304 = tpu.vector_load %arg5[%swap3A_301, %swap3A_302, %swap3A_303] {strides = array<i32>} : memref<25x8x128xi32, #tpu.memory_space<vmem>>, vector<1x1x16xi32>,
      %swap3A_305 = vector.shape_cast %swap3A_304 : vector<1x1x16xi32> to vector<16xi32>
      %swap3A_306 = vector.shape_cast %or3A_299 : vector<16xi32> to vector<1x1x16xi32>
      tpu.vector_store %arg5[%swap3A_301, %swap3A_302, %swap3A_303], %swap3A_306 {strides = array<i32>} : memref<25x8x128xi32, #tpu.memory_space<vmem>>, vector<1x1x16xi32>,
      %get3A_307 = arith.constant 0 : i32
      %get3A_308 = arith.index_cast %scan3A_147 : i32 to index
      %get3A_309 = arith.index_cast %get3A_307 : i32 to index
      %get3A_310 = arith.constant 80 : index
      %get3A_311 = tpu.vector_load %arg5[%get3A_308, %get3A_309, %get3A_310] {strides = array<i32>} : memref<25x8x128xi32, #tpu.memory_space<vmem>>, vector<1x1x16xi32>,
      %get3A_312 = vector.shape_cast %get3A_311 : vector<1x1x16xi32> to vector<16xi32>
      %shift_right_arithmetic3A_313 = arith.constant 15 : i32
      %shift_right_arithmetic3A_314 = vector.broadcast %shift_right_arithmetic3A_313 : i32 to vector<16xi32>
      %shift_right_arithmetic3A_315 = arith.shrsi %get3A_312, %shift_right_arithmetic3A_314 : vector<16xi32>
      %shift_left3A_316 = arith.constant 15 : i32
      %shift_left3A_317 = vector.broadcast %shift_left3A_316 : i32 to vector<16xi32>
      %shift_left3A_318 = arith.shli %shift_right_arithmetic3A_315, %shift_left3A_317 : vector<16xi32>
      %and3A_319 = arith.constant 8191 : i32
      %and3A_320 = vector.broadcast %and3A_319 : i32 to vector<16xi32>
      %and3A_321 = arith.andi %get3A_312, %and3A_320 : vector<16xi32>
      %shift_left3A_322 = arith.constant 2 : i32
      %shift_left3A_323 = vector.broadcast %shift_left3A_322 : i32 to vector<16xi32>
      %shift_left3A_324 = arith.shli %and3A_321, %shift_left3A_323 : vector<16xi32>
      %or3A_325 = arith.ori %shift_left3A_318, %shift_left3A_324 : vector<16xi32>
      %shift_right_arithmetic3A_326 = arith.constant 13 : i32
      %shift_right_arithmetic3A_327 = vector.broadcast %shift_right_arithmetic3A_326 : i32 to vector<16xi32>
      %shift_right_arithmetic3A_328 = arith.shrsi %get3A_312, %shift_right_arithmetic3A_327 : vector<16xi32>
      %and3A_329 = arith.constant 3 : i32
      %and3A_330 = vector.broadcast %and3A_329 : i32 to vector<16xi32>
      %and3A_331 = arith.andi %shift_right_arithmetic3A_328, %and3A_330 : vector<16xi32>
      %or3A_332 = arith.ori %or3A_325, %and3A_331 : vector<16xi32>
      %swap3A_333 = arith.constant 0 : i32
      %swap3A_334 = arith.index_cast %scan3A_147 : i32 to index
      %swap3A_335 = arith.index_cast %swap3A_333 : i32 to index
      %swap3A_336 = arith.constant 80 : index
      %swap3A_337 = tpu.vector_load %arg5[%swap3A_334, %swap3A_335, %swap3A_336] {strides = array<i32>} : memref<25x8x128xi32, #tpu.memory_space<vmem>>, vector<1x1x16xi32>,
      %swap3A_338 = vector.shape_cast %swap3A_337 : vector<1x1x16xi32> to vector<16xi32>
      %swap3A_339 = vector.shape_cast %or3A_332 : vector<16xi32> to vector<1x1x16xi32>
      tpu.vector_store %arg5[%swap3A_334, %swap3A_335, %swap3A_336], %swap3A_339 {strides = array<i32>} : memref<25x8x128xi32, #tpu.memory_space<vmem>>, vector<1x1x16xi32>,
      %get3A_340 = arith.constant 0 : i32
      %get3A_341 = arith.index_cast %scan3A_147 : i32 to index
      %get3A_342 = arith.index_cast %get3A_340 : i32 to index
      %get3A_343 = arith.constant 96 : index
      %get3A_344 = tpu.vector_load %arg5[%get3A_341, %get3A_342, %get3A_343] {strides = array<i32>} : memref<25x8x128xi32, #tpu.memory_space<vmem>>, vector<1x1x16xi32>,
      %get3A_345 = vector.shape_cast %get3A_344 : vector<1x1x16xi32> to vector<16xi32>
      %shift_right_arithmetic3A_346 = arith.constant 15 : i32
      %shift_right_arithmetic3A_347 = vector.broadcast %shift_right_arithmetic3A_346 : i32 to vector<16xi32>
      %shift_right_arithmetic3A_348 = arith.shrsi %get3A_345, %shift_right_arithmetic3A_347 : vector<16xi32>
      %shift_left3A_349 = arith.constant 15 : i32
      %shift_left3A_350 = vector.broadcast %shift_left3A_349 : i32 to vector<16xi32>
      %shift_left3A_351 = arith.shli %shift_right_arithmetic3A_348, %shift_left3A_350 : vector<16xi32>
      %and3A_352 = arith.constant 8191 : i32
      %and3A_353 = vector.broadcast %and3A_352 : i32 to vector<16xi32>
      %and3A_354 = arith.andi %get3A_345, %and3A_353 : vector<16xi32>
      %shift_left3A_355 = arith.constant 2 : i32
      %shift_left3A_356 = vector.broadcast %shift_left3A_355 : i32 to vector<16xi32>
      %shift_left3A_357 = arith.shli %and3A_354, %shift_left3A_356 : vector<16xi32>
      %or3A_358 = arith.ori %shift_left3A_351, %shift_left3A_357 : vector<16xi32>
      %shift_right_arithmetic3A_359 = arith.constant 13 : i32
      %shift_right_arithmetic3A_360 = vector.broadcast %shift_right_arithmetic3A_359 : i32 to vector<16xi32>
      %shift_right_arithmetic3A_361 = arith.shrsi %get3A_345, %shift_right_arithmetic3A_360 : vector<16xi32>
      %and3A_362 = arith.constant 3 : i32
      %and3A_363 = vector.broadcast %and3A_362 : i32 to vector<16xi32>
      %and3A_364 = arith.andi %shift_right_arithmetic3A_361, %and3A_363 : vector<16xi32>
      %or3A_365 = arith.ori %or3A_358, %and3A_364 : vector<16xi32>
      %swap3A_366 = arith.constant 0 : i32
      %swap3A_367 = arith.index_cast %scan3A_147 : i32 to index
      %swap3A_368 = arith.index_cast %swap3A_366 : i32 to index
      %swap3A_369 = arith.constant 96 : index
      %swap3A_370 = tpu.vector_load %arg5[%swap3A_367, %swap3A_368, %swap3A_369] {strides = array<i32>} : memref<25x8x128xi32, #tpu.memory_space<vmem>>, vector<1x1x16xi32>,
      %swap3A_371 = vector.shape_cast %swap3A_370 : vector<1x1x16xi32> to vector<16xi32>
      %swap3A_372 = vector.shape_cast %or3A_365 : vector<16xi32> to vector<1x1x16xi32>
      tpu.vector_store %arg5[%swap3A_367, %swap3A_368, %swap3A_369], %swap3A_372 {strides = array<i32>} : memref<25x8x128xi32, #tpu.memory_space<vmem>>, vector<1x1x16xi32>,
      %get3A_373 = arith.constant 0 : i32
      %get3A_374 = arith.index_cast %scan3A_147 : i32 to index
      %get3A_375 = arith.index_cast %get3A_373 : i32 to index
      %get3A_376 = arith.constant 112 : index
      %get3A_377 = tpu.vector_load %arg5[%get3A_374, %get3A_375, %get3A_376] {strides = array<i32>} : memref<25x8x128xi32, #tpu.memory_space<vmem>>, vector<1x1x16xi32>,
      %get3A_378 = vector.shape_cast %get3A_377 : vector<1x1x16xi32> to vector<16xi32>
      %shift_right_arithmetic3A_379 = arith.constant 15 : i32
      %shift_right_arithmetic3A_380 = vector.broadcast %shift_right_arithmetic3A_379 : i32 to vector<16xi32>
      %shift_right_arithmetic3A_381 = arith.shrsi %get3A_378, %shift_right_arithmetic3A_380 : vector<16xi32>
      %shift_left3A_382 = arith.constant 15 : i32
      %shift_left3A_383 = vector.broadcast %shift_left3A_382 : i32 to vector<16xi32>
      %shift_left3A_384 = arith.shli %shift_right_arithmetic3A_381, %shift_left3A_383 : vector<16xi32>
      %and3A_385 = arith.constant 8191 : i32
      %and3A_386 = vector.broadcast %and3A_385 : i32 to vector<16xi32>
      %and3A_387 = arith.andi %get3A_378, %and3A_386 : vector<16xi32>
      %shift_left3A_388 = arith.constant 2 : i32
      %shift_left3A_389 = vector.broadcast %shift_left3A_388 : i32 to vector<16xi32>
      %shift_left3A_390 = arith.shli %and3A_387, %shift_left3A_389 : vector<16xi32>
      %or3A_391 = arith.ori %shift_left3A_384, %shift_left3A_390 : vector<16xi32>
      %shift_right_arithmetic3A_392 = arith.constant 13 : i32
      %shift_right_arithmetic3A_393 = vector.broadcast %shift_right_arithmetic3A_392 : i32 to vector<16xi32>
      %shift_right_arithmetic3A_394 = arith.shrsi %get3A_378, %shift_right_arithmetic3A_393 : vector<16xi32>
      %and3A_395 = arith.constant 3 : i32
      %and3A_396 = vector.broadcast %and3A_395 : i32 to vector<16xi32>
      %and3A_397 = arith.andi %shift_right_arithmetic3A_394, %and3A_396 : vector<16xi32>
      %or3A_398 = arith.ori %or3A_391, %and3A_397 : vector<16xi32>
      %swap3A_399 = arith.constant 0 : i32
      %swap3A_400 = arith.index_cast %scan3A_147 : i32 to index
      %swap3A_401 = arith.index_cast %swap3A_399 : i32 to index
      %swap3A_402 = arith.constant 112 : index
      %swap3A_403 = tpu.vector_load %arg5[%swap3A_400, %swap3A_401, %swap3A_402] {strides = array<i32>} : memref<25x8x128xi32, #tpu.memory_space<vmem>>, vector<1x1x16xi32>,
      %swap3A_404 = vector.shape_cast %swap3A_403 : vector<1x1x16xi32> to vector<16xi32>
      %swap3A_405 = vector.shape_cast %or3A_398 : vector<16xi32> to vector<1x1x16xi32>
      tpu.vector_store %arg5[%swap3A_400, %swap3A_401, %swap3A_402], %swap3A_405 {strides = array<i32>} : memref<25x8x128xi32, #tpu.memory_space<vmem>>, vector<1x1x16xi32>,
      %get3A_406 = arith.constant 1 : i32
      %get3A_407 = arith.index_cast %scan3A_147 : i32 to index
      %get3A_408 = arith.index_cast %get3A_406 : i32 to index
      %get3A_409 = arith.constant 0 : index
      %get3A_410 = tpu.vector_load %arg5[%get3A_407, %get3A_408, %get3A_409] {strides = array<i32>} : memref<25x8x128xi32, #tpu.memory_space<vmem>>, vector<1x1x16xi32>,
      %get3A_411 = vector.shape_cast %get3A_410 : vector<1x1x16xi32> to vector<16xi32>
      %shift_right_arithmetic3A_412 = arith.constant 15 : i32
      %shift_right_arithmetic3A_413 = vector.broadcast %shift_right_arithmetic3A_412 : i32 to vector<16xi32>
      %shift_right_arithmetic3A_414 = arith.shrsi %get3A_411, %shift_right_arithmetic3A_413 : vector<16xi32>
      %shift_left3A_415 = arith.constant 15 : i32
      %shift_left3A_416 = vector.broadcast %shift_left3A_415 : i32 to vector<16xi32>
      %shift_left3A_417 = arith.shli %shift_right_arithmetic3A_414, %shift_left3A_416 : vector<16xi32>
      %and3A_418 = arith.constant 8191 : i32
      %and3A_419 = vector.broadcast %and3A_418 : i32 to vector<16xi32>
      %and3A_420 = arith.andi %get3A_411, %and3A_419 : vector<16xi32>
      %shift_left3A_421 = arith.constant 2 : i32
      %shift_left3A_422 = vector.broadcast %shift_left3A_421 : i32 to vector<16xi32>
      %shift_left3A_423 = arith.shli %and3A_420, %shift_left3A_422 : vector<16xi32>
      %or3A_424 = arith.ori %shift_left3A_417, %shift_left3A_423 : vector<16xi32>
      %shift_right_arithmetic3A_425 = arith.constant 13 : i32
      %shift_right_arithmetic3A_426 = vector.broadcast %shift_right_arithmetic3A_425 : i32 to vector<16xi32>
      %shift_right_arithmetic3A_427 = arith.shrsi %get3A_411, %shift_right_arithmetic3A_426 : vector<16xi32>
      %and3A_428 = arith.constant 3 : i32
      %and3A_429 = vector.broadcast %and3A_428 : i32 to vector<16xi32>
      %and3A_430 = arith.andi %shift_right_arithmetic3A_427, %and3A_429 : vector<16xi32>
      %or3A_431 = arith.ori %or3A_424, %and3A_430 : vector<16xi32>
      %swap3A_432 = arith.constant 1 : i32
      %swap3A_433 = arith.index_cast %scan3A_147 : i32 to index
      %swap3A_434 = arith.index_cast %swap3A_432 : i32 to index
      %swap3A_435 = arith.constant 0 : index
      %swap3A_436 = tpu.vector_load %arg5[%swap3A_433, %swap3A_434, %swap3A_435] {strides = array<i32>} : memref<25x8x128xi32, #tpu.memory_space<vmem>>, vector<1x1x16xi32>,
      %swap3A_437 = vector.shape_cast %swap3A_436 : vector<1x1x16xi32> to vector<16xi32>
      %swap3A_438 = vector.shape_cast %or3A_431 : vector<16xi32> to vector<1x1x16xi32>
      tpu.vector_store %arg5[%swap3A_433, %swap3A_434, %swap3A_435], %swap3A_438 {strides = array<i32>} : memref<25x8x128xi32, #tpu.memory_space<vmem>>, vector<1x1x16xi32>,
      %get3A_439 = arith.constant 1 : i32
      %get3A_440 = arith.index_cast %scan3A_147 : i32 to index
      %get3A_441 = arith.index_cast %get3A_439 : i32 to index
      %get3A_442 = arith.constant 16 : index
      %get3A_443 = tpu.vector_load %arg5[%get3A_440, %get3A_441, %get3A_442] {strides = array<i32>} : memref<25x8x128xi32, #tpu.memory_space<vmem>>, vector<1x1x16xi32>,
      %get3A_444 = vector.shape_cast %get3A_443 : vector<1x1x16xi32> to vector<16xi32>
      %shift_right_arithmetic3A_445 = arith.constant 15 : i32
      %shift_right_arithmetic3A_446 = vector.broadcast %shift_right_arithmetic3A_445 : i32 to vector<16xi32>
      %shift_right_arithmetic3A_447 = arith.shrsi %get3A_444, %shift_right_arithmetic3A_446 : vector<16xi32>
      %shift_left3A_448 = arith.constant 15 : i32
      %shift_left3A_449 = vector.broadcast %shift_left3A_448 : i32 to vector<16xi32>
      %shift_left3A_450 = arith.shli %shift_right_arithmetic3A_447, %shift_left3A_449 : vector<16xi32>
      %and3A_451 = arith.constant 8191 : i32
      %and3A_452 = vector.broadcast %and3A_451 : i32 to vector<16xi32>
      %and3A_453 = arith.andi %get3A_444, %and3A_452 : vector<16xi32>
      %shift_left3A_454 = arith.constant 2 : i32
      %shift_left3A_455 = vector.broadcast %shift_left3A_454 : i32 to vector<16xi32>
      %shift_left3A_456 = arith.shli %and3A_453, %shift_left3A_455 : vector<16xi32>
      %or3A_457 = arith.ori %shift_left3A_450, %shift_left3A_456 : vector<16xi32>
      %shift_right_arithmetic3A_458 = arith.constant 13 : i32
      %shift_right_arithmetic3A_459 = vector.broadcast %shift_right_arithmetic3A_458 : i32 to vector<16xi32>
      %shift_right_arithmetic3A_460 = arith.shrsi %get3A_444, %shift_right_arithmetic3A_459 : vector<16xi32>
      %and3A_461 = arith.constant 3 : i32
      %and3A_462 = vector.broadcast %and3A_461 : i32 to vector<16xi32>
      %and3A_463 = arith.andi %shift_right_arithmetic3A_460, %and3A_462 : vector<16xi32>
      %or3A_464 = arith.ori %or3A_457, %and3A_463 : vector<16xi32>
      %swap3A_465 = arith.constant 1 : i32
      %swap3A_466 = arith.index_cast %scan3A_147 : i32 to index
      %swap3A_467 = arith.index_cast %swap3A_465 : i32 to index
      %swap3A_468 = arith.constant 16 : index
      %swap3A_469 = tpu.vector_load %arg5[%swap3A_466, %swap3A_467, %swap3A_468] {strides = array<i32>} : memref<25x8x128xi32, #tpu.memory_space<vmem>>, vector<1x1x16xi32>,
      %swap3A_470 = vector.shape_cast %swap3A_469 : vector<1x1x16xi32> to vector<16xi32>
      %swap3A_471 = vector.shape_cast %or3A_464 : vector<16xi32> to vector<1x1x16xi32>
      tpu.vector_store %arg5[%swap3A_466, %swap3A_467, %swap3A_468], %swap3A_471 {strides = array<i32>} : memref<25x8x128xi32, #tpu.memory_space<vmem>>, vector<1x1x16xi32>,
      %get3A_472 = arith.constant 1 : i32
      %get3A_473 = arith.index_cast %scan3A_147 : i32 to index
      %get3A_474 = arith.index_cast %get3A_472 : i32 to index
      %get3A_475 = arith.constant 32 : index
      %get3A_476 = tpu.vector_load %arg5[%get3A_473, %get3A_474, %get3A_475] {strides = array<i32>} : memref<25x8x128xi32, #tpu.memory_space<vmem>>, vector<1x1x16xi32>,
      %get3A_477 = vector.shape_cast %get3A_476 : vector<1x1x16xi32> to vector<16xi32>
      %shift_right_arithmetic3A_478 = arith.constant 15 : i32
      %shift_right_arithmetic3A_479 = vector.broadcast %shift_right_arithmetic3A_478 : i32 to vector<16xi32>
      %shift_right_arithmetic3A_480 = arith.shrsi %get3A_477, %shift_right_arithmetic3A_479 : vector<16xi32>
      %shift_left3A_481 = arith.constant 15 : i32
      %shift_left3A_482 = vector.broadcast %shift_left3A_481 : i32 to vector<16xi32>
      %shift_left3A_483 = arith.shli %shift_right_arithmetic3A_480, %shift_left3A_482 : vector<16xi32>
      %and3A_484 = arith.constant 8191 : i32
      %and3A_485 = vector.broadcast %and3A_484 : i32 to vector<16xi32>
      %and3A_486 = arith.andi %get3A_477, %and3A_485 : vector<16xi32>
      %shift_left3A_487 = arith.constant 2 : i32
      %shift_left3A_488 = vector.broadcast %shift_left3A_487 : i32 to vector<16xi32>
      %shift_left3A_489 = arith.shli %and3A_486, %shift_left3A_488 : vector<16xi32>
      %or3A_490 = arith.ori %shift_left3A_483, %shift_left3A_489 : vector<16xi32>
      %shift_right_arithmetic3A_491 = arith.constant 13 : i32
      %shift_right_arithmetic3A_492 = vector.broadcast %shift_right_arithmetic3A_491 : i32 to vector<16xi32>
      %shift_right_arithmetic3A_493 = arith.shrsi %get3A_477, %shift_right_arithmetic3A_492 : vector<16xi32>
      %and3A_494 = arith.constant 3 : i32
      %and3A_495 = vector.broadcast %and3A_494 : i32 to vector<16xi32>
      %and3A_496 = arith.andi %shift_right_arithmetic3A_493, %and3A_495 : vector<16xi32>
      %or3A_497 = arith.ori %or3A_490, %and3A_496 : vector<16xi32>
      %swap3A_498 = arith.constant 1 : i32
      %swap3A_499 = arith.index_cast %scan3A_147 : i32 to index
      %swap3A_500 = arith.index_cast %swap3A_498 : i32 to index
      %swap3A_501 = arith.constant 32 : index
      %swap3A_502 = tpu.vector_load %arg5[%swap3A_499, %swap3A_500, %swap3A_501] {strides = array<i32>} : memref<25x8x128xi32, #tpu.memory_space<vmem>>, vector<1x1x16xi32>,
      %swap3A_503 = vector.shape_cast %swap3A_502 : vector<1x1x16xi32> to vector<16xi32>
      %swap3A_504 = vector.shape_cast %or3A_497 : vector<16xi32> to vector<1x1x16xi32>
      tpu.vector_store %arg5[%swap3A_499, %swap3A_500, %swap3A_501], %swap3A_504 {strides = array<i32>} : memref<25x8x128xi32, #tpu.memory_space<vmem>>, vector<1x1x16xi32>,
      %get3A_505 = arith.constant 1 : i32
      %get3A_506 = arith.index_cast %scan3A_147 : i32 to index
      %get3A_507 = arith.index_cast %get3A_505 : i32 to index
      %get3A_508 = arith.constant 48 : index
      %get3A_509 = tpu.vector_load %arg5[%get3A_506, %get3A_507, %get3A_508] {strides = array<i32>} : memref<25x8x128xi32, #tpu.memory_space<vmem>>, vector<1x1x16xi32>,
      %get3A_510 = vector.shape_cast %get3A_509 : vector<1x1x16xi32> to vector<16xi32>
      %shift_right_arithmetic3A_511 = arith.constant 15 : i32
      %shift_right_arithmetic3A_512 = vector.broadcast %shift_right_arithmetic3A_511 : i32 to vector<16xi32>
      %shift_right_arithmetic3A_513 = arith.shrsi %get3A_510, %shift_right_arithmetic3A_512 : vector<16xi32>
      %shift_left3A_514 = arith.constant 15 : i32
      %shift_left3A_515 = vector.broadcast %shift_left3A_514 : i32 to vector<16xi32>
      %shift_left3A_516 = arith.shli %shift_right_arithmetic3A_513, %shift_left3A_515 : vector<16xi32>
      %and3A_517 = arith.constant 8191 : i32
      %and3A_518 = vector.broadcast %and3A_517 : i32 to vector<16xi32>
      %and3A_519 = arith.andi %get3A_510, %and3A_518 : vector<16xi32>
      %shift_left3A_520 = arith.constant 2 : i32
      %shift_left3A_521 = vector.broadcast %shift_left3A_520 : i32 to vector<16xi32>
      %shift_left3A_522 = arith.shli %and3A_519, %shift_left3A_521 : vector<16xi32>
      %or3A_523 = arith.ori %shift_left3A_516, %shift_left3A_522 : vector<16xi32>
      %shift_right_arithmetic3A_524 = arith.constant 13 : i32
      %shift_right_arithmetic3A_525 = vector.broadcast %shift_right_arithmetic3A_524 : i32 to vector<16xi32>
      %shift_right_arithmetic3A_526 = arith.shrsi %get3A_510, %shift_right_arithmetic3A_525 : vector<16xi32>
      %and3A_527 = arith.constant 3 : i32
      %and3A_528 = vector.broadcast %and3A_527 : i32 to vector<16xi32>
      %and3A_529 = arith.andi %shift_right_arithmetic3A_526, %and3A_528 : vector<16xi32>
      %or3A_530 = arith.ori %or3A_523, %and3A_529 : vector<16xi32>
      %swap3A_531 = arith.constant 1 : i32
      %swap3A_532 = arith.index_cast %scan3A_147 : i32 to index
      %swap3A_533 = arith.index_cast %swap3A_531 : i32 to index
      %swap3A_534 = arith.constant 48 : index
      %swap3A_535 = tpu.vector_load %arg5[%swap3A_532, %swap3A_533, %swap3A_534] {strides = array<i32>} : memref<25x8x128xi32, #tpu.memory_space<vmem>>, vector<1x1x16xi32>,
      %swap3A_536 = vector.shape_cast %swap3A_535 : vector<1x1x16xi32> to vector<16xi32>
      %swap3A_537 = vector.shape_cast %or3A_530 : vector<16xi32> to vector<1x1x16xi32>
      tpu.vector_store %arg5[%swap3A_532, %swap3A_533, %swap3A_534], %swap3A_537 {strides = array<i32>} : memref<25x8x128xi32, #tpu.memory_space<vmem>>, vector<1x1x16xi32>,
      %get3A_538 = arith.constant 1 : i32
      %get3A_539 = arith.index_cast %scan3A_147 : i32 to index
      %get3A_540 = arith.index_cast %get3A_538 : i32 to index
      %get3A_541 = arith.constant 64 : index
      %get3A_542 = tpu.vector_load %arg5[%get3A_539, %get3A_540, %get3A_541] {strides = array<i32>} : memref<25x8x128xi32, #tpu.memory_space<vmem>>, vector<1x1x16xi32>,
      %get3A_543 = vector.shape_cast %get3A_542 : vector<1x1x16xi32> to vector<16xi32>
      %shift_right_arithmetic3A_544 = arith.constant 15 : i32
      %shift_right_arithmetic3A_545 = vector.broadcast %shift_right_arithmetic3A_544 : i32 to vector<16xi32>
      %shift_right_arithmetic3A_546 = arith.shrsi %get3A_543, %shift_right_arithmetic3A_545 : vector<16xi32>
      %shift_left3A_547 = arith.constant 15 : i32
      %shift_left3A_548 = vector.broadcast %shift_left3A_547 : i32 to vector<16xi32>
      %shift_left3A_549 = arith.shli %shift_right_arithmetic3A_546, %shift_left3A_548 : vector<16xi32>
      %and3A_550 = arith.constant 8191 : i32
      %and3A_551 = vector.broadcast %and3A_550 : i32 to vector<16xi32>
      %and3A_552 = arith.andi %get3A_543, %and3A_551 : vector<16xi32>
      %shift_left3A_553 = arith.constant 2 : i32
      %shift_left3A_554 = vector.broadcast %shift_left3A_553 : i32 to vector<16xi32>
      %shift_left3A_555 = arith.shli %and3A_552, %shift_left3A_554 : vector<16xi32>
      %or3A_556 = arith.ori %shift_left3A_549, %shift_left3A_555 : vector<16xi32>
      %shift_right_arithmetic3A_557 = arith.constant 13 : i32
      %shift_right_arithmetic3A_558 = vector.broadcast %shift_right_arithmetic3A_557 : i32 to vector<16xi32>
      %shift_right_arithmetic3A_559 = arith.shrsi %get3A_543, %shift_right_arithmetic3A_558 : vector<16xi32>
      %and3A_560 = arith.constant 3 : i32
      %and3A_561 = vector.broadcast %and3A_560 : i32 to vector<16xi32>
      %and3A_562 = arith.andi %shift_right_arithmetic3A_559, %and3A_561 : vector<16xi32>
      %or3A_563 = arith.ori %or3A_556, %and3A_562 : vector<16xi32>
      %swap3A_564 = arith.constant 1 : i32
      %swap3A_565 = arith.index_cast %scan3A_147 : i32 to index
      %swap3A_566 = arith.index_cast %swap3A_564 : i32 to index
      %swap3A_567 = arith.constant 64 : index
      %swap3A_568 = tpu.vector_load %arg5[%swap3A_565, %swap3A_566, %swap3A_567] {strides = array<i32>} : memref<25x8x128xi32, #tpu.memory_space<vmem>>, vector<1x1x16xi32>,
      %swap3A_569 = vector.shape_cast %swap3A_568 : vector<1x1x16xi32> to vector<16xi32>
      %swap3A_570 = vector.shape_cast %or3A_563 : vector<16xi32> to vector<1x1x16xi32>
      tpu.vector_store %arg5[%swap3A_565, %swap3A_566, %swap3A_567], %swap3A_570 {strides = array<i32>} : memref<25x8x128xi32, #tpu.memory_space<vmem>>, vector<1x1x16xi32>,
      %get3A_571 = arith.constant 1 : i32
      %get3A_572 = arith.index_cast %scan3A_147 : i32 to index
      %get3A_573 = arith.index_cast %get3A_571 : i32 to index
      %get3A_574 = arith.constant 80 : index
      %get3A_575 = tpu.vector_load %arg5[%get3A_572, %get3A_573, %get3A_574] {strides = array<i32>} : memref<25x8x128xi32, #tpu.memory_space<vmem>>, vector<1x1x16xi32>,
      %get3A_576 = vector.shape_cast %get3A_575 : vector<1x1x16xi32> to vector<16xi32>
      %shift_right_arithmetic3A_577 = arith.constant 15 : i32
      %shift_right_arithmetic3A_578 = vector.broadcast %shift_right_arithmetic3A_577 : i32 to vector<16xi32>
      %shift_right_arithmetic3A_579 = arith.shrsi %get3A_576, %shift_right_arithmetic3A_578 : vector<16xi32>
      %shift_left3A_580 = arith.constant 15 : i32
      %shift_left3A_581 = vector.broadcast %shift_left3A_580 : i32 to vector<16xi32>
      %shift_left3A_582 = arith.shli %shift_right_arithmetic3A_579, %shift_left3A_581 : vector<16xi32>
      %and3A_583 = arith.constant 8191 : i32
      %and3A_584 = vector.broadcast %and3A_583 : i32 to vector<16xi32>
      %and3A_585 = arith.andi %get3A_576, %and3A_584 : vector<16xi32>
      %shift_left3A_586 = arith.constant 2 : i32
      %shift_left3A_587 = vector.broadcast %shift_left3A_586 : i32 to vector<16xi32>
      %shift_left3A_588 = arith.shli %and3A_585, %shift_left3A_587 : vector<16xi32>
      %or3A_589 = arith.ori %shift_left3A_582, %shift_left3A_588 : vector<16xi32>
      %shift_right_arithmetic3A_590 = arith.constant 13 : i32
      %shift_right_arithmetic3A_591 = vector.broadcast %shift_right_arithmetic3A_590 : i32 to vector<16xi32>
      %shift_right_arithmetic3A_592 = arith.shrsi %get3A_576, %shift_right_arithmetic3A_591 : vector<16xi32>
      %and3A_593 = arith.constant 3 : i32
      %and3A_594 = vector.broadcast %and3A_593 : i32 to vector<16xi32>
      %and3A_595 = arith.andi %shift_right_arithmetic3A_592, %and3A_594 : vector<16xi32>
      %or3A_596 = arith.ori %or3A_589, %and3A_595 : vector<16xi32>
      %swap3A_597 = arith.constant 1 : i32
      %swap3A_598 = arith.index_cast %scan3A_147 : i32 to index
      %swap3A_599 = arith.index_cast %swap3A_597 : i32 to index
      %swap3A_600 = arith.constant 80 : index
      %swap3A_601 = tpu.vector_load %arg5[%swap3A_598, %swap3A_599, %swap3A_600] {strides = array<i32>} : memref<25x8x128xi32, #tpu.memory_space<vmem>>, vector<1x1x16xi32>,
      %swap3A_602 = vector.shape_cast %swap3A_601 : vector<1x1x16xi32> to vector<16xi32>
      %swap3A_603 = vector.shape_cast %or3A_596 : vector<16xi32> to vector<1x1x16xi32>
      tpu.vector_store %arg5[%swap3A_598, %swap3A_599, %swap3A_600], %swap3A_603 {strides = array<i32>} : memref<25x8x128xi32, #tpu.memory_space<vmem>>, vector<1x1x16xi32>,
      %get3A_604 = arith.constant 1 : i32
      %get3A_605 = arith.index_cast %scan3A_147 : i32 to index
      %get3A_606 = arith.index_cast %get3A_604 : i32 to index
      %get3A_607 = arith.constant 96 : index
      %get3A_608 = tpu.vector_load %arg5[%get3A_605, %get3A_606, %get3A_607] {strides = array<i32>} : memref<25x8x128xi32, #tpu.memory_space<vmem>>, vector<1x1x16xi32>,
      %get3A_609 = vector.shape_cast %get3A_608 : vector<1x1x16xi32> to vector<16xi32>
      %shift_right_arithmetic3A_610 = arith.constant 15 : i32
      %shift_right_arithmetic3A_611 = vector.broadcast %shift_right_arithmetic3A_610 : i32 to vector<16xi32>
      %shift_right_arithmetic3A_612 = arith.shrsi %get3A_609, %shift_right_arithmetic3A_611 : vector<16xi32>
      %shift_left3A_613 = arith.constant 15 : i32
      %shift_left3A_614 = vector.broadcast %shift_left3A_613 : i32 to vector<16xi32>
      %shift_left3A_615 = arith.shli %shift_right_arithmetic3A_612, %shift_left3A_614 : vector<16xi32>
      %and3A_616 = arith.constant 8191 : i32
      %and3A_617 = vector.broadcast %and3A_616 : i32 to vector<16xi32>
      %and3A_618 = arith.andi %get3A_609, %and3A_617 : vector<16xi32>
      %shift_left3A_619 = arith.constant 2 : i32
      %shift_left3A_620 = vector.broadcast %shift_left3A_619 : i32 to vector<16xi32>
      %shift_left3A_621 = arith.shli %and3A_618, %shift_left3A_620 : vector<16xi32>
      %or3A_622 = arith.ori %shift_left3A_615, %shift_left3A_621 : vector<16xi32>
      %shift_right_arithmetic3A_623 = arith.constant 13 : i32
      %shift_right_arithmetic3A_624 = vector.broadcast %shift_right_arithmetic3A_623 : i32 to vector<16xi32>
      %shift_right_arithmetic3A_625 = arith.shrsi %get3A_609, %shift_right_arithmetic3A_624 : vector<16xi32>
      %and3A_626 = arith.constant 3 : i32
      %and3A_627 = vector.broadcast %and3A_626 : i32 to vector<16xi32>
      %and3A_628 = arith.andi %shift_right_arithmetic3A_625, %and3A_627 : vector<16xi32>
      %or3A_629 = arith.ori %or3A_622, %and3A_628 : vector<16xi32>
      %swap3A_630 = arith.constant 1 : i32
      %swap3A_631 = arith.index_cast %scan3A_147 : i32 to index
      %swap3A_632 = arith.index_cast %swap3A_630 : i32 to index
      %swap3A_633 = arith.constant 96 : index
      %swap3A_634 = tpu.vector_load %arg5[%swap3A_631, %swap3A_632, %swap3A_633] {strides = array<i32>} : memref<25x8x128xi32, #tpu.memory_space<vmem>>, vector<1x1x16xi32>,
      %swap3A_635 = vector.shape_cast %swap3A_634 : vector<1x1x16xi32> to vector<16xi32>
      %swap3A_636 = vector.shape_cast %or3A_629 : vector<16xi32> to vector<1x1x16xi32>
      tpu.vector_store %arg5[%swap3A_631, %swap3A_632, %swap3A_633], %swap3A_636 {strides = array<i32>} : memref<25x8x128xi32, #tpu.memory_space<vmem>>, vector<1x1x16xi32>,
      %get3A_637 = arith.constant 1 : i32
      %get3A_638 = arith.index_cast %scan3A_147 : i32 to index
      %get3A_639 = arith.index_cast %get3A_637 : i32 to index
      %get3A_640 = arith.constant 112 : index
      %get3A_641 = tpu.vector_load %arg5[%get3A_638, %get3A_639, %get3A_640] {strides = array<i32>} : memref<25x8x128xi32, #tpu.memory_space<vmem>>, vector<1x1x16xi32>,
      %get3A_642 = vector.shape_cast %get3A_641 : vector<1x1x16xi32> to vector<16xi32>
      %shift_right_arithmetic3A_643 = arith.constant 15 : i32
      %shift_right_arithmetic3A_644 = vector.broadcast %shift_right_arithmetic3A_643 : i32 to vector<16xi32>
      %shift_right_arithmetic3A_645 = arith.shrsi %get3A_642, %shift_right_arithmetic3A_644 : vector<16xi32>
      %shift_left3A_646 = arith.constant 15 : i32
      %shift_left3A_647 = vector.broadcast %shift_left3A_646 : i32 to vector<16xi32>
      %shift_left3A_648 = arith.shli %shift_right_arithmetic3A_645, %shift_left3A_647 : vector<16xi32>
      %and3A_649 = arith.constant 8191 : i32
      %and3A_650 = vector.broadcast %and3A_649 : i32 to vector<16xi32>
      %and3A_651 = arith.andi %get3A_642, %and3A_650 : vector<16xi32>
      %shift_left3A_652 = arith.constant 2 : i32
      %shift_left3A_653 = vector.broadcast %shift_left3A_652 : i32 to vector<16xi32>
      %shift_left3A_654 = arith.shli %and3A_651, %shift_left3A_653 : vector<16xi32>
      %or3A_655 = arith.ori %shift_left3A_648, %shift_left3A_654 : vector<16xi32>
      %shift_right_arithmetic3A_656 = arith.constant 13 : i32
      %shift_right_arithmetic3A_657 = vector.broadcast %shift_right_arithmetic3A_656 : i32 to vector<16xi32>
      %shift_right_arithmetic3A_658 = arith.shrsi %get3A_642, %shift_right_arithmetic3A_657 : vector<16xi32>
      %and3A_659 = arith.constant 3 : i32
      %and3A_660 = vector.broadcast %and3A_659 : i32 to vector<16xi32>
      %and3A_661 = arith.andi %shift_right_arithmetic3A_658, %and3A_660 : vector<16xi32>
      %or3A_662 = arith.ori %or3A_655, %and3A_661 : vector<16xi32>
      %swap3A_663 = arith.constant 1 : i32
      %swap3A_664 = arith.index_cast %scan3A_147 : i32 to index
      %swap3A_665 = arith.index_cast %swap3A_663 : i32 to index
      %swap3A_666 = arith.constant 112 : index
      %swap3A_667 = tpu.vector_load %arg5[%swap3A_664, %swap3A_665, %swap3A_666] {strides = array<i32>} : memref<25x8x128xi32, #tpu.memory_space<vmem>>, vector<1x1x16xi32>,
      %swap3A_668 = vector.shape_cast %swap3A_667 : vector<1x1x16xi32> to vector<16xi32>
      %swap3A_669 = vector.shape_cast %or3A_662 : vector<16xi32> to vector<1x1x16xi32>
      tpu.vector_store %arg5[%swap3A_664, %swap3A_665, %swap3A_666], %swap3A_669 {strides = array<i32>} : memref<25x8x128xi32, #tpu.memory_space<vmem>>, vector<1x1x16xi32>,
      %get3A_670 = arith.constant 2 : i32
      %get3A_671 = arith.index_cast %scan3A_147 : i32 to index
      %get3A_672 = arith.index_cast %get3A_670 : i32 to index
      %get3A_673 = arith.constant 0 : index
      %get3A_674 = tpu.vector_load %arg5[%get3A_671, %get3A_672, %get3A_673] {strides = array<i32>} : memref<25x8x128xi32, #tpu.memory_space<vmem>>, vector<1x1x16xi32>,
      %get3A_675 = vector.shape_cast %get3A_674 : vector<1x1x16xi32> to vector<16xi32>
      %shift_right_arithmetic3A_676 = arith.constant 15 : i32
      %shift_right_arithmetic3A_677 = vector.broadcast %shift_right_arithmetic3A_676 : i32 to vector<16xi32>
      %shift_right_arithmetic3A_678 = arith.shrsi %get3A_675, %shift_right_arithmetic3A_677 : vector<16xi32>
      %shift_left3A_679 = arith.constant 15 : i32
      %shift_left3A_680 = vector.broadcast %shift_left3A_679 : i32 to vector<16xi32>
      %shift_left3A_681 = arith.shli %shift_right_arithmetic3A_678, %shift_left3A_680 : vector<16xi32>
      %and3A_682 = arith.constant 8191 : i32
      %and3A_683 = vector.broadcast %and3A_682 : i32 to vector<16xi32>
      %and3A_684 = arith.andi %get3A_675, %and3A_683 : vector<16xi32>
      %shift_left3A_685 = arith.constant 2 : i32
      %shift_left3A_686 = vector.broadcast %shift_left3A_685 : i32 to vector<16xi32>
      %shift_left3A_687 = arith.shli %and3A_684, %shift_left3A_686 : vector<16xi32>
      %or3A_688 = arith.ori %shift_left3A_681, %shift_left3A_687 : vector<16xi32>
      %shift_right_arithmetic3A_689 = arith.constant 13 : i32
      %shift_right_arithmetic3A_690 = vector.broadcast %shift_right_arithmetic3A_689 : i32 to vector<16xi32>
      %shift_right_arithmetic3A_691 = arith.shrsi %get3A_675, %shift_right_arithmetic3A_690 : vector<16xi32>
      %and3A_692 = arith.constant 3 : i32
      %and3A_693 = vector.broadcast %and3A_692 : i32 to vector<16xi32>
      %and3A_694 = arith.andi %shift_right_arithmetic3A_691, %and3A_693 : vector<16xi32>
      %or3A_695 = arith.ori %or3A_688, %and3A_694 : vector<16xi32>
      %swap3A_696 = arith.constant 2 : i32
      %swap3A_697 = arith.index_cast %scan3A_147 : i32 to index
      %swap3A_698 = arith.index_cast %swap3A_696 : i32 to index
      %swap3A_699 = arith.constant 0 : index
      %swap3A_700 = tpu.vector_load %arg5[%swap3A_697, %swap3A_698, %swap3A_699] {strides = array<i32>} : memref<25x8x128xi32, #tpu.memory_space<vmem>>, vector<1x1x16xi32>,
      %swap3A_701 = vector.shape_cast %swap3A_700 : vector<1x1x16xi32> to vector<16xi32>
      %swap3A_702 = vector.shape_cast %or3A_695 : vector<16xi32> to vector<1x1x16xi32>
      tpu.vector_store %arg5[%swap3A_697, %swap3A_698, %swap3A_699], %swap3A_702 {strides = array<i32>} : memref<25x8x128xi32, #tpu.memory_space<vmem>>, vector<1x1x16xi32>,
      %get3A_703 = arith.constant 2 : i32
      %get3A_704 = arith.index_cast %scan3A_147 : i32 to index
      %get3A_705 = arith.index_cast %get3A_703 : i32 to index
      %get3A_706 = arith.constant 16 : index
      %get3A_707 = tpu.vector_load %arg5[%get3A_704, %get3A_705, %get3A_706] {strides = array<i32>} : memref<25x8x128xi32, #tpu.memory_space<vmem>>, vector<1x1x16xi32>,
      %get3A_708 = vector.shape_cast %get3A_707 : vector<1x1x16xi32> to vector<16xi32>
      %shift_right_arithmetic3A_709 = arith.constant 15 : i32
      %shift_right_arithmetic3A_710 = vector.broadcast %shift_right_arithmetic3A_709 : i32 to vector<16xi32>
      %shift_right_arithmetic3A_711 = arith.shrsi %get3A_708, %shift_right_arithmetic3A_710 : vector<16xi32>
      %shift_left3A_712 = arith.constant 15 : i32
      %shift_left3A_713 = vector.broadcast %shift_left3A_712 : i32 to vector<16xi32>
      %shift_left3A_714 = arith.shli %shift_right_arithmetic3A_711, %shift_left3A_713 : vector<16xi32>
      %and3A_715 = arith.constant 8191 : i32
      %and3A_716 = vector.broadcast %and3A_715 : i32 to vector<16xi32>
      %and3A_717 = arith.andi %get3A_708, %and3A_716 : vector<16xi32>
      %shift_left3A_718 = arith.constant 2 : i32
      %shift_left3A_719 = vector.broadcast %shift_left3A_718 : i32 to vector<16xi32>
      %shift_left3A_720 = arith.shli %and3A_717, %shift_left3A_719 : vector<16xi32>
      %or3A_721 = arith.ori %shift_left3A_714, %shift_left3A_720 : vector<16xi32>
      %shift_right_arithmetic3A_722 = arith.constant 13 : i32
      %shift_right_arithmetic3A_723 = vector.broadcast %shift_right_arithmetic3A_722 : i32 to vector<16xi32>
      %shift_right_arithmetic3A_724 = arith.shrsi %get3A_708, %shift_right_arithmetic3A_723 : vector<16xi32>
      %and3A_725 = arith.constant 3 : i32
      %and3A_726 = vector.broadcast %and3A_725 : i32 to vector<16xi32>
      %and3A_727 = arith.andi %shift_right_arithmetic3A_724, %and3A_726 : vector<16xi32>
      %or3A_728 = arith.ori %or3A_721, %and3A_727 : vector<16xi32>
      %swap3A_729 = arith.constant 2 : i32
      %swap3A_730 = arith.index_cast %scan3A_147 : i32 to index
      %swap3A_731 = arith.index_cast %swap3A_729 : i32 to index
      %swap3A_732 = arith.constant 16 : index
      %swap3A_733 = tpu.vector_load %arg5[%swap3A_730, %swap3A_731, %swap3A_732] {strides = array<i32>} : memref<25x8x128xi32, #tpu.memory_space<vmem>>, vector<1x1x16xi32>,
      %swap3A_734 = vector.shape_cast %swap3A_733 : vector<1x1x16xi32> to vector<16xi32>
      %swap3A_735 = vector.shape_cast %or3A_728 : vector<16xi32> to vector<1x1x16xi32>
      tpu.vector_store %arg5[%swap3A_730, %swap3A_731, %swap3A_732], %swap3A_735 {strides = array<i32>} : memref<25x8x128xi32, #tpu.memory_space<vmem>>, vector<1x1x16xi32>,
      %get3A_736 = arith.constant 2 : i32
      %get3A_737 = arith.index_cast %scan3A_147 : i32 to index
      %get3A_738 = arith.index_cast %get3A_736 : i32 to index
      %get3A_739 = arith.constant 32 : index
      %get3A_740 = tpu.vector_load %arg5[%get3A_737, %get3A_738, %get3A_739] {strides = array<i32>} : memref<25x8x128xi32, #tpu.memory_space<vmem>>, vector<1x1x16xi32>,
      %get3A_741 = vector.shape_cast %get3A_740 : vector<1x1x16xi32> to vector<16xi32>
      %shift_right_arithmetic3A_742 = arith.constant 15 : i32
      %shift_right_arithmetic3A_743 = vector.broadcast %shift_right_arithmetic3A_742 : i32 to vector<16xi32>
      %shift_right_arithmetic3A_744 = arith.shrsi %get3A_741, %shift_right_arithmetic3A_743 : vector<16xi32>
      %shift_left3A_745 = arith.constant 15 : i32
      %shift_left3A_746 = vector.broadcast %shift_left3A_745 : i32 to vector<16xi32>
      %shift_left3A_747 = arith.shli %shift_right_arithmetic3A_744, %shift_left3A_746 : vector<16xi32>
      %and3A_748 = arith.constant 8191 : i32
      %and3A_749 = vector.broadcast %and3A_748 : i32 to vector<16xi32>
      %and3A_750 = arith.andi %get3A_741, %and3A_749 : vector<16xi32>
      %shift_left3A_751 = arith.constant 2 : i32
      %shift_left3A_752 = vector.broadcast %shift_left3A_751 : i32 to vector<16xi32>
      %shift_left3A_753 = arith.shli %and3A_750, %shift_left3A_752 : vector<16xi32>
      %or3A_754 = arith.ori %shift_left3A_747, %shift_left3A_753 : vector<16xi32>
      %shift_right_arithmetic3A_755 = arith.constant 13 : i32
      %shift_right_arithmetic3A_756 = vector.broadcast %shift_right_arithmetic3A_755 : i32 to vector<16xi32>
      %shift_right_arithmetic3A_757 = arith.shrsi %get3A_741, %shift_right_arithmetic3A_756 : vector<16xi32>
      %and3A_758 = arith.constant 3 : i32
      %and3A_759 = vector.broadcast %and3A_758 : i32 to vector<16xi32>
      %and3A_760 = arith.andi %shift_right_arithmetic3A_757, %and3A_759 : vector<16xi32>
      %or3A_761 = arith.ori %or3A_754, %and3A_760 : vector<16xi32>
      %swap3A_762 = arith.constant 2 : i32
      %swap3A_763 = arith.index_cast %scan3A_147 : i32 to index
      %swap3A_764 = arith.index_cast %swap3A_762 : i32 to index
      %swap3A_765 = arith.constant 32 : index
      %swap3A_766 = tpu.vector_load %arg5[%swap3A_763, %swap3A_764, %swap3A_765] {strides = array<i32>} : memref<25x8x128xi32, #tpu.memory_space<vmem>>, vector<1x1x16xi32>,
      %swap3A_767 = vector.shape_cast %swap3A_766 : vector<1x1x16xi32> to vector<16xi32>
      %swap3A_768 = vector.shape_cast %or3A_761 : vector<16xi32> to vector<1x1x16xi32>
      tpu.vector_store %arg5[%swap3A_763, %swap3A_764, %swap3A_765], %swap3A_768 {strides = array<i32>} : memref<25x8x128xi32, #tpu.memory_space<vmem>>, vector<1x1x16xi32>,
      %get3A_769 = arith.constant 2 : i32
      %get3A_770 = arith.index_cast %scan3A_147 : i32 to index
      %get3A_771 = arith.index_cast %get3A_769 : i32 to index
      %get3A_772 = arith.constant 48 : index
      %get3A_773 = tpu.vector_load %arg5[%get3A_770, %get3A_771, %get3A_772] {strides = array<i32>} : memref<25x8x128xi32, #tpu.memory_space<vmem>>, vector<1x1x16xi32>,
      %get3A_774 = vector.shape_cast %get3A_773 : vector<1x1x16xi32> to vector<16xi32>
      %shift_right_arithmetic3A_775 = arith.constant 15 : i32
      %shift_right_arithmetic3A_776 = vector.broadcast %shift_right_arithmetic3A_775 : i32 to vector<16xi32>
      %shift_right_arithmetic3A_777 = arith.shrsi %get3A_774, %shift_right_arithmetic3A_776 : vector<16xi32>
      %shift_left3A_778 = arith.constant 15 : i32
      %shift_left3A_779 = vector.broadcast %shift_left3A_778 : i32 to vector<16xi32>
      %shift_left3A_780 = arith.shli %shift_right_arithmetic3A_777, %shift_left3A_779 : vector<16xi32>
      %and3A_781 = arith.constant 8191 : i32
      %and3A_782 = vector.broadcast %and3A_781 : i32 to vector<16xi32>
      %and3A_783 = arith.andi %get3A_774, %and3A_782 : vector<16xi32>
      %shift_left3A_784 = arith.constant 2 : i32
      %shift_left3A_785 = vector.broadcast %shift_left3A_784 : i32 to vector<16xi32>
      %shift_left3A_786 = arith.shli %and3A_783, %shift_left3A_785 : vector<16xi32>
      %or3A_787 = arith.ori %shift_left3A_780, %shift_left3A_786 : vector<16xi32>
      %shift_right_arithmetic3A_788 = arith.constant 13 : i32
      %shift_right_arithmetic3A_789 = vector.broadcast %shift_right_arithmetic3A_788 : i32 to vector<16xi32>
      %shift_right_arithmetic3A_790 = arith.shrsi %get3A_774, %shift_right_arithmetic3A_789 : vector<16xi32>
      %and3A_791 = arith.constant 3 : i32
      %and3A_792 = vector.broadcast %and3A_791 : i32 to vector<16xi32>
      %and3A_793 = arith.andi %shift_right_arithmetic3A_790, %and3A_792 : vector<16xi32>
      %or3A_794 = arith.ori %or3A_787, %and3A_793 : vector<16xi32>
      %swap3A_795 = arith.constant 2 : i32
      %swap3A_796 = arith.index_cast %scan3A_147 : i32 to index
      %swap3A_797 = arith.index_cast %swap3A_795 : i32 to index
      %swap3A_798 = arith.constant 48 : index
      %swap3A_799 = tpu.vector_load %arg5[%swap3A_796, %swap3A_797, %swap3A_798] {strides = array<i32>} : memref<25x8x128xi32, #tpu.memory_space<vmem>>, vector<1x1x16xi32>,
      %swap3A_800 = vector.shape_cast %swap3A_799 : vector<1x1x16xi32> to vector<16xi32>
      %swap3A_801 = vector.shape_cast %or3A_794 : vector<16xi32> to vector<1x1x16xi32>
      tpu.vector_store %arg5[%swap3A_796, %swap3A_797, %swap3A_798], %swap3A_801 {strides = array<i32>} : memref<25x8x128xi32, #tpu.memory_space<vmem>>, vector<1x1x16xi32>,
      %get3A_802 = arith.constant 2 : i32
      %get3A_803 = arith.index_cast %scan3A_147 : i32 to index
      %get3A_804 = arith.index_cast %get3A_802 : i32 to index
      %get3A_805 = arith.constant 64 : index
      %get3A_806 = tpu.vector_load %arg5[%get3A_803, %get3A_804, %get3A_805] {strides = array<i32>} : memref<25x8x128xi32, #tpu.memory_space<vmem>>, vector<1x1x16xi32>,
      %get3A_807 = vector.shape_cast %get3A_806 : vector<1x1x16xi32> to vector<16xi32>
      %shift_right_arithmetic3A_808 = arith.constant 15 : i32
      %shift_right_arithmetic3A_809 = vector.broadcast %shift_right_arithmetic3A_808 : i32 to vector<16xi32>
      %shift_right_arithmetic3A_810 = arith.shrsi %get3A_807, %shift_right_arithmetic3A_809 : vector<16xi32>
      %shift_left3A_811 = arith.constant 15 : i32
      %shift_left3A_812 = vector.broadcast %shift_left3A_811 : i32 to vector<16xi32>
      %shift_left3A_813 = arith.shli %shift_right_arithmetic3A_810, %shift_left3A_812 : vector<16xi32>
      %and3A_814 = arith.constant 8191 : i32
      %and3A_815 = vector.broadcast %and3A_814 : i32 to vector<16xi32>
      %and3A_816 = arith.andi %get3A_807, %and3A_815 : vector<16xi32>
      %shift_left3A_817 = arith.constant 2 : i32
      %shift_left3A_818 = vector.broadcast %shift_left3A_817 : i32 to vector<16xi32>
      %shift_left3A_819 = arith.shli %and3A_816, %shift_left3A_818 : vector<16xi32>
      %or3A_820 = arith.ori %shift_left3A_813, %shift_left3A_819 : vector<16xi32>
      %shift_right_arithmetic3A_821 = arith.constant 13 : i32
      %shift_right_arithmetic3A_822 = vector.broadcast %shift_right_arithmetic3A_821 : i32 to vector<16xi32>
      %shift_right_arithmetic3A_823 = arith.shrsi %get3A_807, %shift_right_arithmetic3A_822 : vector<16xi32>
      %and3A_824 = arith.constant 3 : i32
      %and3A_825 = vector.broadcast %and3A_824 : i32 to vector<16xi32>
      %and3A_826 = arith.andi %shift_right_arithmetic3A_823, %and3A_825 : vector<16xi32>
      %or3A_827 = arith.ori %or3A_820, %and3A_826 : vector<16xi32>
      %swap3A_828 = arith.constant 2 : i32
      %swap3A_829 = arith.index_cast %scan3A_147 : i32 to index
      %swap3A_830 = arith.index_cast %swap3A_828 : i32 to index
      %swap3A_831 = arith.constant 64 : index
      %swap3A_832 = tpu.vector_load %arg5[%swap3A_829, %swap3A_830, %swap3A_831] {strides = array<i32>} : memref<25x8x128xi32, #tpu.memory_space<vmem>>, vector<1x1x16xi32>,
      %swap3A_833 = vector.shape_cast %swap3A_832 : vector<1x1x16xi32> to vector<16xi32>
      %swap3A_834 = vector.shape_cast %or3A_827 : vector<16xi32> to vector<1x1x16xi32>
      tpu.vector_store %arg5[%swap3A_829, %swap3A_830, %swap3A_831], %swap3A_834 {strides = array<i32>} : memref<25x8x128xi32, #tpu.memory_space<vmem>>, vector<1x1x16xi32>,
      %get3A_835 = arith.constant 2 : i32
      %get3A_836 = arith.index_cast %scan3A_147 : i32 to index
      %get3A_837 = arith.index_cast %get3A_835 : i32 to index
      %get3A_838 = arith.constant 80 : index
      %get3A_839 = tpu.vector_load %arg5[%get3A_836, %get3A_837, %get3A_838] {strides = array<i32>} : memref<25x8x128xi32, #tpu.memory_space<vmem>>, vector<1x1x16xi32>,
      %get3A_840 = vector.shape_cast %get3A_839 : vector<1x1x16xi32> to vector<16xi32>
      %shift_right_arithmetic3A_841 = arith.constant 15 : i32
      %shift_right_arithmetic3A_842 = vector.broadcast %shift_right_arithmetic3A_841 : i32 to vector<16xi32>
      %shift_right_arithmetic3A_843 = arith.shrsi %get3A_840, %shift_right_arithmetic3A_842 : vector<16xi32>
      %shift_left3A_844 = arith.constant 15 : i32
      %shift_left3A_845 = vector.broadcast %shift_left3A_844 : i32 to vector<16xi32>
      %shift_left3A_846 = arith.shli %shift_right_arithmetic3A_843, %shift_left3A_845 : vector<16xi32>
      %and3A_847 = arith.constant 8191 : i32
      %and3A_848 = vector.broadcast %and3A_847 : i32 to vector<16xi32>
      %and3A_849 = arith.andi %get3A_840, %and3A_848 : vector<16xi32>
      %shift_left3A_850 = arith.constant 2 : i32
      %shift_left3A_851 = vector.broadcast %shift_left3A_850 : i32 to vector<16xi32>
      %shift_left3A_852 = arith.shli %and3A_849, %shift_left3A_851 : vector<16xi32>
      %or3A_853 = arith.ori %shift_left3A_846, %shift_left3A_852 : vector<16xi32>
      %shift_right_arithmetic3A_854 = arith.constant 13 : i32
      %shift_right_arithmetic3A_855 = vector.broadcast %shift_right_arithmetic3A_854 : i32 to vector<16xi32>
      %shift_right_arithmetic3A_856 = arith.shrsi %get3A_840, %shift_right_arithmetic3A_855 : vector<16xi32>
      %and3A_857 = arith.constant 3 : i32
      %and3A_858 = vector.broadcast %and3A_857 : i32 to vector<16xi32>
      %and3A_859 = arith.andi %shift_right_arithmetic3A_856, %and3A_858 : vector<16xi32>
      %or3A_860 = arith.ori %or3A_853, %and3A_859 : vector<16xi32>
      %swap3A_861 = arith.constant 2 : i32
      %swap3A_862 = arith.index_cast %scan3A_147 : i32 to index
      %swap3A_863 = arith.index_cast %swap3A_861 : i32 to index
      %swap3A_864 = arith.constant 80 : index
      %swap3A_865 = tpu.vector_load %arg5[%swap3A_862, %swap3A_863, %swap3A_864] {strides = array<i32>} : memref<25x8x128xi32, #tpu.memory_space<vmem>>, vector<1x1x16xi32>,
      %swap3A_866 = vector.shape_cast %swap3A_865 : vector<1x1x16xi32> to vector<16xi32>
      %swap3A_867 = vector.shape_cast %or3A_860 : vector<16xi32> to vector<1x1x16xi32>
      tpu.vector_store %arg5[%swap3A_862, %swap3A_863, %swap3A_864], %swap3A_867 {strides = array<i32>} : memref<25x8x128xi32, #tpu.memory_space<vmem>>, vector<1x1x16xi32>,
      %get3A_868 = arith.constant 2 : i32
      %get3A_869 = arith.index_cast %scan3A_147 : i32 to index
      %get3A_870 = arith.index_cast %get3A_868 : i32 to index
      %get3A_871 = arith.constant 96 : index
      %get3A_872 = tpu.vector_load %arg5[%get3A_869, %get3A_870, %get3A_871] {strides = array<i32>} : memref<25x8x128xi32, #tpu.memory_space<vmem>>, vector<1x1x16xi32>,
      %get3A_873 = vector.shape_cast %get3A_872 : vector<1x1x16xi32> to vector<16xi32>
      %shift_right_arithmetic3A_874 = arith.constant 15 : i32
      %shift_right_arithmetic3A_875 = vector.broadcast %shift_right_arithmetic3A_874 : i32 to vector<16xi32>
      %shift_right_arithmetic3A_876 = arith.shrsi %get3A_873, %shift_right_arithmetic3A_875 : vector<16xi32>
      %shift_left3A_877 = arith.constant 15 : i32
      %shift_left3A_878 = vector.broadcast %shift_left3A_877 : i32 to vector<16xi32>
      %shift_left3A_879 = arith.shli %shift_right_arithmetic3A_876, %shift_left3A_878 : vector<16xi32>
      %and3A_880 = arith.constant 8191 : i32
      %and3A_881 = vector.broadcast %and3A_880 : i32 to vector<16xi32>
      %and3A_882 = arith.andi %get3A_873, %and3A_881 : vector<16xi32>
      %shift_left3A_883 = arith.constant 2 : i32
      %shift_left3A_884 = vector.broadcast %shift_left3A_883 : i32 to vector<16xi32>
      %shift_left3A_885 = arith.shli %and3A_882, %shift_left3A_884 : vector<16xi32>
      %or3A_886 = arith.ori %shift_left3A_879, %shift_left3A_885 : vector<16xi32>
      %shift_right_arithmetic3A_887 = arith.constant 13 : i32
      %shift_right_arithmetic3A_888 = vector.broadcast %shift_right_arithmetic3A_887 : i32 to vector<16xi32>
      %shift_right_arithmetic3A_889 = arith.shrsi %get3A_873, %shift_right_arithmetic3A_888 : vector<16xi32>
      %and3A_890 = arith.constant 3 : i32
      %and3A_891 = vector.broadcast %and3A_890 : i32 to vector<16xi32>
      %and3A_892 = arith.andi %shift_right_arithmetic3A_889, %and3A_891 : vector<16xi32>
      %or3A_893 = arith.ori %or3A_886, %and3A_892 : vector<16xi32>
      %swap3A_894 = arith.constant 2 : i32
      %swap3A_895 = arith.index_cast %scan3A_147 : i32 to index
      %swap3A_896 = arith.index_cast %swap3A_894 : i32 to index
      %swap3A_897 = arith.constant 96 : index
      %swap3A_898 = tpu.vector_load %arg5[%swap3A_895, %swap3A_896, %swap3A_897] {strides = array<i32>} : memref<25x8x128xi32, #tpu.memory_space<vmem>>, vector<1x1x16xi32>,
      %swap3A_899 = vector.shape_cast %swap3A_898 : vector<1x1x16xi32> to vector<16xi32>
      %swap3A_900 = vector.shape_cast %or3A_893 : vector<16xi32> to vector<1x1x16xi32>
      tpu.vector_store %arg5[%swap3A_895, %swap3A_896, %swap3A_897], %swap3A_900 {strides = array<i32>} : memref<25x8x128xi32, #tpu.memory_space<vmem>>, vector<1x1x16xi32>,
      %get3A_901 = arith.constant 2 : i32
      %get3A_902 = arith.index_cast %scan3A_147 : i32 to index
      %get3A_903 = arith.index_cast %get3A_901 : i32 to index
      %get3A_904 = arith.constant 112 : index
      %get3A_905 = tpu.vector_load %arg5[%get3A_902, %get3A_903, %get3A_904] {strides = array<i32>} : memref<25x8x128xi32, #tpu.memory_space<vmem>>, vector<1x1x16xi32>,
      %get3A_906 = vector.shape_cast %get3A_905 : vector<1x1x16xi32> to vector<16xi32>
      %shift_right_arithmetic3A_907 = arith.constant 15 : i32
      %shift_right_arithmetic3A_908 = vector.broadcast %shift_right_arithmetic3A_907 : i32 to vector<16xi32>
      %shift_right_arithmetic3A_909 = arith.shrsi %get3A_906, %shift_right_arithmetic3A_908 : vector<16xi32>
      %shift_left3A_910 = arith.constant 15 : i32
      %shift_left3A_911 = vector.broadcast %shift_left3A_910 : i32 to vector<16xi32>
      %shift_left3A_912 = arith.shli %shift_right_arithmetic3A_909, %shift_left3A_911 : vector<16xi32>
      %and3A_913 = arith.constant 8191 : i32
      %and3A_914 = vector.broadcast %and3A_913 : i32 to vector<16xi32>
      %and3A_915 = arith.andi %get3A_906, %and3A_914 : vector<16xi32>
      %shift_left3A_916 = arith.constant 2 : i32
      %shift_left3A_917 = vector.broadcast %shift_left3A_916 : i32 to vector<16xi32>
      %shift_left3A_918 = arith.shli %and3A_915, %shift_left3A_917 : vector<16xi32>
      %or3A_919 = arith.ori %shift_left3A_912, %shift_left3A_918 : vector<16xi32>
      %shift_right_arithmetic3A_920 = arith.constant 13 : i32
      %shift_right_arithmetic3A_921 = vector.broadcast %shift_right_arithmetic3A_920 : i32 to vector<16xi32>
      %shift_right_arithmetic3A_922 = arith.shrsi %get3A_906, %shift_right_arithmetic3A_921 : vector<16xi32>
      %and3A_923 = arith.constant 3 : i32
      %and3A_924 = vector.broadcast %and3A_923 : i32 to vector<16xi32>
      %and3A_925 = arith.andi %shift_right_arithmetic3A_922, %and3A_924 : vector<16xi32>
      %or3A_926 = arith.ori %or3A_919, %and3A_925 : vector<16xi32>
      %swap3A_927 = arith.constant 2 : i32
      %swap3A_928 = arith.index_cast %scan3A_147 : i32 to index
      %swap3A_929 = arith.index_cast %swap3A_927 : i32 to index
      %swap3A_930 = arith.constant 112 : index
      %swap3A_931 = tpu.vector_load %arg5[%swap3A_928, %swap3A_929, %swap3A_930] {strides = array<i32>} : memref<25x8x128xi32, #tpu.memory_space<vmem>>, vector<1x1x16xi32>,
      %swap3A_932 = vector.shape_cast %swap3A_931 : vector<1x1x16xi32> to vector<16xi32>
      %swap3A_933 = vector.shape_cast %or3A_926 : vector<16xi32> to vector<1x1x16xi32>
      tpu.vector_store %arg5[%swap3A_928, %swap3A_929, %swap3A_930], %swap3A_933 {strides = array<i32>} : memref<25x8x128xi32, #tpu.memory_space<vmem>>, vector<1x1x16xi32>,
      %get3A_934 = arith.constant 3 : i32
      %get3A_935 = arith.index_cast %scan3A_147 : i32 to index
      %get3A_936 = arith.index_cast %get3A_934 : i32 to index
      %get3A_937 = arith.constant 0 : index
      %get3A_938 = tpu.vector_load %arg5[%get3A_935, %get3A_936, %get3A_937] {strides = array<i32>} : memref<25x8x128xi32, #tpu.memory_space<vmem>>, vector<1x1x16xi32>,
      %get3A_939 = vector.shape_cast %get3A_938 : vector<1x1x16xi32> to vector<16xi32>
      %shift_right_arithmetic3A_940 = arith.constant 15 : i32
      %shift_right_arithmetic3A_941 = vector.broadcast %shift_right_arithmetic3A_940 : i32 to vector<16xi32>
      %shift_right_arithmetic3A_942 = arith.shrsi %get3A_939, %shift_right_arithmetic3A_941 : vector<16xi32>
      %shift_left3A_943 = arith.constant 15 : i32
      %shift_left3A_944 = vector.broadcast %shift_left3A_943 : i32 to vector<16xi32>
      %shift_left3A_945 = arith.shli %shift_right_arithmetic3A_942, %shift_left3A_944 : vector<16xi32>
      %and3A_946 = arith.constant 8191 : i32
      %and3A_947 = vector.broadcast %and3A_946 : i32 to vector<16xi32>
      %and3A_948 = arith.andi %get3A_939, %and3A_947 : vector<16xi32>
      %shift_left3A_949 = arith.constant 2 : i32
      %shift_left3A_950 = vector.broadcast %shift_left3A_949 : i32 to vector<16xi32>
      %shift_left3A_951 = arith.shli %and3A_948, %shift_left3A_950 : vector<16xi32>
      %or3A_952 = arith.ori %shift_left3A_945, %shift_left3A_951 : vector<16xi32>
      %shift_right_arithmetic3A_953 = arith.constant 13 : i32
      %shift_right_arithmetic3A_954 = vector.broadcast %shift_right_arithmetic3A_953 : i32 to vector<16xi32>
      %shift_right_arithmetic3A_955 = arith.shrsi %get3A_939, %shift_right_arithmetic3A_954 : vector<16xi32>
      %and3A_956 = arith.constant 3 : i32
      %and3A_957 = vector.broadcast %and3A_956 : i32 to vector<16xi32>
      %and3A_958 = arith.andi %shift_right_arithmetic3A_955, %and3A_957 : vector<16xi32>
      %or3A_959 = arith.ori %or3A_952, %and3A_958 : vector<16xi32>
      %swap3A_960 = arith.constant 3 : i32
      %swap3A_961 = arith.index_cast %scan3A_147 : i32 to index
      %swap3A_962 = arith.index_cast %swap3A_960 : i32 to index
      %swap3A_963 = arith.constant 0 : index
      %swap3A_964 = tpu.vector_load %arg5[%swap3A_961, %swap3A_962, %swap3A_963] {strides = array<i32>} : memref<25x8x128xi32, #tpu.memory_space<vmem>>, vector<1x1x16xi32>,
      %swap3A_965 = vector.shape_cast %swap3A_964 : vector<1x1x16xi32> to vector<16xi32>
      %swap3A_966 = vector.shape_cast %or3A_959 : vector<16xi32> to vector<1x1x16xi32>
      tpu.vector_store %arg5[%swap3A_961, %swap3A_962, %swap3A_963], %swap3A_966 {strides = array<i32>} : memref<25x8x128xi32, #tpu.memory_space<vmem>>, vector<1x1x16xi32>,
      %get3A_967 = arith.constant 3 : i32
      %get3A_968 = arith.index_cast %scan3A_147 : i32 to index
      %get3A_969 = arith.index_cast %get3A_967 : i32 to index
      %get3A_970 = arith.constant 16 : index
      %get3A_971 = tpu.vector_load %arg5[%get3A_968, %get3A_969, %get3A_970] {strides = array<i32>} : memref<25x8x128xi32, #tpu.memory_space<vmem>>, vector<1x1x16xi32>,
      %get3A_972 = vector.shape_cast %get3A_971 : vector<1x1x16xi32> to vector<16xi32>
      %shift_right_arithmetic3A_973 = arith.constant 15 : i32
      %shift_right_arithmetic3A_974 = vector.broadcast %shift_right_arithmetic3A_973 : i32 to vector<16xi32>
      %shift_right_arithmetic3A_975 = arith.shrsi %get3A_972, %shift_right_arithmetic3A_974 : vector<16xi32>
      %shift_left3A_976 = arith.constant 15 : i32
      %shift_left3A_977 = vector.broadcast %shift_left3A_976 : i32 to vector<16xi32>
      %shift_left3A_978 = arith.shli %shift_right_arithmetic3A_975, %shift_left3A_977 : vector<16xi32>
      %and3A_979 = arith.constant 8191 : i32
      %and3A_980 = vector.broadcast %and3A_979 : i32 to vector<16xi32>
      %and3A_981 = arith.andi %get3A_972, %and3A_980 : vector<16xi32>
      %shift_left3A_982 = arith.constant 2 : i32
      %shift_left3A_983 = vector.broadcast %shift_left3A_982 : i32 to vector<16xi32>
      %shift_left3A_984 = arith.shli %and3A_981, %shift_left3A_983 : vector<16xi32>
      %or3A_985 = arith.ori %shift_left3A_978, %shift_left3A_984 : vector<16xi32>
      %shift_right_arithmetic3A_986 = arith.constant 13 : i32
      %shift_right_arithmetic3A_987 = vector.broadcast %shift_right_arithmetic3A_986 : i32 to vector<16xi32>
      %shift_right_arithmetic3A_988 = arith.shrsi %get3A_972, %shift_right_arithmetic3A_987 : vector<16xi32>
      %and3A_989 = arith.constant 3 : i32
      %and3A_990 = vector.broadcast %and3A_989 : i32 to vector<16xi32>
      %and3A_991 = arith.andi %shift_right_arithmetic3A_988, %and3A_990 : vector<16xi32>
      %or3A_992 = arith.ori %or3A_985, %and3A_991 : vector<16xi32>
      %swap3A_993 = arith.constant 3 : i32
      %swap3A_994 = arith.index_cast %scan3A_147 : i32 to index
      %swap3A_995 = arith.index_cast %swap3A_993 : i32 to index
      %swap3A_996 = arith.constant 16 : index
      %swap3A_997 = tpu.vector_load %arg5[%swap3A_994, %swap3A_995, %swap3A_996] {strides = array<i32>} : memref<25x8x128xi32, #tpu.memory_space<vmem>>, vector<1x1x16xi32>,
      %swap3A_998 = vector.shape_cast %swap3A_997 : vector<1x1x16xi32> to vector<16xi32>
      %swap3A_999 = vector.shape_cast %or3A_992 : vector<16xi32> to vector<1x1x16xi32>
      tpu.vector_store %arg5[%swap3A_994, %swap3A_995, %swap3A_996], %swap3A_999 {strides = array<i32>} : memref<25x8x128xi32, #tpu.memory_space<vmem>>, vector<1x1x16xi32>,
      %get3A_1000 = arith.constant 3 : i32
      %get3A_1001 = arith.index_cast %scan3A_147 : i32 to index
      %get3A_1002 = arith.index_cast %get3A_1000 : i32 to index
      %get3A_1003 = arith.constant 32 : index
      %get3A_1004 = tpu.vector_load %arg5[%get3A_1001, %get3A_1002, %get3A_1003] {strides = array<i32>} : memref<25x8x128xi32, #tpu.memory_space<vmem>>, vector<1x1x16xi32>,
      %get3A_1005 = vector.shape_cast %get3A_1004 : vector<1x1x16xi32> to vector<16xi32>
      %shift_right_arithmetic3A_1006 = arith.constant 15 : i32
      %shift_right_arithmetic3A_1007 = vector.broadcast %shift_right_arithmetic3A_1006 : i32 to vector<16xi32>
      %shift_right_arithmetic3A_1008 = arith.shrsi %get3A_1005, %shift_right_arithmetic3A_1007 : vector<16xi32>
      %shift_left3A_1009 = arith.constant 15 : i32
      %shift_left3A_1010 = vector.broadcast %shift_left3A_1009 : i32 to vector<16xi32>
      %shift_left3A_1011 = arith.shli %shift_right_arithmetic3A_1008, %shift_left3A_1010 : vector<16xi32>
      %and3A_1012 = arith.constant 8191 : i32
      %and3A_1013 = vector.broadcast %and3A_1012 : i32 to vector<16xi32>
      %and3A_1014 = arith.andi %get3A_1005, %and3A_1013 : vector<16xi32>
      %shift_left3A_1015 = arith.constant 2 : i32
      %shift_left3A_1016 = vector.broadcast %shift_left3A_1015 : i32 to vector<16xi32>
      %shift_left3A_1017 = arith.shli %and3A_1014, %shift_left3A_1016 : vector<16xi32>
      %or3A_1018 = arith.ori %shift_left3A_1011, %shift_left3A_1017 : vector<16xi32>
      %shift_right_arithmetic3A_1019 = arith.constant 13 : i32
      %shift_right_arithmetic3A_1020 = vector.broadcast %shift_right_arithmetic3A_1019 : i32 to vector<16xi32>
      %shift_right_arithmetic3A_1021 = arith.shrsi %get3A_1005, %shift_right_arithmetic3A_1020 : vector<16xi32>
      %and3A_1022 = arith.constant 3 : i32
      %and3A_1023 = vector.broadcast %and3A_1022 : i32 to vector<16xi32>
      %and3A_1024 = arith.andi %shift_right_arithmetic3A_1021, %and3A_1023 : vector<16xi32>
      %or3A_1025 = arith.ori %or3A_1018, %and3A_1024 : vector<16xi32>
      %swap3A_1026 = arith.constant 3 : i32
      %swap3A_1027 = arith.index_cast %scan3A_147 : i32 to index
      %swap3A_1028 = arith.index_cast %swap3A_1026 : i32 to index
      %swap3A_1029 = arith.constant 32 : index
      %swap3A_1030 = tpu.vector_load %arg5[%swap3A_1027, %swap3A_1028, %swap3A_1029] {strides = array<i32>} : memref<25x8x128xi32, #tpu.memory_space<vmem>>, vector<1x1x16xi32>,
      %swap3A_1031 = vector.shape_cast %swap3A_1030 : vector<1x1x16xi32> to vector<16xi32>
      %swap3A_1032 = vector.shape_cast %or3A_1025 : vector<16xi32> to vector<1x1x16xi32>
      tpu.vector_store %arg5[%swap3A_1027, %swap3A_1028, %swap3A_1029], %swap3A_1032 {strides = array<i32>} : memref<25x8x128xi32, #tpu.memory_space<vmem>>, vector<1x1x16xi32>,
      %get3A_1033 = arith.constant 3 : i32
      %get3A_1034 = arith.index_cast %scan3A_147 : i32 to index
      %get3A_1035 = arith.index_cast %get3A_1033 : i32 to index
      %get3A_1036 = arith.constant 48 : index
      %get3A_1037 = tpu.vector_load %arg5[%get3A_1034, %get3A_1035, %get3A_1036] {strides = array<i32>} : memref<25x8x128xi32, #tpu.memory_space<vmem>>, vector<1x1x16xi32>,
      %get3A_1038 = vector.shape_cast %get3A_1037 : vector<1x1x16xi32> to vector<16xi32>
      %shift_right_arithmetic3A_1039 = arith.constant 15 : i32
      %shift_right_arithmetic3A_1040 = vector.broadcast %shift_right_arithmetic3A_1039 : i32 to vector<16xi32>
      %shift_right_arithmetic3A_1041 = arith.shrsi %get3A_1038, %shift_right_arithmetic3A_1040 : vector<16xi32>
      %shift_left3A_1042 = arith.constant 15 : i32
      %shift_left3A_1043 = vector.broadcast %shift_left3A_1042 : i32 to vector<16xi32>
      %shift_left3A_1044 = arith.shli %shift_right_arithmetic3A_1041, %shift_left3A_1043 : vector<16xi32>
      %and3A_1045 = arith.constant 8191 : i32
      %and3A_1046 = vector.broadcast %and3A_1045 : i32 to vector<16xi32>
      %and3A_1047 = arith.andi %get3A_1038, %and3A_1046 : vector<16xi32>
      %shift_left3A_1048 = arith.constant 2 : i32
      %shift_left3A_1049 = vector.broadcast %shift_left3A_1048 : i32 to vector<16xi32>
      %shift_left3A_1050 = arith.shli %and3A_1047, %shift_left3A_1049 : vector<16xi32>
      %or3A_1051 = arith.ori %shift_left3A_1044, %shift_left3A_1050 : vector<16xi32>
      %shift_right_arithmetic3A_1052 = arith.constant 13 : i32
      %shift_right_arithmetic3A_1053 = vector.broadcast %shift_right_arithmetic3A_1052 : i32 to vector<16xi32>
      %shift_right_arithmetic3A_1054 = arith.shrsi %get3A_1038, %shift_right_arithmetic3A_1053 : vector<16xi32>
      %and3A_1055 = arith.constant 3 : i32
      %and3A_1056 = vector.broadcast %and3A_1055 : i32 to vector<16xi32>
      %and3A_1057 = arith.andi %shift_right_arithmetic3A_1054, %and3A_1056 : vector<16xi32>
      %or3A_1058 = arith.ori %or3A_1051, %and3A_1057 : vector<16xi32>
      %swap3A_1059 = arith.constant 3 : i32
      %swap3A_1060 = arith.index_cast %scan3A_147 : i32 to index
      %swap3A_1061 = arith.index_cast %swap3A_1059 : i32 to index
      %swap3A_1062 = arith.constant 48 : index
      %swap3A_1063 = tpu.vector_load %arg5[%swap3A_1060, %swap3A_1061, %swap3A_1062] {strides = array<i32>} : memref<25x8x128xi32, #tpu.memory_space<vmem>>, vector<1x1x16xi32>,
      %swap3A_1064 = vector.shape_cast %swap3A_1063 : vector<1x1x16xi32> to vector<16xi32>
      %swap3A_1065 = vector.shape_cast %or3A_1058 : vector<16xi32> to vector<1x1x16xi32>
      tpu.vector_store %arg5[%swap3A_1060, %swap3A_1061, %swap3A_1062], %swap3A_1065 {strides = array<i32>} : memref<25x8x128xi32, #tpu.memory_space<vmem>>, vector<1x1x16xi32>,
      %get3A_1066 = arith.constant 3 : i32
      %get3A_1067 = arith.index_cast %scan3A_147 : i32 to index
      %get3A_1068 = arith.index_cast %get3A_1066 : i32 to index
      %get3A_1069 = arith.constant 64 : index
      %get3A_1070 = tpu.vector_load %arg5[%get3A_1067, %get3A_1068, %get3A_1069] {strides = array<i32>} : memref<25x8x128xi32, #tpu.memory_space<vmem>>, vector<1x1x16xi32>,
      %get3A_1071 = vector.shape_cast %get3A_1070 : vector<1x1x16xi32> to vector<16xi32>
      %shift_right_arithmetic3A_1072 = arith.constant 15 : i32
      %shift_right_arithmetic3A_1073 = vector.broadcast %shift_right_arithmetic3A_1072 : i32 to vector<16xi32>
      %shift_right_arithmetic3A_1074 = arith.shrsi %get3A_1071, %shift_right_arithmetic3A_1073 : vector<16xi32>
      %shift_left3A_1075 = arith.constant 15 : i32
      %shift_left3A_1076 = vector.broadcast %shift_left3A_1075 : i32 to vector<16xi32>
      %shift_left3A_1077 = arith.shli %shift_right_arithmetic3A_1074, %shift_left3A_1076 : vector<16xi32>
      %and3A_1078 = arith.constant 8191 : i32
      %and3A_1079 = vector.broadcast %and3A_1078 : i32 to vector<16xi32>
      %and3A_1080 = arith.andi %get3A_1071, %and3A_1079 : vector<16xi32>
      %shift_left3A_1081 = arith.constant 2 : i32
      %shift_left3A_1082 = vector.broadcast %shift_left3A_1081 : i32 to vector<16xi32>
      %shift_left3A_1083 = arith.shli %and3A_1080, %shift_left3A_1082 : vector<16xi32>
      %or3A_1084 = arith.ori %shift_left3A_1077, %shift_left3A_1083 : vector<16xi32>
      %shift_right_arithmetic3A_1085 = arith.constant 13 : i32
      %shift_right_arithmetic3A_1086 = vector.broadcast %shift_right_arithmetic3A_1085 : i32 to vector<16xi32>
      %shift_right_arithmetic3A_1087 = arith.shrsi %get3A_1071, %shift_right_arithmetic3A_1086 : vector<16xi32>
      %and3A_1088 = arith.constant 3 : i32
      %and3A_1089 = vector.broadcast %and3A_1088 : i32 to vector<16xi32>
      %and3A_1090 = arith.andi %shift_right_arithmetic3A_1087, %and3A_1089 : vector<16xi32>
      %or3A_1091 = arith.ori %or3A_1084, %and3A_1090 : vector<16xi32>
      %swap3A_1092 = arith.constant 3 : i32
      %swap3A_1093 = arith.index_cast %scan3A_147 : i32 to index
      %swap3A_1094 = arith.index_cast %swap3A_1092 : i32 to index
      %swap3A_1095 = arith.constant 64 : index
      %swap3A_1096 = tpu.vector_load %arg5[%swap3A_1093, %swap3A_1094, %swap3A_1095] {strides = array<i32>} : memref<25x8x128xi32, #tpu.memory_space<vmem>>, vector<1x1x16xi32>,
      %swap3A_1097 = vector.shape_cast %swap3A_1096 : vector<1x1x16xi32> to vector<16xi32>
      %swap3A_1098 = vector.shape_cast %or3A_1091 : vector<16xi32> to vector<1x1x16xi32>
      tpu.vector_store %arg5[%swap3A_1093, %swap3A_1094, %swap3A_1095], %swap3A_1098 {strides = array<i32>} : memref<25x8x128xi32, #tpu.memory_space<vmem>>, vector<1x1x16xi32>,
      %get3A_1099 = arith.constant 3 : i32
      %get3A_1100 = arith.index_cast %scan3A_147 : i32 to index
      %get3A_1101 = arith.index_cast %get3A_1099 : i32 to index
      %get3A_1102 = arith.constant 80 : index
      %get3A_1103 = tpu.vector_load %arg5[%get3A_1100, %get3A_1101, %get3A_1102] {strides = array<i32>} : memref<25x8x128xi32, #tpu.memory_space<vmem>>, vector<1x1x16xi32>,
      %get3A_1104 = vector.shape_cast %get3A_1103 : vector<1x1x16xi32> to vector<16xi32>
      %shift_right_arithmetic3A_1105 = arith.constant 15 : i32
      %shift_right_arithmetic3A_1106 = vector.broadcast %shift_right_arithmetic3A_1105 : i32 to vector<16xi32>
      %shift_right_arithmetic3A_1107 = arith.shrsi %get3A_1104, %shift_right_arithmetic3A_1106 : vector<16xi32>
      %shift_left3A_1108 = arith.constant 15 : i32
      %shift_left3A_1109 = vector.broadcast %shift_left3A_1108 : i32 to vector<16xi32>
      %shift_left3A_1110 = arith.shli %shift_right_arithmetic3A_1107, %shift_left3A_1109 : vector<16xi32>
      %and3A_1111 = arith.constant 8191 : i32
      %and3A_1112 = vector.broadcast %and3A_1111 : i32 to vector<16xi32>
      %and3A_1113 = arith.andi %get3A_1104, %and3A_1112 : vector<16xi32>
      %shift_left3A_1114 = arith.constant 2 : i32
      %shift_left3A_1115 = vector.broadcast %shift_left3A_1114 : i32 to vector<16xi32>
      %shift_left3A_1116 = arith.shli %and3A_1113, %shift_left3A_1115 : vector<16xi32>
      %or3A_1117 = arith.ori %shift_left3A_1110, %shift_left3A_1116 : vector<16xi32>
      %shift_right_arithmetic3A_1118 = arith.constant 13 : i32
      %shift_right_arithmetic3A_1119 = vector.broadcast %shift_right_arithmetic3A_1118 : i32 to vector<16xi32>
      %shift_right_arithmetic3A_1120 = arith.shrsi %get3A_1104, %shift_right_arithmetic3A_1119 : vector<16xi32>
      %and3A_1121 = arith.constant 3 : i32
      %and3A_1122 = vector.broadcast %and3A_1121 : i32 to vector<16xi32>
      %and3A_1123 = arith.andi %shift_right_arithmetic3A_1120, %and3A_1122 : vector<16xi32>
      %or3A_1124 = arith.ori %or3A_1117, %and3A_1123 : vector<16xi32>
      %swap3A_1125 = arith.constant 3 : i32
      %swap3A_1126 = arith.index_cast %scan3A_147 : i32 to index
      %swap3A_1127 = arith.index_cast %swap3A_1125 : i32 to index
      %swap3A_1128 = arith.constant 80 : index
      %swap3A_1129 = tpu.vector_load %arg5[%swap3A_1126, %swap3A_1127, %swap3A_1128] {strides = array<i32>} : memref<25x8x128xi32, #tpu.memory_space<vmem>>, vector<1x1x16xi32>,
      %swap3A_1130 = vector.shape_cast %swap3A_1129 : vector<1x1x16xi32> to vector<16xi32>
      %swap3A_1131 = vector.shape_cast %or3A_1124 : vector<16xi32> to vector<1x1x16xi32>
      tpu.vector_store %arg5[%swap3A_1126, %swap3A_1127, %swap3A_1128], %swap3A_1131 {strides = array<i32>} : memref<25x8x128xi32, #tpu.memory_space<vmem>>, vector<1x1x16xi32>,
      %get3A_1132 = arith.constant 3 : i32
      %get3A_1133 = arith.index_cast %scan3A_147 : i32 to index
      %get3A_1134 = arith.index_cast %get3A_1132 : i32 to index
      %get3A_1135 = arith.constant 96 : index
      %get3A_1136 = tpu.vector_load %arg5[%get3A_1133, %get3A_1134, %get3A_1135] {strides = array<i32>} : memref<25x8x128xi32, #tpu.memory_space<vmem>>, vector<1x1x16xi32>,
      %get3A_1137 = vector.shape_cast %get3A_1136 : vector<1x1x16xi32> to vector<16xi32>
      %shift_right_arithmetic3A_1138 = arith.constant 15 : i32
      %shift_right_arithmetic3A_1139 = vector.broadcast %shift_right_arithmetic3A_1138 : i32 to vector<16xi32>
      %shift_right_arithmetic3A_1140 = arith.shrsi %get3A_1137, %shift_right_arithmetic3A_1139 : vector<16xi32>
      %shift_left3A_1141 = arith.constant 15 : i32
      %shift_left3A_1142 = vector.broadcast %shift_left3A_1141 : i32 to vector<16xi32>
      %shift_left3A_1143 = arith.shli %shift_right_arithmetic3A_1140, %shift_left3A_1142 : vector<16xi32>
      %and3A_1144 = arith.constant 8191 : i32
      %and3A_1145 = vector.broadcast %and3A_1144 : i32 to vector<16xi32>
      %and3A_1146 = arith.andi %get3A_1137, %and3A_1145 : vector<16xi32>
      %shift_left3A_1147 = arith.constant 2 : i32
      %shift_left3A_1148 = vector.broadcast %shift_left3A_1147 : i32 to vector<16xi32>
      %shift_left3A_1149 = arith.shli %and3A_1146, %shift_left3A_1148 : vector<16xi32>
      %or3A_1150 = arith.ori %shift_left3A_1143, %shift_left3A_1149 : vector<16xi32>
      %shift_right_arithmetic3A_1151 = arith.constant 13 : i32
      %shift_right_arithmetic3A_1152 = vector.broadcast %shift_right_arithmetic3A_1151 : i32 to vector<16xi32>
      %shift_right_arithmetic3A_1153 = arith.shrsi %get3A_1137, %shift_right_arithmetic3A_1152 : vector<16xi32>
      %and3A_1154 = arith.constant 3 : i32
      %and3A_1155 = vector.broadcast %and3A_1154 : i32 to vector<16xi32>
      %and3A_1156 = arith.andi %shift_right_arithmetic3A_1153, %and3A_1155 : vector<16xi32>
      %or3A_1157 = arith.ori %or3A_1150, %and3A_1156 : vector<16xi32>
      %swap3A_1158 = arith.constant 3 : i32
      %swap3A_1159 = arith.index_cast %scan3A_147 : i32 to index
      %swap3A_1160 = arith.index_cast %swap3A_1158 : i32 to index
      %swap3A_1161 = arith.constant 96 : index
      %swap3A_1162 = tpu.vector_load %arg5[%swap3A_1159, %swap3A_1160, %swap3A_1161] {strides = array<i32>} : memref<25x8x128xi32, #tpu.memory_space<vmem>>, vector<1x1x16xi32>,
      %swap3A_1163 = vector.shape_cast %swap3A_1162 : vector<1x1x16xi32> to vector<16xi32>
      %swap3A_1164 = vector.shape_cast %or3A_1157 : vector<16xi32> to vector<1x1x16xi32>
      tpu.vector_store %arg5[%swap3A_1159, %swap3A_1160, %swap3A_1161], %swap3A_1164 {strides = array<i32>} : memref<25x8x128xi32, #tpu.memory_space<vmem>>, vector<1x1x16xi32>,
      %get3A_1165 = arith.constant 3 : i32
      %get3A_1166 = arith.index_cast %scan3A_147 : i32 to index
      %get3A_1167 = arith.index_cast %get3A_1165 : i32 to index
      %get3A_1168 = arith.constant 112 : index
      %get3A_1169 = tpu.vector_load %arg5[%get3A_1166, %get3A_1167, %get3A_1168] {strides = array<i32>} : memref<25x8x128xi32, #tpu.memory_space<vmem>>, vector<1x1x16xi32>,
      %get3A_1170 = vector.shape_cast %get3A_1169 : vector<1x1x16xi32> to vector<16xi32>
      %shift_right_arithmetic3A_1171 = arith.constant 15 : i32
      %shift_right_arithmetic3A_1172 = vector.broadcast %shift_right_arithmetic3A_1171 : i32 to vector<16xi32>
      %shift_right_arithmetic3A_1173 = arith.shrsi %get3A_1170, %shift_right_arithmetic3A_1172 : vector<16xi32>
      %shift_left3A_1174 = arith.constant 15 : i32
      %shift_left3A_1175 = vector.broadcast %shift_left3A_1174 : i32 to vector<16xi32>
      %shift_left3A_1176 = arith.shli %shift_right_arithmetic3A_1173, %shift_left3A_1175 : vector<16xi32>
      %and3A_1177 = arith.constant 8191 : i32
      %and3A_1178 = vector.broadcast %and3A_1177 : i32 to vector<16xi32>
      %and3A_1179 = arith.andi %get3A_1170, %and3A_1178 : vector<16xi32>
      %shift_left3A_1180 = arith.constant 2 : i32
      %shift_left3A_1181 = vector.broadcast %shift_left3A_1180 : i32 to vector<16xi32>
      %shift_left3A_1182 = arith.shli %and3A_1179, %shift_left3A_1181 : vector<16xi32>
      %or3A_1183 = arith.ori %shift_left3A_1176, %shift_left3A_1182 : vector<16xi32>
      %shift_right_arithmetic3A_1184 = arith.constant 13 : i32
      %shift_right_arithmetic3A_1185 = vector.broadcast %shift_right_arithmetic3A_1184 : i32 to vector<16xi32>
      %shift_right_arithmetic3A_1186 = arith.shrsi %get3A_1170, %shift_right_arithmetic3A_1185 : vector<16xi32>
      %and3A_1187 = arith.constant 3 : i32
      %and3A_1188 = vector.broadcast %and3A_1187 : i32 to vector<16xi32>
      %and3A_1189 = arith.andi %shift_right_arithmetic3A_1186, %and3A_1188 : vector<16xi32>
      %or3A_1190 = arith.ori %or3A_1183, %and3A_1189 : vector<16xi32>
      %swap3A_1191 = arith.constant 3 : i32
      %swap3A_1192 = arith.index_cast %scan3A_147 : i32 to index
      %swap3A_1193 = arith.index_cast %swap3A_1191 : i32 to index
      %swap3A_1194 = arith.constant 112 : index
      %swap3A_1195 = tpu.vector_load %arg5[%swap3A_1192, %swap3A_1193, %swap3A_1194] {strides = array<i32>} : memref<25x8x128xi32, #tpu.memory_space<vmem>>, vector<1x1x16xi32>,
      %swap3A_1196 = vector.shape_cast %swap3A_1195 : vector<1x1x16xi32> to vector<16xi32>
      %swap3A_1197 = vector.shape_cast %or3A_1190 : vector<16xi32> to vector<1x1x16xi32>
      tpu.vector_store %arg5[%swap3A_1192, %swap3A_1193, %swap3A_1194], %swap3A_1197 {strides = array<i32>} : memref<25x8x128xi32, #tpu.memory_space<vmem>>, vector<1x1x16xi32>,
      %get3A_1198 = arith.constant 4 : i32
      %get3A_1199 = arith.index_cast %scan3A_147 : i32 to index
      %get3A_1200 = arith.index_cast %get3A_1198 : i32 to index
      %get3A_1201 = arith.constant 0 : index
      %get3A_1202 = tpu.vector_load %arg5[%get3A_1199, %get3A_1200, %get3A_1201] {strides = array<i32>} : memref<25x8x128xi32, #tpu.memory_space<vmem>>, vector<1x1x16xi32>,
      %get3A_1203 = vector.shape_cast %get3A_1202 : vector<1x1x16xi32> to vector<16xi32>
      %shift_right_arithmetic3A_1204 = arith.constant 15 : i32
      %shift_right_arithmetic3A_1205 = vector.broadcast %shift_right_arithmetic3A_1204 : i32 to vector<16xi32>
      %shift_right_arithmetic3A_1206 = arith.shrsi %get3A_1203, %shift_right_arithmetic3A_1205 : vector<16xi32>
      %shift_left3A_1207 = arith.constant 15 : i32
      %shift_left3A_1208 = vector.broadcast %shift_left3A_1207 : i32 to vector<16xi32>
      %shift_left3A_1209 = arith.shli %shift_right_arithmetic3A_1206, %shift_left3A_1208 : vector<16xi32>
      %and3A_1210 = arith.constant 8191 : i32
      %and3A_1211 = vector.broadcast %and3A_1210 : i32 to vector<16xi32>
      %and3A_1212 = arith.andi %get3A_1203, %and3A_1211 : vector<16xi32>
      %shift_left3A_1213 = arith.constant 2 : i32
      %shift_left3A_1214 = vector.broadcast %shift_left3A_1213 : i32 to vector<16xi32>
      %shift_left3A_1215 = arith.shli %and3A_1212, %shift_left3A_1214 : vector<16xi32>
      %or3A_1216 = arith.ori %shift_left3A_1209, %shift_left3A_1215 : vector<16xi32>
      %shift_right_arithmetic3A_1217 = arith.constant 13 : i32
      %shift_right_arithmetic3A_1218 = vector.broadcast %shift_right_arithmetic3A_1217 : i32 to vector<16xi32>
      %shift_right_arithmetic3A_1219 = arith.shrsi %get3A_1203, %shift_right_arithmetic3A_1218 : vector<16xi32>
      %and3A_1220 = arith.constant 3 : i32
      %and3A_1221 = vector.broadcast %and3A_1220 : i32 to vector<16xi32>
      %and3A_1222 = arith.andi %shift_right_arithmetic3A_1219, %and3A_1221 : vector<16xi32>
      %or3A_1223 = arith.ori %or3A_1216, %and3A_1222 : vector<16xi32>
      %swap3A_1224 = arith.constant 4 : i32
      %swap3A_1225 = arith.index_cast %scan3A_147 : i32 to index
      %swap3A_1226 = arith.index_cast %swap3A_1224 : i32 to index
      %swap3A_1227 = arith.constant 0 : index
      %swap3A_1228 = tpu.vector_load %arg5[%swap3A_1225, %swap3A_1226, %swap3A_1227] {strides = array<i32>} : memref<25x8x128xi32, #tpu.memory_space<vmem>>, vector<1x1x16xi32>,
      %swap3A_1229 = vector.shape_cast %swap3A_1228 : vector<1x1x16xi32> to vector<16xi32>
      %swap3A_1230 = vector.shape_cast %or3A_1223 : vector<16xi32> to vector<1x1x16xi32>
      tpu.vector_store %arg5[%swap3A_1225, %swap3A_1226, %swap3A_1227], %swap3A_1230 {strides = array<i32>} : memref<25x8x128xi32, #tpu.memory_space<vmem>>, vector<1x1x16xi32>,
      %get3A_1231 = arith.constant 4 : i32
      %get3A_1232 = arith.index_cast %scan3A_147 : i32 to index
      %get3A_1233 = arith.index_cast %get3A_1231 : i32 to index
      %get3A_1234 = arith.constant 16 : index
      %get3A_1235 = tpu.vector_load %arg5[%get3A_1232, %get3A_1233, %get3A_1234] {strides = array<i32>} : memref<25x8x128xi32, #tpu.memory_space<vmem>>, vector<1x1x16xi32>,
      %get3A_1236 = vector.shape_cast %get3A_1235 : vector<1x1x16xi32> to vector<16xi32>
      %shift_right_arithmetic3A_1237 = arith.constant 15 : i32
      %shift_right_arithmetic3A_1238 = vector.broadcast %shift_right_arithmetic3A_1237 : i32 to vector<16xi32>
      %shift_right_arithmetic3A_1239 = arith.shrsi %get3A_1236, %shift_right_arithmetic3A_1238 : vector<16xi32>
      %shift_left3A_1240 = arith.constant 15 : i32
      %shift_left3A_1241 = vector.broadcast %shift_left3A_1240 : i32 to vector<16xi32>
      %shift_left3A_1242 = arith.shli %shift_right_arithmetic3A_1239, %shift_left3A_1241 : vector<16xi32>
      %and3A_1243 = arith.constant 8191 : i32
      %and3A_1244 = vector.broadcast %and3A_1243 : i32 to vector<16xi32>
      %and3A_1245 = arith.andi %get3A_1236, %and3A_1244 : vector<16xi32>
      %shift_left3A_1246 = arith.constant 2 : i32
      %shift_left3A_1247 = vector.broadcast %shift_left3A_1246 : i32 to vector<16xi32>
      %shift_left3A_1248 = arith.shli %and3A_1245, %shift_left3A_1247 : vector<16xi32>
      %or3A_1249 = arith.ori %shift_left3A_1242, %shift_left3A_1248 : vector<16xi32>
      %shift_right_arithmetic3A_1250 = arith.constant 13 : i32
      %shift_right_arithmetic3A_1251 = vector.broadcast %shift_right_arithmetic3A_1250 : i32 to vector<16xi32>
      %shift_right_arithmetic3A_1252 = arith.shrsi %get3A_1236, %shift_right_arithmetic3A_1251 : vector<16xi32>
      %and3A_1253 = arith.constant 3 : i32
      %and3A_1254 = vector.broadcast %and3A_1253 : i32 to vector<16xi32>
      %and3A_1255 = arith.andi %shift_right_arithmetic3A_1252, %and3A_1254 : vector<16xi32>
      %or3A_1256 = arith.ori %or3A_1249, %and3A_1255 : vector<16xi32>
      %swap3A_1257 = arith.constant 4 : i32
      %swap3A_1258 = arith.index_cast %scan3A_147 : i32 to index
      %swap3A_1259 = arith.index_cast %swap3A_1257 : i32 to index
      %swap3A_1260 = arith.constant 16 : index
      %swap3A_1261 = tpu.vector_load %arg5[%swap3A_1258, %swap3A_1259, %swap3A_1260] {strides = array<i32>} : memref<25x8x128xi32, #tpu.memory_space<vmem>>, vector<1x1x16xi32>,
      %swap3A_1262 = vector.shape_cast %swap3A_1261 : vector<1x1x16xi32> to vector<16xi32>
      %swap3A_1263 = vector.shape_cast %or3A_1256 : vector<16xi32> to vector<1x1x16xi32>
      tpu.vector_store %arg5[%swap3A_1258, %swap3A_1259, %swap3A_1260], %swap3A_1263 {strides = array<i32>} : memref<25x8x128xi32, #tpu.memory_space<vmem>>, vector<1x1x16xi32>,
      %get3A_1264 = arith.constant 4 : i32
      %get3A_1265 = arith.index_cast %scan3A_147 : i32 to index
      %get3A_1266 = arith.index_cast %get3A_1264 : i32 to index
      %get3A_1267 = arith.constant 32 : index
      %get3A_1268 = tpu.vector_load %arg5[%get3A_1265, %get3A_1266, %get3A_1267] {strides = array<i32>} : memref<25x8x128xi32, #tpu.memory_space<vmem>>, vector<1x1x16xi32>,
      %get3A_1269 = vector.shape_cast %get3A_1268 : vector<1x1x16xi32> to vector<16xi32>
      %shift_right_arithmetic3A_1270 = arith.constant 15 : i32
      %shift_right_arithmetic3A_1271 = vector.broadcast %shift_right_arithmetic3A_1270 : i32 to vector<16xi32>
      %shift_right_arithmetic3A_1272 = arith.shrsi %get3A_1269, %shift_right_arithmetic3A_1271 : vector<16xi32>
      %shift_left3A_1273 = arith.constant 15 : i32
      %shift_left3A_1274 = vector.broadcast %shift_left3A_1273 : i32 to vector<16xi32>
      %shift_left3A_1275 = arith.shli %shift_right_arithmetic3A_1272, %shift_left3A_1274 : vector<16xi32>
      %and3A_1276 = arith.constant 8191 : i32
      %and3A_1277 = vector.broadcast %and3A_1276 : i32 to vector<16xi32>
      %and3A_1278 = arith.andi %get3A_1269, %and3A_1277 : vector<16xi32>
      %shift_left3A_1279 = arith.constant 2 : i32
      %shift_left3A_1280 = vector.broadcast %shift_left3A_1279 : i32 to vector<16xi32>
      %shift_left3A_1281 = arith.shli %and3A_1278, %shift_left3A_1280 : vector<16xi32>
      %or3A_1282 = arith.ori %shift_left3A_1275, %shift_left3A_1281 : vector<16xi32>
      %shift_right_arithmetic3A_1283 = arith.constant 13 : i32
      %shift_right_arithmetic3A_1284 = vector.broadcast %shift_right_arithmetic3A_1283 : i32 to vector<16xi32>
      %shift_right_arithmetic3A_1285 = arith.shrsi %get3A_1269, %shift_right_arithmetic3A_1284 : vector<16xi32>
      %and3A_1286 = arith.constant 3 : i32
      %and3A_1287 = vector.broadcast %and3A_1286 : i32 to vector<16xi32>
      %and3A_1288 = arith.andi %shift_right_arithmetic3A_1285, %and3A_1287 : vector<16xi32>
      %or3A_1289 = arith.ori %or3A_1282, %and3A_1288 : vector<16xi32>
      %swap3A_1290 = arith.constant 4 : i32
      %swap3A_1291 = arith.index_cast %scan3A_147 : i32 to index
      %swap3A_1292 = arith.index_cast %swap3A_1290 : i32 to index
      %swap3A_1293 = arith.constant 32 : index
      %swap3A_1294 = tpu.vector_load %arg5[%swap3A_1291, %swap3A_1292, %swap3A_1293] {strides = array<i32>} : memref<25x8x128xi32, #tpu.memory_space<vmem>>, vector<1x1x16xi32>,
      %swap3A_1295 = vector.shape_cast %swap3A_1294 : vector<1x1x16xi32> to vector<16xi32>
      %swap3A_1296 = vector.shape_cast %or3A_1289 : vector<16xi32> to vector<1x1x16xi32>
      tpu.vector_store %arg5[%swap3A_1291, %swap3A_1292, %swap3A_1293], %swap3A_1296 {strides = array<i32>} : memref<25x8x128xi32, #tpu.memory_space<vmem>>, vector<1x1x16xi32>,
      %get3A_1297 = arith.constant 4 : i32
      %get3A_1298 = arith.index_cast %scan3A_147 : i32 to index
      %get3A_1299 = arith.index_cast %get3A_1297 : i32 to index
      %get3A_1300 = arith.constant 48 : index
      %get3A_1301 = tpu.vector_load %arg5[%get3A_1298, %get3A_1299, %get3A_1300] {strides = array<i32>} : memref<25x8x128xi32, #tpu.memory_space<vmem>>, vector<1x1x16xi32>,
      %get3A_1302 = vector.shape_cast %get3A_1301 : vector<1x1x16xi32> to vector<16xi32>
      %shift_right_arithmetic3A_1303 = arith.constant 15 : i32
      %shift_right_arithmetic3A_1304 = vector.broadcast %shift_right_arithmetic3A_1303 : i32 to vector<16xi32>
      %shift_right_arithmetic3A_1305 = arith.shrsi %get3A_1302, %shift_right_arithmetic3A_1304 : vector<16xi32>
      %shift_left3A_1306 = arith.constant 15 : i32
      %shift_left3A_1307 = vector.broadcast %shift_left3A_1306 : i32 to vector<16xi32>
      %shift_left3A_1308 = arith.shli %shift_right_arithmetic3A_1305, %shift_left3A_1307 : vector<16xi32>
      %and3A_1309 = arith.constant 8191 : i32
      %and3A_1310 = vector.broadcast %and3A_1309 : i32 to vector<16xi32>
      %and3A_1311 = arith.andi %get3A_1302, %and3A_1310 : vector<16xi32>
      %shift_left3A_1312 = arith.constant 2 : i32
      %shift_left3A_1313 = vector.broadcast %shift_left3A_1312 : i32 to vector<16xi32>
      %shift_left3A_1314 = arith.shli %and3A_1311, %shift_left3A_1313 : vector<16xi32>
      %or3A_1315 = arith.ori %shift_left3A_1308, %shift_left3A_1314 : vector<16xi32>
      %shift_right_arithmetic3A_1316 = arith.constant 13 : i32
      %shift_right_arithmetic3A_1317 = vector.broadcast %shift_right_arithmetic3A_1316 : i32 to vector<16xi32>
      %shift_right_arithmetic3A_1318 = arith.shrsi %get3A_1302, %shift_right_arithmetic3A_1317 : vector<16xi32>
      %and3A_1319 = arith.constant 3 : i32
      %and3A_1320 = vector.broadcast %and3A_1319 : i32 to vector<16xi32>
      %and3A_1321 = arith.andi %shift_right_arithmetic3A_1318, %and3A_1320 : vector<16xi32>
      %or3A_1322 = arith.ori %or3A_1315, %and3A_1321 : vector<16xi32>
      %swap3A_1323 = arith.constant 4 : i32
      %swap3A_1324 = arith.index_cast %scan3A_147 : i32 to index
      %swap3A_1325 = arith.index_cast %swap3A_1323 : i32 to index
      %swap3A_1326 = arith.constant 48 : index
      %swap3A_1327 = tpu.vector_load %arg5[%swap3A_1324, %swap3A_1325, %swap3A_1326] {strides = array<i32>} : memref<25x8x128xi32, #tpu.memory_space<vmem>>, vector<1x1x16xi32>,
      %swap3A_1328 = vector.shape_cast %swap3A_1327 : vector<1x1x16xi32> to vector<16xi32>
      %swap3A_1329 = vector.shape_cast %or3A_1322 : vector<16xi32> to vector<1x1x16xi32>
      tpu.vector_store %arg5[%swap3A_1324, %swap3A_1325, %swap3A_1326], %swap3A_1329 {strides = array<i32>} : memref<25x8x128xi32, #tpu.memory_space<vmem>>, vector<1x1x16xi32>,
      %get3A_1330 = arith.constant 4 : i32
      %get3A_1331 = arith.index_cast %scan3A_147 : i32 to index
      %get3A_1332 = arith.index_cast %get3A_1330 : i32 to index
      %get3A_1333 = arith.constant 64 : index
      %get3A_1334 = tpu.vector_load %arg5[%get3A_1331, %get3A_1332, %get3A_1333] {strides = array<i32>} : memref<25x8x128xi32, #tpu.memory_space<vmem>>, vector<1x1x16xi32>,
      %get3A_1335 = vector.shape_cast %get3A_1334 : vector<1x1x16xi32> to vector<16xi32>
      %shift_right_arithmetic3A_1336 = arith.constant 15 : i32
      %shift_right_arithmetic3A_1337 = vector.broadcast %shift_right_arithmetic3A_1336 : i32 to vector<16xi32>
      %shift_right_arithmetic3A_1338 = arith.shrsi %get3A_1335, %shift_right_arithmetic3A_1337 : vector<16xi32>
      %shift_left3A_1339 = arith.constant 15 : i32
      %shift_left3A_1340 = vector.broadcast %shift_left3A_1339 : i32 to vector<16xi32>
      %shift_left3A_1341 = arith.shli %shift_right_arithmetic3A_1338, %shift_left3A_1340 : vector<16xi32>
      %and3A_1342 = arith.constant 8191 : i32
      %and3A_1343 = vector.broadcast %and3A_1342 : i32 to vector<16xi32>
      %and3A_1344 = arith.andi %get3A_1335, %and3A_1343 : vector<16xi32>
      %shift_left3A_1345 = arith.constant 2 : i32
      %shift_left3A_1346 = vector.broadcast %shift_left3A_1345 : i32 to vector<16xi32>
      %shift_left3A_1347 = arith.shli %and3A_1344, %shift_left3A_1346 : vector<16xi32>
      %or3A_1348 = arith.ori %shift_left3A_1341, %shift_left3A_1347 : vector<16xi32>
      %shift_right_arithmetic3A_1349 = arith.constant 13 : i32
      %shift_right_arithmetic3A_1350 = vector.broadcast %shift_right_arithmetic3A_1349 : i32 to vector<16xi32>
      %shift_right_arithmetic3A_1351 = arith.shrsi %get3A_1335, %shift_right_arithmetic3A_1350 : vector<16xi32>
      %and3A_1352 = arith.constant 3 : i32
      %and3A_1353 = vector.broadcast %and3A_1352 : i32 to vector<16xi32>
      %and3A_1354 = arith.andi %shift_right_arithmetic3A_1351, %and3A_1353 : vector<16xi32>
      %or3A_1355 = arith.ori %or3A_1348, %and3A_1354 : vector<16xi32>
      %swap3A_1356 = arith.constant 4 : i32
      %swap3A_1357 = arith.index_cast %scan3A_147 : i32 to index
      %swap3A_1358 = arith.index_cast %swap3A_1356 : i32 to index
      %swap3A_1359 = arith.constant 64 : index
      %swap3A_1360 = tpu.vector_load %arg5[%swap3A_1357, %swap3A_1358, %swap3A_1359] {strides = array<i32>} : memref<25x8x128xi32, #tpu.memory_space<vmem>>, vector<1x1x16xi32>,
      %swap3A_1361 = vector.shape_cast %swap3A_1360 : vector<1x1x16xi32> to vector<16xi32>
      %swap3A_1362 = vector.shape_cast %or3A_1355 : vector<16xi32> to vector<1x1x16xi32>
      tpu.vector_store %arg5[%swap3A_1357, %swap3A_1358, %swap3A_1359], %swap3A_1362 {strides = array<i32>} : memref<25x8x128xi32, #tpu.memory_space<vmem>>, vector<1x1x16xi32>,
      %get3A_1363 = arith.constant 4 : i32
      %get3A_1364 = arith.index_cast %scan3A_147 : i32 to index
      %get3A_1365 = arith.index_cast %get3A_1363 : i32 to index
      %get3A_1366 = arith.constant 80 : index
      %get3A_1367 = tpu.vector_load %arg5[%get3A_1364, %get3A_1365, %get3A_1366] {strides = array<i32>} : memref<25x8x128xi32, #tpu.memory_space<vmem>>, vector<1x1x16xi32>,
      %get3A_1368 = vector.shape_cast %get3A_1367 : vector<1x1x16xi32> to vector<16xi32>
      %shift_right_arithmetic3A_1369 = arith.constant 15 : i32
      %shift_right_arithmetic3A_1370 = vector.broadcast %shift_right_arithmetic3A_1369 : i32 to vector<16xi32>
      %shift_right_arithmetic3A_1371 = arith.shrsi %get3A_1368, %shift_right_arithmetic3A_1370 : vector<16xi32>
      %shift_left3A_1372 = arith.constant 15 : i32
      %shift_left3A_1373 = vector.broadcast %shift_left3A_1372 : i32 to vector<16xi32>
      %shift_left3A_1374 = arith.shli %shift_right_arithmetic3A_1371, %shift_left3A_1373 : vector<16xi32>
      %and3A_1375 = arith.constant 8191 : i32
      %and3A_1376 = vector.broadcast %and3A_1375 : i32 to vector<16xi32>
      %and3A_1377 = arith.andi %get3A_1368, %and3A_1376 : vector<16xi32>
      %shift_left3A_1378 = arith.constant 2 : i32
      %shift_left3A_1379 = vector.broadcast %shift_left3A_1378 : i32 to vector<16xi32>
      %shift_left3A_1380 = arith.shli %and3A_1377, %shift_left3A_1379 : vector<16xi32>
      %or3A_1381 = arith.ori %shift_left3A_1374, %shift_left3A_1380 : vector<16xi32>
      %shift_right_arithmetic3A_1382 = arith.constant 13 : i32
      %shift_right_arithmetic3A_1383 = vector.broadcast %shift_right_arithmetic3A_1382 : i32 to vector<16xi32>
      %shift_right_arithmetic3A_1384 = arith.shrsi %get3A_1368, %shift_right_arithmetic3A_1383 : vector<16xi32>
      %and3A_1385 = arith.constant 3 : i32
      %and3A_1386 = vector.broadcast %and3A_1385 : i32 to vector<16xi32>
      %and3A_1387 = arith.andi %shift_right_arithmetic3A_1384, %and3A_1386 : vector<16xi32>
      %or3A_1388 = arith.ori %or3A_1381, %and3A_1387 : vector<16xi32>
      %swap3A_1389 = arith.constant 4 : i32
      %swap3A_1390 = arith.index_cast %scan3A_147 : i32 to index
      %swap3A_1391 = arith.index_cast %swap3A_1389 : i32 to index
      %swap3A_1392 = arith.constant 80 : index
      %swap3A_1393 = tpu.vector_load %arg5[%swap3A_1390, %swap3A_1391, %swap3A_1392] {strides = array<i32>} : memref<25x8x128xi32, #tpu.memory_space<vmem>>, vector<1x1x16xi32>,
      %swap3A_1394 = vector.shape_cast %swap3A_1393 : vector<1x1x16xi32> to vector<16xi32>
      %swap3A_1395 = vector.shape_cast %or3A_1388 : vector<16xi32> to vector<1x1x16xi32>
      tpu.vector_store %arg5[%swap3A_1390, %swap3A_1391, %swap3A_1392], %swap3A_1395 {strides = array<i32>} : memref<25x8x128xi32, #tpu.memory_space<vmem>>, vector<1x1x16xi32>,
      %get3A_1396 = arith.constant 4 : i32
      %get3A_1397 = arith.index_cast %scan3A_147 : i32 to index
      %get3A_1398 = arith.index_cast %get3A_1396 : i32 to index
      %get3A_1399 = arith.constant 96 : index
      %get3A_1400 = tpu.vector_load %arg5[%get3A_1397, %get3A_1398, %get3A_1399] {strides = array<i32>} : memref<25x8x128xi32, #tpu.memory_space<vmem>>, vector<1x1x16xi32>,
      %get3A_1401 = vector.shape_cast %get3A_1400 : vector<1x1x16xi32> to vector<16xi32>
      %shift_right_arithmetic3A_1402 = arith.constant 15 : i32
      %shift_right_arithmetic3A_1403 = vector.broadcast %shift_right_arithmetic3A_1402 : i32 to vector<16xi32>
      %shift_right_arithmetic3A_1404 = arith.shrsi %get3A_1401, %shift_right_arithmetic3A_1403 : vector<16xi32>
      %shift_left3A_1405 = arith.constant 15 : i32
      %shift_left3A_1406 = vector.broadcast %shift_left3A_1405 : i32 to vector<16xi32>
      %shift_left3A_1407 = arith.shli %shift_right_arithmetic3A_1404, %shift_left3A_1406 : vector<16xi32>
      %and3A_1408 = arith.constant 8191 : i32
      %and3A_1409 = vector.broadcast %and3A_1408 : i32 to vector<16xi32>
      %and3A_1410 = arith.andi %get3A_1401, %and3A_1409 : vector<16xi32>
      %shift_left3A_1411 = arith.constant 2 : i32
      %shift_left3A_1412 = vector.broadcast %shift_left3A_1411 : i32 to vector<16xi32>
      %shift_left3A_1413 = arith.shli %and3A_1410, %shift_left3A_1412 : vector<16xi32>
      %or3A_1414 = arith.ori %shift_left3A_1407, %shift_left3A_1413 : vector<16xi32>
      %shift_right_arithmetic3A_1415 = arith.constant 13 : i32
      %shift_right_arithmetic3A_1416 = vector.broadcast %shift_right_arithmetic3A_1415 : i32 to vector<16xi32>
      %shift_right_arithmetic3A_1417 = arith.shrsi %get3A_1401, %shift_right_arithmetic3A_1416 : vector<16xi32>
      %and3A_1418 = arith.constant 3 : i32
      %and3A_1419 = vector.broadcast %and3A_1418 : i32 to vector<16xi32>
      %and3A_1420 = arith.andi %shift_right_arithmetic3A_1417, %and3A_1419 : vector<16xi32>
      %or3A_1421 = arith.ori %or3A_1414, %and3A_1420 : vector<16xi32>
      %swap3A_1422 = arith.constant 4 : i32
      %swap3A_1423 = arith.index_cast %scan3A_147 : i32 to index
      %swap3A_1424 = arith.index_cast %swap3A_1422 : i32 to index
      %swap3A_1425 = arith.constant 96 : index
      %swap3A_1426 = tpu.vector_load %arg5[%swap3A_1423, %swap3A_1424, %swap3A_1425] {strides = array<i32>} : memref<25x8x128xi32, #tpu.memory_space<vmem>>, vector<1x1x16xi32>,
      %swap3A_1427 = vector.shape_cast %swap3A_1426 : vector<1x1x16xi32> to vector<16xi32>
      %swap3A_1428 = vector.shape_cast %or3A_1421 : vector<16xi32> to vector<1x1x16xi32>
      tpu.vector_store %arg5[%swap3A_1423, %swap3A_1424, %swap3A_1425], %swap3A_1428 {strides = array<i32>} : memref<25x8x128xi32, #tpu.memory_space<vmem>>, vector<1x1x16xi32>,
      %get3A_1429 = arith.constant 4 : i32
      %get3A_1430 = arith.index_cast %scan3A_147 : i32 to index
      %get3A_1431 = arith.index_cast %get3A_1429 : i32 to index
      %get3A_1432 = arith.constant 112 : index
      %get3A_1433 = tpu.vector_load %arg5[%get3A_1430, %get3A_1431, %get3A_1432] {strides = array<i32>} : memref<25x8x128xi32, #tpu.memory_space<vmem>>, vector<1x1x16xi32>,
      %get3A_1434 = vector.shape_cast %get3A_1433 : vector<1x1x16xi32> to vector<16xi32>
      %shift_right_arithmetic3A_1435 = arith.constant 15 : i32
      %shift_right_arithmetic3A_1436 = vector.broadcast %shift_right_arithmetic3A_1435 : i32 to vector<16xi32>
      %shift_right_arithmetic3A_1437 = arith.shrsi %get3A_1434, %shift_right_arithmetic3A_1436 : vector<16xi32>
      %shift_left3A_1438 = arith.constant 15 : i32
      %shift_left3A_1439 = vector.broadcast %shift_left3A_1438 : i32 to vector<16xi32>
      %shift_left3A_1440 = arith.shli %shift_right_arithmetic3A_1437, %shift_left3A_1439 : vector<16xi32>
      %and3A_1441 = arith.constant 8191 : i32
      %and3A_1442 = vector.broadcast %and3A_1441 : i32 to vector<16xi32>
      %and3A_1443 = arith.andi %get3A_1434, %and3A_1442 : vector<16xi32>
      %shift_left3A_1444 = arith.constant 2 : i32
      %shift_left3A_1445 = vector.broadcast %shift_left3A_1444 : i32 to vector<16xi32>
      %shift_left3A_1446 = arith.shli %and3A_1443, %shift_left3A_1445 : vector<16xi32>
      %or3A_1447 = arith.ori %shift_left3A_1440, %shift_left3A_1446 : vector<16xi32>
      %shift_right_arithmetic3A_1448 = arith.constant 13 : i32
      %shift_right_arithmetic3A_1449 = vector.broadcast %shift_right_arithmetic3A_1448 : i32 to vector<16xi32>
      %shift_right_arithmetic3A_1450 = arith.shrsi %get3A_1434, %shift_right_arithmetic3A_1449 : vector<16xi32>
      %and3A_1451 = arith.constant 3 : i32
      %and3A_1452 = vector.broadcast %and3A_1451 : i32 to vector<16xi32>
      %and3A_1453 = arith.andi %shift_right_arithmetic3A_1450, %and3A_1452 : vector<16xi32>
      %or3A_1454 = arith.ori %or3A_1447, %and3A_1453 : vector<16xi32>
      %swap3A_1455 = arith.constant 4 : i32
      %swap3A_1456 = arith.index_cast %scan3A_147 : i32 to index
      %swap3A_1457 = arith.index_cast %swap3A_1455 : i32 to index
      %swap3A_1458 = arith.constant 112 : index
      %swap3A_1459 = tpu.vector_load %arg5[%swap3A_1456, %swap3A_1457, %swap3A_1458] {strides = array<i32>} : memref<25x8x128xi32, #tpu.memory_space<vmem>>, vector<1x1x16xi32>,
      %swap3A_1460 = vector.shape_cast %swap3A_1459 : vector<1x1x16xi32> to vector<16xi32>
      %swap3A_1461 = vector.shape_cast %or3A_1454 : vector<16xi32> to vector<1x1x16xi32>
      tpu.vector_store %arg5[%swap3A_1456, %swap3A_1457, %swap3A_1458], %swap3A_1461 {strides = array<i32>} : memref<25x8x128xi32, #tpu.memory_space<vmem>>, vector<1x1x16xi32>,
      %get3A_1462 = arith.constant 5 : i32
      %get3A_1463 = arith.index_cast %scan3A_147 : i32 to index
      %get3A_1464 = arith.index_cast %get3A_1462 : i32 to index
      %get3A_1465 = arith.constant 0 : index
      %get3A_1466 = tpu.vector_load %arg5[%get3A_1463, %get3A_1464, %get3A_1465] {strides = array<i32>} : memref<25x8x128xi32, #tpu.memory_space<vmem>>, vector<1x1x16xi32>,
      %get3A_1467 = vector.shape_cast %get3A_1466 : vector<1x1x16xi32> to vector<16xi32>
      %shift_right_arithmetic3A_1468 = arith.constant 15 : i32
      %shift_right_arithmetic3A_1469 = vector.broadcast %shift_right_arithmetic3A_1468 : i32 to vector<16xi32>
      %shift_right_arithmetic3A_1470 = arith.shrsi %get3A_1467, %shift_right_arithmetic3A_1469 : vector<16xi32>
      %shift_left3A_1471 = arith.constant 15 : i32
      %shift_left3A_1472 = vector.broadcast %shift_left3A_1471 : i32 to vector<16xi32>
      %shift_left3A_1473 = arith.shli %shift_right_arithmetic3A_1470, %shift_left3A_1472 : vector<16xi32>
      %and3A_1474 = arith.constant 8191 : i32
      %and3A_1475 = vector.broadcast %and3A_1474 : i32 to vector<16xi32>
      %and3A_1476 = arith.andi %get3A_1467, %and3A_1475 : vector<16xi32>
      %shift_left3A_1477 = arith.constant 2 : i32
      %shift_left3A_1478 = vector.broadcast %shift_left3A_1477 : i32 to vector<16xi32>
      %shift_left3A_1479 = arith.shli %and3A_1476, %shift_left3A_1478 : vector<16xi32>
      %or3A_1480 = arith.ori %shift_left3A_1473, %shift_left3A_1479 : vector<16xi32>
      %shift_right_arithmetic3A_1481 = arith.constant 13 : i32
      %shift_right_arithmetic3A_1482 = vector.broadcast %shift_right_arithmetic3A_1481 : i32 to vector<16xi32>
      %shift_right_arithmetic3A_1483 = arith.shrsi %get3A_1467, %shift_right_arithmetic3A_1482 : vector<16xi32>
      %and3A_1484 = arith.constant 3 : i32
      %and3A_1485 = vector.broadcast %and3A_1484 : i32 to vector<16xi32>
      %and3A_1486 = arith.andi %shift_right_arithmetic3A_1483, %and3A_1485 : vector<16xi32>
      %or3A_1487 = arith.ori %or3A_1480, %and3A_1486 : vector<16xi32>
      %swap3A_1488 = arith.constant 5 : i32
      %swap3A_1489 = arith.index_cast %scan3A_147 : i32 to index
      %swap3A_1490 = arith.index_cast %swap3A_1488 : i32 to index
      %swap3A_1491 = arith.constant 0 : index
      %swap3A_1492 = tpu.vector_load %arg5[%swap3A_1489, %swap3A_1490, %swap3A_1491] {strides = array<i32>} : memref<25x8x128xi32, #tpu.memory_space<vmem>>, vector<1x1x16xi32>,
      %swap3A_1493 = vector.shape_cast %swap3A_1492 : vector<1x1x16xi32> to vector<16xi32>
      %swap3A_1494 = vector.shape_cast %or3A_1487 : vector<16xi32> to vector<1x1x16xi32>
      tpu.vector_store %arg5[%swap3A_1489, %swap3A_1490, %swap3A_1491], %swap3A_1494 {strides = array<i32>} : memref<25x8x128xi32, #tpu.memory_space<vmem>>, vector<1x1x16xi32>,
      %get3A_1495 = arith.constant 5 : i32
      %get3A_1496 = arith.index_cast %scan3A_147 : i32 to index
      %get3A_1497 = arith.index_cast %get3A_1495 : i32 to index
      %get3A_1498 = arith.constant 16 : index
      %get3A_1499 = tpu.vector_load %arg5[%get3A_1496, %get3A_1497, %get3A_1498] {strides = array<i32>} : memref<25x8x128xi32, #tpu.memory_space<vmem>>, vector<1x1x16xi32>,
      %get3A_1500 = vector.shape_cast %get3A_1499 : vector<1x1x16xi32> to vector<16xi32>
      %shift_right_arithmetic3A_1501 = arith.constant 15 : i32
      %shift_right_arithmetic3A_1502 = vector.broadcast %shift_right_arithmetic3A_1501 : i32 to vector<16xi32>
      %shift_right_arithmetic3A_1503 = arith.shrsi %get3A_1500, %shift_right_arithmetic3A_1502 : vector<16xi32>
      %shift_left3A_1504 = arith.constant 15 : i32
      %shift_left3A_1505 = vector.broadcast %shift_left3A_1504 : i32 to vector<16xi32>
      %shift_left3A_1506 = arith.shli %shift_right_arithmetic3A_1503, %shift_left3A_1505 : vector<16xi32>
      %and3A_1507 = arith.constant 8191 : i32
      %and3A_1508 = vector.broadcast %and3A_1507 : i32 to vector<16xi32>
      %and3A_1509 = arith.andi %get3A_1500, %and3A_1508 : vector<16xi32>
      %shift_left3A_1510 = arith.constant 2 : i32
      %shift_left3A_1511 = vector.broadcast %shift_left3A_1510 : i32 to vector<16xi32>
      %shift_left3A_1512 = arith.shli %and3A_1509, %shift_left3A_1511 : vector<16xi32>
      %or3A_1513 = arith.ori %shift_left3A_1506, %shift_left3A_1512 : vector<16xi32>
      %shift_right_arithmetic3A_1514 = arith.constant 13 : i32
      %shift_right_arithmetic3A_1515 = vector.broadcast %shift_right_arithmetic3A_1514 : i32 to vector<16xi32>
      %shift_right_arithmetic3A_1516 = arith.shrsi %get3A_1500, %shift_right_arithmetic3A_1515 : vector<16xi32>
      %and3A_1517 = arith.constant 3 : i32
      %and3A_1518 = vector.broadcast %and3A_1517 : i32 to vector<16xi32>
      %and3A_1519 = arith.andi %shift_right_arithmetic3A_1516, %and3A_1518 : vector<16xi32>
      %or3A_1520 = arith.ori %or3A_1513, %and3A_1519 : vector<16xi32>
      %swap3A_1521 = arith.constant 5 : i32
      %swap3A_1522 = arith.index_cast %scan3A_147 : i32 to index
      %swap3A_1523 = arith.index_cast %swap3A_1521 : i32 to index
      %swap3A_1524 = arith.constant 16 : index
      %swap3A_1525 = tpu.vector_load %arg5[%swap3A_1522, %swap3A_1523, %swap3A_1524] {strides = array<i32>} : memref<25x8x128xi32, #tpu.memory_space<vmem>>, vector<1x1x16xi32>,
      %swap3A_1526 = vector.shape_cast %swap3A_1525 : vector<1x1x16xi32> to vector<16xi32>
      %swap3A_1527 = vector.shape_cast %or3A_1520 : vector<16xi32> to vector<1x1x16xi32>
      tpu.vector_store %arg5[%swap3A_1522, %swap3A_1523, %swap3A_1524], %swap3A_1527 {strides = array<i32>} : memref<25x8x128xi32, #tpu.memory_space<vmem>>, vector<1x1x16xi32>,
      %get3A_1528 = arith.constant 5 : i32
      %get3A_1529 = arith.index_cast %scan3A_147 : i32 to index
      %get3A_1530 = arith.index_cast %get3A_1528 : i32 to index
      %get3A_1531 = arith.constant 32 : index
      %get3A_1532 = tpu.vector_load %arg5[%get3A_1529, %get3A_1530, %get3A_1531] {strides = array<i32>} : memref<25x8x128xi32, #tpu.memory_space<vmem>>, vector<1x1x16xi32>,
      %get3A_1533 = vector.shape_cast %get3A_1532 : vector<1x1x16xi32> to vector<16xi32>
      %shift_right_arithmetic3A_1534 = arith.constant 15 : i32
      %shift_right_arithmetic3A_1535 = vector.broadcast %shift_right_arithmetic3A_1534 : i32 to vector<16xi32>
      %shift_right_arithmetic3A_1536 = arith.shrsi %get3A_1533, %shift_right_arithmetic3A_1535 : vector<16xi32>
      %shift_left3A_1537 = arith.constant 15 : i32
      %shift_left3A_1538 = vector.broadcast %shift_left3A_1537 : i32 to vector<16xi32>
      %shift_left3A_1539 = arith.shli %shift_right_arithmetic3A_1536, %shift_left3A_1538 : vector<16xi32>
      %and3A_1540 = arith.constant 8191 : i32
      %and3A_1541 = vector.broadcast %and3A_1540 : i32 to vector<16xi32>
      %and3A_1542 = arith.andi %get3A_1533, %and3A_1541 : vector<16xi32>
      %shift_left3A_1543 = arith.constant 2 : i32
      %shift_left3A_1544 = vector.broadcast %shift_left3A_1543 : i32 to vector<16xi32>
      %shift_left3A_1545 = arith.shli %and3A_1542, %shift_left3A_1544 : vector<16xi32>
      %or3A_1546 = arith.ori %shift_left3A_1539, %shift_left3A_1545 : vector<16xi32>
      %shift_right_arithmetic3A_1547 = arith.constant 13 : i32
      %shift_right_arithmetic3A_1548 = vector.broadcast %shift_right_arithmetic3A_1547 : i32 to vector<16xi32>
      %shift_right_arithmetic3A_1549 = arith.shrsi %get3A_1533, %shift_right_arithmetic3A_1548 : vector<16xi32>
      %and3A_1550 = arith.constant 3 : i32
      %and3A_1551 = vector.broadcast %and3A_1550 : i32 to vector<16xi32>
      %and3A_1552 = arith.andi %shift_right_arithmetic3A_1549, %and3A_1551 : vector<16xi32>
      %or3A_1553 = arith.ori %or3A_1546, %and3A_1552 : vector<16xi32>
      %swap3A_1554 = arith.constant 5 : i32
      %swap3A_1555 = arith.index_cast %scan3A_147 : i32 to index
      %swap3A_1556 = arith.index_cast %swap3A_1554 : i32 to index
      %swap3A_1557 = arith.constant 32 : index
      %swap3A_1558 = tpu.vector_load %arg5[%swap3A_1555, %swap3A_1556, %swap3A_1557] {strides = array<i32>} : memref<25x8x128xi32, #tpu.memory_space<vmem>>, vector<1x1x16xi32>,
      %swap3A_1559 = vector.shape_cast %swap3A_1558 : vector<1x1x16xi32> to vector<16xi32>
      %swap3A_1560 = vector.shape_cast %or3A_1553 : vector<16xi32> to vector<1x1x16xi32>
      tpu.vector_store %arg5[%swap3A_1555, %swap3A_1556, %swap3A_1557], %swap3A_1560 {strides = array<i32>} : memref<25x8x128xi32, #tpu.memory_space<vmem>>, vector<1x1x16xi32>,
      %get3A_1561 = arith.constant 5 : i32
      %get3A_1562 = arith.index_cast %scan3A_147 : i32 to index
      %get3A_1563 = arith.index_cast %get3A_1561 : i32 to index
      %get3A_1564 = arith.constant 48 : index
      %get3A_1565 = tpu.vector_load %arg5[%get3A_1562, %get3A_1563, %get3A_1564] {strides = array<i32>} : memref<25x8x128xi32, #tpu.memory_space<vmem>>, vector<1x1x16xi32>,
      %get3A_1566 = vector.shape_cast %get3A_1565 : vector<1x1x16xi32> to vector<16xi32>
      %shift_right_arithmetic3A_1567 = arith.constant 15 : i32
      %shift_right_arithmetic3A_1568 = vector.broadcast %shift_right_arithmetic3A_1567 : i32 to vector<16xi32>
      %shift_right_arithmetic3A_1569 = arith.shrsi %get3A_1566, %shift_right_arithmetic3A_1568 : vector<16xi32>
      %shift_left3A_1570 = arith.constant 15 : i32
      %shift_left3A_1571 = vector.broadcast %shift_left3A_1570 : i32 to vector<16xi32>
      %shift_left3A_1572 = arith.shli %shift_right_arithmetic3A_1569, %shift_left3A_1571 : vector<16xi32>
      %and3A_1573 = arith.constant 8191 : i32
      %and3A_1574 = vector.broadcast %and3A_1573 : i32 to vector<16xi32>
      %and3A_1575 = arith.andi %get3A_1566, %and3A_1574 : vector<16xi32>
      %shift_left3A_1576 = arith.constant 2 : i32
      %shift_left3A_1577 = vector.broadcast %shift_left3A_1576 : i32 to vector<16xi32>
      %shift_left3A_1578 = arith.shli %and3A_1575, %shift_left3A_1577 : vector<16xi32>
      %or3A_1579 = arith.ori %shift_left3A_1572, %shift_left3A_1578 : vector<16xi32>
      %shift_right_arithmetic3A_1580 = arith.constant 13 : i32
      %shift_right_arithmetic3A_1581 = vector.broadcast %shift_right_arithmetic3A_1580 : i32 to vector<16xi32>
      %shift_right_arithmetic3A_1582 = arith.shrsi %get3A_1566, %shift_right_arithmetic3A_1581 : vector<16xi32>
      %and3A_1583 = arith.constant 3 : i32
      %and3A_1584 = vector.broadcast %and3A_1583 : i32 to vector<16xi32>
      %and3A_1585 = arith.andi %shift_right_arithmetic3A_1582, %and3A_1584 : vector<16xi32>
      %or3A_1586 = arith.ori %or3A_1579, %and3A_1585 : vector<16xi32>
      %swap3A_1587 = arith.constant 5 : i32
      %swap3A_1588 = arith.index_cast %scan3A_147 : i32 to index
      %swap3A_1589 = arith.index_cast %swap3A_1587 : i32 to index
      %swap3A_1590 = arith.constant 48 : index
      %swap3A_1591 = tpu.vector_load %arg5[%swap3A_1588, %swap3A_1589, %swap3A_1590] {strides = array<i32>} : memref<25x8x128xi32, #tpu.memory_space<vmem>>, vector<1x1x16xi32>,
      %swap3A_1592 = vector.shape_cast %swap3A_1591 : vector<1x1x16xi32> to vector<16xi32>
      %swap3A_1593 = vector.shape_cast %or3A_1586 : vector<16xi32> to vector<1x1x16xi32>
      tpu.vector_store %arg5[%swap3A_1588, %swap3A_1589, %swap3A_1590], %swap3A_1593 {strides = array<i32>} : memref<25x8x128xi32, #tpu.memory_space<vmem>>, vector<1x1x16xi32>,
      %get3A_1594 = arith.constant 5 : i32
      %get3A_1595 = arith.index_cast %scan3A_147 : i32 to index
      %get3A_1596 = arith.index_cast %get3A_1594 : i32 to index
      %get3A_1597 = arith.constant 64 : index
      %get3A_1598 = tpu.vector_load %arg5[%get3A_1595, %get3A_1596, %get3A_1597] {strides = array<i32>} : memref<25x8x128xi32, #tpu.memory_space<vmem>>, vector<1x1x16xi32>,
      %get3A_1599 = vector.shape_cast %get3A_1598 : vector<1x1x16xi32> to vector<16xi32>
      %shift_right_arithmetic3A_1600 = arith.constant 15 : i32
      %shift_right_arithmetic3A_1601 = vector.broadcast %shift_right_arithmetic3A_1600 : i32 to vector<16xi32>
      %shift_right_arithmetic3A_1602 = arith.shrsi %get3A_1599, %shift_right_arithmetic3A_1601 : vector<16xi32>
      %shift_left3A_1603 = arith.constant 15 : i32
      %shift_left3A_1604 = vector.broadcast %shift_left3A_1603 : i32 to vector<16xi32>
      %shift_left3A_1605 = arith.shli %shift_right_arithmetic3A_1602, %shift_left3A_1604 : vector<16xi32>
      %and3A_1606 = arith.constant 8191 : i32
      %and3A_1607 = vector.broadcast %and3A_1606 : i32 to vector<16xi32>
      %and3A_1608 = arith.andi %get3A_1599, %and3A_1607 : vector<16xi32>
      %shift_left3A_1609 = arith.constant 2 : i32
      %shift_left3A_1610 = vector.broadcast %shift_left3A_1609 : i32 to vector<16xi32>
      %shift_left3A_1611 = arith.shli %and3A_1608, %shift_left3A_1610 : vector<16xi32>
      %or3A_1612 = arith.ori %shift_left3A_1605, %shift_left3A_1611 : vector<16xi32>
      %shift_right_arithmetic3A_1613 = arith.constant 13 : i32
      %shift_right_arithmetic3A_1614 = vector.broadcast %shift_right_arithmetic3A_1613 : i32 to vector<16xi32>
      %shift_right_arithmetic3A_1615 = arith.shrsi %get3A_1599, %shift_right_arithmetic3A_1614 : vector<16xi32>
      %and3A_1616 = arith.constant 3 : i32
      %and3A_1617 = vector.broadcast %and3A_1616 : i32 to vector<16xi32>
      %and3A_1618 = arith.andi %shift_right_arithmetic3A_1615, %and3A_1617 : vector<16xi32>
      %or3A_1619 = arith.ori %or3A_1612, %and3A_1618 : vector<16xi32>
      %swap3A_1620 = arith.constant 5 : i32
      %swap3A_1621 = arith.index_cast %scan3A_147 : i32 to index
      %swap3A_1622 = arith.index_cast %swap3A_1620 : i32 to index
      %swap3A_1623 = arith.constant 64 : index
      %swap3A_1624 = tpu.vector_load %arg5[%swap3A_1621, %swap3A_1622, %swap3A_1623] {strides = array<i32>} : memref<25x8x128xi32, #tpu.memory_space<vmem>>, vector<1x1x16xi32>,
      %swap3A_1625 = vector.shape_cast %swap3A_1624 : vector<1x1x16xi32> to vector<16xi32>
      %swap3A_1626 = vector.shape_cast %or3A_1619 : vector<16xi32> to vector<1x1x16xi32>
      tpu.vector_store %arg5[%swap3A_1621, %swap3A_1622, %swap3A_1623], %swap3A_1626 {strides = array<i32>} : memref<25x8x128xi32, #tpu.memory_space<vmem>>, vector<1x1x16xi32>,
      %get3A_1627 = arith.constant 5 : i32
      %get3A_1628 = arith.index_cast %scan3A_147 : i32 to index
      %get3A_1629 = arith.index_cast %get3A_1627 : i32 to index
      %get3A_1630 = arith.constant 80 : index
      %get3A_1631 = tpu.vector_load %arg5[%get3A_1628, %get3A_1629, %get3A_1630] {strides = array<i32>} : memref<25x8x128xi32, #tpu.memory_space<vmem>>, vector<1x1x16xi32>,
      %get3A_1632 = vector.shape_cast %get3A_1631 : vector<1x1x16xi32> to vector<16xi32>
      %shift_right_arithmetic3A_1633 = arith.constant 15 : i32
      %shift_right_arithmetic3A_1634 = vector.broadcast %shift_right_arithmetic3A_1633 : i32 to vector<16xi32>
      %shift_right_arithmetic3A_1635 = arith.shrsi %get3A_1632, %shift_right_arithmetic3A_1634 : vector<16xi32>
      %shift_left3A_1636 = arith.constant 15 : i32
      %shift_left3A_1637 = vector.broadcast %shift_left3A_1636 : i32 to vector<16xi32>
      %shift_left3A_1638 = arith.shli %shift_right_arithmetic3A_1635, %shift_left3A_1637 : vector<16xi32>
      %and3A_1639 = arith.constant 8191 : i32
      %and3A_1640 = vector.broadcast %and3A_1639 : i32 to vector<16xi32>
      %and3A_1641 = arith.andi %get3A_1632, %and3A_1640 : vector<16xi32>
      %shift_left3A_1642 = arith.constant 2 : i32
      %shift_left3A_1643 = vector.broadcast %shift_left3A_1642 : i32 to vector<16xi32>
      %shift_left3A_1644 = arith.shli %and3A_1641, %shift_left3A_1643 : vector<16xi32>
      %or3A_1645 = arith.ori %shift_left3A_1638, %shift_left3A_1644 : vector<16xi32>
      %shift_right_arithmetic3A_1646 = arith.constant 13 : i32
      %shift_right_arithmetic3A_1647 = vector.broadcast %shift_right_arithmetic3A_1646 : i32 to vector<16xi32>
      %shift_right_arithmetic3A_1648 = arith.shrsi %get3A_1632, %shift_right_arithmetic3A_1647 : vector<16xi32>
      %and3A_1649 = arith.constant 3 : i32
      %and3A_1650 = vector.broadcast %and3A_1649 : i32 to vector<16xi32>
      %and3A_1651 = arith.andi %shift_right_arithmetic3A_1648, %and3A_1650 : vector<16xi32>
      %or3A_1652 = arith.ori %or3A_1645, %and3A_1651 : vector<16xi32>
      %swap3A_1653 = arith.constant 5 : i32
      %swap3A_1654 = arith.index_cast %scan3A_147 : i32 to index
      %swap3A_1655 = arith.index_cast %swap3A_1653 : i32 to index
      %swap3A_1656 = arith.constant 80 : index
      %swap3A_1657 = tpu.vector_load %arg5[%swap3A_1654, %swap3A_1655, %swap3A_1656] {strides = array<i32>} : memref<25x8x128xi32, #tpu.memory_space<vmem>>, vector<1x1x16xi32>,
      %swap3A_1658 = vector.shape_cast %swap3A_1657 : vector<1x1x16xi32> to vector<16xi32>
      %swap3A_1659 = vector.shape_cast %or3A_1652 : vector<16xi32> to vector<1x1x16xi32>
      tpu.vector_store %arg5[%swap3A_1654, %swap3A_1655, %swap3A_1656], %swap3A_1659 {strides = array<i32>} : memref<25x8x128xi32, #tpu.memory_space<vmem>>, vector<1x1x16xi32>,
      %get3A_1660 = arith.constant 5 : i32
      %get3A_1661 = arith.index_cast %scan3A_147 : i32 to index
      %get3A_1662 = arith.index_cast %get3A_1660 : i32 to index
      %get3A_1663 = arith.constant 96 : index
      %get3A_1664 = tpu.vector_load %arg5[%get3A_1661, %get3A_1662, %get3A_1663] {strides = array<i32>} : memref<25x8x128xi32, #tpu.memory_space<vmem>>, vector<1x1x16xi32>,
      %get3A_1665 = vector.shape_cast %get3A_1664 : vector<1x1x16xi32> to vector<16xi32>
      %shift_right_arithmetic3A_1666 = arith.constant 15 : i32
      %shift_right_arithmetic3A_1667 = vector.broadcast %shift_right_arithmetic3A_1666 : i32 to vector<16xi32>
      %shift_right_arithmetic3A_1668 = arith.shrsi %get3A_1665, %shift_right_arithmetic3A_1667 : vector<16xi32>
      %shift_left3A_1669 = arith.constant 15 : i32
      %shift_left3A_1670 = vector.broadcast %shift_left3A_1669 : i32 to vector<16xi32>
      %shift_left3A_1671 = arith.shli %shift_right_arithmetic3A_1668, %shift_left3A_1670 : vector<16xi32>
      %and3A_1672 = arith.constant 8191 : i32
      %and3A_1673 = vector.broadcast %and3A_1672 : i32 to vector<16xi32>
      %and3A_1674 = arith.andi %get3A_1665, %and3A_1673 : vector<16xi32>
      %shift_left3A_1675 = arith.constant 2 : i32
      %shift_left3A_1676 = vector.broadcast %shift_left3A_1675 : i32 to vector<16xi32>
      %shift_left3A_1677 = arith.shli %and3A_1674, %shift_left3A_1676 : vector<16xi32>
      %or3A_1678 = arith.ori %shift_left3A_1671, %shift_left3A_1677 : vector<16xi32>
      %shift_right_arithmetic3A_1679 = arith.constant 13 : i32
      %shift_right_arithmetic3A_1680 = vector.broadcast %shift_right_arithmetic3A_1679 : i32 to vector<16xi32>
      %shift_right_arithmetic3A_1681 = arith.shrsi %get3A_1665, %shift_right_arithmetic3A_1680 : vector<16xi32>
      %and3A_1682 = arith.constant 3 : i32
      %and3A_1683 = vector.broadcast %and3A_1682 : i32 to vector<16xi32>
      %and3A_1684 = arith.andi %shift_right_arithmetic3A_1681, %and3A_1683 : vector<16xi32>
      %or3A_1685 = arith.ori %or3A_1678, %and3A_1684 : vector<16xi32>
      %swap3A_1686 = arith.constant 5 : i32
      %swap3A_1687 = arith.index_cast %scan3A_147 : i32 to index
      %swap3A_1688 = arith.index_cast %swap3A_1686 : i32 to index
      %swap3A_1689 = arith.constant 96 : index
      %swap3A_1690 = tpu.vector_load %arg5[%swap3A_1687, %swap3A_1688, %swap3A_1689] {strides = array<i32>} : memref<25x8x128xi32, #tpu.memory_space<vmem>>, vector<1x1x16xi32>,
      %swap3A_1691 = vector.shape_cast %swap3A_1690 : vector<1x1x16xi32> to vector<16xi32>
      %swap3A_1692 = vector.shape_cast %or3A_1685 : vector<16xi32> to vector<1x1x16xi32>
      tpu.vector_store %arg5[%swap3A_1687, %swap3A_1688, %swap3A_1689], %swap3A_1692 {strides = array<i32>} : memref<25x8x128xi32, #tpu.memory_space<vmem>>, vector<1x1x16xi32>,
      %get3A_1693 = arith.constant 5 : i32
      %get3A_1694 = arith.index_cast %scan3A_147 : i32 to index
      %get3A_1695 = arith.index_cast %get3A_1693 : i32 to index
      %get3A_1696 = arith.constant 112 : index
      %get3A_1697 = tpu.vector_load %arg5[%get3A_1694, %get3A_1695, %get3A_1696] {strides = array<i32>} : memref<25x8x128xi32, #tpu.memory_space<vmem>>, vector<1x1x16xi32>,
      %get3A_1698 = vector.shape_cast %get3A_1697 : vector<1x1x16xi32> to vector<16xi32>
      %shift_right_arithmetic3A_1699 = arith.constant 15 : i32
      %shift_right_arithmetic3A_1700 = vector.broadcast %shift_right_arithmetic3A_1699 : i32 to vector<16xi32>
      %shift_right_arithmetic3A_1701 = arith.shrsi %get3A_1698, %shift_right_arithmetic3A_1700 : vector<16xi32>
      %shift_left3A_1702 = arith.constant 15 : i32
      %shift_left3A_1703 = vector.broadcast %shift_left3A_1702 : i32 to vector<16xi32>
      %shift_left3A_1704 = arith.shli %shift_right_arithmetic3A_1701, %shift_left3A_1703 : vector<16xi32>
      %and3A_1705 = arith.constant 8191 : i32
      %and3A_1706 = vector.broadcast %and3A_1705 : i32 to vector<16xi32>
      %and3A_1707 = arith.andi %get3A_1698, %and3A_1706 : vector<16xi32>
      %shift_left3A_1708 = arith.constant 2 : i32
      %shift_left3A_1709 = vector.broadcast %shift_left3A_1708 : i32 to vector<16xi32>
      %shift_left3A_1710 = arith.shli %and3A_1707, %shift_left3A_1709 : vector<16xi32>
      %or3A_1711 = arith.ori %shift_left3A_1704, %shift_left3A_1710 : vector<16xi32>
      %shift_right_arithmetic3A_1712 = arith.constant 13 : i32
      %shift_right_arithmetic3A_1713 = vector.broadcast %shift_right_arithmetic3A_1712 : i32 to vector<16xi32>
      %shift_right_arithmetic3A_1714 = arith.shrsi %get3A_1698, %shift_right_arithmetic3A_1713 : vector<16xi32>
      %and3A_1715 = arith.constant 3 : i32
      %and3A_1716 = vector.broadcast %and3A_1715 : i32 to vector<16xi32>
      %and3A_1717 = arith.andi %shift_right_arithmetic3A_1714, %and3A_1716 : vector<16xi32>
      %or3A_1718 = arith.ori %or3A_1711, %and3A_1717 : vector<16xi32>
      %swap3A_1719 = arith.constant 5 : i32
      %swap3A_1720 = arith.index_cast %scan3A_147 : i32 to index
      %swap3A_1721 = arith.index_cast %swap3A_1719 : i32 to index
      %swap3A_1722 = arith.constant 112 : index
      %swap3A_1723 = tpu.vector_load %arg5[%swap3A_1720, %swap3A_1721, %swap3A_1722] {strides = array<i32>} : memref<25x8x128xi32, #tpu.memory_space<vmem>>, vector<1x1x16xi32>,
      %swap3A_1724 = vector.shape_cast %swap3A_1723 : vector<1x1x16xi32> to vector<16xi32>
      %swap3A_1725 = vector.shape_cast %or3A_1718 : vector<16xi32> to vector<1x1x16xi32>
      tpu.vector_store %arg5[%swap3A_1720, %swap3A_1721, %swap3A_1722], %swap3A_1725 {strides = array<i32>} : memref<25x8x128xi32, #tpu.memory_space<vmem>>, vector<1x1x16xi32>,
      %get3A_1726 = arith.constant 6 : i32
      %get3A_1727 = arith.index_cast %scan3A_147 : i32 to index
      %get3A_1728 = arith.index_cast %get3A_1726 : i32 to index
      %get3A_1729 = arith.constant 0 : index
      %get3A_1730 = tpu.vector_load %arg5[%get3A_1727, %get3A_1728, %get3A_1729] {strides = array<i32>} : memref<25x8x128xi32, #tpu.memory_space<vmem>>, vector<1x1x16xi32>,
      %get3A_1731 = vector.shape_cast %get3A_1730 : vector<1x1x16xi32> to vector<16xi32>
      %shift_right_arithmetic3A_1732 = arith.constant 15 : i32
      %shift_right_arithmetic3A_1733 = vector.broadcast %shift_right_arithmetic3A_1732 : i32 to vector<16xi32>
      %shift_right_arithmetic3A_1734 = arith.shrsi %get3A_1731, %shift_right_arithmetic3A_1733 : vector<16xi32>
      %shift_left3A_1735 = arith.constant 15 : i32
      %shift_left3A_1736 = vector.broadcast %shift_left3A_1735 : i32 to vector<16xi32>
      %shift_left3A_1737 = arith.shli %shift_right_arithmetic3A_1734, %shift_left3A_1736 : vector<16xi32>
      %and3A_1738 = arith.constant 8191 : i32
      %and3A_1739 = vector.broadcast %and3A_1738 : i32 to vector<16xi32>
      %and3A_1740 = arith.andi %get3A_1731, %and3A_1739 : vector<16xi32>
      %shift_left3A_1741 = arith.constant 2 : i32
      %shift_left3A_1742 = vector.broadcast %shift_left3A_1741 : i32 to vector<16xi32>
      %shift_left3A_1743 = arith.shli %and3A_1740, %shift_left3A_1742 : vector<16xi32>
      %or3A_1744 = arith.ori %shift_left3A_1737, %shift_left3A_1743 : vector<16xi32>
      %shift_right_arithmetic3A_1745 = arith.constant 13 : i32
      %shift_right_arithmetic3A_1746 = vector.broadcast %shift_right_arithmetic3A_1745 : i32 to vector<16xi32>
      %shift_right_arithmetic3A_1747 = arith.shrsi %get3A_1731, %shift_right_arithmetic3A_1746 : vector<16xi32>
      %and3A_1748 = arith.constant 3 : i32
      %and3A_1749 = vector.broadcast %and3A_1748 : i32 to vector<16xi32>
      %and3A_1750 = arith.andi %shift_right_arithmetic3A_1747, %and3A_1749 : vector<16xi32>
      %or3A_1751 = arith.ori %or3A_1744, %and3A_1750 : vector<16xi32>
      %swap3A_1752 = arith.constant 6 : i32
      %swap3A_1753 = arith.index_cast %scan3A_147 : i32 to index
      %swap3A_1754 = arith.index_cast %swap3A_1752 : i32 to index
      %swap3A_1755 = arith.constant 0 : index
      %swap3A_1756 = tpu.vector_load %arg5[%swap3A_1753, %swap3A_1754, %swap3A_1755] {strides = array<i32>} : memref<25x8x128xi32, #tpu.memory_space<vmem>>, vector<1x1x16xi32>,
      %swap3A_1757 = vector.shape_cast %swap3A_1756 : vector<1x1x16xi32> to vector<16xi32>
      %swap3A_1758 = vector.shape_cast %or3A_1751 : vector<16xi32> to vector<1x1x16xi32>
      tpu.vector_store %arg5[%swap3A_1753, %swap3A_1754, %swap3A_1755], %swap3A_1758 {strides = array<i32>} : memref<25x8x128xi32, #tpu.memory_space<vmem>>, vector<1x1x16xi32>,
      %get3A_1759 = arith.constant 6 : i32
      %get3A_1760 = arith.index_cast %scan3A_147 : i32 to index
      %get3A_1761 = arith.index_cast %get3A_1759 : i32 to index
      %get3A_1762 = arith.constant 16 : index
      %get3A_1763 = tpu.vector_load %arg5[%get3A_1760, %get3A_1761, %get3A_1762] {strides = array<i32>} : memref<25x8x128xi32, #tpu.memory_space<vmem>>, vector<1x1x16xi32>,
      %get3A_1764 = vector.shape_cast %get3A_1763 : vector<1x1x16xi32> to vector<16xi32>
      %shift_right_arithmetic3A_1765 = arith.constant 15 : i32
      %shift_right_arithmetic3A_1766 = vector.broadcast %shift_right_arithmetic3A_1765 : i32 to vector<16xi32>
      %shift_right_arithmetic3A_1767 = arith.shrsi %get3A_1764, %shift_right_arithmetic3A_1766 : vector<16xi32>
      %shift_left3A_1768 = arith.constant 15 : i32
      %shift_left3A_1769 = vector.broadcast %shift_left3A_1768 : i32 to vector<16xi32>
      %shift_left3A_1770 = arith.shli %shift_right_arithmetic3A_1767, %shift_left3A_1769 : vector<16xi32>
      %and3A_1771 = arith.constant 8191 : i32
      %and3A_1772 = vector.broadcast %and3A_1771 : i32 to vector<16xi32>
      %and3A_1773 = arith.andi %get3A_1764, %and3A_1772 : vector<16xi32>
      %shift_left3A_1774 = arith.constant 2 : i32
      %shift_left3A_1775 = vector.broadcast %shift_left3A_1774 : i32 to vector<16xi32>
      %shift_left3A_1776 = arith.shli %and3A_1773, %shift_left3A_1775 : vector<16xi32>
      %or3A_1777 = arith.ori %shift_left3A_1770, %shift_left3A_1776 : vector<16xi32>
      %shift_right_arithmetic3A_1778 = arith.constant 13 : i32
      %shift_right_arithmetic3A_1779 = vector.broadcast %shift_right_arithmetic3A_1778 : i32 to vector<16xi32>
      %shift_right_arithmetic3A_1780 = arith.shrsi %get3A_1764, %shift_right_arithmetic3A_1779 : vector<16xi32>
      %and3A_1781 = arith.constant 3 : i32
      %and3A_1782 = vector.broadcast %and3A_1781 : i32 to vector<16xi32>
      %and3A_1783 = arith.andi %shift_right_arithmetic3A_1780, %and3A_1782 : vector<16xi32>
      %or3A_1784 = arith.ori %or3A_1777, %and3A_1783 : vector<16xi32>
      %swap3A_1785 = arith.constant 6 : i32
      %swap3A_1786 = arith.index_cast %scan3A_147 : i32 to index
      %swap3A_1787 = arith.index_cast %swap3A_1785 : i32 to index
      %swap3A_1788 = arith.constant 16 : index
      %swap3A_1789 = tpu.vector_load %arg5[%swap3A_1786, %swap3A_1787, %swap3A_1788] {strides = array<i32>} : memref<25x8x128xi32, #tpu.memory_space<vmem>>, vector<1x1x16xi32>,
      %swap3A_1790 = vector.shape_cast %swap3A_1789 : vector<1x1x16xi32> to vector<16xi32>
      %swap3A_1791 = vector.shape_cast %or3A_1784 : vector<16xi32> to vector<1x1x16xi32>
      tpu.vector_store %arg5[%swap3A_1786, %swap3A_1787, %swap3A_1788], %swap3A_1791 {strides = array<i32>} : memref<25x8x128xi32, #tpu.memory_space<vmem>>, vector<1x1x16xi32>,
      %get3A_1792 = arith.constant 6 : i32
      %get3A_1793 = arith.index_cast %scan3A_147 : i32 to index
      %get3A_1794 = arith.index_cast %get3A_1792 : i32 to index
      %get3A_1795 = arith.constant 32 : index
      %get3A_1796 = tpu.vector_load %arg5[%get3A_1793, %get3A_1794, %get3A_1795] {strides = array<i32>} : memref<25x8x128xi32, #tpu.memory_space<vmem>>, vector<1x1x16xi32>,
      %get3A_1797 = vector.shape_cast %get3A_1796 : vector<1x1x16xi32> to vector<16xi32>
      %shift_right_arithmetic3A_1798 = arith.constant 15 : i32
      %shift_right_arithmetic3A_1799 = vector.broadcast %shift_right_arithmetic3A_1798 : i32 to vector<16xi32>
      %shift_right_arithmetic3A_1800 = arith.shrsi %get3A_1797, %shift_right_arithmetic3A_1799 : vector<16xi32>
      %shift_left3A_1801 = arith.constant 15 : i32
      %shift_left3A_1802 = vector.broadcast %shift_left3A_1801 : i32 to vector<16xi32>
      %shift_left3A_1803 = arith.shli %shift_right_arithmetic3A_1800, %shift_left3A_1802 : vector<16xi32>
      %and3A_1804 = arith.constant 8191 : i32
      %and3A_1805 = vector.broadcast %and3A_1804 : i32 to vector<16xi32>
      %and3A_1806 = arith.andi %get3A_1797, %and3A_1805 : vector<16xi32>
      %shift_left3A_1807 = arith.constant 2 : i32
      %shift_left3A_1808 = vector.broadcast %shift_left3A_1807 : i32 to vector<16xi32>
      %shift_left3A_1809 = arith.shli %and3A_1806, %shift_left3A_1808 : vector<16xi32>
      %or3A_1810 = arith.ori %shift_left3A_1803, %shift_left3A_1809 : vector<16xi32>
      %shift_right_arithmetic3A_1811 = arith.constant 13 : i32
      %shift_right_arithmetic3A_1812 = vector.broadcast %shift_right_arithmetic3A_1811 : i32 to vector<16xi32>
      %shift_right_arithmetic3A_1813 = arith.shrsi %get3A_1797, %shift_right_arithmetic3A_1812 : vector<16xi32>
      %and3A_1814 = arith.constant 3 : i32
      %and3A_1815 = vector.broadcast %and3A_1814 : i32 to vector<16xi32>
      %and3A_1816 = arith.andi %shift_right_arithmetic3A_1813, %and3A_1815 : vector<16xi32>
      %or3A_1817 = arith.ori %or3A_1810, %and3A_1816 : vector<16xi32>
      %swap3A_1818 = arith.constant 6 : i32
      %swap3A_1819 = arith.index_cast %scan3A_147 : i32 to index
      %swap3A_1820 = arith.index_cast %swap3A_1818 : i32 to index
      %swap3A_1821 = arith.constant 32 : index
      %swap3A_1822 = tpu.vector_load %arg5[%swap3A_1819, %swap3A_1820, %swap3A_1821] {strides = array<i32>} : memref<25x8x128xi32, #tpu.memory_space<vmem>>, vector<1x1x16xi32>,
      %swap3A_1823 = vector.shape_cast %swap3A_1822 : vector<1x1x16xi32> to vector<16xi32>
      %swap3A_1824 = vector.shape_cast %or3A_1817 : vector<16xi32> to vector<1x1x16xi32>
      tpu.vector_store %arg5[%swap3A_1819, %swap3A_1820, %swap3A_1821], %swap3A_1824 {strides = array<i32>} : memref<25x8x128xi32, #tpu.memory_space<vmem>>, vector<1x1x16xi32>,
      %get3A_1825 = arith.constant 6 : i32
      %get3A_1826 = arith.index_cast %scan3A_147 : i32 to index
      %get3A_1827 = arith.index_cast %get3A_1825 : i32 to index
      %get3A_1828 = arith.constant 48 : index
      %get3A_1829 = tpu.vector_load %arg5[%get3A_1826, %get3A_1827, %get3A_1828] {strides = array<i32>} : memref<25x8x128xi32, #tpu.memory_space<vmem>>, vector<1x1x16xi32>,
      %get3A_1830 = vector.shape_cast %get3A_1829 : vector<1x1x16xi32> to vector<16xi32>
      %shift_right_arithmetic3A_1831 = arith.constant 15 : i32
      %shift_right_arithmetic3A_1832 = vector.broadcast %shift_right_arithmetic3A_1831 : i32 to vector<16xi32>
      %shift_right_arithmetic3A_1833 = arith.shrsi %get3A_1830, %shift_right_arithmetic3A_1832 : vector<16xi32>
      %shift_left3A_1834 = arith.constant 15 : i32
      %shift_left3A_1835 = vector.broadcast %shift_left3A_1834 : i32 to vector<16xi32>
      %shift_left3A_1836 = arith.shli %shift_right_arithmetic3A_1833, %shift_left3A_1835 : vector<16xi32>
      %and3A_1837 = arith.constant 8191 : i32
      %and3A_1838 = vector.broadcast %and3A_1837 : i32 to vector<16xi32>
      %and3A_1839 = arith.andi %get3A_1830, %and3A_1838 : vector<16xi32>
      %shift_left3A_1840 = arith.constant 2 : i32
      %shift_left3A_1841 = vector.broadcast %shift_left3A_1840 : i32 to vector<16xi32>
      %shift_left3A_1842 = arith.shli %and3A_1839, %shift_left3A_1841 : vector<16xi32>
      %or3A_1843 = arith.ori %shift_left3A_1836, %shift_left3A_1842 : vector<16xi32>
      %shift_right_arithmetic3A_1844 = arith.constant 13 : i32
      %shift_right_arithmetic3A_1845 = vector.broadcast %shift_right_arithmetic3A_1844 : i32 to vector<16xi32>
      %shift_right_arithmetic3A_1846 = arith.shrsi %get3A_1830, %shift_right_arithmetic3A_1845 : vector<16xi32>
      %and3A_1847 = arith.constant 3 : i32
      %and3A_1848 = vector.broadcast %and3A_1847 : i32 to vector<16xi32>
      %and3A_1849 = arith.andi %shift_right_arithmetic3A_1846, %and3A_1848 : vector<16xi32>
      %or3A_1850 = arith.ori %or3A_1843, %and3A_1849 : vector<16xi32>
      %swap3A_1851 = arith.constant 6 : i32
      %swap3A_1852 = arith.index_cast %scan3A_147 : i32 to index
      %swap3A_1853 = arith.index_cast %swap3A_1851 : i32 to index
      %swap3A_1854 = arith.constant 48 : index
      %swap3A_1855 = tpu.vector_load %arg5[%swap3A_1852, %swap3A_1853, %swap3A_1854] {strides = array<i32>} : memref<25x8x128xi32, #tpu.memory_space<vmem>>, vector<1x1x16xi32>,
      %swap3A_1856 = vector.shape_cast %swap3A_1855 : vector<1x1x16xi32> to vector<16xi32>
      %swap3A_1857 = vector.shape_cast %or3A_1850 : vector<16xi32> to vector<1x1x16xi32>
      tpu.vector_store %arg5[%swap3A_1852, %swap3A_1853, %swap3A_1854], %swap3A_1857 {strides = array<i32>} : memref<25x8x128xi32, #tpu.memory_space<vmem>>, vector<1x1x16xi32>,
      %get3A_1858 = arith.constant 6 : i32
      %get3A_1859 = arith.index_cast %scan3A_147 : i32 to index
      %get3A_1860 = arith.index_cast %get3A_1858 : i32 to index
      %get3A_1861 = arith.constant 64 : index
      %get3A_1862 = tpu.vector_load %arg5[%get3A_1859, %get3A_1860, %get3A_1861] {strides = array<i32>} : memref<25x8x128xi32, #tpu.memory_space<vmem>>, vector<1x1x16xi32>,
      %get3A_1863 = vector.shape_cast %get3A_1862 : vector<1x1x16xi32> to vector<16xi32>
      %shift_right_arithmetic3A_1864 = arith.constant 15 : i32
      %shift_right_arithmetic3A_1865 = vector.broadcast %shift_right_arithmetic3A_1864 : i32 to vector<16xi32>
      %shift_right_arithmetic3A_1866 = arith.shrsi %get3A_1863, %shift_right_arithmetic3A_1865 : vector<16xi32>
      %shift_left3A_1867 = arith.constant 15 : i32
      %shift_left3A_1868 = vector.broadcast %shift_left3A_1867 : i32 to vector<16xi32>
      %shift_left3A_1869 = arith.shli %shift_right_arithmetic3A_1866, %shift_left3A_1868 : vector<16xi32>
      %and3A_1870 = arith.constant 8191 : i32
      %and3A_1871 = vector.broadcast %and3A_1870 : i32 to vector<16xi32>
      %and3A_1872 = arith.andi %get3A_1863, %and3A_1871 : vector<16xi32>
      %shift_left3A_1873 = arith.constant 2 : i32
      %shift_left3A_1874 = vector.broadcast %shift_left3A_1873 : i32 to vector<16xi32>
      %shift_left3A_1875 = arith.shli %and3A_1872, %shift_left3A_1874 : vector<16xi32>
      %or3A_1876 = arith.ori %shift_left3A_1869, %shift_left3A_1875 : vector<16xi32>
      %shift_right_arithmetic3A_1877 = arith.constant 13 : i32
      %shift_right_arithmetic3A_1878 = vector.broadcast %shift_right_arithmetic3A_1877 : i32 to vector<16xi32>
      %shift_right_arithmetic3A_1879 = arith.shrsi %get3A_1863, %shift_right_arithmetic3A_1878 : vector<16xi32>
      %and3A_1880 = arith.constant 3 : i32
      %and3A_1881 = vector.broadcast %and3A_1880 : i32 to vector<16xi32>
      %and3A_1882 = arith.andi %shift_right_arithmetic3A_1879, %and3A_1881 : vector<16xi32>
      %or3A_1883 = arith.ori %or3A_1876, %and3A_1882 : vector<16xi32>
      %swap3A_1884 = arith.constant 6 : i32
      %swap3A_1885 = arith.index_cast %scan3A_147 : i32 to index
      %swap3A_1886 = arith.index_cast %swap3A_1884 : i32 to index
      %swap3A_1887 = arith.constant 64 : index
      %swap3A_1888 = tpu.vector_load %arg5[%swap3A_1885, %swap3A_1886, %swap3A_1887] {strides = array<i32>} : memref<25x8x128xi32, #tpu.memory_space<vmem>>, vector<1x1x16xi32>,
      %swap3A_1889 = vector.shape_cast %swap3A_1888 : vector<1x1x16xi32> to vector<16xi32>
      %swap3A_1890 = vector.shape_cast %or3A_1883 : vector<16xi32> to vector<1x1x16xi32>
      tpu.vector_store %arg5[%swap3A_1885, %swap3A_1886, %swap3A_1887], %swap3A_1890 {strides = array<i32>} : memref<25x8x128xi32, #tpu.memory_space<vmem>>, vector<1x1x16xi32>,
      %get3A_1891 = arith.constant 6 : i32
      %get3A_1892 = arith.index_cast %scan3A_147 : i32 to index
      %get3A_1893 = arith.index_cast %get3A_1891 : i32 to index
      %get3A_1894 = arith.constant 80 : index
      %get3A_1895 = tpu.vector_load %arg5[%get3A_1892, %get3A_1893, %get3A_1894] {strides = array<i32>} : memref<25x8x128xi32, #tpu.memory_space<vmem>>, vector<1x1x16xi32>,
      %get3A_1896 = vector.shape_cast %get3A_1895 : vector<1x1x16xi32> to vector<16xi32>
      %shift_right_arithmetic3A_1897 = arith.constant 15 : i32
      %shift_right_arithmetic3A_1898 = vector.broadcast %shift_right_arithmetic3A_1897 : i32 to vector<16xi32>
      %shift_right_arithmetic3A_1899 = arith.shrsi %get3A_1896, %shift_right_arithmetic3A_1898 : vector<16xi32>
      %shift_left3A_1900 = arith.constant 15 : i32
      %shift_left3A_1901 = vector.broadcast %shift_left3A_1900 : i32 to vector<16xi32>
      %shift_left3A_1902 = arith.shli %shift_right_arithmetic3A_1899, %shift_left3A_1901 : vector<16xi32>
      %and3A_1903 = arith.constant 8191 : i32
      %and3A_1904 = vector.broadcast %and3A_1903 : i32 to vector<16xi32>
      %and3A_1905 = arith.andi %get3A_1896, %and3A_1904 : vector<16xi32>
      %shift_left3A_1906 = arith.constant 2 : i32
      %shift_left3A_1907 = vector.broadcast %shift_left3A_1906 : i32 to vector<16xi32>
      %shift_left3A_1908 = arith.shli %and3A_1905, %shift_left3A_1907 : vector<16xi32>
      %or3A_1909 = arith.ori %shift_left3A_1902, %shift_left3A_1908 : vector<16xi32>
      %shift_right_arithmetic3A_1910 = arith.constant 13 : i32
      %shift_right_arithmetic3A_1911 = vector.broadcast %shift_right_arithmetic3A_1910 : i32 to vector<16xi32>
      %shift_right_arithmetic3A_1912 = arith.shrsi %get3A_1896, %shift_right_arithmetic3A_1911 : vector<16xi32>
      %and3A_1913 = arith.constant 3 : i32
      %and3A_1914 = vector.broadcast %and3A_1913 : i32 to vector<16xi32>
      %and3A_1915 = arith.andi %shift_right_arithmetic3A_1912, %and3A_1914 : vector<16xi32>
      %or3A_1916 = arith.ori %or3A_1909, %and3A_1915 : vector<16xi32>
      %swap3A_1917 = arith.constant 6 : i32
      %swap3A_1918 = arith.index_cast %scan3A_147 : i32 to index
      %swap3A_1919 = arith.index_cast %swap3A_1917 : i32 to index
      %swap3A_1920 = arith.constant 80 : index
      %swap3A_1921 = tpu.vector_load %arg5[%swap3A_1918, %swap3A_1919, %swap3A_1920] {strides = array<i32>} : memref<25x8x128xi32, #tpu.memory_space<vmem>>, vector<1x1x16xi32>,
      %swap3A_1922 = vector.shape_cast %swap3A_1921 : vector<1x1x16xi32> to vector<16xi32>
      %swap3A_1923 = vector.shape_cast %or3A_1916 : vector<16xi32> to vector<1x1x16xi32>
      tpu.vector_store %arg5[%swap3A_1918, %swap3A_1919, %swap3A_1920], %swap3A_1923 {strides = array<i32>} : memref<25x8x128xi32, #tpu.memory_space<vmem>>, vector<1x1x16xi32>,
      %get3A_1924 = arith.constant 6 : i32
      %get3A_1925 = arith.index_cast %scan3A_147 : i32 to index
      %get3A_1926 = arith.index_cast %get3A_1924 : i32 to index
      %get3A_1927 = arith.constant 96 : index
      %get3A_1928 = tpu.vector_load %arg5[%get3A_1925, %get3A_1926, %get3A_1927] {strides = array<i32>} : memref<25x8x128xi32, #tpu.memory_space<vmem>>, vector<1x1x16xi32>,
      %get3A_1929 = vector.shape_cast %get3A_1928 : vector<1x1x16xi32> to vector<16xi32>
      %shift_right_arithmetic3A_1930 = arith.constant 15 : i32
      %shift_right_arithmetic3A_1931 = vector.broadcast %shift_right_arithmetic3A_1930 : i32 to vector<16xi32>
      %shift_right_arithmetic3A_1932 = arith.shrsi %get3A_1929, %shift_right_arithmetic3A_1931 : vector<16xi32>
      %shift_left3A_1933 = arith.constant 15 : i32
      %shift_left3A_1934 = vector.broadcast %shift_left3A_1933 : i32 to vector<16xi32>
      %shift_left3A_1935 = arith.shli %shift_right_arithmetic3A_1932, %shift_left3A_1934 : vector<16xi32>
      %and3A_1936 = arith.constant 8191 : i32
      %and3A_1937 = vector.broadcast %and3A_1936 : i32 to vector<16xi32>
      %and3A_1938 = arith.andi %get3A_1929, %and3A_1937 : vector<16xi32>
      %shift_left3A_1939 = arith.constant 2 : i32
      %shift_left3A_1940 = vector.broadcast %shift_left3A_1939 : i32 to vector<16xi32>
      %shift_left3A_1941 = arith.shli %and3A_1938, %shift_left3A_1940 : vector<16xi32>
      %or3A_1942 = arith.ori %shift_left3A_1935, %shift_left3A_1941 : vector<16xi32>
      %shift_right_arithmetic3A_1943 = arith.constant 13 : i32
      %shift_right_arithmetic3A_1944 = vector.broadcast %shift_right_arithmetic3A_1943 : i32 to vector<16xi32>
      %shift_right_arithmetic3A_1945 = arith.shrsi %get3A_1929, %shift_right_arithmetic3A_1944 : vector<16xi32>
      %and3A_1946 = arith.constant 3 : i32
      %and3A_1947 = vector.broadcast %and3A_1946 : i32 to vector<16xi32>
      %and3A_1948 = arith.andi %shift_right_arithmetic3A_1945, %and3A_1947 : vector<16xi32>
      %or3A_1949 = arith.ori %or3A_1942, %and3A_1948 : vector<16xi32>
      %swap3A_1950 = arith.constant 6 : i32
      %swap3A_1951 = arith.index_cast %scan3A_147 : i32 to index
      %swap3A_1952 = arith.index_cast %swap3A_1950 : i32 to index
      %swap3A_1953 = arith.constant 96 : index
      %swap3A_1954 = tpu.vector_load %arg5[%swap3A_1951, %swap3A_1952, %swap3A_1953] {strides = array<i32>} : memref<25x8x128xi32, #tpu.memory_space<vmem>>, vector<1x1x16xi32>,
      %swap3A_1955 = vector.shape_cast %swap3A_1954 : vector<1x1x16xi32> to vector<16xi32>
      %swap3A_1956 = vector.shape_cast %or3A_1949 : vector<16xi32> to vector<1x1x16xi32>
      tpu.vector_store %arg5[%swap3A_1951, %swap3A_1952, %swap3A_1953], %swap3A_1956 {strides = array<i32>} : memref<25x8x128xi32, #tpu.memory_space<vmem>>, vector<1x1x16xi32>,
      %get3A_1957 = arith.constant 6 : i32
      %get3A_1958 = arith.index_cast %scan3A_147 : i32 to index
      %get3A_1959 = arith.index_cast %get3A_1957 : i32 to index
      %get3A_1960 = arith.constant 112 : index
      %get3A_1961 = tpu.vector_load %arg5[%get3A_1958, %get3A_1959, %get3A_1960] {strides = array<i32>} : memref<25x8x128xi32, #tpu.memory_space<vmem>>, vector<1x1x16xi32>,
      %get3A_1962 = vector.shape_cast %get3A_1961 : vector<1x1x16xi32> to vector<16xi32>
      %shift_right_arithmetic3A_1963 = arith.constant 15 : i32
      %shift_right_arithmetic3A_1964 = vector.broadcast %shift_right_arithmetic3A_1963 : i32 to vector<16xi32>
      %shift_right_arithmetic3A_1965 = arith.shrsi %get3A_1962, %shift_right_arithmetic3A_1964 : vector<16xi32>
      %shift_left3A_1966 = arith.constant 15 : i32
      %shift_left3A_1967 = vector.broadcast %shift_left3A_1966 : i32 to vector<16xi32>
      %shift_left3A_1968 = arith.shli %shift_right_arithmetic3A_1965, %shift_left3A_1967 : vector<16xi32>
      %and3A_1969 = arith.constant 8191 : i32
      %and3A_1970 = vector.broadcast %and3A_1969 : i32 to vector<16xi32>
      %and3A_1971 = arith.andi %get3A_1962, %and3A_1970 : vector<16xi32>
      %shift_left3A_1972 = arith.constant 2 : i32
      %shift_left3A_1973 = vector.broadcast %shift_left3A_1972 : i32 to vector<16xi32>
      %shift_left3A_1974 = arith.shli %and3A_1971, %shift_left3A_1973 : vector<16xi32>
      %or3A_1975 = arith.ori %shift_left3A_1968, %shift_left3A_1974 : vector<16xi32>
      %shift_right_arithmetic3A_1976 = arith.constant 13 : i32
      %shift_right_arithmetic3A_1977 = vector.broadcast %shift_right_arithmetic3A_1976 : i32 to vector<16xi32>
      %shift_right_arithmetic3A_1978 = arith.shrsi %get3A_1962, %shift_right_arithmetic3A_1977 : vector<16xi32>
      %and3A_1979 = arith.constant 3 : i32
      %and3A_1980 = vector.broadcast %and3A_1979 : i32 to vector<16xi32>
      %and3A_1981 = arith.andi %shift_right_arithmetic3A_1978, %and3A_1980 : vector<16xi32>
      %or3A_1982 = arith.ori %or3A_1975, %and3A_1981 : vector<16xi32>
      %swap3A_1983 = arith.constant 6 : i32
      %swap3A_1984 = arith.index_cast %scan3A_147 : i32 to index
      %swap3A_1985 = arith.index_cast %swap3A_1983 : i32 to index
      %swap3A_1986 = arith.constant 112 : index
      %swap3A_1987 = tpu.vector_load %arg5[%swap3A_1984, %swap3A_1985, %swap3A_1986] {strides = array<i32>} : memref<25x8x128xi32, #tpu.memory_space<vmem>>, vector<1x1x16xi32>,
      %swap3A_1988 = vector.shape_cast %swap3A_1987 : vector<1x1x16xi32> to vector<16xi32>
      %swap3A_1989 = vector.shape_cast %or3A_1982 : vector<16xi32> to vector<1x1x16xi32>
      tpu.vector_store %arg5[%swap3A_1984, %swap3A_1985, %swap3A_1986], %swap3A_1989 {strides = array<i32>} : memref<25x8x128xi32, #tpu.memory_space<vmem>>, vector<1x1x16xi32>,
      %get3A_1990 = arith.constant 7 : i32
      %get3A_1991 = arith.index_cast %scan3A_147 : i32 to index
      %get3A_1992 = arith.index_cast %get3A_1990 : i32 to index
      %get3A_1993 = arith.constant 0 : index
      %get3A_1994 = tpu.vector_load %arg5[%get3A_1991, %get3A_1992, %get3A_1993] {strides = array<i32>} : memref<25x8x128xi32, #tpu.memory_space<vmem>>, vector<1x1x16xi32>,
      %get3A_1995 = vector.shape_cast %get3A_1994 : vector<1x1x16xi32> to vector<16xi32>
      %shift_right_arithmetic3A_1996 = arith.constant 15 : i32
      %shift_right_arithmetic3A_1997 = vector.broadcast %shift_right_arithmetic3A_1996 : i32 to vector<16xi32>
      %shift_right_arithmetic3A_1998 = arith.shrsi %get3A_1995, %shift_right_arithmetic3A_1997 : vector<16xi32>
      %shift_left3A_1999 = arith.constant 15 : i32
      %shift_left3A_2000 = vector.broadcast %shift_left3A_1999 : i32 to vector<16xi32>
      %shift_left3A_2001 = arith.shli %shift_right_arithmetic3A_1998, %shift_left3A_2000 : vector<16xi32>
      %and3A_2002 = arith.constant 8191 : i32
      %and3A_2003 = vector.broadcast %and3A_2002 : i32 to vector<16xi32>
      %and3A_2004 = arith.andi %get3A_1995, %and3A_2003 : vector<16xi32>
      %shift_left3A_2005 = arith.constant 2 : i32
      %shift_left3A_2006 = vector.broadcast %shift_left3A_2005 : i32 to vector<16xi32>
      %shift_left3A_2007 = arith.shli %and3A_2004, %shift_left3A_2006 : vector<16xi32>
      %or3A_2008 = arith.ori %shift_left3A_2001, %shift_left3A_2007 : vector<16xi32>
      %shift_right_arithmetic3A_2009 = arith.constant 13 : i32
      %shift_right_arithmetic3A_2010 = vector.broadcast %shift_right_arithmetic3A_2009 : i32 to vector<16xi32>
      %shift_right_arithmetic3A_2011 = arith.shrsi %get3A_1995, %shift_right_arithmetic3A_2010 : vector<16xi32>
      %and3A_2012 = arith.constant 3 : i32
      %and3A_2013 = vector.broadcast %and3A_2012 : i32 to vector<16xi32>
      %and3A_2014 = arith.andi %shift_right_arithmetic3A_2011, %and3A_2013 : vector<16xi32>
      %or3A_2015 = arith.ori %or3A_2008, %and3A_2014 : vector<16xi32>
      %swap3A_2016 = arith.constant 7 : i32
      %swap3A_2017 = arith.index_cast %scan3A_147 : i32 to index
      %swap3A_2018 = arith.index_cast %swap3A_2016 : i32 to index
      %swap3A_2019 = arith.constant 0 : index
      %swap3A_2020 = tpu.vector_load %arg5[%swap3A_2017, %swap3A_2018, %swap3A_2019] {strides = array<i32>} : memref<25x8x128xi32, #tpu.memory_space<vmem>>, vector<1x1x16xi32>,
      %swap3A_2021 = vector.shape_cast %swap3A_2020 : vector<1x1x16xi32> to vector<16xi32>
      %swap3A_2022 = vector.shape_cast %or3A_2015 : vector<16xi32> to vector<1x1x16xi32>
      tpu.vector_store %arg5[%swap3A_2017, %swap3A_2018, %swap3A_2019], %swap3A_2022 {strides = array<i32>} : memref<25x8x128xi32, #tpu.memory_space<vmem>>, vector<1x1x16xi32>,
      %get3A_2023 = arith.constant 7 : i32
      %get3A_2024 = arith.index_cast %scan3A_147 : i32 to index
      %get3A_2025 = arith.index_cast %get3A_2023 : i32 to index
      %get3A_2026 = arith.constant 16 : index
      %get3A_2027 = tpu.vector_load %arg5[%get3A_2024, %get3A_2025, %get3A_2026] {strides = array<i32>} : memref<25x8x128xi32, #tpu.memory_space<vmem>>, vector<1x1x16xi32>,
      %get3A_2028 = vector.shape_cast %get3A_2027 : vector<1x1x16xi32> to vector<16xi32>
      %shift_right_arithmetic3A_2029 = arith.constant 15 : i32
      %shift_right_arithmetic3A_2030 = vector.broadcast %shift_right_arithmetic3A_2029 : i32 to vector<16xi32>
      %shift_right_arithmetic3A_2031 = arith.shrsi %get3A_2028, %shift_right_arithmetic3A_2030 : vector<16xi32>
      %shift_left3A_2032 = arith.constant 15 : i32
      %shift_left3A_2033 = vector.broadcast %shift_left3A_2032 : i32 to vector<16xi32>
      %shift_left3A_2034 = arith.shli %shift_right_arithmetic3A_2031, %shift_left3A_2033 : vector<16xi32>
      %and3A_2035 = arith.constant 8191 : i32
      %and3A_2036 = vector.broadcast %and3A_2035 : i32 to vector<16xi32>
      %and3A_2037 = arith.andi %get3A_2028, %and3A_2036 : vector<16xi32>
      %shift_left3A_2038 = arith.constant 2 : i32
      %shift_left3A_2039 = vector.broadcast %shift_left3A_2038 : i32 to vector<16xi32>
      %shift_left3A_2040 = arith.shli %and3A_2037, %shift_left3A_2039 : vector<16xi32>
      %or3A_2041 = arith.ori %shift_left3A_2034, %shift_left3A_2040 : vector<16xi32>
      %shift_right_arithmetic3A_2042 = arith.constant 13 : i32
      %shift_right_arithmetic3A_2043 = vector.broadcast %shift_right_arithmetic3A_2042 : i32 to vector<16xi32>
      %shift_right_arithmetic3A_2044 = arith.shrsi %get3A_2028, %shift_right_arithmetic3A_2043 : vector<16xi32>
      %and3A_2045 = arith.constant 3 : i32
      %and3A_2046 = vector.broadcast %and3A_2045 : i32 to vector<16xi32>
      %and3A_2047 = arith.andi %shift_right_arithmetic3A_2044, %and3A_2046 : vector<16xi32>
      %or3A_2048 = arith.ori %or3A_2041, %and3A_2047 : vector<16xi32>
      %swap3A_2049 = arith.constant 7 : i32
      %swap3A_2050 = arith.index_cast %scan3A_147 : i32 to index
      %swap3A_2051 = arith.index_cast %swap3A_2049 : i32 to index
      %swap3A_2052 = arith.constant 16 : index
      %swap3A_2053 = tpu.vector_load %arg5[%swap3A_2050, %swap3A_2051, %swap3A_2052] {strides = array<i32>} : memref<25x8x128xi32, #tpu.memory_space<vmem>>, vector<1x1x16xi32>,
      %swap3A_2054 = vector.shape_cast %swap3A_2053 : vector<1x1x16xi32> to vector<16xi32>
      %swap3A_2055 = vector.shape_cast %or3A_2048 : vector<16xi32> to vector<1x1x16xi32>
      tpu.vector_store %arg5[%swap3A_2050, %swap3A_2051, %swap3A_2052], %swap3A_2055 {strides = array<i32>} : memref<25x8x128xi32, #tpu.memory_space<vmem>>, vector<1x1x16xi32>,
      %get3A_2056 = arith.constant 7 : i32
      %get3A_2057 = arith.index_cast %scan3A_147 : i32 to index
      %get3A_2058 = arith.index_cast %get3A_2056 : i32 to index
      %get3A_2059 = arith.constant 32 : index
      %get3A_2060 = tpu.vector_load %arg5[%get3A_2057, %get3A_2058, %get3A_2059] {strides = array<i32>} : memref<25x8x128xi32, #tpu.memory_space<vmem>>, vector<1x1x16xi32>,
      %get3A_2061 = vector.shape_cast %get3A_2060 : vector<1x1x16xi32> to vector<16xi32>
      %shift_right_arithmetic3A_2062 = arith.constant 15 : i32
      %shift_right_arithmetic3A_2063 = vector.broadcast %shift_right_arithmetic3A_2062 : i32 to vector<16xi32>
      %shift_right_arithmetic3A_2064 = arith.shrsi %get3A_2061, %shift_right_arithmetic3A_2063 : vector<16xi32>
      %shift_left3A_2065 = arith.constant 15 : i32
      %shift_left3A_2066 = vector.broadcast %shift_left3A_2065 : i32 to vector<16xi32>
      %shift_left3A_2067 = arith.shli %shift_right_arithmetic3A_2064, %shift_left3A_2066 : vector<16xi32>
      %and3A_2068 = arith.constant 8191 : i32
      %and3A_2069 = vector.broadcast %and3A_2068 : i32 to vector<16xi32>
      %and3A_2070 = arith.andi %get3A_2061, %and3A_2069 : vector<16xi32>
      %shift_left3A_2071 = arith.constant 2 : i32
      %shift_left3A_2072 = vector.broadcast %shift_left3A_2071 : i32 to vector<16xi32>
      %shift_left3A_2073 = arith.shli %and3A_2070, %shift_left3A_2072 : vector<16xi32>
      %or3A_2074 = arith.ori %shift_left3A_2067, %shift_left3A_2073 : vector<16xi32>
      %shift_right_arithmetic3A_2075 = arith.constant 13 : i32
      %shift_right_arithmetic3A_2076 = vector.broadcast %shift_right_arithmetic3A_2075 : i32 to vector<16xi32>
      %shift_right_arithmetic3A_2077 = arith.shrsi %get3A_2061, %shift_right_arithmetic3A_2076 : vector<16xi32>
      %and3A_2078 = arith.constant 3 : i32
      %and3A_2079 = vector.broadcast %and3A_2078 : i32 to vector<16xi32>
      %and3A_2080 = arith.andi %shift_right_arithmetic3A_2077, %and3A_2079 : vector<16xi32>
      %or3A_2081 = arith.ori %or3A_2074, %and3A_2080 : vector<16xi32>
      %swap3A_2082 = arith.constant 7 : i32
      %swap3A_2083 = arith.index_cast %scan3A_147 : i32 to index
      %swap3A_2084 = arith.index_cast %swap3A_2082 : i32 to index
      %swap3A_2085 = arith.constant 32 : index
      %swap3A_2086 = tpu.vector_load %arg5[%swap3A_2083, %swap3A_2084, %swap3A_2085] {strides = array<i32>} : memref<25x8x128xi32, #tpu.memory_space<vmem>>, vector<1x1x16xi32>,
      %swap3A_2087 = vector.shape_cast %swap3A_2086 : vector<1x1x16xi32> to vector<16xi32>
      %swap3A_2088 = vector.shape_cast %or3A_2081 : vector<16xi32> to vector<1x1x16xi32>
      tpu.vector_store %arg5[%swap3A_2083, %swap3A_2084, %swap3A_2085], %swap3A_2088 {strides = array<i32>} : memref<25x8x128xi32, #tpu.memory_space<vmem>>, vector<1x1x16xi32>,
      %get3A_2089 = arith.constant 7 : i32
      %get3A_2090 = arith.index_cast %scan3A_147 : i32 to index
      %get3A_2091 = arith.index_cast %get3A_2089 : i32 to index
      %get3A_2092 = arith.constant 48 : index
      %get3A_2093 = tpu.vector_load %arg5[%get3A_2090, %get3A_2091, %get3A_2092] {strides = array<i32>} : memref<25x8x128xi32, #tpu.memory_space<vmem>>, vector<1x1x16xi32>,
      %get3A_2094 = vector.shape_cast %get3A_2093 : vector<1x1x16xi32> to vector<16xi32>
      %shift_right_arithmetic3A_2095 = arith.constant 15 : i32
      %shift_right_arithmetic3A_2096 = vector.broadcast %shift_right_arithmetic3A_2095 : i32 to vector<16xi32>
      %shift_right_arithmetic3A_2097 = arith.shrsi %get3A_2094, %shift_right_arithmetic3A_2096 : vector<16xi32>
      %shift_left3A_2098 = arith.constant 15 : i32
      %shift_left3A_2099 = vector.broadcast %shift_left3A_2098 : i32 to vector<16xi32>
      %shift_left3A_2100 = arith.shli %shift_right_arithmetic3A_2097, %shift_left3A_2099 : vector<16xi32>
      %and3A_2101 = arith.constant 8191 : i32
      %and3A_2102 = vector.broadcast %and3A_2101 : i32 to vector<16xi32>
      %and3A_2103 = arith.andi %get3A_2094, %and3A_2102 : vector<16xi32>
      %shift_left3A_2104 = arith.constant 2 : i32
      %shift_left3A_2105 = vector.broadcast %shift_left3A_2104 : i32 to vector<16xi32>
      %shift_left3A_2106 = arith.shli %and3A_2103, %shift_left3A_2105 : vector<16xi32>
      %or3A_2107 = arith.ori %shift_left3A_2100, %shift_left3A_2106 : vector<16xi32>
      %shift_right_arithmetic3A_2108 = arith.constant 13 : i32
      %shift_right_arithmetic3A_2109 = vector.broadcast %shift_right_arithmetic3A_2108 : i32 to vector<16xi32>
      %shift_right_arithmetic3A_2110 = arith.shrsi %get3A_2094, %shift_right_arithmetic3A_2109 : vector<16xi32>
      %and3A_2111 = arith.constant 3 : i32
      %and3A_2112 = vector.broadcast %and3A_2111 : i32 to vector<16xi32>
      %and3A_2113 = arith.andi %shift_right_arithmetic3A_2110, %and3A_2112 : vector<16xi32>
      %or3A_2114 = arith.ori %or3A_2107, %and3A_2113 : vector<16xi32>
      %swap3A_2115 = arith.constant 7 : i32
      %swap3A_2116 = arith.index_cast %scan3A_147 : i32 to index
      %swap3A_2117 = arith.index_cast %swap3A_2115 : i32 to index
      %swap3A_2118 = arith.constant 48 : index
      %swap3A_2119 = tpu.vector_load %arg5[%swap3A_2116, %swap3A_2117, %swap3A_2118] {strides = array<i32>} : memref<25x8x128xi32, #tpu.memory_space<vmem>>, vector<1x1x16xi32>,
      %swap3A_2120 = vector.shape_cast %swap3A_2119 : vector<1x1x16xi32> to vector<16xi32>
      %swap3A_2121 = vector.shape_cast %or3A_2114 : vector<16xi32> to vector<1x1x16xi32>
      tpu.vector_store %arg5[%swap3A_2116, %swap3A_2117, %swap3A_2118], %swap3A_2121 {strides = array<i32>} : memref<25x8x128xi32, #tpu.memory_space<vmem>>, vector<1x1x16xi32>,
      %get3A_2122 = arith.constant 7 : i32
      %get3A_2123 = arith.index_cast %scan3A_147 : i32 to index
      %get3A_2124 = arith.index_cast %get3A_2122 : i32 to index
      %get3A_2125 = arith.constant 64 : index
      %get3A_2126 = tpu.vector_load %arg5[%get3A_2123, %get3A_2124, %get3A_2125] {strides = array<i32>} : memref<25x8x128xi32, #tpu.memory_space<vmem>>, vector<1x1x16xi32>,
      %get3A_2127 = vector.shape_cast %get3A_2126 : vector<1x1x16xi32> to vector<16xi32>
      %shift_right_arithmetic3A_2128 = arith.constant 15 : i32
      %shift_right_arithmetic3A_2129 = vector.broadcast %shift_right_arithmetic3A_2128 : i32 to vector<16xi32>
      %shift_right_arithmetic3A_2130 = arith.shrsi %get3A_2127, %shift_right_arithmetic3A_2129 : vector<16xi32>
      %shift_left3A_2131 = arith.constant 15 : i32
      %shift_left3A_2132 = vector.broadcast %shift_left3A_2131 : i32 to vector<16xi32>
      %shift_left3A_2133 = arith.shli %shift_right_arithmetic3A_2130, %shift_left3A_2132 : vector<16xi32>
      %and3A_2134 = arith.constant 8191 : i32
      %and3A_2135 = vector.broadcast %and3A_2134 : i32 to vector<16xi32>
      %and3A_2136 = arith.andi %get3A_2127, %and3A_2135 : vector<16xi32>
      %shift_left3A_2137 = arith.constant 2 : i32
      %shift_left3A_2138 = vector.broadcast %shift_left3A_2137 : i32 to vector<16xi32>
      %shift_left3A_2139 = arith.shli %and3A_2136, %shift_left3A_2138 : vector<16xi32>
      %or3A_2140 = arith.ori %shift_left3A_2133, %shift_left3A_2139 : vector<16xi32>
      %shift_right_arithmetic3A_2141 = arith.constant 13 : i32
      %shift_right_arithmetic3A_2142 = vector.broadcast %shift_right_arithmetic3A_2141 : i32 to vector<16xi32>
      %shift_right_arithmetic3A_2143 = arith.shrsi %get3A_2127, %shift_right_arithmetic3A_2142 : vector<16xi32>
      %and3A_2144 = arith.constant 3 : i32
      %and3A_2145 = vector.broadcast %and3A_2144 : i32 to vector<16xi32>
      %and3A_2146 = arith.andi %shift_right_arithmetic3A_2143, %and3A_2145 : vector<16xi32>
      %or3A_2147 = arith.ori %or3A_2140, %and3A_2146 : vector<16xi32>
      %swap3A_2148 = arith.constant 7 : i32
      %swap3A_2149 = arith.index_cast %scan3A_147 : i32 to index
      %swap3A_2150 = arith.index_cast %swap3A_2148 : i32 to index
      %swap3A_2151 = arith.constant 64 : index
      %swap3A_2152 = tpu.vector_load %arg5[%swap3A_2149, %swap3A_2150, %swap3A_2151] {strides = array<i32>} : memref<25x8x128xi32, #tpu.memory_space<vmem>>, vector<1x1x16xi32>,
      %swap3A_2153 = vector.shape_cast %swap3A_2152 : vector<1x1x16xi32> to vector<16xi32>
      %swap3A_2154 = vector.shape_cast %or3A_2147 : vector<16xi32> to vector<1x1x16xi32>
      tpu.vector_store %arg5[%swap3A_2149, %swap3A_2150, %swap3A_2151], %swap3A_2154 {strides = array<i32>} : memref<25x8x128xi32, #tpu.memory_space<vmem>>, vector<1x1x16xi32>,
      %get3A_2155 = arith.constant 7 : i32
      %get3A_2156 = arith.index_cast %scan3A_147 : i32 to index
      %get3A_2157 = arith.index_cast %get3A_2155 : i32 to index
      %get3A_2158 = arith.constant 80 : index
      %get3A_2159 = tpu.vector_load %arg5[%get3A_2156, %get3A_2157, %get3A_2158] {strides = array<i32>} : memref<25x8x128xi32, #tpu.memory_space<vmem>>, vector<1x1x16xi32>,
      %get3A_2160 = vector.shape_cast %get3A_2159 : vector<1x1x16xi32> to vector<16xi32>
      %shift_right_arithmetic3A_2161 = arith.constant 15 : i32
      %shift_right_arithmetic3A_2162 = vector.broadcast %shift_right_arithmetic3A_2161 : i32 to vector<16xi32>
      %shift_right_arithmetic3A_2163 = arith.shrsi %get3A_2160, %shift_right_arithmetic3A_2162 : vector<16xi32>
      %shift_left3A_2164 = arith.constant 15 : i32
      %shift_left3A_2165 = vector.broadcast %shift_left3A_2164 : i32 to vector<16xi32>
      %shift_left3A_2166 = arith.shli %shift_right_arithmetic3A_2163, %shift_left3A_2165 : vector<16xi32>
      %and3A_2167 = arith.constant 8191 : i32
      %and3A_2168 = vector.broadcast %and3A_2167 : i32 to vector<16xi32>
      %and3A_2169 = arith.andi %get3A_2160, %and3A_2168 : vector<16xi32>
      %shift_left3A_2170 = arith.constant 2 : i32
      %shift_left3A_2171 = vector.broadcast %shift_left3A_2170 : i32 to vector<16xi32>
      %shift_left3A_2172 = arith.shli %and3A_2169, %shift_left3A_2171 : vector<16xi32>
      %or3A_2173 = arith.ori %shift_left3A_2166, %shift_left3A_2172 : vector<16xi32>
      %shift_right_arithmetic3A_2174 = arith.constant 13 : i32
      %shift_right_arithmetic3A_2175 = vector.broadcast %shift_right_arithmetic3A_2174 : i32 to vector<16xi32>
      %shift_right_arithmetic3A_2176 = arith.shrsi %get3A_2160, %shift_right_arithmetic3A_2175 : vector<16xi32>
      %and3A_2177 = arith.constant 3 : i32
      %and3A_2178 = vector.broadcast %and3A_2177 : i32 to vector<16xi32>
      %and3A_2179 = arith.andi %shift_right_arithmetic3A_2176, %and3A_2178 : vector<16xi32>
      %or3A_2180 = arith.ori %or3A_2173, %and3A_2179 : vector<16xi32>
      %swap3A_2181 = arith.constant 7 : i32
      %swap3A_2182 = arith.index_cast %scan3A_147 : i32 to index
      %swap3A_2183 = arith.index_cast %swap3A_2181 : i32 to index
      %swap3A_2184 = arith.constant 80 : index
      %swap3A_2185 = tpu.vector_load %arg5[%swap3A_2182, %swap3A_2183, %swap3A_2184] {strides = array<i32>} : memref<25x8x128xi32, #tpu.memory_space<vmem>>, vector<1x1x16xi32>,
      %swap3A_2186 = vector.shape_cast %swap3A_2185 : vector<1x1x16xi32> to vector<16xi32>
      %swap3A_2187 = vector.shape_cast %or3A_2180 : vector<16xi32> to vector<1x1x16xi32>
      tpu.vector_store %arg5[%swap3A_2182, %swap3A_2183, %swap3A_2184], %swap3A_2187 {strides = array<i32>} : memref<25x8x128xi32, #tpu.memory_space<vmem>>, vector<1x1x16xi32>,
      %get3A_2188 = arith.constant 7 : i32
      %get3A_2189 = arith.index_cast %scan3A_147 : i32 to index
      %get3A_2190 = arith.index_cast %get3A_2188 : i32 to index
      %get3A_2191 = arith.constant 96 : index
      %get3A_2192 = tpu.vector_load %arg5[%get3A_2189, %get3A_2190, %get3A_2191] {strides = array<i32>} : memref<25x8x128xi32, #tpu.memory_space<vmem>>, vector<1x1x16xi32>,
      %get3A_2193 = vector.shape_cast %get3A_2192 : vector<1x1x16xi32> to vector<16xi32>
      %shift_right_arithmetic3A_2194 = arith.constant 15 : i32
      %shift_right_arithmetic3A_2195 = vector.broadcast %shift_right_arithmetic3A_2194 : i32 to vector<16xi32>
      %shift_right_arithmetic3A_2196 = arith.shrsi %get3A_2193, %shift_right_arithmetic3A_2195 : vector<16xi32>
      %shift_left3A_2197 = arith.constant 15 : i32
      %shift_left3A_2198 = vector.broadcast %shift_left3A_2197 : i32 to vector<16xi32>
      %shift_left3A_2199 = arith.shli %shift_right_arithmetic3A_2196, %shift_left3A_2198 : vector<16xi32>
      %and3A_2200 = arith.constant 8191 : i32
      %and3A_2201 = vector.broadcast %and3A_2200 : i32 to vector<16xi32>
      %and3A_2202 = arith.andi %get3A_2193, %and3A_2201 : vector<16xi32>
      %shift_left3A_2203 = arith.constant 2 : i32
      %shift_left3A_2204 = vector.broadcast %shift_left3A_2203 : i32 to vector<16xi32>
      %shift_left3A_2205 = arith.shli %and3A_2202, %shift_left3A_2204 : vector<16xi32>
      %or3A_2206 = arith.ori %shift_left3A_2199, %shift_left3A_2205 : vector<16xi32>
      %shift_right_arithmetic3A_2207 = arith.constant 13 : i32
      %shift_right_arithmetic3A_2208 = vector.broadcast %shift_right_arithmetic3A_2207 : i32 to vector<16xi32>
      %shift_right_arithmetic3A_2209 = arith.shrsi %get3A_2193, %shift_right_arithmetic3A_2208 : vector<16xi32>
      %and3A_2210 = arith.constant 3 : i32
      %and3A_2211 = vector.broadcast %and3A_2210 : i32 to vector<16xi32>
      %and3A_2212 = arith.andi %shift_right_arithmetic3A_2209, %and3A_2211 : vector<16xi32>
      %or3A_2213 = arith.ori %or3A_2206, %and3A_2212 : vector<16xi32>
      %swap3A_2214 = arith.constant 7 : i32
      %swap3A_2215 = arith.index_cast %scan3A_147 : i32 to index
      %swap3A_2216 = arith.index_cast %swap3A_2214 : i32 to index
      %swap3A_2217 = arith.constant 96 : index
      %swap3A_2218 = tpu.vector_load %arg5[%swap3A_2215, %swap3A_2216, %swap3A_2217] {strides = array<i32>} : memref<25x8x128xi32, #tpu.memory_space<vmem>>, vector<1x1x16xi32>,
      %swap3A_2219 = vector.shape_cast %swap3A_2218 : vector<1x1x16xi32> to vector<16xi32>
      %swap3A_2220 = vector.shape_cast %or3A_2213 : vector<16xi32> to vector<1x1x16xi32>
      tpu.vector_store %arg5[%swap3A_2215, %swap3A_2216, %swap3A_2217], %swap3A_2220 {strides = array<i32>} : memref<25x8x128xi32, #tpu.memory_space<vmem>>, vector<1x1x16xi32>,
      %get3A_2221 = arith.constant 7 : i32
      %get3A_2222 = arith.index_cast %scan3A_147 : i32 to index
      %get3A_2223 = arith.index_cast %get3A_2221 : i32 to index
      %get3A_2224 = arith.constant 112 : index
      %get3A_2225 = tpu.vector_load %arg5[%get3A_2222, %get3A_2223, %get3A_2224] {strides = array<i32>} : memref<25x8x128xi32, #tpu.memory_space<vmem>>, vector<1x1x16xi32>,
      %get3A_2226 = vector.shape_cast %get3A_2225 : vector<1x1x16xi32> to vector<16xi32>
      %shift_right_arithmetic3A_2227 = arith.constant 15 : i32
      %shift_right_arithmetic3A_2228 = vector.broadcast %shift_right_arithmetic3A_2227 : i32 to vector<16xi32>
      %shift_right_arithmetic3A_2229 = arith.shrsi %get3A_2226, %shift_right_arithmetic3A_2228 : vector<16xi32>
      %shift_left3A_2230 = arith.constant 15 : i32
      %shift_left3A_2231 = vector.broadcast %shift_left3A_2230 : i32 to vector<16xi32>
      %shift_left3A_2232 = arith.shli %shift_right_arithmetic3A_2229, %shift_left3A_2231 : vector<16xi32>
      %and3A_2233 = arith.constant 8191 : i32
      %and3A_2234 = vector.broadcast %and3A_2233 : i32 to vector<16xi32>
      %and3A_2235 = arith.andi %get3A_2226, %and3A_2234 : vector<16xi32>
      %shift_left3A_2236 = arith.constant 2 : i32
      %shift_left3A_2237 = vector.broadcast %shift_left3A_2236 : i32 to vector<16xi32>
      %shift_left3A_2238 = arith.shli %and3A_2235, %shift_left3A_2237 : vector<16xi32>
      %or3A_2239 = arith.ori %shift_left3A_2232, %shift_left3A_2238 : vector<16xi32>
      %shift_right_arithmetic3A_2240 = arith.constant 13 : i32
      %shift_right_arithmetic3A_2241 = vector.broadcast %shift_right_arithmetic3A_2240 : i32 to vector<16xi32>
      %shift_right_arithmetic3A_2242 = arith.shrsi %get3A_2226, %shift_right_arithmetic3A_2241 : vector<16xi32>
      %and3A_2243 = arith.constant 3 : i32
      %and3A_2244 = vector.broadcast %and3A_2243 : i32 to vector<16xi32>
      %and3A_2245 = arith.andi %shift_right_arithmetic3A_2242, %and3A_2244 : vector<16xi32>
      %or3A_2246 = arith.ori %or3A_2239, %and3A_2245 : vector<16xi32>
      %swap3A_2247 = arith.constant 7 : i32
      %swap3A_2248 = arith.index_cast %scan3A_147 : i32 to index
      %swap3A_2249 = arith.index_cast %swap3A_2247 : i32 to index
      %swap3A_2250 = arith.constant 112 : index
      %swap3A_2251 = tpu.vector_load %arg5[%swap3A_2248, %swap3A_2249, %swap3A_2250] {strides = array<i32>} : memref<25x8x128xi32, #tpu.memory_space<vmem>>, vector<1x1x16xi32>,
      %swap3A_2252 = vector.shape_cast %swap3A_2251 : vector<1x1x16xi32> to vector<16xi32>
      %swap3A_2253 = vector.shape_cast %or3A_2246 : vector<16xi32> to vector<1x1x16xi32>
      tpu.vector_store %arg5[%swap3A_2248, %swap3A_2249, %swap3A_2250], %swap3A_2253 {strides = array<i32>} : memref<25x8x128xi32, #tpu.memory_space<vmem>>, vector<1x1x16xi32>,
    }
    %scan3A_5 = arith.constant 25 : i32
    %dma_start3A = arith.constant 0 : i32
    %dma_start3A_6 = arith.constant 0 : i32
    %dma_start3A_7 = arith.constant 0 : i32
    %dma_start3A_8 = tpu.memref_slice %arg5[%dma_start3A, %dma_start3A_6, %dma_start3A_7] : memref<25x8x128xi32, #tpu.memory_space<vmem>> -> memref<1x1x128xi32, #tpu.memory_space<vmem>>
    %dma_start3A_9 = tpu.memref_squeeze %dma_start3A_8 : memref<1x1x128xi32, #tpu.memory_space<vmem>> -> memref<128xi32, #tpu.memory_space<vmem>>
    %dma_start3A_10 = arith.constant 0 : i32
    %dma_start3A_11 = arith.constant 0 : i32
    %dma_start3A_12 = tpu.memref_slice %arg3[%dma_start3A_10, %dma_start3A_11] : memref<1015808x32xf32, #tpu.memory_space<hbm>> -> memref<1015808x32xf32, #tpu.memory_space<hbm>>
    tpu.enqueue_indirect_dma source(%dma_start3A_12 : memref<1015808x32xf32, #tpu.memory_space<hbm>>) target(%arg6 : memref<128x32xf32, #tpu.memory_space<vmem>>) offsets(%dma_start3A_9 : memref<128xi32, #tpu.memory_space<vmem>>) semaphore(%arg14 : memref<!tpu.dma_semaphore, #tpu.memory_space<semaphore_mem>>)
    %dma_start3A_13 = arith.constant 0 : i32
    %dma_start3A_14 = arith.constant 1 : i32
    %dma_start3A_15 = arith.constant 0 : i32
    %dma_start3A_16 = tpu.memref_slice %arg5[%dma_start3A_13, %dma_start3A_14, %dma_start3A_15] : memref<25x8x128xi32, #tpu.memory_space<vmem>> -> memref<1x1x128xi32, #tpu.memory_space<vmem>>
    %dma_start3A_17 = tpu.memref_squeeze %dma_start3A_16 : memref<1x1x128xi32, #tpu.memory_space<vmem>> -> memref<128xi32, #tpu.memory_space<vmem>>
    %dma_start3A_18 = arith.constant 0 : i32
    %dma_start3A_19 = arith.constant 0 : i32
    %dma_start3A_20 = tpu.memref_slice %arg3[%dma_start3A_18, %dma_start3A_19] : memref<1015808x32xf32, #tpu.memory_space<hbm>> -> memref<1015808x32xf32, #tpu.memory_space<hbm>>
    tpu.enqueue_indirect_dma source(%dma_start3A_20 : memref<1015808x32xf32, #tpu.memory_space<hbm>>) target(%arg7 : memref<128x32xf32, #tpu.memory_space<vmem>>) offsets(%dma_start3A_17 : memref<128xi32, #tpu.memory_space<vmem>>) semaphore(%arg15 : memref<!tpu.dma_semaphore, #tpu.memory_space<semaphore_mem>>)
    %dma_start3A_21 = arith.constant 0 : i32
    %dma_start3A_22 = arith.constant 2 : i32
    %dma_start3A_23 = arith.constant 0 : i32
    %dma_start3A_24 = tpu.memref_slice %arg5[%dma_start3A_21, %dma_start3A_22, %dma_start3A_23] : memref<25x8x128xi32, #tpu.memory_space<vmem>> -> memref<1x1x128xi32, #tpu.memory_space<vmem>>
    %dma_start3A_25 = tpu.memref_squeeze %dma_start3A_24 : memref<1x1x128xi32, #tpu.memory_space<vmem>> -> memref<128xi32, #tpu.memory_space<vmem>>
    %dma_start3A_26 = arith.constant 0 : i32
    %dma_start3A_27 = arith.constant 0 : i32
    %dma_start3A_28 = tpu.memref_slice %arg3[%dma_start3A_26, %dma_start3A_27] : memref<1015808x32xf32, #tpu.memory_space<hbm>> -> memref<1015808x32xf32, #tpu.memory_space<hbm>>
    tpu.enqueue_indirect_dma source(%dma_start3A_28 : memref<1015808x32xf32, #tpu.memory_space<hbm>>) target(%arg8 : memref<128x32xf32, #tpu.memory_space<vmem>>) offsets(%dma_start3A_25 : memref<128xi32, #tpu.memory_space<vmem>>) semaphore(%arg16 : memref<!tpu.dma_semaphore, #tpu.memory_space<semaphore_mem>>)
    %dma_start3A_29 = arith.constant 0 : i32
    %dma_start3A_30 = arith.constant 3 : i32
    %dma_start3A_31 = arith.constant 0 : i32
    %dma_start3A_32 = tpu.memref_slice %arg5[%dma_start3A_29, %dma_start3A_30, %dma_start3A_31] : memref<25x8x128xi32, #tpu.memory_space<vmem>> -> memref<1x1x128xi32, #tpu.memory_space<vmem>>
    %dma_start3A_33 = tpu.memref_squeeze %dma_start3A_32 : memref<1x1x128xi32, #tpu.memory_space<vmem>> -> memref<128xi32, #tpu.memory_space<vmem>>
    %dma_start3A_34 = arith.constant 0 : i32
    %dma_start3A_35 = arith.constant 0 : i32
    %dma_start3A_36 = tpu.memref_slice %arg3[%dma_start3A_34, %dma_start3A_35] : memref<1015808x32xf32, #tpu.memory_space<hbm>> -> memref<1015808x32xf32, #tpu.memory_space<hbm>>
    tpu.enqueue_indirect_dma source(%dma_start3A_36 : memref<1015808x32xf32, #tpu.memory_space<hbm>>) target(%arg9 : memref<128x32xf32, #tpu.memory_space<vmem>>) offsets(%dma_start3A_33 : memref<128xi32, #tpu.memory_space<vmem>>) semaphore(%arg17 : memref<!tpu.dma_semaphore, #tpu.memory_space<semaphore_mem>>)
    %dma_start3A_37 = arith.constant 0 : i32
    %dma_start3A_38 = arith.constant 4 : i32
    %dma_start3A_39 = arith.constant 0 : i32
    %dma_start3A_40 = tpu.memref_slice %arg5[%dma_start3A_37, %dma_start3A_38, %dma_start3A_39] : memref<25x8x128xi32, #tpu.memory_space<vmem>> -> memref<1x1x128xi32, #tpu.memory_space<vmem>>
    %dma_start3A_41 = tpu.memref_squeeze %dma_start3A_40 : memref<1x1x128xi32, #tpu.memory_space<vmem>> -> memref<128xi32, #tpu.memory_space<vmem>>
    %dma_start3A_42 = arith.constant 0 : i32
    %dma_start3A_43 = arith.constant 0 : i32
    %dma_start3A_44 = tpu.memref_slice %arg3[%dma_start3A_42, %dma_start3A_43] : memref<1015808x32xf32, #tpu.memory_space<hbm>> -> memref<1015808x32xf32, #tpu.memory_space<hbm>>
    tpu.enqueue_indirect_dma source(%dma_start3A_44 : memref<1015808x32xf32, #tpu.memory_space<hbm>>) target(%arg10 : memref<128x32xf32, #tpu.memory_space<vmem>>) offsets(%dma_start3A_41 : memref<128xi32, #tpu.memory_space<vmem>>) semaphore(%arg18 : memref<!tpu.dma_semaphore, #tpu.memory_space<semaphore_mem>>)
    %dma_start3A_45 = arith.constant 0 : i32
    %dma_start3A_46 = arith.constant 5 : i32
    %dma_start3A_47 = arith.constant 0 : i32
    %dma_start3A_48 = tpu.memref_slice %arg5[%dma_start3A_45, %dma_start3A_46, %dma_start3A_47] : memref<25x8x128xi32, #tpu.memory_space<vmem>> -> memref<1x1x128xi32, #tpu.memory_space<vmem>>
    %dma_start3A_49 = tpu.memref_squeeze %dma_start3A_48 : memref<1x1x128xi32, #tpu.memory_space<vmem>> -> memref<128xi32, #tpu.memory_space<vmem>>
    %dma_start3A_50 = arith.constant 0 : i32
    %dma_start3A_51 = arith.constant 0 : i32
    %dma_start3A_52 = tpu.memref_slice %arg3[%dma_start3A_50, %dma_start3A_51] : memref<1015808x32xf32, #tpu.memory_space<hbm>> -> memref<1015808x32xf32, #tpu.memory_space<hbm>>
    tpu.enqueue_indirect_dma source(%dma_start3A_52 : memref<1015808x32xf32, #tpu.memory_space<hbm>>) target(%arg11 : memref<128x32xf32, #tpu.memory_space<vmem>>) offsets(%dma_start3A_49 : memref<128xi32, #tpu.memory_space<vmem>>) semaphore(%arg19 : memref<!tpu.dma_semaphore, #tpu.memory_space<semaphore_mem>>)
    %dma_start3A_53 = arith.constant 0 : i32
    %dma_start3A_54 = arith.constant 6 : i32
    %dma_start3A_55 = arith.constant 0 : i32
    %dma_start3A_56 = tpu.memref_slice %arg5[%dma_start3A_53, %dma_start3A_54, %dma_start3A_55] : memref<25x8x128xi32, #tpu.memory_space<vmem>> -> memref<1x1x128xi32, #tpu.memory_space<vmem>>
    %dma_start3A_57 = tpu.memref_squeeze %dma_start3A_56 : memref<1x1x128xi32, #tpu.memory_space<vmem>> -> memref<128xi32, #tpu.memory_space<vmem>>
    %dma_start3A_58 = arith.constant 0 : i32
    %dma_start3A_59 = arith.constant 0 : i32
    %dma_start3A_60 = tpu.memref_slice %arg3[%dma_start3A_58, %dma_start3A_59] : memref<1015808x32xf32, #tpu.memory_space<hbm>> -> memref<1015808x32xf32, #tpu.memory_space<hbm>>
    tpu.enqueue_indirect_dma source(%dma_start3A_60 : memref<1015808x32xf32, #tpu.memory_space<hbm>>) target(%arg12 : memref<128x32xf32, #tpu.memory_space<vmem>>) offsets(%dma_start3A_57 : memref<128xi32, #tpu.memory_space<vmem>>) semaphore(%arg20 : memref<!tpu.dma_semaphore, #tpu.memory_space<semaphore_mem>>)
    %dma_start3A_61 = arith.constant 0 : i32
    %dma_start3A_62 = arith.constant 7 : i32
    %dma_start3A_63 = arith.constant 0 : i32
    %dma_start3A_64 = tpu.memref_slice %arg5[%dma_start3A_61, %dma_start3A_62, %dma_start3A_63] : memref<25x8x128xi32, #tpu.memory_space<vmem>> -> memref<1x1x128xi32, #tpu.memory_space<vmem>>
    %dma_start3A_65 = tpu.memref_squeeze %dma_start3A_64 : memref<1x1x128xi32, #tpu.memory_space<vmem>> -> memref<128xi32, #tpu.memory_space<vmem>>
    %dma_start3A_66 = arith.constant 0 : i32
    %dma_start3A_67 = arith.constant 0 : i32
    %dma_start3A_68 = tpu.memref_slice %arg3[%dma_start3A_66, %dma_start3A_67] : memref<1015808x32xf32, #tpu.memory_space<hbm>> -> memref<1015808x32xf32, #tpu.memory_space<hbm>>
    tpu.enqueue_indirect_dma source(%dma_start3A_68 : memref<1015808x32xf32, #tpu.memory_space<hbm>>) target(%arg13 : memref<128x32xf32, #tpu.memory_space<vmem>>) offsets(%dma_start3A_65 : memref<128xi32, #tpu.memory_space<vmem>>) semaphore(%arg21 : memref<!tpu.dma_semaphore, #tpu.memory_space<semaphore_mem>>)
    %scan3A_69 = arith.constant 0 : i32
    %scan3A_70 = arith.constant 0 : i32
    %scan3A_71 = arith.constant 24 : i32
    %scan3A_72 = arith.addi %scan3A_70, %scan3A_71 : i32
    %scan3A_73 = arith.constant 1 : i32
    scf.for %scan3A_147 = %scan3A_70 to %scan3A_72 step %scan3A_73  : i32 {
      %dma_wait3A_148 = arith.constant 0 : i32
      %dma_wait3A_149 = arith.constant 0 : i32
      %dma_wait3A_150 = arith.constant 0 : i32
      %dma_wait3A_151 = tpu.memref_slice %arg5[%dma_wait3A_148, %dma_wait3A_149, %dma_wait3A_150] : memref<25x8x128xi32, #tpu.memory_space<vmem>> -> memref<1x1x128xi32, #tpu.memory_space<vmem>>
      %dma_wait3A_152 = tpu.memref_squeeze %dma_wait3A_151 : memref<1x1x128xi32, #tpu.memory_space<vmem>> -> memref<128xi32, #tpu.memory_space<vmem>>
      %dma_wait3A_153 = arith.constant 0 : i32
      %dma_wait3A_154 = arith.constant 0 : i32
      %dma_wait3A_155 = tpu.memref_slice %arg3[%dma_wait3A_153, %dma_wait3A_154] : memref<1015808x32xf32, #tpu.memory_space<hbm>> -> memref<1015808x32xf32, #tpu.memory_space<hbm>>
      tpu.wait_indirect_dma semaphore(%arg14 : memref<!tpu.dma_semaphore, #tpu.memory_space<semaphore_mem>>) src(%dma_wait3A_155 : memref<1015808x32xf32, #tpu.memory_space<hbm>>) dst(%arg6 : memref<128x32xf32, #tpu.memory_space<vmem>>)
      %add3A_156 = arith.constant 1 : i32
      %add3A_157 = arith.addi %scan3A_147, %add3A_156 : i32
      %dma_start3A_158 = arith.constant 0 : i32
      %dma_start3A_159 = arith.constant 0 : i32
      %dma_start3A_160 = tpu.memref_slice %arg5[%add3A_157, %dma_start3A_158, %dma_start3A_159] : memref<25x8x128xi32, #tpu.memory_space<vmem>> -> memref<1x1x128xi32, #tpu.memory_space<vmem>>
      %dma_start3A_161 = tpu.memref_squeeze %dma_start3A_160 : memref<1x1x128xi32, #tpu.memory_space<vmem>> -> memref<128xi32, #tpu.memory_space<vmem>>
      %dma_start3A_162 = arith.constant 0 : i32
      %dma_start3A_163 = arith.constant 0 : i32
      %dma_start3A_164 = tpu.memref_slice %arg3[%dma_start3A_162, %dma_start3A_163] : memref<1015808x32xf32, #tpu.memory_space<hbm>> -> memref<1015808x32xf32, #tpu.memory_space<hbm>>
      tpu.enqueue_indirect_dma source(%dma_start3A_164 : memref<1015808x32xf32, #tpu.memory_space<hbm>>) target(%arg6 : memref<128x32xf32, #tpu.memory_space<vmem>>) offsets(%dma_start3A_161 : memref<128xi32, #tpu.memory_space<vmem>>) semaphore(%arg14 : memref<!tpu.dma_semaphore, #tpu.memory_space<semaphore_mem>>) {add = true}
      %dma_wait3A_165 = arith.constant 0 : i32
      %dma_wait3A_166 = arith.constant 0 : i32
      %dma_wait3A_167 = arith.constant 0 : i32
      %dma_wait3A_168 = tpu.memref_slice %arg5[%dma_wait3A_165, %dma_wait3A_166, %dma_wait3A_167] : memref<25x8x128xi32, #tpu.memory_space<vmem>> -> memref<1x1x128xi32, #tpu.memory_space<vmem>>
      %dma_wait3A_169 = tpu.memref_squeeze %dma_wait3A_168 : memref<1x1x128xi32, #tpu.memory_space<vmem>> -> memref<128xi32, #tpu.memory_space<vmem>>
      %dma_wait3A_170 = arith.constant 0 : i32
      %dma_wait3A_171 = arith.constant 0 : i32
      %dma_wait3A_172 = tpu.memref_slice %arg3[%dma_wait3A_170, %dma_wait3A_171] : memref<1015808x32xf32, #tpu.memory_space<hbm>> -> memref<1015808x32xf32, #tpu.memory_space<hbm>>
      tpu.wait_indirect_dma semaphore(%arg15 : memref<!tpu.dma_semaphore, #tpu.memory_space<semaphore_mem>>) src(%dma_wait3A_172 : memref<1015808x32xf32, #tpu.memory_space<hbm>>) dst(%arg7 : memref<128x32xf32, #tpu.memory_space<vmem>>)
      %add3A_173 = arith.constant 1 : i32
      %add3A_174 = arith.addi %scan3A_147, %add3A_173 : i32
      %dma_start3A_175 = arith.constant 1 : i32
      %dma_start3A_176 = arith.constant 0 : i32
      %dma_start3A_177 = tpu.memref_slice %arg5[%add3A_174, %dma_start3A_175, %dma_start3A_176] : memref<25x8x128xi32, #tpu.memory_space<vmem>> -> memref<1x1x128xi32, #tpu.memory_space<vmem>>
      %dma_start3A_178 = tpu.memref_squeeze %dma_start3A_177 : memref<1x1x128xi32, #tpu.memory_space<vmem>> -> memref<128xi32, #tpu.memory_space<vmem>>
      %dma_start3A_179 = arith.constant 0 : i32
      %dma_start3A_180 = arith.constant 0 : i32
      %dma_start3A_181 = tpu.memref_slice %arg3[%dma_start3A_179, %dma_start3A_180] : memref<1015808x32xf32, #tpu.memory_space<hbm>> -> memref<1015808x32xf32, #tpu.memory_space<hbm>>
      tpu.enqueue_indirect_dma source(%dma_start3A_181 : memref<1015808x32xf32, #tpu.memory_space<hbm>>) target(%arg7 : memref<128x32xf32, #tpu.memory_space<vmem>>) offsets(%dma_start3A_178 : memref<128xi32, #tpu.memory_space<vmem>>) semaphore(%arg15 : memref<!tpu.dma_semaphore, #tpu.memory_space<semaphore_mem>>) {add = true}
      %dma_wait3A_182 = arith.constant 0 : i32
      %dma_wait3A_183 = arith.constant 0 : i32
      %dma_wait3A_184 = arith.constant 0 : i32
      %dma_wait3A_185 = tpu.memref_slice %arg5[%dma_wait3A_182, %dma_wait3A_183, %dma_wait3A_184] : memref<25x8x128xi32, #tpu.memory_space<vmem>> -> memref<1x1x128xi32, #tpu.memory_space<vmem>>
      %dma_wait3A_186 = tpu.memref_squeeze %dma_wait3A_185 : memref<1x1x128xi32, #tpu.memory_space<vmem>> -> memref<128xi32, #tpu.memory_space<vmem>>
      %dma_wait3A_187 = arith.constant 0 : i32
      %dma_wait3A_188 = arith.constant 0 : i32
      %dma_wait3A_189 = tpu.memref_slice %arg3[%dma_wait3A_187, %dma_wait3A_188] : memref<1015808x32xf32, #tpu.memory_space<hbm>> -> memref<1015808x32xf32, #tpu.memory_space<hbm>>
      tpu.wait_indirect_dma semaphore(%arg16 : memref<!tpu.dma_semaphore, #tpu.memory_space<semaphore_mem>>) src(%dma_wait3A_189 : memref<1015808x32xf32, #tpu.memory_space<hbm>>) dst(%arg8 : memref<128x32xf32, #tpu.memory_space<vmem>>)
      %add3A_190 = arith.constant 1 : i32
      %add3A_191 = arith.addi %scan3A_147, %add3A_190 : i32
      %dma_start3A_192 = arith.constant 2 : i32
      %dma_start3A_193 = arith.constant 0 : i32
      %dma_start3A_194 = tpu.memref_slice %arg5[%add3A_191, %dma_start3A_192, %dma_start3A_193] : memref<25x8x128xi32, #tpu.memory_space<vmem>> -> memref<1x1x128xi32, #tpu.memory_space<vmem>>
      %dma_start3A_195 = tpu.memref_squeeze %dma_start3A_194 : memref<1x1x128xi32, #tpu.memory_space<vmem>> -> memref<128xi32, #tpu.memory_space<vmem>>
      %dma_start3A_196 = arith.constant 0 : i32
      %dma_start3A_197 = arith.constant 0 : i32
      %dma_start3A_198 = tpu.memref_slice %arg3[%dma_start3A_196, %dma_start3A_197] : memref<1015808x32xf32, #tpu.memory_space<hbm>> -> memref<1015808x32xf32, #tpu.memory_space<hbm>>
      tpu.enqueue_indirect_dma source(%dma_start3A_198 : memref<1015808x32xf32, #tpu.memory_space<hbm>>) target(%arg8 : memref<128x32xf32, #tpu.memory_space<vmem>>) offsets(%dma_start3A_195 : memref<128xi32, #tpu.memory_space<vmem>>) semaphore(%arg16 : memref<!tpu.dma_semaphore, #tpu.memory_space<semaphore_mem>>) {add = true}
      %dma_wait3A_199 = arith.constant 0 : i32
      %dma_wait3A_200 = arith.constant 0 : i32
      %dma_wait3A_201 = arith.constant 0 : i32
      %dma_wait3A_202 = tpu.memref_slice %arg5[%dma_wait3A_199, %dma_wait3A_200, %dma_wait3A_201] : memref<25x8x128xi32, #tpu.memory_space<vmem>> -> memref<1x1x128xi32, #tpu.memory_space<vmem>>
      %dma_wait3A_203 = tpu.memref_squeeze %dma_wait3A_202 : memref<1x1x128xi32, #tpu.memory_space<vmem>> -> memref<128xi32, #tpu.memory_space<vmem>>
      %dma_wait3A_204 = arith.constant 0 : i32
      %dma_wait3A_205 = arith.constant 0 : i32
      %dma_wait3A_206 = tpu.memref_slice %arg3[%dma_wait3A_204, %dma_wait3A_205] : memref<1015808x32xf32, #tpu.memory_space<hbm>> -> memref<1015808x32xf32, #tpu.memory_space<hbm>>
      tpu.wait_indirect_dma semaphore(%arg17 : memref<!tpu.dma_semaphore, #tpu.memory_space<semaphore_mem>>) src(%dma_wait3A_206 : memref<1015808x32xf32, #tpu.memory_space<hbm>>) dst(%arg9 : memref<128x32xf32, #tpu.memory_space<vmem>>)
      %add3A_207 = arith.constant 1 : i32
      %add3A_208 = arith.addi %scan3A_147, %add3A_207 : i32
      %dma_start3A_209 = arith.constant 3 : i32
      %dma_start3A_210 = arith.constant 0 : i32
      %dma_start3A_211 = tpu.memref_slice %arg5[%add3A_208, %dma_start3A_209, %dma_start3A_210] : memref<25x8x128xi32, #tpu.memory_space<vmem>> -> memref<1x1x128xi32, #tpu.memory_space<vmem>>
      %dma_start3A_212 = tpu.memref_squeeze %dma_start3A_211 : memref<1x1x128xi32, #tpu.memory_space<vmem>> -> memref<128xi32, #tpu.memory_space<vmem>>
      %dma_start3A_213 = arith.constant 0 : i32
      %dma_start3A_214 = arith.constant 0 : i32
      %dma_start3A_215 = tpu.memref_slice %arg3[%dma_start3A_213, %dma_start3A_214] : memref<1015808x32xf32, #tpu.memory_space<hbm>> -> memref<1015808x32xf32, #tpu.memory_space<hbm>>
      tpu.enqueue_indirect_dma source(%dma_start3A_215 : memref<1015808x32xf32, #tpu.memory_space<hbm>>) target(%arg9 : memref<128x32xf32, #tpu.memory_space<vmem>>) offsets(%dma_start3A_212 : memref<128xi32, #tpu.memory_space<vmem>>) semaphore(%arg17 : memref<!tpu.dma_semaphore, #tpu.memory_space<semaphore_mem>>) {add = true}
      %dma_wait3A_216 = arith.constant 0 : i32
      %dma_wait3A_217 = arith.constant 0 : i32
      %dma_wait3A_218 = arith.constant 0 : i32
      %dma_wait3A_219 = tpu.memref_slice %arg5[%dma_wait3A_216, %dma_wait3A_217, %dma_wait3A_218] : memref<25x8x128xi32, #tpu.memory_space<vmem>> -> memref<1x1x128xi32, #tpu.memory_space<vmem>>
      %dma_wait3A_220 = tpu.memref_squeeze %dma_wait3A_219 : memref<1x1x128xi32, #tpu.memory_space<vmem>> -> memref<128xi32, #tpu.memory_space<vmem>>
      %dma_wait3A_221 = arith.constant 0 : i32
      %dma_wait3A_222 = arith.constant 0 : i32
      %dma_wait3A_223 = tpu.memref_slice %arg3[%dma_wait3A_221, %dma_wait3A_222] : memref<1015808x32xf32, #tpu.memory_space<hbm>> -> memref<1015808x32xf32, #tpu.memory_space<hbm>>
      tpu.wait_indirect_dma semaphore(%arg18 : memref<!tpu.dma_semaphore, #tpu.memory_space<semaphore_mem>>) src(%dma_wait3A_223 : memref<1015808x32xf32, #tpu.memory_space<hbm>>) dst(%arg10 : memref<128x32xf32, #tpu.memory_space<vmem>>)
      %add3A_224 = arith.constant 1 : i32
      %add3A_225 = arith.addi %scan3A_147, %add3A_224 : i32
      %dma_start3A_226 = arith.constant 4 : i32
      %dma_start3A_227 = arith.constant 0 : i32
      %dma_start3A_228 = tpu.memref_slice %arg5[%add3A_225, %dma_start3A_226, %dma_start3A_227] : memref<25x8x128xi32, #tpu.memory_space<vmem>> -> memref<1x1x128xi32, #tpu.memory_space<vmem>>
      %dma_start3A_229 = tpu.memref_squeeze %dma_start3A_228 : memref<1x1x128xi32, #tpu.memory_space<vmem>> -> memref<128xi32, #tpu.memory_space<vmem>>
      %dma_start3A_230 = arith.constant 0 : i32
      %dma_start3A_231 = arith.constant 0 : i32
      %dma_start3A_232 = tpu.memref_slice %arg3[%dma_start3A_230, %dma_start3A_231] : memref<1015808x32xf32, #tpu.memory_space<hbm>> -> memref<1015808x32xf32, #tpu.memory_space<hbm>>
      tpu.enqueue_indirect_dma source(%dma_start3A_232 : memref<1015808x32xf32, #tpu.memory_space<hbm>>) target(%arg10 : memref<128x32xf32, #tpu.memory_space<vmem>>) offsets(%dma_start3A_229 : memref<128xi32, #tpu.memory_space<vmem>>) semaphore(%arg18 : memref<!tpu.dma_semaphore, #tpu.memory_space<semaphore_mem>>) {add = true}
      %dma_wait3A_233 = arith.constant 0 : i32
      %dma_wait3A_234 = arith.constant 0 : i32
      %dma_wait3A_235 = arith.constant 0 : i32
      %dma_wait3A_236 = tpu.memref_slice %arg5[%dma_wait3A_233, %dma_wait3A_234, %dma_wait3A_235] : memref<25x8x128xi32, #tpu.memory_space<vmem>> -> memref<1x1x128xi32, #tpu.memory_space<vmem>>
      %dma_wait3A_237 = tpu.memref_squeeze %dma_wait3A_236 : memref<1x1x128xi32, #tpu.memory_space<vmem>> -> memref<128xi32, #tpu.memory_space<vmem>>
      %dma_wait3A_238 = arith.constant 0 : i32
      %dma_wait3A_239 = arith.constant 0 : i32
      %dma_wait3A_240 = tpu.memref_slice %arg3[%dma_wait3A_238, %dma_wait3A_239] : memref<1015808x32xf32, #tpu.memory_space<hbm>> -> memref<1015808x32xf32, #tpu.memory_space<hbm>>
      tpu.wait_indirect_dma semaphore(%arg19 : memref<!tpu.dma_semaphore, #tpu.memory_space<semaphore_mem>>) src(%dma_wait3A_240 : memref<1015808x32xf32, #tpu.memory_space<hbm>>) dst(%arg11 : memref<128x32xf32, #tpu.memory_space<vmem>>)
      %add3A_241 = arith.constant 1 : i32
      %add3A_242 = arith.addi %scan3A_147, %add3A_241 : i32
      %dma_start3A_243 = arith.constant 5 : i32
      %dma_start3A_244 = arith.constant 0 : i32
      %dma_start3A_245 = tpu.memref_slice %arg5[%add3A_242, %dma_start3A_243, %dma_start3A_244] : memref<25x8x128xi32, #tpu.memory_space<vmem>> -> memref<1x1x128xi32, #tpu.memory_space<vmem>>
      %dma_start3A_246 = tpu.memref_squeeze %dma_start3A_245 : memref<1x1x128xi32, #tpu.memory_space<vmem>> -> memref<128xi32, #tpu.memory_space<vmem>>
      %dma_start3A_247 = arith.constant 0 : i32
      %dma_start3A_248 = arith.constant 0 : i32
      %dma_start3A_249 = tpu.memref_slice %arg3[%dma_start3A_247, %dma_start3A_248] : memref<1015808x32xf32, #tpu.memory_space<hbm>> -> memref<1015808x32xf32, #tpu.memory_space<hbm>>
      tpu.enqueue_indirect_dma source(%dma_start3A_249 : memref<1015808x32xf32, #tpu.memory_space<hbm>>) target(%arg11 : memref<128x32xf32, #tpu.memory_space<vmem>>) offsets(%dma_start3A_246 : memref<128xi32, #tpu.memory_space<vmem>>) semaphore(%arg19 : memref<!tpu.dma_semaphore, #tpu.memory_space<semaphore_mem>>) {add = true}
      %dma_wait3A_250 = arith.constant 0 : i32
      %dma_wait3A_251 = arith.constant 0 : i32
      %dma_wait3A_252 = arith.constant 0 : i32
      %dma_wait3A_253 = tpu.memref_slice %arg5[%dma_wait3A_250, %dma_wait3A_251, %dma_wait3A_252] : memref<25x8x128xi32, #tpu.memory_space<vmem>> -> memref<1x1x128xi32, #tpu.memory_space<vmem>>
      %dma_wait3A_254 = tpu.memref_squeeze %dma_wait3A_253 : memref<1x1x128xi32, #tpu.memory_space<vmem>> -> memref<128xi32, #tpu.memory_space<vmem>>
      %dma_wait3A_255 = arith.constant 0 : i32
      %dma_wait3A_256 = arith.constant 0 : i32
      %dma_wait3A_257 = tpu.memref_slice %arg3[%dma_wait3A_255, %dma_wait3A_256] : memref<1015808x32xf32, #tpu.memory_space<hbm>> -> memref<1015808x32xf32, #tpu.memory_space<hbm>>
      tpu.wait_indirect_dma semaphore(%arg20 : memref<!tpu.dma_semaphore, #tpu.memory_space<semaphore_mem>>) src(%dma_wait3A_257 : memref<1015808x32xf32, #tpu.memory_space<hbm>>) dst(%arg12 : memref<128x32xf32, #tpu.memory_space<vmem>>)
      %add3A_258 = arith.constant 1 : i32
      %add3A_259 = arith.addi %scan3A_147, %add3A_258 : i32
      %dma_start3A_260 = arith.constant 6 : i32
      %dma_start3A_261 = arith.constant 0 : i32
      %dma_start3A_262 = tpu.memref_slice %arg5[%add3A_259, %dma_start3A_260, %dma_start3A_261] : memref<25x8x128xi32, #tpu.memory_space<vmem>> -> memref<1x1x128xi32, #tpu.memory_space<vmem>>
      %dma_start3A_263 = tpu.memref_squeeze %dma_start3A_262 : memref<1x1x128xi32, #tpu.memory_space<vmem>> -> memref<128xi32, #tpu.memory_space<vmem>>
      %dma_start3A_264 = arith.constant 0 : i32
      %dma_start3A_265 = arith.constant 0 : i32
      %dma_start3A_266 = tpu.memref_slice %arg3[%dma_start3A_264, %dma_start3A_265] : memref<1015808x32xf32, #tpu.memory_space<hbm>> -> memref<1015808x32xf32, #tpu.memory_space<hbm>>
      tpu.enqueue_indirect_dma source(%dma_start3A_266 : memref<1015808x32xf32, #tpu.memory_space<hbm>>) target(%arg12 : memref<128x32xf32, #tpu.memory_space<vmem>>) offsets(%dma_start3A_263 : memref<128xi32, #tpu.memory_space<vmem>>) semaphore(%arg20 : memref<!tpu.dma_semaphore, #tpu.memory_space<semaphore_mem>>) {add = true}
      %dma_wait3A_267 = arith.constant 0 : i32
      %dma_wait3A_268 = arith.constant 0 : i32
      %dma_wait3A_269 = arith.constant 0 : i32
      %dma_wait3A_270 = tpu.memref_slice %arg5[%dma_wait3A_267, %dma_wait3A_268, %dma_wait3A_269] : memref<25x8x128xi32, #tpu.memory_space<vmem>> -> memref<1x1x128xi32, #tpu.memory_space<vmem>>
      %dma_wait3A_271 = tpu.memref_squeeze %dma_wait3A_270 : memref<1x1x128xi32, #tpu.memory_space<vmem>> -> memref<128xi32, #tpu.memory_space<vmem>>
      %dma_wait3A_272 = arith.constant 0 : i32
      %dma_wait3A_273 = arith.constant 0 : i32
      %dma_wait3A_274 = tpu.memref_slice %arg3[%dma_wait3A_272, %dma_wait3A_273] : memref<1015808x32xf32, #tpu.memory_space<hbm>> -> memref<1015808x32xf32, #tpu.memory_space<hbm>>
      tpu.wait_indirect_dma semaphore(%arg21 : memref<!tpu.dma_semaphore, #tpu.memory_space<semaphore_mem>>) src(%dma_wait3A_274 : memref<1015808x32xf32, #tpu.memory_space<hbm>>) dst(%arg13 : memref<128x32xf32, #tpu.memory_space<vmem>>)
      %add3A_275 = arith.constant 1 : i32
      %add3A_276 = arith.addi %scan3A_147, %add3A_275 : i32
      %dma_start3A_277 = arith.constant 7 : i32
      %dma_start3A_278 = arith.constant 0 : i32
      %dma_start3A_279 = tpu.memref_slice %arg5[%add3A_276, %dma_start3A_277, %dma_start3A_278] : memref<25x8x128xi32, #tpu.memory_space<vmem>> -> memref<1x1x128xi32, #tpu.memory_space<vmem>>
      %dma_start3A_280 = tpu.memref_squeeze %dma_start3A_279 : memref<1x1x128xi32, #tpu.memory_space<vmem>> -> memref<128xi32, #tpu.memory_space<vmem>>
      %dma_start3A_281 = arith.constant 0 : i32
      %dma_start3A_282 = arith.constant 0 : i32
      %dma_start3A_283 = tpu.memref_slice %arg3[%dma_start3A_281, %dma_start3A_282] : memref<1015808x32xf32, #tpu.memory_space<hbm>> -> memref<1015808x32xf32, #tpu.memory_space<hbm>>
      tpu.enqueue_indirect_dma source(%dma_start3A_283 : memref<1015808x32xf32, #tpu.memory_space<hbm>>) target(%arg13 : memref<128x32xf32, #tpu.memory_space<vmem>>) offsets(%dma_start3A_280 : memref<128xi32, #tpu.memory_space<vmem>>) semaphore(%arg21 : memref<!tpu.dma_semaphore, #tpu.memory_space<semaphore_mem>>) {add = true}
    }
    %scan3A_74 = arith.constant 24 : i32
    %dma_wait3A = arith.constant 0 : i32
    %dma_wait3A_75 = arith.constant 0 : i32
    %dma_wait3A_76 = arith.constant 0 : i32
    %dma_wait3A_77 = tpu.memref_slice %arg5[%dma_wait3A, %dma_wait3A_75, %dma_wait3A_76] : memref<25x8x128xi32, #tpu.memory_space<vmem>> -> memref<1x1x128xi32, #tpu.memory_space<vmem>>
    %dma_wait3A_78 = tpu.memref_squeeze %dma_wait3A_77 : memref<1x1x128xi32, #tpu.memory_space<vmem>> -> memref<128xi32, #tpu.memory_space<vmem>>
    %dma_wait3A_79 = arith.constant 0 : i32
    %dma_wait3A_80 = arith.constant 0 : i32
    %dma_wait3A_81 = tpu.memref_slice %arg3[%dma_wait3A_79, %dma_wait3A_80] : memref<1015808x32xf32, #tpu.memory_space<hbm>> -> memref<1015808x32xf32, #tpu.memory_space<hbm>>
    tpu.wait_indirect_dma semaphore(%arg14 : memref<!tpu.dma_semaphore, #tpu.memory_space<semaphore_mem>>) src(%dma_wait3A_81 : memref<1015808x32xf32, #tpu.memory_space<hbm>>) dst(%arg6 : memref<128x32xf32, #tpu.memory_space<vmem>>)
    %dma_wait3A_82 = arith.constant 0 : i32
    %dma_wait3A_83 = arith.constant 0 : i32
    %dma_wait3A_84 = arith.constant 0 : i32
    %dma_wait3A_85 = tpu.memref_slice %arg5[%dma_wait3A_82, %dma_wait3A_83, %dma_wait3A_84] : memref<25x8x128xi32, #tpu.memory_space<vmem>> -> memref<1x1x128xi32, #tpu.memory_space<vmem>>
    %dma_wait3A_86 = tpu.memref_squeeze %dma_wait3A_85 : memref<1x1x128xi32, #tpu.memory_space<vmem>> -> memref<128xi32, #tpu.memory_space<vmem>>
    %dma_wait3A_87 = arith.constant 0 : i32
    %dma_wait3A_88 = arith.constant 0 : i32
    %dma_wait3A_89 = tpu.memref_slice %arg3[%dma_wait3A_87, %dma_wait3A_88] : memref<1015808x32xf32, #tpu.memory_space<hbm>> -> memref<1015808x32xf32, #tpu.memory_space<hbm>>
    tpu.wait_indirect_dma semaphore(%arg15 : memref<!tpu.dma_semaphore, #tpu.memory_space<semaphore_mem>>) src(%dma_wait3A_89 : memref<1015808x32xf32, #tpu.memory_space<hbm>>) dst(%arg7 : memref<128x32xf32, #tpu.memory_space<vmem>>)
    %dma_wait3A_90 = arith.constant 0 : i32
    %dma_wait3A_91 = arith.constant 0 : i32
    %dma_wait3A_92 = arith.constant 0 : i32
    %dma_wait3A_93 = tpu.memref_slice %arg5[%dma_wait3A_90, %dma_wait3A_91, %dma_wait3A_92] : memref<25x8x128xi32, #tpu.memory_space<vmem>> -> memref<1x1x128xi32, #tpu.memory_space<vmem>>
    %dma_wait3A_94 = tpu.memref_squeeze %dma_wait3A_93 : memref<1x1x128xi32, #tpu.memory_space<vmem>> -> memref<128xi32, #tpu.memory_space<vmem>>
    %dma_wait3A_95 = arith.constant 0 : i32
    %dma_wait3A_96 = arith.constant 0 : i32
    %dma_wait3A_97 = tpu.memref_slice %arg3[%dma_wait3A_95, %dma_wait3A_96] : memref<1015808x32xf32, #tpu.memory_space<hbm>> -> memref<1015808x32xf32, #tpu.memory_space<hbm>>
    tpu.wait_indirect_dma semaphore(%arg16 : memref<!tpu.dma_semaphore, #tpu.memory_space<semaphore_mem>>) src(%dma_wait3A_97 : memref<1015808x32xf32, #tpu.memory_space<hbm>>) dst(%arg8 : memref<128x32xf32, #tpu.memory_space<vmem>>)
    %dma_wait3A_98 = arith.constant 0 : i32
    %dma_wait3A_99 = arith.constant 0 : i32
    %dma_wait3A_100 = arith.constant 0 : i32
    %dma_wait3A_101 = tpu.memref_slice %arg5[%dma_wait3A_98, %dma_wait3A_99, %dma_wait3A_100] : memref<25x8x128xi32, #tpu.memory_space<vmem>> -> memref<1x1x128xi32, #tpu.memory_space<vmem>>
    %dma_wait3A_102 = tpu.memref_squeeze %dma_wait3A_101 : memref<1x1x128xi32, #tpu.memory_space<vmem>> -> memref<128xi32, #tpu.memory_space<vmem>>
    %dma_wait3A_103 = arith.constant 0 : i32
    %dma_wait3A_104 = arith.constant 0 : i32
    %dma_wait3A_105 = tpu.memref_slice %arg3[%dma_wait3A_103, %dma_wait3A_104] : memref<1015808x32xf32, #tpu.memory_space<hbm>> -> memref<1015808x32xf32, #tpu.memory_space<hbm>>
    tpu.wait_indirect_dma semaphore(%arg17 : memref<!tpu.dma_semaphore, #tpu.memory_space<semaphore_mem>>) src(%dma_wait3A_105 : memref<1015808x32xf32, #tpu.memory_space<hbm>>) dst(%arg9 : memref<128x32xf32, #tpu.memory_space<vmem>>)
    %dma_wait3A_106 = arith.constant 0 : i32
    %dma_wait3A_107 = arith.constant 0 : i32
    %dma_wait3A_108 = arith.constant 0 : i32
    %dma_wait3A_109 = tpu.memref_slice %arg5[%dma_wait3A_106, %dma_wait3A_107, %dma_wait3A_108] : memref<25x8x128xi32, #tpu.memory_space<vmem>> -> memref<1x1x128xi32, #tpu.memory_space<vmem>>
    %dma_wait3A_110 = tpu.memref_squeeze %dma_wait3A_109 : memref<1x1x128xi32, #tpu.memory_space<vmem>> -> memref<128xi32, #tpu.memory_space<vmem>>
    %dma_wait3A_111 = arith.constant 0 : i32
    %dma_wait3A_112 = arith.constant 0 : i32
    %dma_wait3A_113 = tpu.memref_slice %arg3[%dma_wait3A_111, %dma_wait3A_112] : memref<1015808x32xf32, #tpu.memory_space<hbm>> -> memref<1015808x32xf32, #tpu.memory_space<hbm>>
    tpu.wait_indirect_dma semaphore(%arg18 : memref<!tpu.dma_semaphore, #tpu.memory_space<semaphore_mem>>) src(%dma_wait3A_113 : memref<1015808x32xf32, #tpu.memory_space<hbm>>) dst(%arg10 : memref<128x32xf32, #tpu.memory_space<vmem>>)
    %dma_wait3A_114 = arith.constant 0 : i32
    %dma_wait3A_115 = arith.constant 0 : i32
    %dma_wait3A_116 = arith.constant 0 : i32
    %dma_wait3A_117 = tpu.memref_slice %arg5[%dma_wait3A_114, %dma_wait3A_115, %dma_wait3A_116] : memref<25x8x128xi32, #tpu.memory_space<vmem>> -> memref<1x1x128xi32, #tpu.memory_space<vmem>>
    %dma_wait3A_118 = tpu.memref_squeeze %dma_wait3A_117 : memref<1x1x128xi32, #tpu.memory_space<vmem>> -> memref<128xi32, #tpu.memory_space<vmem>>
    %dma_wait3A_119 = arith.constant 0 : i32
    %dma_wait3A_120 = arith.constant 0 : i32
    %dma_wait3A_121 = tpu.memref_slice %arg3[%dma_wait3A_119, %dma_wait3A_120] : memref<1015808x32xf32, #tpu.memory_space<hbm>> -> memref<1015808x32xf32, #tpu.memory_space<hbm>>
    tpu.wait_indirect_dma semaphore(%arg19 : memref<!tpu.dma_semaphore, #tpu.memory_space<semaphore_mem>>) src(%dma_wait3A_121 : memref<1015808x32xf32, #tpu.memory_space<hbm>>) dst(%arg11 : memref<128x32xf32, #tpu.memory_space<vmem>>)
    %dma_wait3A_122 = arith.constant 0 : i32
    %dma_wait3A_123 = arith.constant 0 : i32
    %dma_wait3A_124 = arith.constant 0 : i32
    %dma_wait3A_125 = tpu.memref_slice %arg5[%dma_wait3A_122, %dma_wait3A_123, %dma_wait3A_124] : memref<25x8x128xi32, #tpu.memory_space<vmem>> -> memref<1x1x128xi32, #tpu.memory_space<vmem>>
    %dma_wait3A_126 = tpu.memref_squeeze %dma_wait3A_125 : memref<1x1x128xi32, #tpu.memory_space<vmem>> -> memref<128xi32, #tpu.memory_space<vmem>>
    %dma_wait3A_127 = arith.constant 0 : i32
    %dma_wait3A_128 = arith.constant 0 : i32
    %dma_wait3A_129 = tpu.memref_slice %arg3[%dma_wait3A_127, %dma_wait3A_128] : memref<1015808x32xf32, #tpu.memory_space<hbm>> -> memref<1015808x32xf32, #tpu.memory_space<hbm>>
    tpu.wait_indirect_dma semaphore(%arg20 : memref<!tpu.dma_semaphore, #tpu.memory_space<semaphore_mem>>) src(%dma_wait3A_129 : memref<1015808x32xf32, #tpu.memory_space<hbm>>) dst(%arg12 : memref<128x32xf32, #tpu.memory_space<vmem>>)
    %dma_wait3A_130 = arith.constant 0 : i32
    %dma_wait3A_131 = arith.constant 0 : i32
    %dma_wait3A_132 = arith.constant 0 : i32
    %dma_wait3A_133 = tpu.memref_slice %arg5[%dma_wait3A_130, %dma_wait3A_131, %dma_wait3A_132] : memref<25x8x128xi32, #tpu.memory_space<vmem>> -> memref<1x1x128xi32, #tpu.memory_space<vmem>>
    %dma_wait3A_134 = tpu.memref_squeeze %dma_wait3A_133 : memref<1x1x128xi32, #tpu.memory_space<vmem>> -> memref<128xi32, #tpu.memory_space<vmem>>
    %dma_wait3A_135 = arith.constant 0 : i32
    %dma_wait3A_136 = arith.constant 0 : i32
    %dma_wait3A_137 = tpu.memref_slice %arg3[%dma_wait3A_135, %dma_wait3A_136] : memref<1015808x32xf32, #tpu.memory_space<hbm>> -> memref<1015808x32xf32, #tpu.memory_space<hbm>>
    tpu.wait_indirect_dma semaphore(%arg21 : memref<!tpu.dma_semaphore, #tpu.memory_space<semaphore_mem>>) src(%dma_wait3A_137 : memref<1015808x32xf32, #tpu.memory_space<hbm>>) dst(%arg13 : memref<128x32xf32, #tpu.memory_space<vmem>>)
    %scan3A_138 = arith.constant 0 : i32
    %scan3A_139 = arith.constant 5.000000e-03 : f32
    %scan3A_140 = arith.constant 0 : i32
    %scan3A_141 = arith.constant 128 : i32
    %scan3A_142 = arith.addi %scan3A_140, %scan3A_141 : i32
    %scan3A_143 = arith.constant 8 : i32
    scf.for %scan3A_147 = %scan3A_140 to %scan3A_142 step %scan3A_143  : i32 {
      %get3A = arith.index_cast %scan3A_147 : i32 to index
      %get3A_148 = arith.constant 0 : index
      %get3A_149 = tpu.vector_load %arg6[%get3A, %get3A_148] {strides = array<i32>} : memref<128x32xf32, #tpu.memory_space<vmem>>, vector<1x16xf32>,
      %get3A_150 = vector.shape_cast %get3A_149 : vector<1x16xf32> to vector<16xf32>
      %get3A_151 = arith.index_cast %scan3A_147 : i32 to index
      %get3A_152 = arith.constant 0 : index
      %get3A_153 = tpu.vector_load %arg7[%get3A_151, %get3A_152] {strides = array<i32>} : memref<128x32xf32, #tpu.memory_space<vmem>>, vector<1x16xf32>,
      %get3A_154 = vector.shape_cast %get3A_153 : vector<1x16xf32> to vector<16xf32>
      %get3A_155 = arith.index_cast %scan3A_147 : i32 to index
      %get3A_156 = arith.constant 0 : index
      %get3A_157 = tpu.vector_load %arg8[%get3A_155, %get3A_156] {strides = array<i32>} : memref<128x32xf32, #tpu.memory_space<vmem>>, vector<1x16xf32>,
      %get3A_158 = vector.shape_cast %get3A_157 : vector<1x16xf32> to vector<16xf32>
      %get3A_159 = arith.index_cast %scan3A_147 : i32 to index
      %get3A_160 = arith.constant 0 : index
      %get3A_161 = tpu.vector_load %arg9[%get3A_159, %get3A_160] {strides = array<i32>} : memref<128x32xf32, #tpu.memory_space<vmem>>, vector<1x16xf32>,
      %get3A_162 = vector.shape_cast %get3A_161 : vector<1x16xf32> to vector<16xf32>
      %get3A_163 = arith.index_cast %scan3A_147 : i32 to index
      %get3A_164 = arith.constant 0 : index
      %get3A_165 = tpu.vector_load %arg10[%get3A_163, %get3A_164] {strides = array<i32>} : memref<128x32xf32, #tpu.memory_space<vmem>>, vector<1x16xf32>,
      %get3A_166 = vector.shape_cast %get3A_165 : vector<1x16xf32> to vector<16xf32>
      %get3A_167 = arith.index_cast %scan3A_147 : i32 to index
      %get3A_168 = arith.constant 0 : index
      %get3A_169 = tpu.vector_load %arg11[%get3A_167, %get3A_168] {strides = array<i32>} : memref<128x32xf32, #tpu.memory_space<vmem>>, vector<1x16xf32>,
      %get3A_170 = vector.shape_cast %get3A_169 : vector<1x16xf32> to vector<16xf32>
      %get3A_171 = arith.index_cast %scan3A_147 : i32 to index
      %get3A_172 = arith.constant 0 : index
      %get3A_173 = tpu.vector_load %arg12[%get3A_171, %get3A_172] {strides = array<i32>} : memref<128x32xf32, #tpu.memory_space<vmem>>, vector<1x16xf32>,
      %get3A_174 = vector.shape_cast %get3A_173 : vector<1x16xf32> to vector<16xf32>
      %get3A_175 = arith.index_cast %scan3A_147 : i32 to index
      %get3A_176 = arith.constant 0 : index
      %get3A_177 = tpu.vector_load %arg13[%get3A_175, %get3A_176] {strides = array<i32>} : memref<128x32xf32, #tpu.memory_space<vmem>>, vector<1x16xf32>,
      %get3A_178 = vector.shape_cast %get3A_177 : vector<1x16xf32> to vector<16xf32>
      %add3A_179 = arith.addf %get3A_150, %get3A_154 : vector<16xf32>
      %add3A_180 = arith.addf %get3A_158, %get3A_162 : vector<16xf32>
      %add3A_181 = arith.addf %get3A_166, %get3A_170 : vector<16xf32>
      %add3A_182 = arith.addf %get3A_174, %get3A_178 : vector<16xf32>
      %add3A_183 = arith.addf %add3A_179, %add3A_180 : vector<16xf32>
      %add3A_184 = arith.addf %add3A_181, %add3A_182 : vector<16xf32>
      %add3A_185 = arith.addf %add3A_183, %add3A_184 : vector<16xf32>
      %mul3A_186 = vector.broadcast %scan3A_139 : f32 to vector<16xf32>
      %mul3A_187 = arith.mulf %add3A_185, %mul3A_186 : vector<16xf32>
      %swap3A = arith.index_cast %scan3A_147 : i32 to index
      %swap3A_188 = arith.constant 0 : index
      %swap3A_189 = tpu.vector_load %arg6[%swap3A, %swap3A_188] {strides = array<i32>} : memref<128x32xf32, #tpu.memory_space<vmem>>, vector<1x16xf32>,
      %swap3A_190 = vector.shape_cast %swap3A_189 : vector<1x16xf32> to vector<16xf32>
      %swap3A_191 = vector.shape_cast %mul3A_187 : vector<16xf32> to vector<1x16xf32>
      tpu.vector_store %arg6[%swap3A, %swap3A_188], %swap3A_191 {strides = array<i32>} : memref<128x32xf32, #tpu.memory_space<vmem>>, vector<1x16xf32>,
      %get3A_192 = arith.index_cast %scan3A_147 : i32 to index
      %get3A_193 = arith.constant 16 : index
      %get3A_194 = tpu.vector_load %arg6[%get3A_192, %get3A_193] {strides = array<i32>} : memref<128x32xf32, #tpu.memory_space<vmem>>, vector<1x16xf32>,
      %get3A_195 = vector.shape_cast %get3A_194 : vector<1x16xf32> to vector<16xf32>
      %get3A_196 = arith.index_cast %scan3A_147 : i32 to index
      %get3A_197 = arith.constant 16 : index
      %get3A_198 = tpu.vector_load %arg7[%get3A_196, %get3A_197] {strides = array<i32>} : memref<128x32xf32, #tpu.memory_space<vmem>>, vector<1x16xf32>,
      %get3A_199 = vector.shape_cast %get3A_198 : vector<1x16xf32> to vector<16xf32>
      %get3A_200 = arith.index_cast %scan3A_147 : i32 to index
      %get3A_201 = arith.constant 16 : index
      %get3A_202 = tpu.vector_load %arg8[%get3A_200, %get3A_201] {strides = array<i32>} : memref<128x32xf32, #tpu.memory_space<vmem>>, vector<1x16xf32>,
      %get3A_203 = vector.shape_cast %get3A_202 : vector<1x16xf32> to vector<16xf32>
      %get3A_204 = arith.index_cast %scan3A_147 : i32 to index
      %get3A_205 = arith.constant 16 : index
      %get3A_206 = tpu.vector_load %arg9[%get3A_204, %get3A_205] {strides = array<i32>} : memref<128x32xf32, #tpu.memory_space<vmem>>, vector<1x16xf32>,
      %get3A_207 = vector.shape_cast %get3A_206 : vector<1x16xf32> to vector<16xf32>
      %get3A_208 = arith.index_cast %scan3A_147 : i32 to index
      %get3A_209 = arith.constant 16 : index
      %get3A_210 = tpu.vector_load %arg10[%get3A_208, %get3A_209] {strides = array<i32>} : memref<128x32xf32, #tpu.memory_space<vmem>>, vector<1x16xf32>,
      %get3A_211 = vector.shape_cast %get3A_210 : vector<1x16xf32> to vector<16xf32>
      %get3A_212 = arith.index_cast %scan3A_147 : i32 to index
      %get3A_213 = arith.constant 16 : index
      %get3A_214 = tpu.vector_load %arg11[%get3A_212, %get3A_213] {strides = array<i32>} : memref<128x32xf32, #tpu.memory_space<vmem>>, vector<1x16xf32>,
      %get3A_215 = vector.shape_cast %get3A_214 : vector<1x16xf32> to vector<16xf32>
      %get3A_216 = arith.index_cast %scan3A_147 : i32 to index
      %get3A_217 = arith.constant 16 : index
      %get3A_218 = tpu.vector_load %arg12[%get3A_216, %get3A_217] {strides = array<i32>} : memref<128x32xf32, #tpu.memory_space<vmem>>, vector<1x16xf32>,
      %get3A_219 = vector.shape_cast %get3A_218 : vector<1x16xf32> to vector<16xf32>
      %get3A_220 = arith.index_cast %scan3A_147 : i32 to index
      %get3A_221 = arith.constant 16 : index
      %get3A_222 = tpu.vector_load %arg13[%get3A_220, %get3A_221] {strides = array<i32>} : memref<128x32xf32, #tpu.memory_space<vmem>>, vector<1x16xf32>,
      %get3A_223 = vector.shape_cast %get3A_222 : vector<1x16xf32> to vector<16xf32>
      %add3A_224 = arith.addf %get3A_195, %get3A_199 : vector<16xf32>
      %add3A_225 = arith.addf %get3A_203, %get3A_207 : vector<16xf32>
      %add3A_226 = arith.addf %get3A_211, %get3A_215 : vector<16xf32>
      %add3A_227 = arith.addf %get3A_219, %get3A_223 : vector<16xf32>
      %add3A_228 = arith.addf %add3A_224, %add3A_225 : vector<16xf32>
      %add3A_229 = arith.addf %add3A_226, %add3A_227 : vector<16xf32>
      %add3A_230 = arith.addf %add3A_228, %add3A_229 : vector<16xf32>
      %mul3A_231 = vector.broadcast %scan3A_139 : f32 to vector<16xf32>
      %mul3A_232 = arith.mulf %add3A_230, %mul3A_231 : vector<16xf32>
      %swap3A_233 = arith.index_cast %scan3A_147 : i32 to index
      %swap3A_234 = arith.constant 16 : index
      %swap3A_235 = tpu.vector_load %arg6[%swap3A_233, %swap3A_234] {strides = array<i32>} : memref<128x32xf32, #tpu.memory_space<vmem>>, vector<1x16xf32>,
      %swap3A_236 = vector.shape_cast %swap3A_235 : vector<1x16xf32> to vector<16xf32>
      %swap3A_237 = vector.shape_cast %mul3A_232 : vector<16xf32> to vector<1x16xf32>
      tpu.vector_store %arg6[%swap3A_233, %swap3A_234], %swap3A_237 {strides = array<i32>} : memref<128x32xf32, #tpu.memory_space<vmem>>, vector<1x16xf32>,
      %scan3A_238 = arith.constant 1 : i32
      %scan3A_239 = arith.addi %scan3A_147, %scan3A_238 : i32
      %get3A_240 = arith.index_cast %scan3A_239 : i32 to index
      %get3A_241 = arith.constant 0 : index
      %get3A_242 = tpu.vector_load %arg6[%get3A_240, %get3A_241] {strides = array<i32>} : memref<128x32xf32, #tpu.memory_space<vmem>>, vector<1x16xf32>,
      %get3A_243 = vector.shape_cast %get3A_242 : vector<1x16xf32> to vector<16xf32>
      %get3A_244 = arith.index_cast %scan3A_239 : i32 to index
      %get3A_245 = arith.constant 0 : index
      %get3A_246 = tpu.vector_load %arg7[%get3A_244, %get3A_245] {strides = array<i32>} : memref<128x32xf32, #tpu.memory_space<vmem>>, vector<1x16xf32>,
      %get3A_247 = vector.shape_cast %get3A_246 : vector<1x16xf32> to vector<16xf32>
      %get3A_248 = arith.index_cast %scan3A_239 : i32 to index
      %get3A_249 = arith.constant 0 : index
      %get3A_250 = tpu.vector_load %arg8[%get3A_248, %get3A_249] {strides = array<i32>} : memref<128x32xf32, #tpu.memory_space<vmem>>, vector<1x16xf32>,
      %get3A_251 = vector.shape_cast %get3A_250 : vector<1x16xf32> to vector<16xf32>
      %get3A_252 = arith.index_cast %scan3A_239 : i32 to index
      %get3A_253 = arith.constant 0 : index
      %get3A_254 = tpu.vector_load %arg9[%get3A_252, %get3A_253] {strides = array<i32>} : memref<128x32xf32, #tpu.memory_space<vmem>>, vector<1x16xf32>,
      %get3A_255 = vector.shape_cast %get3A_254 : vector<1x16xf32> to vector<16xf32>
      %get3A_256 = arith.index_cast %scan3A_239 : i32 to index
      %get3A_257 = arith.constant 0 : index
      %get3A_258 = tpu.vector_load %arg10[%get3A_256, %get3A_257] {strides = array<i32>} : memref<128x32xf32, #tpu.memory_space<vmem>>, vector<1x16xf32>,
      %get3A_259 = vector.shape_cast %get3A_258 : vector<1x16xf32> to vector<16xf32>
      %get3A_260 = arith.index_cast %scan3A_239 : i32 to index
      %get3A_261 = arith.constant 0 : index
      %get3A_262 = tpu.vector_load %arg11[%get3A_260, %get3A_261] {strides = array<i32>} : memref<128x32xf32, #tpu.memory_space<vmem>>, vector<1x16xf32>,
      %get3A_263 = vector.shape_cast %get3A_262 : vector<1x16xf32> to vector<16xf32>
      %get3A_264 = arith.index_cast %scan3A_239 : i32 to index
      %get3A_265 = arith.constant 0 : index
      %get3A_266 = tpu.vector_load %arg12[%get3A_264, %get3A_265] {strides = array<i32>} : memref<128x32xf32, #tpu.memory_space<vmem>>, vector<1x16xf32>,
      %get3A_267 = vector.shape_cast %get3A_266 : vector<1x16xf32> to vector<16xf32>
      %get3A_268 = arith.index_cast %scan3A_239 : i32 to index
      %get3A_269 = arith.constant 0 : index
      %get3A_270 = tpu.vector_load %arg13[%get3A_268, %get3A_269] {strides = array<i32>} : memref<128x32xf32, #tpu.memory_space<vmem>>, vector<1x16xf32>,
      %get3A_271 = vector.shape_cast %get3A_270 : vector<1x16xf32> to vector<16xf32>
      %add3A_272 = arith.addf %get3A_243, %get3A_247 : vector<16xf32>
      %add3A_273 = arith.addf %get3A_251, %get3A_255 : vector<16xf32>
      %add3A_274 = arith.addf %get3A_259, %get3A_263 : vector<16xf32>
      %add3A_275 = arith.addf %get3A_267, %get3A_271 : vector<16xf32>
      %add3A_276 = arith.addf %add3A_272, %add3A_273 : vector<16xf32>
      %add3A_277 = arith.addf %add3A_274, %add3A_275 : vector<16xf32>
      %add3A_278 = arith.addf %add3A_276, %add3A_277 : vector<16xf32>
      %mul3A_279 = vector.broadcast %scan3A_139 : f32 to vector<16xf32>
      %mul3A_280 = arith.mulf %add3A_278, %mul3A_279 : vector<16xf32>
      %swap3A_281 = arith.index_cast %scan3A_239 : i32 to index
      %swap3A_282 = arith.constant 0 : index
      %swap3A_283 = tpu.vector_load %arg6[%swap3A_281, %swap3A_282] {strides = array<i32>} : memref<128x32xf32, #tpu.memory_space<vmem>>, vector<1x16xf32>,
      %swap3A_284 = vector.shape_cast %swap3A_283 : vector<1x16xf32> to vector<16xf32>
      %swap3A_285 = vector.shape_cast %mul3A_280 : vector<16xf32> to vector<1x16xf32>
      tpu.vector_store %arg6[%swap3A_281, %swap3A_282], %swap3A_285 {strides = array<i32>} : memref<128x32xf32, #tpu.memory_space<vmem>>, vector<1x16xf32>,
      %get3A_286 = arith.index_cast %scan3A_239 : i32 to index
      %get3A_287 = arith.constant 16 : index
      %get3A_288 = tpu.vector_load %arg6[%get3A_286, %get3A_287] {strides = array<i32>} : memref<128x32xf32, #tpu.memory_space<vmem>>, vector<1x16xf32>,
      %get3A_289 = vector.shape_cast %get3A_288 : vector<1x16xf32> to vector<16xf32>
      %get3A_290 = arith.index_cast %scan3A_239 : i32 to index
      %get3A_291 = arith.constant 16 : index
      %get3A_292 = tpu.vector_load %arg7[%get3A_290, %get3A_291] {strides = array<i32>} : memref<128x32xf32, #tpu.memory_space<vmem>>, vector<1x16xf32>,
      %get3A_293 = vector.shape_cast %get3A_292 : vector<1x16xf32> to vector<16xf32>
      %get3A_294 = arith.index_cast %scan3A_239 : i32 to index
      %get3A_295 = arith.constant 16 : index
      %get3A_296 = tpu.vector_load %arg8[%get3A_294, %get3A_295] {strides = array<i32>} : memref<128x32xf32, #tpu.memory_space<vmem>>, vector<1x16xf32>,
      %get3A_297 = vector.shape_cast %get3A_296 : vector<1x16xf32> to vector<16xf32>
      %get3A_298 = arith.index_cast %scan3A_239 : i32 to index
      %get3A_299 = arith.constant 16 : index
      %get3A_300 = tpu.vector_load %arg9[%get3A_298, %get3A_299] {strides = array<i32>} : memref<128x32xf32, #tpu.memory_space<vmem>>, vector<1x16xf32>,
      %get3A_301 = vector.shape_cast %get3A_300 : vector<1x16xf32> to vector<16xf32>
      %get3A_302 = arith.index_cast %scan3A_239 : i32 to index
      %get3A_303 = arith.constant 16 : index
      %get3A_304 = tpu.vector_load %arg10[%get3A_302, %get3A_303] {strides = array<i32>} : memref<128x32xf32, #tpu.memory_space<vmem>>, vector<1x16xf32>,
      %get3A_305 = vector.shape_cast %get3A_304 : vector<1x16xf32> to vector<16xf32>
      %get3A_306 = arith.index_cast %scan3A_239 : i32 to index
      %get3A_307 = arith.constant 16 : index
      %get3A_308 = tpu.vector_load %arg11[%get3A_306, %get3A_307] {strides = array<i32>} : memref<128x32xf32, #tpu.memory_space<vmem>>, vector<1x16xf32>,
      %get3A_309 = vector.shape_cast %get3A_308 : vector<1x16xf32> to vector<16xf32>
      %get3A_310 = arith.index_cast %scan3A_239 : i32 to index
      %get3A_311 = arith.constant 16 : index
      %get3A_312 = tpu.vector_load %arg12[%get3A_310, %get3A_311] {strides = array<i32>} : memref<128x32xf32, #tpu.memory_space<vmem>>, vector<1x16xf32>,
      %get3A_313 = vector.shape_cast %get3A_312 : vector<1x16xf32> to vector<16xf32>
      %get3A_314 = arith.index_cast %scan3A_239 : i32 to index
      %get3A_315 = arith.constant 16 : index
      %get3A_316 = tpu.vector_load %arg13[%get3A_314, %get3A_315] {strides = array<i32>} : memref<128x32xf32, #tpu.memory_space<vmem>>, vector<1x16xf32>,
      %get3A_317 = vector.shape_cast %get3A_316 : vector<1x16xf32> to vector<16xf32>
      %add3A_318 = arith.addf %get3A_289, %get3A_293 : vector<16xf32>
      %add3A_319 = arith.addf %get3A_297, %get3A_301 : vector<16xf32>
      %add3A_320 = arith.addf %get3A_305, %get3A_309 : vector<16xf32>
      %add3A_321 = arith.addf %get3A_313, %get3A_317 : vector<16xf32>
      %add3A_322 = arith.addf %add3A_318, %add3A_319 : vector<16xf32>
      %add3A_323 = arith.addf %add3A_320, %add3A_321 : vector<16xf32>
      %add3A_324 = arith.addf %add3A_322, %add3A_323 : vector<16xf32>
      %mul3A_325 = vector.broadcast %scan3A_139 : f32 to vector<16xf32>
      %mul3A_326 = arith.mulf %add3A_324, %mul3A_325 : vector<16xf32>
      %swap3A_327 = arith.index_cast %scan3A_239 : i32 to index
      %swap3A_328 = arith.constant 16 : index
      %swap3A_329 = tpu.vector_load %arg6[%swap3A_327, %swap3A_328] {strides = array<i32>} : memref<128x32xf32, #tpu.memory_space<vmem>>, vector<1x16xf32>,
      %swap3A_330 = vector.shape_cast %swap3A_329 : vector<1x16xf32> to vector<16xf32>
      %swap3A_331 = vector.shape_cast %mul3A_326 : vector<16xf32> to vector<1x16xf32>
      tpu.vector_store %arg6[%swap3A_327, %swap3A_328], %swap3A_331 {strides = array<i32>} : memref<128x32xf32, #tpu.memory_space<vmem>>, vector<1x16xf32>,
      %scan3A_332 = arith.constant 2 : i32
      %scan3A_333 = arith.addi %scan3A_147, %scan3A_332 : i32
      %get3A_334 = arith.index_cast %scan3A_333 : i32 to index
      %get3A_335 = arith.constant 0 : index
      %get3A_336 = tpu.vector_load %arg6[%get3A_334, %get3A_335] {strides = array<i32>} : memref<128x32xf32, #tpu.memory_space<vmem>>, vector<1x16xf32>,
      %get3A_337 = vector.shape_cast %get3A_336 : vector<1x16xf32> to vector<16xf32>
      %get3A_338 = arith.index_cast %scan3A_333 : i32 to index
      %get3A_339 = arith.constant 0 : index
      %get3A_340 = tpu.vector_load %arg7[%get3A_338, %get3A_339] {strides = array<i32>} : memref<128x32xf32, #tpu.memory_space<vmem>>, vector<1x16xf32>,
      %get3A_341 = vector.shape_cast %get3A_340 : vector<1x16xf32> to vector<16xf32>
      %get3A_342 = arith.index_cast %scan3A_333 : i32 to index
      %get3A_343 = arith.constant 0 : index
      %get3A_344 = tpu.vector_load %arg8[%get3A_342, %get3A_343] {strides = array<i32>} : memref<128x32xf32, #tpu.memory_space<vmem>>, vector<1x16xf32>,
      %get3A_345 = vector.shape_cast %get3A_344 : vector<1x16xf32> to vector<16xf32>
      %get3A_346 = arith.index_cast %scan3A_333 : i32 to index
      %get3A_347 = arith.constant 0 : index
      %get3A_348 = tpu.vector_load %arg9[%get3A_346, %get3A_347] {strides = array<i32>} : memref<128x32xf32, #tpu.memory_space<vmem>>, vector<1x16xf32>,
      %get3A_349 = vector.shape_cast %get3A_348 : vector<1x16xf32> to vector<16xf32>
      %get3A_350 = arith.index_cast %scan3A_333 : i32 to index
      %get3A_351 = arith.constant 0 : index
      %get3A_352 = tpu.vector_load %arg10[%get3A_350, %get3A_351] {strides = array<i32>} : memref<128x32xf32, #tpu.memory_space<vmem>>, vector<1x16xf32>,
      %get3A_353 = vector.shape_cast %get3A_352 : vector<1x16xf32> to vector<16xf32>
      %get3A_354 = arith.index_cast %scan3A_333 : i32 to index
      %get3A_355 = arith.constant 0 : index
      %get3A_356 = tpu.vector_load %arg11[%get3A_354, %get3A_355] {strides = array<i32>} : memref<128x32xf32, #tpu.memory_space<vmem>>, vector<1x16xf32>,
      %get3A_357 = vector.shape_cast %get3A_356 : vector<1x16xf32> to vector<16xf32>
      %get3A_358 = arith.index_cast %scan3A_333 : i32 to index
      %get3A_359 = arith.constant 0 : index
      %get3A_360 = tpu.vector_load %arg12[%get3A_358, %get3A_359] {strides = array<i32>} : memref<128x32xf32, #tpu.memory_space<vmem>>, vector<1x16xf32>,
      %get3A_361 = vector.shape_cast %get3A_360 : vector<1x16xf32> to vector<16xf32>
      %get3A_362 = arith.index_cast %scan3A_333 : i32 to index
      %get3A_363 = arith.constant 0 : index
      %get3A_364 = tpu.vector_load %arg13[%get3A_362, %get3A_363] {strides = array<i32>} : memref<128x32xf32, #tpu.memory_space<vmem>>, vector<1x16xf32>,
      %get3A_365 = vector.shape_cast %get3A_364 : vector<1x16xf32> to vector<16xf32>
      %add3A_366 = arith.addf %get3A_337, %get3A_341 : vector<16xf32>
      %add3A_367 = arith.addf %get3A_345, %get3A_349 : vector<16xf32>
      %add3A_368 = arith.addf %get3A_353, %get3A_357 : vector<16xf32>
      %add3A_369 = arith.addf %get3A_361, %get3A_365 : vector<16xf32>
      %add3A_370 = arith.addf %add3A_366, %add3A_367 : vector<16xf32>
      %add3A_371 = arith.addf %add3A_368, %add3A_369 : vector<16xf32>
      %add3A_372 = arith.addf %add3A_370, %add3A_371 : vector<16xf32>
      %mul3A_373 = vector.broadcast %scan3A_139 : f32 to vector<16xf32>
      %mul3A_374 = arith.mulf %add3A_372, %mul3A_373 : vector<16xf32>
      %swap3A_375 = arith.index_cast %scan3A_333 : i32 to index
      %swap3A_376 = arith.constant 0 : index
      %swap3A_377 = tpu.vector_load %arg6[%swap3A_375, %swap3A_376] {strides = array<i32>} : memref<128x32xf32, #tpu.memory_space<vmem>>, vector<1x16xf32>,
      %swap3A_378 = vector.shape_cast %swap3A_377 : vector<1x16xf32> to vector<16xf32>
      %swap3A_379 = vector.shape_cast %mul3A_374 : vector<16xf32> to vector<1x16xf32>
      tpu.vector_store %arg6[%swap3A_375, %swap3A_376], %swap3A_379 {strides = array<i32>} : memref<128x32xf32, #tpu.memory_space<vmem>>, vector<1x16xf32>,
      %get3A_380 = arith.index_cast %scan3A_333 : i32 to index
      %get3A_381 = arith.constant 16 : index
      %get3A_382 = tpu.vector_load %arg6[%get3A_380, %get3A_381] {strides = array<i32>} : memref<128x32xf32, #tpu.memory_space<vmem>>, vector<1x16xf32>,
      %get3A_383 = vector.shape_cast %get3A_382 : vector<1x16xf32> to vector<16xf32>
      %get3A_384 = arith.index_cast %scan3A_333 : i32 to index
      %get3A_385 = arith.constant 16 : index
      %get3A_386 = tpu.vector_load %arg7[%get3A_384, %get3A_385] {strides = array<i32>} : memref<128x32xf32, #tpu.memory_space<vmem>>, vector<1x16xf32>,
      %get3A_387 = vector.shape_cast %get3A_386 : vector<1x16xf32> to vector<16xf32>
      %get3A_388 = arith.index_cast %scan3A_333 : i32 to index
      %get3A_389 = arith.constant 16 : index
      %get3A_390 = tpu.vector_load %arg8[%get3A_388, %get3A_389] {strides = array<i32>} : memref<128x32xf32, #tpu.memory_space<vmem>>, vector<1x16xf32>,
      %get3A_391 = vector.shape_cast %get3A_390 : vector<1x16xf32> to vector<16xf32>
      %get3A_392 = arith.index_cast %scan3A_333 : i32 to index
      %get3A_393 = arith.constant 16 : index
      %get3A_394 = tpu.vector_load %arg9[%get3A_392, %get3A_393] {strides = array<i32>} : memref<128x32xf32, #tpu.memory_space<vmem>>, vector<1x16xf32>,
      %get3A_395 = vector.shape_cast %get3A_394 : vector<1x16xf32> to vector<16xf32>
      %get3A_396 = arith.index_cast %scan3A_333 : i32 to index
      %get3A_397 = arith.constant 16 : index
      %get3A_398 = tpu.vector_load %arg10[%get3A_396, %get3A_397] {strides = array<i32>} : memref<128x32xf32, #tpu.memory_space<vmem>>, vector<1x16xf32>,
      %get3A_399 = vector.shape_cast %get3A_398 : vector<1x16xf32> to vector<16xf32>
      %get3A_400 = arith.index_cast %scan3A_333 : i32 to index
      %get3A_401 = arith.constant 16 : index
      %get3A_402 = tpu.vector_load %arg11[%get3A_400, %get3A_401] {strides = array<i32>} : memref<128x32xf32, #tpu.memory_space<vmem>>, vector<1x16xf32>,
      %get3A_403 = vector.shape_cast %get3A_402 : vector<1x16xf32> to vector<16xf32>
      %get3A_404 = arith.index_cast %scan3A_333 : i32 to index
      %get3A_405 = arith.constant 16 : index
      %get3A_406 = tpu.vector_load %arg12[%get3A_404, %get3A_405] {strides = array<i32>} : memref<128x32xf32, #tpu.memory_space<vmem>>, vector<1x16xf32>,
      %get3A_407 = vector.shape_cast %get3A_406 : vector<1x16xf32> to vector<16xf32>
      %get3A_408 = arith.index_cast %scan3A_333 : i32 to index
      %get3A_409 = arith.constant 16 : index
      %get3A_410 = tpu.vector_load %arg13[%get3A_408, %get3A_409] {strides = array<i32>} : memref<128x32xf32, #tpu.memory_space<vmem>>, vector<1x16xf32>,
      %get3A_411 = vector.shape_cast %get3A_410 : vector<1x16xf32> to vector<16xf32>
      %add3A_412 = arith.addf %get3A_383, %get3A_387 : vector<16xf32>
      %add3A_413 = arith.addf %get3A_391, %get3A_395 : vector<16xf32>
      %add3A_414 = arith.addf %get3A_399, %get3A_403 : vector<16xf32>
      %add3A_415 = arith.addf %get3A_407, %get3A_411 : vector<16xf32>
      %add3A_416 = arith.addf %add3A_412, %add3A_413 : vector<16xf32>
      %add3A_417 = arith.addf %add3A_414, %add3A_415 : vector<16xf32>
      %add3A_418 = arith.addf %add3A_416, %add3A_417 : vector<16xf32>
      %mul3A_419 = vector.broadcast %scan3A_139 : f32 to vector<16xf32>
      %mul3A_420 = arith.mulf %add3A_418, %mul3A_419 : vector<16xf32>
      %swap3A_421 = arith.index_cast %scan3A_333 : i32 to index
      %swap3A_422 = arith.constant 16 : index
      %swap3A_423 = tpu.vector_load %arg6[%swap3A_421, %swap3A_422] {strides = array<i32>} : memref<128x32xf32, #tpu.memory_space<vmem>>, vector<1x16xf32>,
      %swap3A_424 = vector.shape_cast %swap3A_423 : vector<1x16xf32> to vector<16xf32>
      %swap3A_425 = vector.shape_cast %mul3A_420 : vector<16xf32> to vector<1x16xf32>
      tpu.vector_store %arg6[%swap3A_421, %swap3A_422], %swap3A_425 {strides = array<i32>} : memref<128x32xf32, #tpu.memory_space<vmem>>, vector<1x16xf32>,
      %scan3A_426 = arith.constant 3 : i32
      %scan3A_427 = arith.addi %scan3A_147, %scan3A_426 : i32
      %get3A_428 = arith.index_cast %scan3A_427 : i32 to index
      %get3A_429 = arith.constant 0 : index
      %get3A_430 = tpu.vector_load %arg6[%get3A_428, %get3A_429] {strides = array<i32>} : memref<128x32xf32, #tpu.memory_space<vmem>>, vector<1x16xf32>,
      %get3A_431 = vector.shape_cast %get3A_430 : vector<1x16xf32> to vector<16xf32>
      %get3A_432 = arith.index_cast %scan3A_427 : i32 to index
      %get3A_433 = arith.constant 0 : index
      %get3A_434 = tpu.vector_load %arg7[%get3A_432, %get3A_433] {strides = array<i32>} : memref<128x32xf32, #tpu.memory_space<vmem>>, vector<1x16xf32>,
      %get3A_435 = vector.shape_cast %get3A_434 : vector<1x16xf32> to vector<16xf32>
      %get3A_436 = arith.index_cast %scan3A_427 : i32 to index
      %get3A_437 = arith.constant 0 : index
      %get3A_438 = tpu.vector_load %arg8[%get3A_436, %get3A_437] {strides = array<i32>} : memref<128x32xf32, #tpu.memory_space<vmem>>, vector<1x16xf32>,
      %get3A_439 = vector.shape_cast %get3A_438 : vector<1x16xf32> to vector<16xf32>
      %get3A_440 = arith.index_cast %scan3A_427 : i32 to index
      %get3A_441 = arith.constant 0 : index
      %get3A_442 = tpu.vector_load %arg9[%get3A_440, %get3A_441] {strides = array<i32>} : memref<128x32xf32, #tpu.memory_space<vmem>>, vector<1x16xf32>,
      %get3A_443 = vector.shape_cast %get3A_442 : vector<1x16xf32> to vector<16xf32>
      %get3A_444 = arith.index_cast %scan3A_427 : i32 to index
      %get3A_445 = arith.constant 0 : index
      %get3A_446 = tpu.vector_load %arg10[%get3A_444, %get3A_445] {strides = array<i32>} : memref<128x32xf32, #tpu.memory_space<vmem>>, vector<1x16xf32>,
      %get3A_447 = vector.shape_cast %get3A_446 : vector<1x16xf32> to vector<16xf32>
      %get3A_448 = arith.index_cast %scan3A_427 : i32 to index
      %get3A_449 = arith.constant 0 : index
      %get3A_450 = tpu.vector_load %arg11[%get3A_448, %get3A_449] {strides = array<i32>} : memref<128x32xf32, #tpu.memory_space<vmem>>, vector<1x16xf32>,
      %get3A_451 = vector.shape_cast %get3A_450 : vector<1x16xf32> to vector<16xf32>
      %get3A_452 = arith.index_cast %scan3A_427 : i32 to index
      %get3A_453 = arith.constant 0 : index
      %get3A_454 = tpu.vector_load %arg12[%get3A_452, %get3A_453] {strides = array<i32>} : memref<128x32xf32, #tpu.memory_space<vmem>>, vector<1x16xf32>,
      %get3A_455 = vector.shape_cast %get3A_454 : vector<1x16xf32> to vector<16xf32>
      %get3A_456 = arith.index_cast %scan3A_427 : i32 to index
      %get3A_457 = arith.constant 0 : index
      %get3A_458 = tpu.vector_load %arg13[%get3A_456, %get3A_457] {strides = array<i32>} : memref<128x32xf32, #tpu.memory_space<vmem>>, vector<1x16xf32>,
      %get3A_459 = vector.shape_cast %get3A_458 : vector<1x16xf32> to vector<16xf32>
      %add3A_460 = arith.addf %get3A_431, %get3A_435 : vector<16xf32>
      %add3A_461 = arith.addf %get3A_439, %get3A_443 : vector<16xf32>
      %add3A_462 = arith.addf %get3A_447, %get3A_451 : vector<16xf32>
      %add3A_463 = arith.addf %get3A_455, %get3A_459 : vector<16xf32>
      %add3A_464 = arith.addf %add3A_460, %add3A_461 : vector<16xf32>
      %add3A_465 = arith.addf %add3A_462, %add3A_463 : vector<16xf32>
      %add3A_466 = arith.addf %add3A_464, %add3A_465 : vector<16xf32>
      %mul3A_467 = vector.broadcast %scan3A_139 : f32 to vector<16xf32>
      %mul3A_468 = arith.mulf %add3A_466, %mul3A_467 : vector<16xf32>
      %swap3A_469 = arith.index_cast %scan3A_427 : i32 to index
      %swap3A_470 = arith.constant 0 : index
      %swap3A_471 = tpu.vector_load %arg6[%swap3A_469, %swap3A_470] {strides = array<i32>} : memref<128x32xf32, #tpu.memory_space<vmem>>, vector<1x16xf32>,
      %swap3A_472 = vector.shape_cast %swap3A_471 : vector<1x16xf32> to vector<16xf32>
      %swap3A_473 = vector.shape_cast %mul3A_468 : vector<16xf32> to vector<1x16xf32>
      tpu.vector_store %arg6[%swap3A_469, %swap3A_470], %swap3A_473 {strides = array<i32>} : memref<128x32xf32, #tpu.memory_space<vmem>>, vector<1x16xf32>,
      %get3A_474 = arith.index_cast %scan3A_427 : i32 to index
      %get3A_475 = arith.constant 16 : index
      %get3A_476 = tpu.vector_load %arg6[%get3A_474, %get3A_475] {strides = array<i32>} : memref<128x32xf32, #tpu.memory_space<vmem>>, vector<1x16xf32>,
      %get3A_477 = vector.shape_cast %get3A_476 : vector<1x16xf32> to vector<16xf32>
      %get3A_478 = arith.index_cast %scan3A_427 : i32 to index
      %get3A_479 = arith.constant 16 : index
      %get3A_480 = tpu.vector_load %arg7[%get3A_478, %get3A_479] {strides = array<i32>} : memref<128x32xf32, #tpu.memory_space<vmem>>, vector<1x16xf32>,
      %get3A_481 = vector.shape_cast %get3A_480 : vector<1x16xf32> to vector<16xf32>
      %get3A_482 = arith.index_cast %scan3A_427 : i32 to index
      %get3A_483 = arith.constant 16 : index
      %get3A_484 = tpu.vector_load %arg8[%get3A_482, %get3A_483] {strides = array<i32>} : memref<128x32xf32, #tpu.memory_space<vmem>>, vector<1x16xf32>,
      %get3A_485 = vector.shape_cast %get3A_484 : vector<1x16xf32> to vector<16xf32>
      %get3A_486 = arith.index_cast %scan3A_427 : i32 to index
      %get3A_487 = arith.constant 16 : index
      %get3A_488 = tpu.vector_load %arg9[%get3A_486, %get3A_487] {strides = array<i32>} : memref<128x32xf32, #tpu.memory_space<vmem>>, vector<1x16xf32>,
      %get3A_489 = vector.shape_cast %get3A_488 : vector<1x16xf32> to vector<16xf32>
      %get3A_490 = arith.index_cast %scan3A_427 : i32 to index
      %get3A_491 = arith.constant 16 : index
      %get3A_492 = tpu.vector_load %arg10[%get3A_490, %get3A_491] {strides = array<i32>} : memref<128x32xf32, #tpu.memory_space<vmem>>, vector<1x16xf32>,
      %get3A_493 = vector.shape_cast %get3A_492 : vector<1x16xf32> to vector<16xf32>
      %get3A_494 = arith.index_cast %scan3A_427 : i32 to index
      %get3A_495 = arith.constant 16 : index
      %get3A_496 = tpu.vector_load %arg11[%get3A_494, %get3A_495] {strides = array<i32>} : memref<128x32xf32, #tpu.memory_space<vmem>>, vector<1x16xf32>,
      %get3A_497 = vector.shape_cast %get3A_496 : vector<1x16xf32> to vector<16xf32>
      %get3A_498 = arith.index_cast %scan3A_427 : i32 to index
      %get3A_499 = arith.constant 16 : index
      %get3A_500 = tpu.vector_load %arg12[%get3A_498, %get3A_499] {strides = array<i32>} : memref<128x32xf32, #tpu.memory_space<vmem>>, vector<1x16xf32>,
      %get3A_501 = vector.shape_cast %get3A_500 : vector<1x16xf32> to vector<16xf32>
      %get3A_502 = arith.index_cast %scan3A_427 : i32 to index
      %get3A_503 = arith.constant 16 : index
      %get3A_504 = tpu.vector_load %arg13[%get3A_502, %get3A_503] {strides = array<i32>} : memref<128x32xf32, #tpu.memory_space<vmem>>, vector<1x16xf32>,
      %get3A_505 = vector.shape_cast %get3A_504 : vector<1x16xf32> to vector<16xf32>
      %add3A_506 = arith.addf %get3A_477, %get3A_481 : vector<16xf32>
      %add3A_507 = arith.addf %get3A_485, %get3A_489 : vector<16xf32>
      %add3A_508 = arith.addf %get3A_493, %get3A_497 : vector<16xf32>
      %add3A_509 = arith.addf %get3A_501, %get3A_505 : vector<16xf32>
      %add3A_510 = arith.addf %add3A_506, %add3A_507 : vector<16xf32>
      %add3A_511 = arith.addf %add3A_508, %add3A_509 : vector<16xf32>
      %add3A_512 = arith.addf %add3A_510, %add3A_511 : vector<16xf32>
      %mul3A_513 = vector.broadcast %scan3A_139 : f32 to vector<16xf32>
      %mul3A_514 = arith.mulf %add3A_512, %mul3A_513 : vector<16xf32>
      %swap3A_515 = arith.index_cast %scan3A_427 : i32 to index
      %swap3A_516 = arith.constant 16 : index
      %swap3A_517 = tpu.vector_load %arg6[%swap3A_515, %swap3A_516] {strides = array<i32>} : memref<128x32xf32, #tpu.memory_space<vmem>>, vector<1x16xf32>,
      %swap3A_518 = vector.shape_cast %swap3A_517 : vector<1x16xf32> to vector<16xf32>
      %swap3A_519 = vector.shape_cast %mul3A_514 : vector<16xf32> to vector<1x16xf32>
      tpu.vector_store %arg6[%swap3A_515, %swap3A_516], %swap3A_519 {strides = array<i32>} : memref<128x32xf32, #tpu.memory_space<vmem>>, vector<1x16xf32>,
      %scan3A_520 = arith.constant 4 : i32
      %scan3A_521 = arith.addi %scan3A_147, %scan3A_520 : i32
      %get3A_522 = arith.index_cast %scan3A_521 : i32 to index
      %get3A_523 = arith.constant 0 : index
      %get3A_524 = tpu.vector_load %arg6[%get3A_522, %get3A_523] {strides = array<i32>} : memref<128x32xf32, #tpu.memory_space<vmem>>, vector<1x16xf32>,
      %get3A_525 = vector.shape_cast %get3A_524 : vector<1x16xf32> to vector<16xf32>
      %get3A_526 = arith.index_cast %scan3A_521 : i32 to index
      %get3A_527 = arith.constant 0 : index
      %get3A_528 = tpu.vector_load %arg7[%get3A_526, %get3A_527] {strides = array<i32>} : memref<128x32xf32, #tpu.memory_space<vmem>>, vector<1x16xf32>,
      %get3A_529 = vector.shape_cast %get3A_528 : vector<1x16xf32> to vector<16xf32>
      %get3A_530 = arith.index_cast %scan3A_521 : i32 to index
      %get3A_531 = arith.constant 0 : index
      %get3A_532 = tpu.vector_load %arg8[%get3A_530, %get3A_531] {strides = array<i32>} : memref<128x32xf32, #tpu.memory_space<vmem>>, vector<1x16xf32>,
      %get3A_533 = vector.shape_cast %get3A_532 : vector<1x16xf32> to vector<16xf32>
      %get3A_534 = arith.index_cast %scan3A_521 : i32 to index
      %get3A_535 = arith.constant 0 : index
      %get3A_536 = tpu.vector_load %arg9[%get3A_534, %get3A_535] {strides = array<i32>} : memref<128x32xf32, #tpu.memory_space<vmem>>, vector<1x16xf32>,
      %get3A_537 = vector.shape_cast %get3A_536 : vector<1x16xf32> to vector<16xf32>
      %get3A_538 = arith.index_cast %scan3A_521 : i32 to index
      %get3A_539 = arith.constant 0 : index
      %get3A_540 = tpu.vector_load %arg10[%get3A_538, %get3A_539] {strides = array<i32>} : memref<128x32xf32, #tpu.memory_space<vmem>>, vector<1x16xf32>,
      %get3A_541 = vector.shape_cast %get3A_540 : vector<1x16xf32> to vector<16xf32>
      %get3A_542 = arith.index_cast %scan3A_521 : i32 to index
      %get3A_543 = arith.constant 0 : index
      %get3A_544 = tpu.vector_load %arg11[%get3A_542, %get3A_543] {strides = array<i32>} : memref<128x32xf32, #tpu.memory_space<vmem>>, vector<1x16xf32>,
      %get3A_545 = vector.shape_cast %get3A_544 : vector<1x16xf32> to vector<16xf32>
      %get3A_546 = arith.index_cast %scan3A_521 : i32 to index
      %get3A_547 = arith.constant 0 : index
      %get3A_548 = tpu.vector_load %arg12[%get3A_546, %get3A_547] {strides = array<i32>} : memref<128x32xf32, #tpu.memory_space<vmem>>, vector<1x16xf32>,
      %get3A_549 = vector.shape_cast %get3A_548 : vector<1x16xf32> to vector<16xf32>
      %get3A_550 = arith.index_cast %scan3A_521 : i32 to index
      %get3A_551 = arith.constant 0 : index
      %get3A_552 = tpu.vector_load %arg13[%get3A_550, %get3A_551] {strides = array<i32>} : memref<128x32xf32, #tpu.memory_space<vmem>>, vector<1x16xf32>,
      %get3A_553 = vector.shape_cast %get3A_552 : vector<1x16xf32> to vector<16xf32>
      %add3A_554 = arith.addf %get3A_525, %get3A_529 : vector<16xf32>
      %add3A_555 = arith.addf %get3A_533, %get3A_537 : vector<16xf32>
      %add3A_556 = arith.addf %get3A_541, %get3A_545 : vector<16xf32>
      %add3A_557 = arith.addf %get3A_549, %get3A_553 : vector<16xf32>
      %add3A_558 = arith.addf %add3A_554, %add3A_555 : vector<16xf32>
      %add3A_559 = arith.addf %add3A_556, %add3A_557 : vector<16xf32>
      %add3A_560 = arith.addf %add3A_558, %add3A_559 : vector<16xf32>
      %mul3A_561 = vector.broadcast %scan3A_139 : f32 to vector<16xf32>
      %mul3A_562 = arith.mulf %add3A_560, %mul3A_561 : vector<16xf32>
      %swap3A_563 = arith.index_cast %scan3A_521 : i32 to index
      %swap3A_564 = arith.constant 0 : index
      %swap3A_565 = tpu.vector_load %arg6[%swap3A_563, %swap3A_564] {strides = array<i32>} : memref<128x32xf32, #tpu.memory_space<vmem>>, vector<1x16xf32>,
      %swap3A_566 = vector.shape_cast %swap3A_565 : vector<1x16xf32> to vector<16xf32>
      %swap3A_567 = vector.shape_cast %mul3A_562 : vector<16xf32> to vector<1x16xf32>
      tpu.vector_store %arg6[%swap3A_563, %swap3A_564], %swap3A_567 {strides = array<i32>} : memref<128x32xf32, #tpu.memory_space<vmem>>, vector<1x16xf32>,
      %get3A_568 = arith.index_cast %scan3A_521 : i32 to index
      %get3A_569 = arith.constant 16 : index
      %get3A_570 = tpu.vector_load %arg6[%get3A_568, %get3A_569] {strides = array<i32>} : memref<128x32xf32, #tpu.memory_space<vmem>>, vector<1x16xf32>,
      %get3A_571 = vector.shape_cast %get3A_570 : vector<1x16xf32> to vector<16xf32>
      %get3A_572 = arith.index_cast %scan3A_521 : i32 to index
      %get3A_573 = arith.constant 16 : index
      %get3A_574 = tpu.vector_load %arg7[%get3A_572, %get3A_573] {strides = array<i32>} : memref<128x32xf32, #tpu.memory_space<vmem>>, vector<1x16xf32>,
      %get3A_575 = vector.shape_cast %get3A_574 : vector<1x16xf32> to vector<16xf32>
      %get3A_576 = arith.index_cast %scan3A_521 : i32 to index
      %get3A_577 = arith.constant 16 : index
      %get3A_578 = tpu.vector_load %arg8[%get3A_576, %get3A_577] {strides = array<i32>} : memref<128x32xf32, #tpu.memory_space<vmem>>, vector<1x16xf32>,
      %get3A_579 = vector.shape_cast %get3A_578 : vector<1x16xf32> to vector<16xf32>
      %get3A_580 = arith.index_cast %scan3A_521 : i32 to index
      %get3A_581 = arith.constant 16 : index
      %get3A_582 = tpu.vector_load %arg9[%get3A_580, %get3A_581] {strides = array<i32>} : memref<128x32xf32, #tpu.memory_space<vmem>>, vector<1x16xf32>,
      %get3A_583 = vector.shape_cast %get3A_582 : vector<1x16xf32> to vector<16xf32>
      %get3A_584 = arith.index_cast %scan3A_521 : i32 to index
      %get3A_585 = arith.constant 16 : index
      %get3A_586 = tpu.vector_load %arg10[%get3A_584, %get3A_585] {strides = array<i32>} : memref<128x32xf32, #tpu.memory_space<vmem>>, vector<1x16xf32>,
      %get3A_587 = vector.shape_cast %get3A_586 : vector<1x16xf32> to vector<16xf32>
      %get3A_588 = arith.index_cast %scan3A_521 : i32 to index
      %get3A_589 = arith.constant 16 : index
      %get3A_590 = tpu.vector_load %arg11[%get3A_588, %get3A_589] {strides = array<i32>} : memref<128x32xf32, #tpu.memory_space<vmem>>, vector<1x16xf32>,
      %get3A_591 = vector.shape_cast %get3A_590 : vector<1x16xf32> to vector<16xf32>
      %get3A_592 = arith.index_cast %scan3A_521 : i32 to index
      %get3A_593 = arith.constant 16 : index
      %get3A_594 = tpu.vector_load %arg12[%get3A_592, %get3A_593] {strides = array<i32>} : memref<128x32xf32, #tpu.memory_space<vmem>>, vector<1x16xf32>,
      %get3A_595 = vector.shape_cast %get3A_594 : vector<1x16xf32> to vector<16xf32>
      %get3A_596 = arith.index_cast %scan3A_521 : i32 to index
      %get3A_597 = arith.constant 16 : index
      %get3A_598 = tpu.vector_load %arg13[%get3A_596, %get3A_597] {strides = array<i32>} : memref<128x32xf32, #tpu.memory_space<vmem>>, vector<1x16xf32>,
      %get3A_599 = vector.shape_cast %get3A_598 : vector<1x16xf32> to vector<16xf32>
      %add3A_600 = arith.addf %get3A_571, %get3A_575 : vector<16xf32>
      %add3A_601 = arith.addf %get3A_579, %get3A_583 : vector<16xf32>
      %add3A_602 = arith.addf %get3A_587, %get3A_591 : vector<16xf32>
      %add3A_603 = arith.addf %get3A_595, %get3A_599 : vector<16xf32>
      %add3A_604 = arith.addf %add3A_600, %add3A_601 : vector<16xf32>
      %add3A_605 = arith.addf %add3A_602, %add3A_603 : vector<16xf32>
      %add3A_606 = arith.addf %add3A_604, %add3A_605 : vector<16xf32>
      %mul3A_607 = vector.broadcast %scan3A_139 : f32 to vector<16xf32>
      %mul3A_608 = arith.mulf %add3A_606, %mul3A_607 : vector<16xf32>
      %swap3A_609 = arith.index_cast %scan3A_521 : i32 to index
      %swap3A_610 = arith.constant 16 : index
      %swap3A_611 = tpu.vector_load %arg6[%swap3A_609, %swap3A_610] {strides = array<i32>} : memref<128x32xf32, #tpu.memory_space<vmem>>, vector<1x16xf32>,
      %swap3A_612 = vector.shape_cast %swap3A_611 : vector<1x16xf32> to vector<16xf32>
      %swap3A_613 = vector.shape_cast %mul3A_608 : vector<16xf32> to vector<1x16xf32>
      tpu.vector_store %arg6[%swap3A_609, %swap3A_610], %swap3A_613 {strides = array<i32>} : memref<128x32xf32, #tpu.memory_space<vmem>>, vector<1x16xf32>,
      %scan3A_614 = arith.constant 5 : i32
      %scan3A_615 = arith.addi %scan3A_147, %scan3A_614 : i32
      %get3A_616 = arith.index_cast %scan3A_615 : i32 to index
      %get3A_617 = arith.constant 0 : index
      %get3A_618 = tpu.vector_load %arg6[%get3A_616, %get3A_617] {strides = array<i32>} : memref<128x32xf32, #tpu.memory_space<vmem>>, vector<1x16xf32>,
      %get3A_619 = vector.shape_cast %get3A_618 : vector<1x16xf32> to vector<16xf32>
      %get3A_620 = arith.index_cast %scan3A_615 : i32 to index
      %get3A_621 = arith.constant 0 : index
      %get3A_622 = tpu.vector_load %arg7[%get3A_620, %get3A_621] {strides = array<i32>} : memref<128x32xf32, #tpu.memory_space<vmem>>, vector<1x16xf32>,
      %get3A_623 = vector.shape_cast %get3A_622 : vector<1x16xf32> to vector<16xf32>
      %get3A_624 = arith.index_cast %scan3A_615 : i32 to index
      %get3A_625 = arith.constant 0 : index
      %get3A_626 = tpu.vector_load %arg8[%get3A_624, %get3A_625] {strides = array<i32>} : memref<128x32xf32, #tpu.memory_space<vmem>>, vector<1x16xf32>,
      %get3A_627 = vector.shape_cast %get3A_626 : vector<1x16xf32> to vector<16xf32>
      %get3A_628 = arith.index_cast %scan3A_615 : i32 to index
      %get3A_629 = arith.constant 0 : index
      %get3A_630 = tpu.vector_load %arg9[%get3A_628, %get3A_629] {strides = array<i32>} : memref<128x32xf32, #tpu.memory_space<vmem>>, vector<1x16xf32>,
      %get3A_631 = vector.shape_cast %get3A_630 : vector<1x16xf32> to vector<16xf32>
      %get3A_632 = arith.index_cast %scan3A_615 : i32 to index
      %get3A_633 = arith.constant 0 : index
      %get3A_634 = tpu.vector_load %arg10[%get3A_632, %get3A_633] {strides = array<i32>} : memref<128x32xf32, #tpu.memory_space<vmem>>, vector<1x16xf32>,
      %get3A_635 = vector.shape_cast %get3A_634 : vector<1x16xf32> to vector<16xf32>
      %get3A_636 = arith.index_cast %scan3A_615 : i32 to index
      %get3A_637 = arith.constant 0 : index
      %get3A_638 = tpu.vector_load %arg11[%get3A_636, %get3A_637] {strides = array<i32>} : memref<128x32xf32, #tpu.memory_space<vmem>>, vector<1x16xf32>,
      %get3A_639 = vector.shape_cast %get3A_638 : vector<1x16xf32> to vector<16xf32>
      %get3A_640 = arith.index_cast %scan3A_615 : i32 to index
      %get3A_641 = arith.constant 0 : index
      %get3A_642 = tpu.vector_load %arg12[%get3A_640, %get3A_641] {strides = array<i32>} : memref<128x32xf32, #tpu.memory_space<vmem>>, vector<1x16xf32>,
      %get3A_643 = vector.shape_cast %get3A_642 : vector<1x16xf32> to vector<16xf32>
      %get3A_644 = arith.index_cast %scan3A_615 : i32 to index
      %get3A_645 = arith.constant 0 : index
      %get3A_646 = tpu.vector_load %arg13[%get3A_644, %get3A_645] {strides = array<i32>} : memref<128x32xf32, #tpu.memory_space<vmem>>, vector<1x16xf32>,
      %get3A_647 = vector.shape_cast %get3A_646 : vector<1x16xf32> to vector<16xf32>
      %add3A_648 = arith.addf %get3A_619, %get3A_623 : vector<16xf32>
      %add3A_649 = arith.addf %get3A_627, %get3A_631 : vector<16xf32>
      %add3A_650 = arith.addf %get3A_635, %get3A_639 : vector<16xf32>
      %add3A_651 = arith.addf %get3A_643, %get3A_647 : vector<16xf32>
      %add3A_652 = arith.addf %add3A_648, %add3A_649 : vector<16xf32>
      %add3A_653 = arith.addf %add3A_650, %add3A_651 : vector<16xf32>
      %add3A_654 = arith.addf %add3A_652, %add3A_653 : vector<16xf32>
      %mul3A_655 = vector.broadcast %scan3A_139 : f32 to vector<16xf32>
      %mul3A_656 = arith.mulf %add3A_654, %mul3A_655 : vector<16xf32>
      %swap3A_657 = arith.index_cast %scan3A_615 : i32 to index
      %swap3A_658 = arith.constant 0 : index
      %swap3A_659 = tpu.vector_load %arg6[%swap3A_657, %swap3A_658] {strides = array<i32>} : memref<128x32xf32, #tpu.memory_space<vmem>>, vector<1x16xf32>,
      %swap3A_660 = vector.shape_cast %swap3A_659 : vector<1x16xf32> to vector<16xf32>
      %swap3A_661 = vector.shape_cast %mul3A_656 : vector<16xf32> to vector<1x16xf32>
      tpu.vector_store %arg6[%swap3A_657, %swap3A_658], %swap3A_661 {strides = array<i32>} : memref<128x32xf32, #tpu.memory_space<vmem>>, vector<1x16xf32>,
      %get3A_662 = arith.index_cast %scan3A_615 : i32 to index
      %get3A_663 = arith.constant 16 : index
      %get3A_664 = tpu.vector_load %arg6[%get3A_662, %get3A_663] {strides = array<i32>} : memref<128x32xf32, #tpu.memory_space<vmem>>, vector<1x16xf32>,
      %get3A_665 = vector.shape_cast %get3A_664 : vector<1x16xf32> to vector<16xf32>
      %get3A_666 = arith.index_cast %scan3A_615 : i32 to index
      %get3A_667 = arith.constant 16 : index
      %get3A_668 = tpu.vector_load %arg7[%get3A_666, %get3A_667] {strides = array<i32>} : memref<128x32xf32, #tpu.memory_space<vmem>>, vector<1x16xf32>,
      %get3A_669 = vector.shape_cast %get3A_668 : vector<1x16xf32> to vector<16xf32>
      %get3A_670 = arith.index_cast %scan3A_615 : i32 to index
      %get3A_671 = arith.constant 16 : index
      %get3A_672 = tpu.vector_load %arg8[%get3A_670, %get3A_671] {strides = array<i32>} : memref<128x32xf32, #tpu.memory_space<vmem>>, vector<1x16xf32>,
      %get3A_673 = vector.shape_cast %get3A_672 : vector<1x16xf32> to vector<16xf32>
      %get3A_674 = arith.index_cast %scan3A_615 : i32 to index
      %get3A_675 = arith.constant 16 : index
      %get3A_676 = tpu.vector_load %arg9[%get3A_674, %get3A_675] {strides = array<i32>} : memref<128x32xf32, #tpu.memory_space<vmem>>, vector<1x16xf32>,
      %get3A_677 = vector.shape_cast %get3A_676 : vector<1x16xf32> to vector<16xf32>
      %get3A_678 = arith.index_cast %scan3A_615 : i32 to index
      %get3A_679 = arith.constant 16 : index
      %get3A_680 = tpu.vector_load %arg10[%get3A_678, %get3A_679] {strides = array<i32>} : memref<128x32xf32, #tpu.memory_space<vmem>>, vector<1x16xf32>,
      %get3A_681 = vector.shape_cast %get3A_680 : vector<1x16xf32> to vector<16xf32>
      %get3A_682 = arith.index_cast %scan3A_615 : i32 to index
      %get3A_683 = arith.constant 16 : index
      %get3A_684 = tpu.vector_load %arg11[%get3A_682, %get3A_683] {strides = array<i32>} : memref<128x32xf32, #tpu.memory_space<vmem>>, vector<1x16xf32>,
      %get3A_685 = vector.shape_cast %get3A_684 : vector<1x16xf32> to vector<16xf32>
      %get3A_686 = arith.index_cast %scan3A_615 : i32 to index
      %get3A_687 = arith.constant 16 : index
      %get3A_688 = tpu.vector_load %arg12[%get3A_686, %get3A_687] {strides = array<i32>} : memref<128x32xf32, #tpu.memory_space<vmem>>, vector<1x16xf32>,
      %get3A_689 = vector.shape_cast %get3A_688 : vector<1x16xf32> to vector<16xf32>
      %get3A_690 = arith.index_cast %scan3A_615 : i32 to index
      %get3A_691 = arith.constant 16 : index
      %get3A_692 = tpu.vector_load %arg13[%get3A_690, %get3A_691] {strides = array<i32>} : memref<128x32xf32, #tpu.memory_space<vmem>>, vector<1x16xf32>,
      %get3A_693 = vector.shape_cast %get3A_692 : vector<1x16xf32> to vector<16xf32>
      %add3A_694 = arith.addf %get3A_665, %get3A_669 : vector<16xf32>
      %add3A_695 = arith.addf %get3A_673, %get3A_677 : vector<16xf32>
      %add3A_696 = arith.addf %get3A_681, %get3A_685 : vector<16xf32>
      %add3A_697 = arith.addf %get3A_689, %get3A_693 : vector<16xf32>
      %add3A_698 = arith.addf %add3A_694, %add3A_695 : vector<16xf32>
      %add3A_699 = arith.addf %add3A_696, %add3A_697 : vector<16xf32>
      %add3A_700 = arith.addf %add3A_698, %add3A_699 : vector<16xf32>
      %mul3A_701 = vector.broadcast %scan3A_139 : f32 to vector<16xf32>
      %mul3A_702 = arith.mulf %add3A_700, %mul3A_701 : vector<16xf32>
      %swap3A_703 = arith.index_cast %scan3A_615 : i32 to index
      %swap3A_704 = arith.constant 16 : index
      %swap3A_705 = tpu.vector_load %arg6[%swap3A_703, %swap3A_704] {strides = array<i32>} : memref<128x32xf32, #tpu.memory_space<vmem>>, vector<1x16xf32>,
      %swap3A_706 = vector.shape_cast %swap3A_705 : vector<1x16xf32> to vector<16xf32>
      %swap3A_707 = vector.shape_cast %mul3A_702 : vector<16xf32> to vector<1x16xf32>
      tpu.vector_store %arg6[%swap3A_703, %swap3A_704], %swap3A_707 {strides = array<i32>} : memref<128x32xf32, #tpu.memory_space<vmem>>, vector<1x16xf32>,
      %scan3A_708 = arith.constant 6 : i32
      %scan3A_709 = arith.addi %scan3A_147, %scan3A_708 : i32
      %get3A_710 = arith.index_cast %scan3A_709 : i32 to index
      %get3A_711 = arith.constant 0 : index
      %get3A_712 = tpu.vector_load %arg6[%get3A_710, %get3A_711] {strides = array<i32>} : memref<128x32xf32, #tpu.memory_space<vmem>>, vector<1x16xf32>,
      %get3A_713 = vector.shape_cast %get3A_712 : vector<1x16xf32> to vector<16xf32>
      %get3A_714 = arith.index_cast %scan3A_709 : i32 to index
      %get3A_715 = arith.constant 0 : index
      %get3A_716 = tpu.vector_load %arg7[%get3A_714, %get3A_715] {strides = array<i32>} : memref<128x32xf32, #tpu.memory_space<vmem>>, vector<1x16xf32>,
      %get3A_717 = vector.shape_cast %get3A_716 : vector<1x16xf32> to vector<16xf32>
      %get3A_718 = arith.index_cast %scan3A_709 : i32 to index
      %get3A_719 = arith.constant 0 : index
      %get3A_720 = tpu.vector_load %arg8[%get3A_718, %get3A_719] {strides = array<i32>} : memref<128x32xf32, #tpu.memory_space<vmem>>, vector<1x16xf32>,
      %get3A_721 = vector.shape_cast %get3A_720 : vector<1x16xf32> to vector<16xf32>
      %get3A_722 = arith.index_cast %scan3A_709 : i32 to index
      %get3A_723 = arith.constant 0 : index
      %get3A_724 = tpu.vector_load %arg9[%get3A_722, %get3A_723] {strides = array<i32>} : memref<128x32xf32, #tpu.memory_space<vmem>>, vector<1x16xf32>,
      %get3A_725 = vector.shape_cast %get3A_724 : vector<1x16xf32> to vector<16xf32>
      %get3A_726 = arith.index_cast %scan3A_709 : i32 to index
      %get3A_727 = arith.constant 0 : index
      %get3A_728 = tpu.vector_load %arg10[%get3A_726, %get3A_727] {strides = array<i32>} : memref<128x32xf32, #tpu.memory_space<vmem>>, vector<1x16xf32>,
      %get3A_729 = vector.shape_cast %get3A_728 : vector<1x16xf32> to vector<16xf32>
      %get3A_730 = arith.index_cast %scan3A_709 : i32 to index
      %get3A_731 = arith.constant 0 : index
      %get3A_732 = tpu.vector_load %arg11[%get3A_730, %get3A_731] {strides = array<i32>} : memref<128x32xf32, #tpu.memory_space<vmem>>, vector<1x16xf32>,
      %get3A_733 = vector.shape_cast %get3A_732 : vector<1x16xf32> to vector<16xf32>
      %get3A_734 = arith.index_cast %scan3A_709 : i32 to index
      %get3A_735 = arith.constant 0 : index
      %get3A_736 = tpu.vector_load %arg12[%get3A_734, %get3A_735] {strides = array<i32>} : memref<128x32xf32, #tpu.memory_space<vmem>>, vector<1x16xf32>,
      %get3A_737 = vector.shape_cast %get3A_736 : vector<1x16xf32> to vector<16xf32>
      %get3A_738 = arith.index_cast %scan3A_709 : i32 to index
      %get3A_739 = arith.constant 0 : index
      %get3A_740 = tpu.vector_load %arg13[%get3A_738, %get3A_739] {strides = array<i32>} : memref<128x32xf32, #tpu.memory_space<vmem>>, vector<1x16xf32>,
      %get3A_741 = vector.shape_cast %get3A_740 : vector<1x16xf32> to vector<16xf32>
      %add3A_742 = arith.addf %get3A_713, %get3A_717 : vector<16xf32>
      %add3A_743 = arith.addf %get3A_721, %get3A_725 : vector<16xf32>
      %add3A_744 = arith.addf %get3A_729, %get3A_733 : vector<16xf32>
      %add3A_745 = arith.addf %get3A_737, %get3A_741 : vector<16xf32>
      %add3A_746 = arith.addf %add3A_742, %add3A_743 : vector<16xf32>
      %add3A_747 = arith.addf %add3A_744, %add3A_745 : vector<16xf32>
      %add3A_748 = arith.addf %add3A_746, %add3A_747 : vector<16xf32>
      %mul3A_749 = vector.broadcast %scan3A_139 : f32 to vector<16xf32>
      %mul3A_750 = arith.mulf %add3A_748, %mul3A_749 : vector<16xf32>
      %swap3A_751 = arith.index_cast %scan3A_709 : i32 to index
      %swap3A_752 = arith.constant 0 : index
      %swap3A_753 = tpu.vector_load %arg6[%swap3A_751, %swap3A_752] {strides = array<i32>} : memref<128x32xf32, #tpu.memory_space<vmem>>, vector<1x16xf32>,
      %swap3A_754 = vector.shape_cast %swap3A_753 : vector<1x16xf32> to vector<16xf32>
      %swap3A_755 = vector.shape_cast %mul3A_750 : vector<16xf32> to vector<1x16xf32>
      tpu.vector_store %arg6[%swap3A_751, %swap3A_752], %swap3A_755 {strides = array<i32>} : memref<128x32xf32, #tpu.memory_space<vmem>>, vector<1x16xf32>,
      %get3A_756 = arith.index_cast %scan3A_709 : i32 to index
      %get3A_757 = arith.constant 16 : index
      %get3A_758 = tpu.vector_load %arg6[%get3A_756, %get3A_757] {strides = array<i32>} : memref<128x32xf32, #tpu.memory_space<vmem>>, vector<1x16xf32>,
      %get3A_759 = vector.shape_cast %get3A_758 : vector<1x16xf32> to vector<16xf32>
      %get3A_760 = arith.index_cast %scan3A_709 : i32 to index
      %get3A_761 = arith.constant 16 : index
      %get3A_762 = tpu.vector_load %arg7[%get3A_760, %get3A_761] {strides = array<i32>} : memref<128x32xf32, #tpu.memory_space<vmem>>, vector<1x16xf32>,
      %get3A_763 = vector.shape_cast %get3A_762 : vector<1x16xf32> to vector<16xf32>
      %get3A_764 = arith.index_cast %scan3A_709 : i32 to index
      %get3A_765 = arith.constant 16 : index
      %get3A_766 = tpu.vector_load %arg8[%get3A_764, %get3A_765] {strides = array<i32>} : memref<128x32xf32, #tpu.memory_space<vmem>>, vector<1x16xf32>,
      %get3A_767 = vector.shape_cast %get3A_766 : vector<1x16xf32> to vector<16xf32>
      %get3A_768 = arith.index_cast %scan3A_709 : i32 to index
      %get3A_769 = arith.constant 16 : index
      %get3A_770 = tpu.vector_load %arg9[%get3A_768, %get3A_769] {strides = array<i32>} : memref<128x32xf32, #tpu.memory_space<vmem>>, vector<1x16xf32>,
      %get3A_771 = vector.shape_cast %get3A_770 : vector<1x16xf32> to vector<16xf32>
      %get3A_772 = arith.index_cast %scan3A_709 : i32 to index
      %get3A_773 = arith.constant 16 : index
      %get3A_774 = tpu.vector_load %arg10[%get3A_772, %get3A_773] {strides = array<i32>} : memref<128x32xf32, #tpu.memory_space<vmem>>, vector<1x16xf32>,
      %get3A_775 = vector.shape_cast %get3A_774 : vector<1x16xf32> to vector<16xf32>
      %get3A_776 = arith.index_cast %scan3A_709 : i32 to index
      %get3A_777 = arith.constant 16 : index
      %get3A_778 = tpu.vector_load %arg11[%get3A_776, %get3A_777] {strides = array<i32>} : memref<128x32xf32, #tpu.memory_space<vmem>>, vector<1x16xf32>,
      %get3A_779 = vector.shape_cast %get3A_778 : vector<1x16xf32> to vector<16xf32>
      %get3A_780 = arith.index_cast %scan3A_709 : i32 to index
      %get3A_781 = arith.constant 16 : index
      %get3A_782 = tpu.vector_load %arg12[%get3A_780, %get3A_781] {strides = array<i32>} : memref<128x32xf32, #tpu.memory_space<vmem>>, vector<1x16xf32>,
      %get3A_783 = vector.shape_cast %get3A_782 : vector<1x16xf32> to vector<16xf32>
      %get3A_784 = arith.index_cast %scan3A_709 : i32 to index
      %get3A_785 = arith.constant 16 : index
      %get3A_786 = tpu.vector_load %arg13[%get3A_784, %get3A_785] {strides = array<i32>} : memref<128x32xf32, #tpu.memory_space<vmem>>, vector<1x16xf32>,
      %get3A_787 = vector.shape_cast %get3A_786 : vector<1x16xf32> to vector<16xf32>
      %add3A_788 = arith.addf %get3A_759, %get3A_763 : vector<16xf32>
      %add3A_789 = arith.addf %get3A_767, %get3A_771 : vector<16xf32>
      %add3A_790 = arith.addf %get3A_775, %get3A_779 : vector<16xf32>
      %add3A_791 = arith.addf %get3A_783, %get3A_787 : vector<16xf32>
      %add3A_792 = arith.addf %add3A_788, %add3A_789 : vector<16xf32>
      %add3A_793 = arith.addf %add3A_790, %add3A_791 : vector<16xf32>
      %add3A_794 = arith.addf %add3A_792, %add3A_793 : vector<16xf32>
      %mul3A_795 = vector.broadcast %scan3A_139 : f32 to vector<16xf32>
      %mul3A_796 = arith.mulf %add3A_794, %mul3A_795 : vector<16xf32>
      %swap3A_797 = arith.index_cast %scan3A_709 : i32 to index
      %swap3A_798 = arith.constant 16 : index
      %swap3A_799 = tpu.vector_load %arg6[%swap3A_797, %swap3A_798] {strides = array<i32>} : memref<128x32xf32, #tpu.memory_space<vmem>>, vector<1x16xf32>,
      %swap3A_800 = vector.shape_cast %swap3A_799 : vector<1x16xf32> to vector<16xf32>
      %swap3A_801 = vector.shape_cast %mul3A_796 : vector<16xf32> to vector<1x16xf32>
      tpu.vector_store %arg6[%swap3A_797, %swap3A_798], %swap3A_801 {strides = array<i32>} : memref<128x32xf32, #tpu.memory_space<vmem>>, vector<1x16xf32>,
      %scan3A_802 = arith.constant 7 : i32
      %scan3A_803 = arith.addi %scan3A_147, %scan3A_802 : i32
      %get3A_804 = arith.index_cast %scan3A_803 : i32 to index
      %get3A_805 = arith.constant 0 : index
      %get3A_806 = tpu.vector_load %arg6[%get3A_804, %get3A_805] {strides = array<i32>} : memref<128x32xf32, #tpu.memory_space<vmem>>, vector<1x16xf32>,
      %get3A_807 = vector.shape_cast %get3A_806 : vector<1x16xf32> to vector<16xf32>
      %get3A_808 = arith.index_cast %scan3A_803 : i32 to index
      %get3A_809 = arith.constant 0 : index
      %get3A_810 = tpu.vector_load %arg7[%get3A_808, %get3A_809] {strides = array<i32>} : memref<128x32xf32, #tpu.memory_space<vmem>>, vector<1x16xf32>,
      %get3A_811 = vector.shape_cast %get3A_810 : vector<1x16xf32> to vector<16xf32>
      %get3A_812 = arith.index_cast %scan3A_803 : i32 to index
      %get3A_813 = arith.constant 0 : index
      %get3A_814 = tpu.vector_load %arg8[%get3A_812, %get3A_813] {strides = array<i32>} : memref<128x32xf32, #tpu.memory_space<vmem>>, vector<1x16xf32>,
      %get3A_815 = vector.shape_cast %get3A_814 : vector<1x16xf32> to vector<16xf32>
      %get3A_816 = arith.index_cast %scan3A_803 : i32 to index
      %get3A_817 = arith.constant 0 : index
      %get3A_818 = tpu.vector_load %arg9[%get3A_816, %get3A_817] {strides = array<i32>} : memref<128x32xf32, #tpu.memory_space<vmem>>, vector<1x16xf32>,
      %get3A_819 = vector.shape_cast %get3A_818 : vector<1x16xf32> to vector<16xf32>
      %get3A_820 = arith.index_cast %scan3A_803 : i32 to index
      %get3A_821 = arith.constant 0 : index
      %get3A_822 = tpu.vector_load %arg10[%get3A_820, %get3A_821] {strides = array<i32>} : memref<128x32xf32, #tpu.memory_space<vmem>>, vector<1x16xf32>,
      %get3A_823 = vector.shape_cast %get3A_822 : vector<1x16xf32> to vector<16xf32>
      %get3A_824 = arith.index_cast %scan3A_803 : i32 to index
      %get3A_825 = arith.constant 0 : index
      %get3A_826 = tpu.vector_load %arg11[%get3A_824, %get3A_825] {strides = array<i32>} : memref<128x32xf32, #tpu.memory_space<vmem>>, vector<1x16xf32>,
      %get3A_827 = vector.shape_cast %get3A_826 : vector<1x16xf32> to vector<16xf32>
      %get3A_828 = arith.index_cast %scan3A_803 : i32 to index
      %get3A_829 = arith.constant 0 : index
      %get3A_830 = tpu.vector_load %arg12[%get3A_828, %get3A_829] {strides = array<i32>} : memref<128x32xf32, #tpu.memory_space<vmem>>, vector<1x16xf32>,
      %get3A_831 = vector.shape_cast %get3A_830 : vector<1x16xf32> to vector<16xf32>
      %get3A_832 = arith.index_cast %scan3A_803 : i32 to index
      %get3A_833 = arith.constant 0 : index
      %get3A_834 = tpu.vector_load %arg13[%get3A_832, %get3A_833] {strides = array<i32>} : memref<128x32xf32, #tpu.memory_space<vmem>>, vector<1x16xf32>,
      %get3A_835 = vector.shape_cast %get3A_834 : vector<1x16xf32> to vector<16xf32>
      %add3A_836 = arith.addf %get3A_807, %get3A_811 : vector<16xf32>
      %add3A_837 = arith.addf %get3A_815, %get3A_819 : vector<16xf32>
      %add3A_838 = arith.addf %get3A_823, %get3A_827 : vector<16xf32>
      %add3A_839 = arith.addf %get3A_831, %get3A_835 : vector<16xf32>
      %add3A_840 = arith.addf %add3A_836, %add3A_837 : vector<16xf32>
      %add3A_841 = arith.addf %add3A_838, %add3A_839 : vector<16xf32>
      %add3A_842 = arith.addf %add3A_840, %add3A_841 : vector<16xf32>
      %mul3A_843 = vector.broadcast %scan3A_139 : f32 to vector<16xf32>
      %mul3A_844 = arith.mulf %add3A_842, %mul3A_843 : vector<16xf32>
      %swap3A_845 = arith.index_cast %scan3A_803 : i32 to index
      %swap3A_846 = arith.constant 0 : index
      %swap3A_847 = tpu.vector_load %arg6[%swap3A_845, %swap3A_846] {strides = array<i32>} : memref<128x32xf32, #tpu.memory_space<vmem>>, vector<1x16xf32>,
      %swap3A_848 = vector.shape_cast %swap3A_847 : vector<1x16xf32> to vector<16xf32>
      %swap3A_849 = vector.shape_cast %mul3A_844 : vector<16xf32> to vector<1x16xf32>
      tpu.vector_store %arg6[%swap3A_845, %swap3A_846], %swap3A_849 {strides = array<i32>} : memref<128x32xf32, #tpu.memory_space<vmem>>, vector<1x16xf32>,
      %get3A_850 = arith.index_cast %scan3A_803 : i32 to index
      %get3A_851 = arith.constant 16 : index
      %get3A_852 = tpu.vector_load %arg6[%get3A_850, %get3A_851] {strides = array<i32>} : memref<128x32xf32, #tpu.memory_space<vmem>>, vector<1x16xf32>,
      %get3A_853 = vector.shape_cast %get3A_852 : vector<1x16xf32> to vector<16xf32>
      %get3A_854 = arith.index_cast %scan3A_803 : i32 to index
      %get3A_855 = arith.constant 16 : index
      %get3A_856 = tpu.vector_load %arg7[%get3A_854, %get3A_855] {strides = array<i32>} : memref<128x32xf32, #tpu.memory_space<vmem>>, vector<1x16xf32>,
      %get3A_857 = vector.shape_cast %get3A_856 : vector<1x16xf32> to vector<16xf32>
      %get3A_858 = arith.index_cast %scan3A_803 : i32 to index
      %get3A_859 = arith.constant 16 : index
      %get3A_860 = tpu.vector_load %arg8[%get3A_858, %get3A_859] {strides = array<i32>} : memref<128x32xf32, #tpu.memory_space<vmem>>, vector<1x16xf32>,
      %get3A_861 = vector.shape_cast %get3A_860 : vector<1x16xf32> to vector<16xf32>
      %get3A_862 = arith.index_cast %scan3A_803 : i32 to index
      %get3A_863 = arith.constant 16 : index
      %get3A_864 = tpu.vector_load %arg9[%get3A_862, %get3A_863] {strides = array<i32>} : memref<128x32xf32, #tpu.memory_space<vmem>>, vector<1x16xf32>,
      %get3A_865 = vector.shape_cast %get3A_864 : vector<1x16xf32> to vector<16xf32>
      %get3A_866 = arith.index_cast %scan3A_803 : i32 to index
      %get3A_867 = arith.constant 16 : index
      %get3A_868 = tpu.vector_load %arg10[%get3A_866, %get3A_867] {strides = array<i32>} : memref<128x32xf32, #tpu.memory_space<vmem>>, vector<1x16xf32>,
      %get3A_869 = vector.shape_cast %get3A_868 : vector<1x16xf32> to vector<16xf32>
      %get3A_870 = arith.index_cast %scan3A_803 : i32 to index
      %get3A_871 = arith.constant 16 : index
      %get3A_872 = tpu.vector_load %arg11[%get3A_870, %get3A_871] {strides = array<i32>} : memref<128x32xf32, #tpu.memory_space<vmem>>, vector<1x16xf32>,
      %get3A_873 = vector.shape_cast %get3A_872 : vector<1x16xf32> to vector<16xf32>
      %get3A_874 = arith.index_cast %scan3A_803 : i32 to index
      %get3A_875 = arith.constant 16 : index
      %get3A_876 = tpu.vector_load %arg12[%get3A_874, %get3A_875] {strides = array<i32>} : memref<128x32xf32, #tpu.memory_space<vmem>>, vector<1x16xf32>,
      %get3A_877 = vector.shape_cast %get3A_876 : vector<1x16xf32> to vector<16xf32>
      %get3A_878 = arith.index_cast %scan3A_803 : i32 to index
      %get3A_879 = arith.constant 16 : index
      %get3A_880 = tpu.vector_load %arg13[%get3A_878, %get3A_879] {strides = array<i32>} : memref<128x32xf32, #tpu.memory_space<vmem>>, vector<1x16xf32>,
      %get3A_881 = vector.shape_cast %get3A_880 : vector<1x16xf32> to vector<16xf32>
      %add3A_882 = arith.addf %get3A_853, %get3A_857 : vector<16xf32>
      %add3A_883 = arith.addf %get3A_861, %get3A_865 : vector<16xf32>
      %add3A_884 = arith.addf %get3A_869, %get3A_873 : vector<16xf32>
      %add3A_885 = arith.addf %get3A_877, %get3A_881 : vector<16xf32>
      %add3A_886 = arith.addf %add3A_882, %add3A_883 : vector<16xf32>
      %add3A_887 = arith.addf %add3A_884, %add3A_885 : vector<16xf32>
      %add3A_888 = arith.addf %add3A_886, %add3A_887 : vector<16xf32>
      %mul3A_889 = vector.broadcast %scan3A_139 : f32 to vector<16xf32>
      %mul3A_890 = arith.mulf %add3A_888, %mul3A_889 : vector<16xf32>
      %swap3A_891 = arith.index_cast %scan3A_803 : i32 to index
      %swap3A_892 = arith.constant 16 : index
      %swap3A_893 = tpu.vector_load %arg6[%swap3A_891, %swap3A_892] {strides = array<i32>} : memref<128x32xf32, #tpu.memory_space<vmem>>, vector<1x16xf32>,
      %swap3A_894 = vector.shape_cast %swap3A_893 : vector<1x16xf32> to vector<16xf32>
      %swap3A_895 = vector.shape_cast %mul3A_890 : vector<16xf32> to vector<1x16xf32>
      tpu.vector_store %arg6[%swap3A_891, %swap3A_892], %swap3A_895 {strides = array<i32>} : memref<128x32xf32, #tpu.memory_space<vmem>>, vector<1x16xf32>,
    }
    %scan3A_144 = arith.constant 128 : i32
    %mul3A_145 = arith.constant 128 : i32
    %mul3A_146 = arith.muli %add3A, %mul3A_145 : i32
    "tpu.region"() ({
      %run_scoped3A = tpu.sem_alloc : memref<!tpu.dma_semaphore, #tpu.memory_space<semaphore_mem>>
      %dma_start3A_147 = arith.constant 0 : i32
      %dma_start3A_148 = tpu.memref_slice %arg4[%mul3A_146, %dma_start3A_147] : memref<4096x32xf32, #tpu.memory_space<hbm>> -> memref<128x32xf32, #tpu.memory_space<hbm>>
      %dma_start3A_149 = arith.constant 0 : i32
      %dma_start3A_150 = tpu.memref_slice %arg4[%mul3A_146, %dma_start3A_149] : memref<4096x32xf32, #tpu.memory_space<hbm>> -> memref<128x32xf32, #tpu.memory_space<hbm>>
      tpu.enqueue_dma source(%arg6 : memref<128x32xf32, #tpu.memory_space<vmem>>) target(%dma_start3A_150 : memref<128x32xf32, #tpu.memory_space<hbm>>) target_semaphore(%run_scoped3A : memref<!tpu.dma_semaphore, #tpu.memory_space<semaphore_mem>>)
      %dma_wait3A_151 = arith.constant 0 : i32
      %dma_wait3A_152 = tpu.memref_slice %arg4[%mul3A_146, %dma_wait3A_151] : memref<4096x32xf32, #tpu.memory_space<hbm>> -> memref<128x32xf32, #tpu.memory_space<hbm>>
      %dma_wait3A_153 = arith.constant 0 : i32
      %dma_wait3A_154 = tpu.memref_slice %arg4[%mul3A_146, %dma_wait3A_153] : memref<4096x32xf32, #tpu.memory_space<hbm>> -> memref<128x32xf32, #tpu.memory_space<hbm>>
      tpu.wait_dma2 semaphore(%run_scoped3A : memref<!tpu.dma_semaphore, #tpu.memory_space<semaphore_mem>>) src(%arg6 : memref<128x32xf32, #tpu.memory_space<vmem>>) dst(%dma_wait3A_154 : memref<128x32xf32, #tpu.memory_space<hbm>>)
      tpu.yield
    }) : () -> ()
    return
  }
}

module attributes {stable_mosaic.version = 14 : i64} {
  func.func @_tc_transpose_body(%arg0: i32, %arg1: memref<32x32768xf32, #tpu.memory_space<vmem>>, %arg2: memref<8192x128xf32, #tpu.memory_space<vmem>>) attributes {dimension_semantics = [#tpu.dimension_semantics<arbitrary>], iteration_bounds = array<i64: 31>, scalar_prefetch = 0 : i64, scratch_operands = 0 : i64, tpu.core_type = #tpu.core_type<tc>, window_params = [{transform_indices = @transform_0, window_bounds = array<i64: 32, 32768>}, {transform_indices = @transform_1, window_bounds = array<i64: 8192, 128>}]} {
    %get3A = arith.constant 0 : index
    %get3A_0 = arith.constant 0 : index
    %get3A_1 = vector.load %arg1[%get3A, %get3A_0] : memref<32x32768xf32, #tpu.memory_space<vmem>>, vector<32x8192xf32>
    %get3A_2 = arith.constant 0 : index
    %get3A_3 = arith.constant 8192 : index
    %get3A_4 = vector.load %arg1[%get3A_2, %get3A_3] : memref<32x32768xf32, #tpu.memory_space<vmem>>, vector<32x8192xf32>
    %get3A_5 = arith.constant 0 : index
    %get3A_6 = arith.constant 16384 : index
    %get3A_7 = vector.load %arg1[%get3A_5, %get3A_6] : memref<32x32768xf32, #tpu.memory_space<vmem>>, vector<32x8192xf32>
    %get3A_8 = arith.constant 0 : index
    %get3A_9 = arith.constant 24576 : index
    %get3A_10 = vector.load %arg1[%get3A_8, %get3A_9] : memref<32x32768xf32, #tpu.memory_space<vmem>>, vector<32x8192xf32>
    %concatenate3A = tpu.concatenate %get3A_1, %get3A_4, %get3A_7, %get3A_10 in 0 : vector<32x8192xf32>, vector<32x8192xf32>, vector<32x8192xf32>, vector<32x8192xf32> -> vector<128x8192xf32>
    %transpose3A = tpu.transpose %concatenate3A, [1, 0] : vector<128x8192xf32> -> vector<8192x128xf32>
    %swap3A = arith.constant 0 : index
    %swap3A_11 = arith.constant 0 : index
    %swap3A_12 = vector.load %arg2[%swap3A, %swap3A_11] : memref<8192x128xf32, #tpu.memory_space<vmem>>, vector<8192x128xf32>
    tpu.vector_store %arg2[%swap3A, %swap3A_11], %transpose3A {strides = array<i32>} : memref<8192x128xf32, #tpu.memory_space<vmem>>, vector<8192x128xf32>,
    return
  }
  func.func @transform_0(%arg0: i32) -> (i32, i32) {
    %c0_i32 = arith.constant 0 : i32
    %c0_i32_0 = arith.constant 0 : i32
    return %c0_i32, %arg0 : i32, i32
  }
  func.func @transform_1(%arg0: i32) -> (i32, i32) {
    %c0_i32 = arith.constant 0 : i32
    %c0_i32_0 = arith.constant 0 : i32
    return %arg0, %c0_i32 : i32, i32
  }
}

</mosaic_0001>

<sc_bundles>
// kernel: kernel.4.cloned.1.call-start
scs
__scs_entry_jumppad:
0x0: {  	(pc) =	sbr.rel $0x88, $3  }
0x1: {  	(tag) =	ssettag $0x0;
	lr =	simm.s32 $0x1  }
0x2: {  	[smem:$0x3F9F] =	sst lr;
	_ =	strace $0xD0000000  }
0x3: {  	_ = 	snop  }
0x4: {  	_ = 	snop  }
0x5: {  	_ = 	snop  }
0x6: {  	_ = 	snop  }
0x7: {  	_ = 	snop  }
__scs_overlays_trampoline_lowered:
0x8: {  	[smem:$0x3FAE] =	sst s0  }
0x9: {  	[smem:$0x3FAF] =	sst s1  }
0xa: {  	[smem:$0x3FB0] =	sst s2  }
0xb: {  	[smem:$0x3FB1] =	sst s3  }
0xc: {  	[smem:$0x3FB2] =	sst s4  }
0xd: {  	[smem:$0x3FB3] =	sst s5  }
0xe: {  	[smem:$0x3FB4] =	sst s6  }
0xf: {  	[smem:$0x3FB5] =	sst s7  }
0x10: {  	[smem:$0x3FB6] =	sst s8  }
0x11: {  	[smem:$0x3FB7] =	sst s9;
	s0 =	simm.s32 @!p0 $0x0  }
0x12: {  	s1 =	sld [smem:$0x3F9D];
	s0 =	simm.s32 @p0 $0x1  }
0x13: {  	[smem:$0x3FB8] =	sst s0;
	s0 =	simm.s32 @!p1 $0x0  }
0x14: {  	s2 =	sld [smem:$0x3F9C];
	s0 =	simm.s32 @p1 $0x1  }
0x15: {  	[smem:$0x3FB9] =	sst s0;
	s0 =	simm.s32 @!p2 $0x0  }
0x16: {  	s3 =	sld [smem:$0x3FDB];
	s0 =	simm.s32 @p2 $0x1  }
0x17: {  	s4 =	simm.s32 $0x1BF5;
	[smem:$0x3FBB] =	sst s0  }
0x18: {  	s0 =	sld [smem:$0x3F9E];
	_ =	swait.ge [sflag:s4], $0x0  }
0x19: {  	s7 =	sld [smem:$0x3F9F]  }
0x1a: {  	s8 =	sadd.s32 $0xFFFFE003, lr  }
0x1b: {  	s9 =	sadd.s32 $0xFFFFFEF7, lr;
	s5 =	simm.s32 $0xFFFFFFFF;
	p2 =	slt.u32 s8, $0xFFFFF086  }
0x1c: {  	p1 =	slt.u32 s9, $0xF7A;
	s5 =	simm.s32 @!p2 $0x0  }
0x1d: {  	s5 =	simm.s32 @p1 $0x1;
	p0 =	seq.s32 s7, s2  }
0x1e: {  	s7 =	smul.u32 @!p0 $0xF7A, s2;
	p2 =	seq.s32 @!p0 s5, $0x0  }
0x1f: {  	s9 =	smul.u32 $0xF7A, s1;
	s8 =	simm.s32 @!p0 $0x1BF5;
	p2 =	por !p2, p0  }
0x20: {  	[sflag:s8] =	ssyncset.s32 @!p0 $0xFFFFF086;
	s6 =	sadd.s32 @!p0 s3, s7;
	s7 =	simm.s32 @!p0 $0x108  }
0x21: {  	s3 =	sadd.s32 s3, s9;
	s6 =	sadd.s32 @!p0 $0x88, s6;
	s7 =	simm.s32 @p2 $0x1082  }
0x22: {  	[simem:s7], [sflag:s8] =	dma.local @!p0 [hbm:s6], $0xF7A  }
0x23: {  	s9 =	sor.u32 $0xD0000000, s2;
	s6 =	simm.s32 $0x108;
	_ =	swait.ge @!p0 [sflag:s8], $0x0  }
0x24: {  	s3 =	sadd.s32 $0x88, s3;
	s6 =	simm.s32 @!p1 $0x1082;
	[sflag:s4] =	ssyncset.s32 $0xFFFFF086  }
0x25: {  	[simem:s6], [sflag:s4] =	dma.local [hbm:s3], $0xF7A  }
0x26: {  	[smem:$0x3F9F] =	sst s1;
	(tag) =	ssettag s2;
	_ =	strace s9  }
0x27: {  	s1 =	sld [smem:$0x3FAF]  }
0x28: {  	s2 =	sld [smem:$0x3FB0]  }
0x29: {  	s4 =	sld [smem:$0x3FB2]  }
0x2a: {  	p0 =	seq.s32 s5, $0x0;
	s5 =	sld [smem:$0x3FB3]  }
0x2b: {  	s6 =	sld [smem:$0x3FB4]  }
0x2c: {  	s7 =	sld [smem:$0x3FB5]  }
0x2d: {  	s3 =	simm.s32 $0x108;
	s8 =	sld [smem:$0x3FB6]  }
0x2e: {  	s3 =	simm.s32 @!p0 $0x1082;
	s9 =	sld [smem:$0x3FB7]  }
0x2f: {  	lr =	sadd.s32 s0, s3;
	s0 =	sld [smem:$0x3FAE]  }
0x30: {  	s3 =	sld [smem:$0x3FB1]  }
0x31: {  	[smem:$0x3FBA] =	sst s10  }
0x32: {  	s10 =	sld [smem:$0x3FB8];
	_ =	sdelay $0x3  }
0x33: {  	p0 =	seq.s32 s10, $0x1;
	s10 =	sld [smem:$0x3FBA];
	_ =	sdelay $0x3  }
0x34: {  	[smem:$0x3FBA] =	sst s10  }
0x35: {  	s10 =	sld [smem:$0x3FB9];
	_ =	sdelay $0x3  }
0x36: {  	p1 =	seq.s32 s10, $0x1;
	s10 =	sld [smem:$0x3FBA];
	_ =	sdelay $0x3  }
0x37: {  	[smem:$0x3FBA] =	sst s10  }
0x38: {  	s10 =	sld [smem:$0x3FBB]  }
0x39: {  	_ = 	snop;
	(pc) =	sbr.ind lr, $3  }
0x3a: {  	_ = 	snop  }
0x3b: {  	_ = 	snop  }
0x3c: {  	p2 =	seq.s32 s10, $0x1;
	s10 =	sld [smem:$0x3FBA]  }
0x3d: {  	_ =	shalt  }
0x3e: {  	_ =	shalt  }
0x3f: {  	_ =	shalt  }
0x40: {  	_ =	shalt  }
0x41: {  	_ =	shalt  }
0x42: {  	_ =	shalt  }
0x43: {  	_ =	shalt  }
0x44: {  	_ =	shalt  }
0x45: {  	_ =	shalt  }
0x46: {  	_ =	shalt  }
0x47: {  	_ =	shalt  }
0x48: {  	_ =	shalt  }
0x49: {  	_ =	shalt  }
0x4a: {  	_ =	shalt  }
0x4b: {  	_ =	shalt  }
0x4c: {  	_ =	shalt  }
0x4d: {  	_ =	shalt  }
0x4e: {  	_ =	shalt  }
0x4f: {  	_ =	shalt  }
0x50: {  	_ =	shalt  }
0x51: {  	_ =	shalt  }
0x52: {  	_ =	shalt  }
0x53: {  	_ =	shalt  }
0x54: {  	_ =	shalt  }
0x55: {  	_ =	shalt  }
0x56: {  	_ =	shalt  }
0x57: {  	_ =	shalt  }
0x58: {  	_ =	shalt  }
0x59: {  	_ =	shalt  }
0x5a: {  	_ =	shalt  }
0x5b: {  	_ =	shalt  }
0x5c: {  	_ =	shalt  }
0x5d: {  	_ =	shalt  }
0x5e: {  	_ =	shalt  }
0x5f: {  	_ =	shalt  }
0x60: {  	_ =	shalt  }
0x61: {  	_ =	shalt  }
0x62: {  	_ =	shalt  }
0x63: {  	_ =	shalt  }
0x64: {  	_ =	shalt  }
0x65: {  	_ =	shalt  }
0x66: {  	_ =	shalt  }
0x67: {  	_ =	shalt  }
0x68: {  	_ =	shalt  }
0x69: {  	_ =	shalt  }
0x6a: {  	_ =	shalt  }
0x6b: {  	_ =	shalt  }
0x6c: {  	_ =	shalt  }
0x6d: {  	_ =	shalt  }
0x6e: {  	_ =	shalt  }
0x6f: {  	_ =	shalt  }
0x70: {  	_ =	shalt  }
0x71: {  	_ =	shalt  }
0x72: {  	_ =	shalt  }
0x73: {  	_ =	shalt  }
0x74: {  	_ =	shalt  }
0x75: {  	_ =	shalt  }
0x76: {  	_ =	shalt  }
0x77: {  	_ =	shalt  }
0x78: {  	_ =	shalt  }
0x79: {  	_ =	shalt  }
0x7a: {  	_ =	shalt  }
0x7b: {  	_ =	shalt  }
0x7c: {  	_ =	shalt  }
0x7d: {  	_ =	shalt  }
0x7e: {  	_ =	shalt  }
0x7f: {  	_ =	shalt  }
0x80: {  	_ =	shalt  }
0x81: {  	_ =	shalt  }
0x82: {  	_ =	shalt  }
0x83: {  	_ =	shalt  }
0x84: {  	_ =	shalt  }
0x85: {  	_ =	shalt  }
0x86: {  	_ =	shalt  }
0x87: {  	_ =	shalt  }
.Lfunc_end0:
.L_simem_size_0:
called_computation_lowered:
.L_overlay_start_0:
0x88: {  	s2 =	sld [smem:$0x3FD9]  }
0x89: {  	s3 =	sld [smem:$0x3FFE];
	_ =	sdelay $0x1  }
0x8a: {  	s1 =	srdreg.scid  }
0x8b: {  	s0 =	sand.u32 $0x1, s1  }
0x8c: {  	s17 =	sshll.u32 s0, $0xA;
	s2 =	sadd.s32 s3, s2  }
0x8d: {  	s2 =	sadd.s32 s2, s17  }
0x8e: {  	[smem:$0x3FC6] =	sst s2  }
0x8f: {  	_ = 	snop  }
0x90: {  	s2 =	sld [smem:$0x3FC9]  }
0x91: {  	s18 =	sld [smem:$0x3FD0];
	(tm) =	ssettm $0x1  }
0x92: {  	s4 =	sld [smem:$0x3FFB];
	_ =	sdelay $0x3  }
0x93: {  	_ =	strace s4  }
0x94: {  	s4 =	sld [smem:$0x3FFC];
	_ =	sdelay $0x3  }
0x95: {  	_ =	strace s4  }
0x96: {  	s4 =	sld [smem:$0x3FFD];
	_ =	sdelay $0x3  }
0x97: {  	_ =	strace s4  }
0x98: {  	_ =	strace $0x8FFFFFFF  }
0x99: {  	s19 =	sld [smem:$0x3FDB];
	_ =	sdelay $0x1  }
0x9a: {  	s5 =	simm.s32 $_scs_section_size  }
0x9b: {  	s6 =	simm.s32 $_size__tile_overlayer_lowered;
	s7 =	simm.s32 $_tile_overlayer_lowered  }
0x9c: {  	s22 =	simm.s32 $0x1BFF;
	s21 =	sshll.u32 s7, $0x1;
	s4 =	sadd.s32 s5, s19  }
0x9d: {  	s8 =	simm.s32 $0x0;
	s20 =	sshll.u32 s6, $0x1;
	s6 =	sadd.s32 s21, s4  }
0x9e: {  	[timem:s8], [sflag:s22] =	dma.local [hbm:s6], s20  }
0x9f: {  	_ =	swait.ge [sflag:s22], s20  }
0xa0: {  	s5 =	ssub.s32 $0x0, s20;
	[sflag:s22] =	ssyncset.done $0x0  }
0xa1: {  	[sflag:s22] =	ssyncadd.s32 s5;
	_ =	sdelay $0x1  }
0xa2: {  	s23 =	simm.s32 $0x1B8B  }
0xa3: {  	_ =	swait.ge [sflag:s23], $0x1  }
0xa4: {  	[sflag:s23] =	ssyncset.done $0x0  }
0xa5: {  	s25 =	simm.s32 $0x1B8E;
	s24 =	sld [smem:$0x3FFE];
	[sflag:s23] =	ssyncadd.s32 $0xFFFFFFFF  }
0xa6: {  	s26 =	simm.s32 $execute0_lowered;
	[smem:$0x3FD2] =	sst s25  }
0xa7: {  	s6 =	sshll.u32 s26, $0x1;
	_ =	strace $0x80000046;
	[dreg:$0x1] =	wrdreg $0xFFFFFFFF  }
0xa8: {  	s28 =	simm.s32 $_size_execute0_lowered;
	s4 =	sadd.s32 s4, s6;
	[dreg:$0x0] =	wrdreg $0x0  }
0xa9: {  	s6 =	sshll.u32 s28, $0x1;
	[dreg:$0x2] =	wrdreg s4  }
0xaa: {  	[dreg:$0x3] =	wrdreg s6  }
0xab: {  	[dreg:$0x4] =	wrdreg $0xC0  }
0xac: {  	_ =	task [dreg:s8], $0x5FFFF  }
0xad: {  	[dreg:$0x1] =	wrdreg $0xFFFFFFFF  }
0xae: {  	[dreg:$0x0] =	wrdreg $0x60  }
0xaf: {  	[dreg:$0x2] =	wrdreg s2  }
0xb0: {  	[dreg:$0x3] =	wrdreg s24  }
0xb1: {  	[dreg:$0x4] =	wrdreg s18  }
0xb2: {  	[dreg:$0x5] =	wrdreg $0x9  }
0xb3: {  	_ =	task.clear_ibuf [dreg:s8], $0x6FFFF;
	_ =	strace $0x90000046  }
0xb4: {  	s29 =	simm.s32 $0x9;
	_ =	strace $0x80000048  }
0xb5: {  	_ =	swait.ge [sflag:s29], $0x1  }
0xb6: {  	[sflag:s29] =	ssyncadd.s32 $0xFFFFFFFF  }
0xb7: {  	_ =	strace $0x90000048  }
0xb8: {  	_ =	sfence  }
0xb9: {  	s30 =	sld [smem:$0x0];
	_ =	sdelay $0x2  }
0xba: {  	s31 =	sshll.u32 s1, $0xD;
	s1 =	sshrl.u32 s1, $0x2  }
0xbb: {  	s3 =	sand.u32 $0x4000, s31;
	s1 =	sadd.s32 s1, s30  }
0xbc: {  	s0 =	sor.u32 s3, s0;
	s1 =	sshll.u32 s1, $0x11  }
0xbd: {  	s0 =	sor.u32 s1, s0  }
0xbe: {  	s0 =	sadd.s32 $0x8F2B, s0  }
0xbf: {  	[sflag:s0] =	ssyncadd.remote.s32 $0x1  }
0xc0: {  	_ =	sfence.sel $0xFFFF  }
0xc1: {  	[dreg:$0x0] =	wrdreg $0xFFFFFFFF;
	(pc) =	sbr.abs _section_cstart, $3  }
0xc2: {  	[dreg:$0x1] =	wrdreg $0xFFFFFFFF  }
0xc3: {  	_ =	task.clear_ibuf [dreg:s8], $0x2FFFF;
	_ =	strace $0x9FFFFFFF  }
0xc4: {  	(tm) =	ssettm $0x7FFFFFFF  }
0xc5: {  	_ =	shalt  }
tec
execute0_lowered:
.L_overlay_start_1:
0x0: {  	(tag) =	ssettag $0x1  }
0x1: {  	s0 =	rddreg [dreg:$0x0]  }
0x2: {  	s1 =	rddreg [dreg:$0x1]  }
0x3: {  	s2 =	rddreg [dreg:$0x2];
	s8 =	simm.s32 $0x0  }
0x4: {  	s3 =	srdreg.scid;
	s6 =	stileid.u32;
	s9 =	simm.s32 $0x9  }
0x5: {  	s10 =	simm.s32 $0x80;
	s11 =	simm.s32 $0x6400;
	s12 =	simm.s32 $0x7400  }
0x6: {  	s14 =	simm.s32 $0x8400;
	s16 =	simm.s32 $0x9400;
	s18 =	simm.s32 $0xA400  }
0x7: {  	s20 =	simm.s32 $0xB400;
	s22 =	simm.s32 $0xC400;
	s24 =	simm.s32 $0xD400  }
0x8: {  	s28 =	simm.s32 $0x3;
	s29 =	simm.s32 $0x4;
	s30 =	simm.s32 $0x5  }
0x9: {  	s31 =	simm.s32 $0x6;
	s7 =	simm.s32 $0x0;
	[smem:$0x7FF] =	sst s8  }
0xa: {  	s4 =	sand.u32 $0x1, s3;
	s6 =	sshll.u32 s6, $0x1;
	s3 =	sadd.s32 $0x400, s1  }
0xb: {  	_ =	strace $0x80000047;
	s5 =	ssub.s32 $0x2, s4;
	s4 =	sor.u32 s4, s6  }
0xc: {  	s25 =	sshrl.u32 s5, $0x1;
	s26 =	sshll.u32 s4, $0x7;
	s4 =	sshll.u32 s4, $0x9  }
0xd: {  	s1 =	ssub.s32 s5, s25;
	s0 =	sadd.s32 s0, s26;
	s5 =	sadd.s32 s2, s4  }
0xe: {  	s25 =	simm.s32 $0x1;
	s26 =	simm.s32 $0x2;
	[dreg:$0x4] =	wrdreg s0  }
0xf: {  	s6 =	smax.u32 s1, $0x1;
	s0 =	simm.s32 $0x7;
	s1 =	simm.s32 $0x8  }
.LBB2_1:
0x10: {  	s2 =	rddreg [dreg:$0x4];
	s4 =	simm.s32 $0x400;
	s13 =	simm.s32 $0x8000  }
0x11: {  	[tilespmem:s8], [sflag:$0x9] =	stream.strided.gather [hbm4b:s2+s4], $0x6400, s13, s4, $0x38;
	[tilespmem:$0xE400] =	vst v63  }
0x12: {  	_ =	swait.ge [sflag:s9], $0x6400  }
0x13: {  	[sflag:s9] =	ssyncset.done $0x0  }
0x14: {  	s8 =	simm.s32 $0x0;
	[sflag:s9] =	ssyncadd.s32 $0xFFFF9C00  }
0x15: {  	v0 =	vld [tilespmem:s8+$0x0]  }
0x16: {  	v1 =	vld [tilespmem:s8+$0x10]  }
0x17: {  	v6 =	vld [tilespmem:s8+$0x30]  }
0x18: {  	v11 =	vld [tilespmem:s8+$0x70]  }
0x19: {  	v26 =	vld [tilespmem:s8+$0x90]  }
0x1a: {  	v27 =	vld [tilespmem:s8+$0xB0]  }
0x1b: {  	v15 =	vld [tilespmem:s8+$0xC0]  }
0x1c: {  	v17 =	vld [tilespmem:s8+$0xD0]  }
0x1d: {  	v30 =	vld [tilespmem:s8+$0xE0]  }
0x1e: {  	v33 =	vld [tilespmem:s8+$0xF0]  }
0x1f: {  	v35 =	vld [tilespmem:s8+$0x100]  }
0x20: {  	v37 =	vld [tilespmem:s8+$0x110];
	v3 =	vand.u32 $0xFFFF8000, v0;
	v4 =	vshll.u32 v0, $0x2;
	v0 =	vshrl.u32 v0, $0xD  }
0x21: {  	v21 =	vld [tilespmem:s8+$0x120];
	v5 =	vshll.u32 v1, $0x2;
	v7 =	vand.u32 $0xFFFF8000, v1;
	v1 =	vshrl.u32 v1, $0xD  }
0x22: {  	v23 =	vld [tilespmem:s8+$0x130];
	v8 =	vand.u32 $0xFFFF8000, v6;
	v13 =	vand.u32 $0xFFFF8000, v11;
	v14 =	vand.u32 $0xFFFF8000, v26  }
0x23: {  	v45 =	vld [tilespmem:s8+$0x140];
	v16 =	vshll.u32 v27, $0x2;
	v18 =	vand.u32 $0xFFFF8000, v27;
	v31 =	vshll.u32 v15, $0x2  }
0x24: {  	v49 =	vld [tilespmem:s8+$0x150];
	v32 =	vshll.u32 v17, $0x2;
	v19 =	vand.u32 $0xFFFF8000, v17;
	v17 =	vshrl.u32 v17, $0xD  }
0x25: {  	v51 =	vld [tilespmem:s8+$0x160];
	v34 =	vshll.u32 v30, $0x2;
	v36 =	vand.u32 $0xFFFF8000, v30;
	v38 =	vshll.u32 v33, $0x2  }
0x26: {  	v20 =	vand.u32 $0xFFFF8000, v33;
	v41 =	vand.u32 $0xFFFF8000, v35;
	v42 =	vshll.u32 v35, $0x2  }
0x27: {  	v22 =	vshll.u32 v37, $0x2;
	v24 =	vand.u32 $0xFFFF8000, v37;
	v46 =	vand.u32 $0xFFFF8000, v21  }
0x28: {  	v47 =	vshll.u32 v21, $0x2;
	v21 =	vshrl.u32 v21, $0xD;
	v48 =	vshll.u32 v23, $0x2  }
0x29: {  	v25 =	vand.u32 $0xFFFF8000, v23;
	v23 =	vshrl.u32 v23, $0xD;
	v50 =	vshll.u32 v45, $0x2  }
0x2a: {  	v53 =	vld [tilespmem:s8+$0x170];
	v52 =	vand.u32 $0xFFFF8000, v45;
	v54 =	vshll.u32 v49, $0x2;
	v58 =	vand.u32 $0xFFFF8000, v51  }
0x2b: {  	v57 =	vld [tilespmem:s8+$0x1A0];
	v4 =	vand.u32 $0x7FFC, v4;
	v0 =	vand.u32 $0x3, v0;
	v5 =	vand.u32 $0x7FFC, v5  }
0x2c: {  	v2 =	vld [tilespmem:s8+$0x20];
	v16 =	vand.u32 $0x7FFC, v16;
	v17 =	vand.u32 $0x3, v17;
	v22 =	vand.u32 $0x7FFC, v22  }
0x2d: {  	v21 =	vand.u32 $0x3, v21;
	v23 =	vand.u32 $0x3, v23;
	v3 =	vor.u32 v3, v4  }
0x2e: {  	v4 =	vor.u32 v7, v5;
	v5 =	vand.u32 $0x3, v1;
	v16 =	vor.u32 v18, v16  }
0x2f: {  	v18 =	vshrl.u32 v33, $0xD;
	v43 =	vor.u32 v24, v22;
	v22 =	vand.u32 $0x7FFC, v48  }
0x30: {  	v24 =	vshrl.u32 v49, $0xD;
	v33 =	vand.u32 $0xFFFF8000, v53;
	v48 =	vand.u32 $0xFFFF8000, v57  }
0x31: {  	v1 =	vor.u32 v0, v3;
	v0 =	vor.u32 v5, v4;
	v3 =	vshll.u32 v2, $0x2  }
0x32: {  	v7 =	vld [tilespmem:s8+$0x50];
	v5 =	vand.u32 $0xFFFF8000, v2;
	v2 =	vshrl.u32 v2, $0xD;
	v40 =	vand.u32 $0x3, v18  }
0x33: {  	v4 =	vld [tilespmem:s8+$0x40];
	v22 =	vor.u32 v25, v22;
	v56 =	vand.u32 $0x3, v24;
	v3 =	vand.u32 $0x7FFC, v3  }
0x34: {  	v25 =	vshrl.u32 v53, $0xD;
	v3 =	vor.u32 v5, v3;
	v5 =	vshll.u32 v6, $0x2  }
0x35: {  	v2 =	vand.u32 $0x3, v2;
	v25 =	vand.u32 $0x3, v25;
	v5 =	vand.u32 $0x7FFC, v5  }
0x36: {  	v6 =	vshrl.u32 v6, $0xD;
	v2 =	vor.u32 v2, v3;
	v3 =	vor.u32 v8, v5  }
0x37: {  	v9 =	vld [tilespmem:s8+$0x60];
	v5 =	vand.u32 $0x3, v6;
	v10 =	vshll.u32 v7, $0x2;
	v12 =	vand.u32 $0xFFFF8000, v7  }
0x38: {  	v7 =	vshrl.u32 v7, $0xD;
	v6 =	vand.u32 $0xFFFF8000, v4;
	v8 =	vshll.u32 v4, $0x2  }
0x39: {  	v59 =	vld [tilespmem:s8+$0x1E0];
	v4 =	vshrl.u32 v4, $0xD;
	v10 =	vand.u32 $0x7FFC, v10;
	v7 =	vand.u32 $0x3, v7  }
0x3a: {  	v60 =	vld [tilespmem:s8+$0x1F0];
	v8 =	vand.u32 $0x7FFC, v8;
	v4 =	vand.u32 $0x3, v4;
	v10 =	vor.u32 v12, v10  }
0x3b: {  	v12 =	vshrl.u32 v26, $0xD;
	v8 =	vor.u32 v6, v8;
	v6 =	vor.u32 v5, v3  }
0x3c: {  	v3 =	vor.u32 v7, v10;
	v5 =	vand.u32 $0xFFFF8000, v9;
	v10 =	vshll.u32 v11, $0x2  }
0x3d: {  	v7 =	vld [tilespmem:s8+$0x80];
	v11 =	vshrl.u32 v11, $0xD;
	v4 =	vor.u32 v4, v8;
	v8 =	vshll.u32 v9, $0x2  }
0x3e: {  	v9 =	vshrl.u32 v9, $0xD;
	v10 =	vand.u32 $0x7FFC, v10;
	v11 =	vand.u32 $0x3, v11;
	[tilespmem:s8+$0x30] =	vst v6  }
0x3f: {  	v6 =	vshll.u32 v59, $0x2;
	[tilespmem:s8+$0x50] =	vst v3;
	v3 =	vand.u32 $0xFFFF8000, v60;
	v8 =	vand.u32 $0x7FFC, v8  }
0x40: {  	v63 =	vld [tilespmem:s8+$0x200];
	v9 =	vand.u32 $0x3, v9;
	v10 =	vor.u32 v13, v10;
	v13 =	vshrl.u32 v27, $0xD  }
0x41: {  	v27 =	vand.u32 $0xFFFF8000, v49;
	[tilespmem:s8+$0x40] =	vst v4;
	v4 =	vand.u32 $0x7FFC, v6;
	v5 =	vor.u32 v5, v8  }
0x42: {  	v8 =	vor.u32 v9, v5;
	v5 =	vor.u32 v11, v10;
	v10 =	vld [tilespmem:s8+$0xA0];
	v9 =	vshll.u32 v7, $0x2  }
0x43: {  	v13 =	vand.u32 $0x3, v13;
	v11 =	vand.u32 $0xFFFF8000, v7;
	v9 =	vand.u32 $0x7FFC, v9  }
0x44: {  	v7 =	vshrl.u32 v7, $0xD;
	v9 =	vor.u32 v11, v9;
	v11 =	vshll.u32 v26, $0x2  }
0x45: {  	[tilespmem:s8+$0x70] =	vst v5;
	v5 =	vand.u32 $0xFFFF8000, v63;
	v7 =	vand.u32 $0x3, v7;
	v11 =	vand.u32 $0x7FFC, v11  }
0x46: {  	v7 =	vor.u32 v7, v9;
	v9 =	vor.u32 v14, v11;
	v11 =	vand.u32 $0x3, v12  }
0x47: {  	v28 =	vand.u32 $0xFFFF8000, v10;
	v29 =	vshll.u32 v10, $0x2;
	v10 =	vshrl.u32 v10, $0xD  }
0x48: {  	v14 =	vand.u32 $0x7FFC, v29;
	v10 =	vand.u32 $0x3, v10;
	v12 =	vor.u32 v11, v9  }
0x49: {  	v26 =	vld [tilespmem:s8+$0x180];
	v9 =	vor.u32 v13, v16;
	v13 =	vand.u32 $0x7FFC, v31;
	v16 =	vand.u32 $0x7FFC, v32  }
0x4a: {  	v29 =	vshll.u32 v51, $0x2;
	v31 =	vshll.u32 v53, $0x2;
	v14 =	vor.u32 v28, v14  }
0x4b: {  	v16 =	vor.u32 v19, v16;
	v19 =	vshrl.u32 v37, $0xD;
	v29 =	vand.u32 $0x7FFC, v29  }
0x4c: {  	v31 =	vand.u32 $0x7FFC, v31;
	v11 =	vor.u32 v10, v14;
	v10 =	vand.u32 $0xFFFF8000, v15  }
0x4d: {  	v15 =	vshrl.u32 v15, $0xD;
	v14 =	vshrl.u32 v30, $0xD;
	v44 =	vand.u32 $0x3, v19  }
0x4e: {  	v29 =	vor.u32 v58, v29;
	v31 =	vor.u32 v33, v31;
	v61 =	vand.u32 $0xFFFF8000, v26  }
0x4f: {  	v32 =	vld [tilespmem:s8+$0x1C0];
	v62 =	vshll.u32 v26, $0x2;
	v26 =	vshrl.u32 v26, $0xD;
	v15 =	vand.u32 $0x3, v15  }
0x50: {  	v10 =	vor.u32 v10, v13;
	v14 =	vand.u32 $0x3, v14;
	v26 =	vand.u32 $0x3, v26  }
0x51: {  	v28 =	vld [tilespmem:s8+$0x190];
	v13 =	vor.u32 v15, v10;
	v10 =	vor.u32 v17, v16;
	v15 =	vand.u32 $0x7FFC, v34  }
0x52: {  	v53 =	vld [tilespmem:s8+$0x280];
	v17 =	vand.u32 $0x7FFC, v38;
	v16 =	vshrl.u32 v35, $0xD;
	v15 =	vor.u32 v36, v15  }
0x53: {  	v39 =	vor.u32 v20, v17;
	v20 =	vand.u32 $0x7FFC, v42;
	v16 =	vand.u32 $0x3, v16  }
0x54: {  	[tilespmem:s8+$0x0] =	vst v1;
	v30 =	vld [tilespmem:s8+$0x1B0];
	v1 =	vand.u32 $0xFFFF8000, v32;
	v15 =	vor.u32 v14, v15;
	v18 =	vor.u32 v41, v20  }
0x55: {  	v19 =	vor.u32 v40, v39;
	v14 =	vor.u32 v44, v43;
	v20 =	vshrl.u32 v45, $0xD  }
0x56: {  	v35 =	vshll.u32 v28, $0x2;
	v37 =	vand.u32 $0xFFFF8000, v28;
	v28 =	vshrl.u32 v28, $0xD  }
0x57: {  	v44 =	vand.u32 $0xFFFF8000, v53;
	v16 =	vor.u32 v16, v18;
	v18 =	vand.u32 $0x7FFC, v47  }
0x58: {  	v34 =	vld [tilespmem:s8+$0x1D0];
	v20 =	vand.u32 $0x3, v20;
	v35 =	vand.u32 $0x7FFC, v35;
	v28 =	vand.u32 $0x3, v28  }
0x59: {  	v38 =	vld [tilespmem:s8+$0x220];
	v49 =	vshll.u32 v30, $0x2;
	v41 =	vand.u32 $0xFFFF8000, v30;
	v30 =	vshrl.u32 v30, $0xD  }
0x5a: {  	v17 =	vor.u32 v46, v18;
	v35 =	vor.u32 v37, v35;
	v46 =	vshll.u32 v57, $0x2  }
0x5b: {  	v30 =	vand.u32 $0x3, v30;
	v18 =	vor.u32 v21, v17;
	v17 =	vor.u32 v23, v22  }
0x5c: {  	v36 =	vld [tilespmem:s8+$0x210];
	v21 =	vand.u32 $0x7FFC, v50;
	v23 =	vand.u32 $0x7FFC, v54;
	v22 =	vshrl.u32 v51, $0xD  }
0x5d: {  	v51 =	vshll.u32 v32, $0x2;
	v32 =	vshrl.u32 v32, $0xD;
	v43 =	vand.u32 $0xFFFF8000, v34  }
0x5e: {  	[tilespmem:s8+$0xA0] =	vst v11;
	v11 =	vshll.u32 v38, $0x2;
	v21 =	vor.u32 v52, v21;
	v55 =	vor.u32 v27, v23  }
0x5f: {  	[tilespmem:s8+$0x10] =	vst v0;
	v22 =	vand.u32 $0x3, v22;
	v27 =	vshrl.u32 v57, $0xD;
	v0 =	vand.u32 $0x7FFC, v51  }
0x60: {  	v45 =	vld [tilespmem:s8+$0x230];
	v32 =	vand.u32 $0x3, v32;
	v52 =	vshll.u32 v34, $0x2;
	v34 =	vshrl.u32 v34, $0xD  }
0x61: {  	[tilespmem:s8+$0x80] =	vst v7;
	v39 =	vld [tilespmem:s8+$0x250];
	v7 =	vand.u32 $0xFFFF8000, v36;
	v58 =	vshrl.u32 v36, $0xD;
	v11 =	vand.u32 $0x7FFC, v11  }
0x62: {  	v20 =	vor.u32 v20, v21;
	v24 =	vor.u32 v56, v55;
	v22 =	vor.u32 v22, v29  }
0x63: {  	v47 =	vld [tilespmem:s8+$0x240];
	v21 =	vor.u32 v25, v31;
	v25 =	vand.u32 $0x7FFC, v62;
	v27 =	vand.u32 $0x3, v27  }
0x64: {  	v0 =	vor.u32 v1, v0;
	v34 =	vand.u32 $0x3, v34;
	v55 =	vshrl.u32 v59, $0xD  }
0x65: {  	[tilespmem:s8+$0x60] =	vst v8;
	v56 =	vshll.u32 v60, $0x2;
	v29 =	vshrl.u32 v60, $0xD;
	v60 =	vshll.u32 v45, $0x2  }
0x66: {  	[tilespmem:s8+$0xB0] =	vst v9;
	v9 =	vand.u32 $0xFFFF8000, v45;
	v62 =	vshll.u32 v39, $0x2;
	v23 =	vor.u32 v61, v25  }
0x67: {  	[tilespmem:s8+$0xC0] =	vst v13;
	v13 =	vld [tilespmem:s8+$0x2D0];
	v1 =	vor.u32 v32, v0;
	v6 =	vand.u32 $0x3, v55;
	v8 =	vand.u32 $0x3, v29  }
0x68: {  	[tilespmem:s8+$0xD0] =	vst v10;
	v31 =	vand.u32 $0x7FFC, v60;
	v61 =	vshrl.u32 v45, $0xD;
	v10 =	vshll.u32 v47, $0x2  }
0x69: {  	v54 =	vld [tilespmem:s8+$0x290];
	v32 =	vshrl.u32 v39, $0xD;
	v45 =	vshll.u32 v53, $0x2;
	v25 =	vor.u32 v26, v23  }
0x6a: {  	v23 =	vor.u32 v28, v35;
	v26 =	vand.u32 $0x7FFC, v46;
	v35 =	vand.u32 $0x7FFC, v49  }
0x6b: {  	[tilespmem:s8+$0x130] =	vst v17;
	v9 =	vor.u32 v9, v31;
	v10 =	vand.u32 $0x7FFC, v10;
	v33 =	vand.u32 $0x3, v32  }
0x6c: {  	v57 =	vld [tilespmem:s8+$0x2A0];
	v46 =	vshrl.u32 v53, $0xD;
	v17 =	vand.u32 $0x7FFC, v45;
	[tilespmem:s8+$0x1C0] =	vst v1;
	v1 =	vand.u32 $0xFFFF8000, v13  }
0x6d: {  	[tilespmem:s8+$0x20] =	vst v2;
	v51 =	vld [tilespmem:s8+$0x310];
	v26 =	vor.u32 v48, v26;
	v50 =	vor.u32 v41, v35;
	v35 =	vand.u32 $0x7FFC, v52  }
0x6e: {  	[tilespmem:s8+$0x120] =	vst v18;
	v18 =	vand.u32 $0x3, v46;
	v48 =	vshll.u32 v54, $0x2;
	v49 =	vand.u32 $0xFFFF8000, v54  }
0x6f: {  	v40 =	vld [tilespmem:s8+$0x260];
	[tilespmem:s8+$0x100] =	vst v16;
	v16 =	vor.u32 v44, v17;
	v26 =	vor.u32 v27, v26;
	v2 =	vor.u32 v43, v35  }
0x70: {  	[tilespmem:s8+$0x140] =	vst v20;
	v27 =	vor.u32 v30, v50;
	v30 =	vand.u32 $0x7FFC, v56;
	v20 =	vand.u32 $0x7FFC, v48  }
0x71: {  	v50 =	vshrl.u32 v54, $0xD;
	v54 =	vor.u32 v18, v16;
	v55 =	vand.u32 $0xFFFF8000, v57  }
0x72: {  	v56 =	vshll.u32 v57, $0x2;
	v57 =	vshrl.u32 v57, $0xD;
	v44 =	vshll.u32 v51, $0x2  }
0x73: {  	v46 =	vand.u32 $0xFFFF8000, v51;
	v0 =	vor.u32 v34, v2;
	v2 =	vand.u32 $0xFFFF8000, v59  }
0x74: {  	v42 =	vld [tilespmem:s8+$0x270];
	v59 =	vshrl.u32 v38, $0xD;
	v34 =	vand.u32 $0xFFFF8000, v40;
	v52 =	vor.u32 v49, v20  }
0x75: {  	v41 =	vld [tilespmem:s8+$0x350];
	v53 =	vand.u32 $0x3, v50;
	v18 =	vand.u32 $0x7FFC, v56;
	v20 =	vand.u32 $0x3, v57  }
0x76: {  	[tilespmem:s8+$0x90] =	vst v12;
	v2 =	vor.u32 v2, v4;
	v4 =	vor.u32 v3, v30;
	v12 =	vand.u32 $0x3, v59  }
0x77: {  	v35 =	vld [tilespmem:s8+$0x340];
	v16 =	vor.u32 v53, v52;
	v17 =	vor.u32 v55, v18;
	v3 =	vor.u32 v6, v2  }
0x78: {  	v48 =	vld [tilespmem:s8+$0x370];
	v2 =	vor.u32 v8, v4;
	v4 =	vshll.u32 v63, $0x2;
	v6 =	vshrl.u32 v63, $0xD  }
0x79: {  	v28 =	vld [tilespmem:s8+$0x2E0];
	v63 =	vand.u32 $0xFFFF8000, v39;
	v39 =	vand.u32 $0xFFFF8000, v42;
	v17 =	vor.u32 v20, v17  }
0x7a: {  	[tilespmem:s8+$0x280] =	vst v54;
	v4 =	vand.u32 $0x7FFC, v4;
	v53 =	vand.u32 $0xFFFF8000, v41;
	v54 =	vshrl.u32 v41, $0xD  }
0x7b: {  	v30 =	vld [tilespmem:s8+$0x2C0];
	v4 =	vor.u32 v5, v4;
	v5 =	vand.u32 $0x3, v6;
	v6 =	vshll.u32 v36, $0x2  }
0x7c: {  	v36 =	vshrl.u32 v40, $0xD;
	v50 =	vshrl.u32 v35, $0xD;
	v55 =	vand.u32 $0x3, v54  }
0x7d: {  	v8 =	vld [tilespmem:s8+$0x2B0];
	v57 =	vshll.u32 v48, $0x2;
	v6 =	vand.u32 $0x7FFC, v6;
	v4 =	vor.u32 v5, v4  }
0x7e: {  	v37 =	vand.u32 $0x3, v36;
	v36 =	vand.u32 $0xFFFF8000, v28;
	v5 =	vor.u32 v7, v6  }
0x7f: {  	v6 =	vand.u32 $0x3, v58;
	v7 =	vand.u32 $0xFFFF8000, v38;
	v38 =	vshll.u32 v42, $0x2  }
0x80: {  	v29 =	vand.u32 $0xFFFF8000, v30;
	v31 =	vshrl.u32 v30, $0xD;
	v7 =	vor.u32 v7, v11  }
0x81: {  	[tilespmem:s8+$0xE0] =	vst v15;
	v11 =	vand.u32 $0x3, v61;
	v5 =	vor.u32 v6, v5;
	v15 =	vand.u32 $0x7FFC, v38  }
0x82: {  	v56 =	vld [tilespmem:s8+$0x3A0];
	v58 =	vshll.u32 v8, $0x2;
	v60 =	vand.u32 $0xFFFF8000, v8;
	v8 =	vshrl.u32 v8, $0xD  }
0x83: {  	v38 =	vshrl.u32 v28, $0xD;
	v6 =	vor.u32 v12, v7;
	v7 =	vor.u32 v11, v9  }
0x84: {  	v9 =	vand.u32 $0xFFFF8000, v47;
	v11 =	vshrl.u32 v47, $0xD;
	v12 =	vand.u32 $0x7FFC, v62  }
0x85: {  	[tilespmem:s8+$0x170] =	vst v21;
	v21 =	vand.u32 $0x7FFC, v58;
	v8 =	vand.u32 $0x3, v8;
	v62 =	vshll.u32 v30, $0x2  }
0x86: {  	v45 =	vld [tilespmem:s8+$0x360];
	v11 =	vand.u32 $0x3, v11;
	v9 =	vor.u32 v9, v10;
	v10 =	vor.u32 v63, v12  }
0x87: {  	[tilespmem:s8+$0x110] =	vst v14;
	v59 =	vld [tilespmem:s8+$0x320];
	v61 =	vor.u32 v60, v21;
	v18 =	vand.u32 $0x7FFC, v62;
	v60 =	vshrl.u32 v56, $0xD  }
0x88: {  	[tilespmem:s8+$0x150] =	vst v24;
	v9 =	vor.u32 v11, v9;
	v10 =	vor.u32 v33, v10;
	v11 =	vshll.u32 v40, $0x2  }
0x89: {  	[tilespmem:s8+$0x190] =	vst v23;
	v40 =	vshrl.u32 v42, $0xD;
	v42 =	vor.u32 v39, v15;
	v8 =	vor.u32 v8, v61  }
0x8a: {  	[tilespmem:s8+$0x1D0] =	vst v0;
	v47 =	vld [tilespmem:s8+$0x300];
	v18 =	vor.u32 v29, v18;
	v33 =	vand.u32 $0x3, v31;
	v39 =	vand.u32 $0x3, v38  }
0x8b: {  	v11 =	vand.u32 $0x7FFC, v11;
	v43 =	vand.u32 $0x3, v40;
	v0 =	vor.u32 v33, v18;
	[tilespmem:s8+$0x240] =	vst v9  }
0x8c: {  	v58 =	vld [tilespmem:s8+$0x3B0];
	v9 =	vshrl.u32 v59, $0xD;
	[tilespmem:s8+$0x2B0] =	vst v8;
	v8 =	vand.u32 $0xFFFF8000, v45;
	v11 =	vor.u32 v34, v11  }
0x8d: {  	[tilespmem:s8+$0x1E0] =	vst v3;
	v14 =	vor.u32 v43, v42;
	v34 =	vshll.u32 v13, $0x2;
	v13 =	vshrl.u32 v13, $0xD  }
0x8e: {  	v12 =	vld [tilespmem:s8+$0x2F0];
	[tilespmem:s8+$0x2C0] =	vst v0;
	v0 =	vand.u32 $0xFFFF8000, v48;
	v11 =	vor.u32 v37, v11;
	v23 =	vand.u32 $0x7FFC, v34  }
0x8f: {  	[tilespmem:s8+$0x200] =	vst v4;
	v13 =	vand.u32 $0x3, v13;
	v37 =	vshll.u32 v28, $0x2;
	v4 =	vand.u32 $0xFFFF8000, v47  }
0x90: {  	[tilespmem:s8+$0x210] =	vst v5;
	v63 =	vld [tilespmem:s8+$0x330];
	v5 =	vshll.u32 v47, $0x2;
	v43 =	vshrl.u32 v47, $0xD;
	v47 =	vshrl.u32 v51, $0xD  }
0x91: {  	[tilespmem:s8+$0x270] =	vst v14;
	v14 =	vand.u32 $0x3, v50;
	v51 =	vshll.u32 v41, $0x2;
	v61 =	vshll.u32 v58, $0x2  }
0x92: {  	[tilespmem:s8+$0x220] =	vst v6;
	v62 =	vshrl.u32 v58, $0xD;
	v1 =	vor.u32 v1, v23;
	v3 =	vand.u32 $0x7FFC, v37  }
0x93: {  	[tilespmem:s8+$0x230] =	vst v7;
	v40 =	vshll.u32 v12, $0x2;
	v42 =	vand.u32 $0xFFFF8000, v12;
	v12 =	vshrl.u32 v12, $0xD  }
0x94: {  	[tilespmem:s8+$0x250] =	vst v10;
	v5 =	vand.u32 $0x7FFC, v5;
	v6 =	vand.u32 $0x3, v43;
	v7 =	vand.u32 $0x3, v47  }
0x95: {  	[tilespmem:s8+$0x260] =	vst v11;
	v10 =	vand.u32 $0xFFFF8000, v63;
	v11 =	vshrl.u32 v63, $0xD;
	v15 =	vand.u32 $0x7FFC, v51  }
0x96: {  	v49 =	vld [tilespmem:s8+$0x380];
	[tilespmem:s8+$0x1F0] =	vst v2;
	v24 =	vand.u32 $0x7FFC, v40;
	v2 =	vor.u32 v36, v3;
	v12 =	vand.u32 $0x3, v12  }
0x97: {  	v1 =	vor.u32 v13, v1;
	v4 =	vor.u32 v4, v5;
	v13 =	vshrl.u32 v45, $0xD  }
0x98: {  	v52 =	vld [tilespmem:s8+$0x390];
	v3 =	vor.u32 v42, v24;
	v2 =	vor.u32 v39, v2;
	v4 =	vor.u32 v6, v4  }
0x99: {  	v6 =	vshll.u32 v59, $0x2;
	v3 =	vor.u32 v12, v3;
	v12 =	vand.u32 $0x7FFC, v44  }
0x9a: {  	v13 =	vand.u32 $0x3, v13;
	v6 =	vand.u32 $0x7FFC, v6;
	v5 =	vor.u32 v46, v12  }
0x9b: {  	[tilespmem:s8+$0x2E0] =	vst v2;
	v2 =	vand.u32 $0xFFFF8000, v49;
	v5 =	vor.u32 v7, v5;
	v7 =	vand.u32 $0xFFFF8000, v59  }
0x9c: {  	v6 =	vor.u32 v7, v6;
	v7 =	vand.u32 $0x3, v9;
	v9 =	vshll.u32 v63, $0x2  }
0x9d: {  	[tilespmem:s8+$0x300] =	vst v4;
	v4 =	vand.u32 $0xFFFF8000, v52;
	v9 =	vand.u32 $0x7FFC, v9;
	v6 =	vor.u32 v7, v6  }
0x9e: {  	v7 =	vor.u32 v10, v9;
	v9 =	vand.u32 $0x3, v11;
	v11 =	vshll.u32 v35, $0x2  }
0x9f: {  	[tilespmem:s8+$0xF0] =	vst v19;
	v12 =	vshrl.u32 v48, $0xD;
	v10 =	vand.u32 $0xFFFF8000, v35;
	v11 =	vand.u32 $0x7FFC, v11  }
0xa0: {  	[tilespmem:s8+$0x160] =	vst v22;
	v7 =	vor.u32 v9, v7;
	v10 =	vor.u32 v10, v11;
	v11 =	vor.u32 v53, v15  }
0xa1: {  	[tilespmem:s8+$0x180] =	vst v25;
	v9 =	vor.u32 v14, v10;
	v10 =	vor.u32 v55, v11;
	v11 =	vshll.u32 v45, $0x2  }
0xa2: {  	[tilespmem:s8+$0x310] =	vst v5;
	v5 =	vand.u32 $0xFFFF8000, v56;
	v15 =	vand.u32 $0x7FFC, v57;
	v11 =	vand.u32 $0x7FFC, v11  }
0xa3: {  	[tilespmem:s8+$0x1A0] =	vst v26;
	v63 =	vand.u32 $0x3, v62;
	v0 =	vor.u32 v0, v15;
	v8 =	vor.u32 v8, v11  }
0xa4: {  	[tilespmem:s8+$0x2D0] =	vst v1;
	v11 =	vand.u32 $0x3, v12;
	v1 =	vor.u32 v13, v8;
	v8 =	vshll.u32 v49, $0x2  }
0xa5: {  	[tilespmem:s8+$0x1B0] =	vst v27;
	v59 =	vld [tilespmem:s8+$0x3C0];
	v0 =	vor.u32 v11, v0;
	v11 =	vshrl.u32 v49, $0xD;
	v8 =	vand.u32 $0x7FFC, v8  }
0xa6: {  	[tilespmem:s8+$0x2F0] =	vst v3;
	v3 =	vand.u32 $0x3, v11;
	v2 =	vor.u32 v2, v8;
	v8 =	vshll.u32 v52, $0x2  }
0xa7: {  	[tilespmem:s8+$0x290] =	vst v16;
	v11 =	vshrl.u32 v52, $0xD;
	v8 =	vand.u32 $0x7FFC, v8;
	v2 =	vor.u32 v3, v2  }
0xa8: {  	[tilespmem:s8+$0x2A0] =	vst v17;
	v3 =	vor.u32 v4, v8;
	v8 =	vand.u32 $0x3, v11;
	v11 =	vshll.u32 v56, $0x2;
	v4 =	vld [tilespmem:s8+$0x3D0]  }
0xa9: {  	[tilespmem:s8+$0x320] =	vst v6;
	v6 =	vand.u32 $0xFFFF8000, v58;
	v14 =	vand.u32 $0x7FFC, v61;
	v11 =	vand.u32 $0x7FFC, v11  }
0xaa: {  	[tilespmem:s8+$0x340] =	vst v9;
	v9 =	vshll.u32 v59, $0x2;
	v13 =	vand.u32 $0x3, v60;
	v5 =	vor.u32 v5, v11  }
0xab: {  	[tilespmem:s8+$0x350] =	vst v10;
	v10 =	vshrl.u32 v59, $0xD;
	v11 =	vor.u32 v6, v14;
	v6 =	vor.u32 v13, v5;
	v5 =	vld [tilespmem:s8+$0x3E0]  }
0xac: {  	s13 =	simm.s32 $0x1000;
	[tilespmem:s8+$0x330] =	vst v7;
	v7 =	vor.u32 v8, v3;
	v8 =	vand.u32 $0xFFFF8000, v59;
	v3 =	vor.u32 v63, v11  }
.LBB2_2:
0xad: {  	p0 =	sne.s32 s13, $0x18000;
	[tilespmem:s8+$0x360] =	vst v1;
	v1 =	vand.u32 $0x7FFC, v9;
	v9 =	vand.u32 $0x3, v10;
	v10 =	vshll.u32 v4, $0x2;
	v11 =	vld [tilespmem:s8+$0x3F0]  }
0xae: {  	[tilespmem:s8+$0x370] =	vst v0;
	v0 =	vand.u32 $0xFFFF8000, v4;
	v10 =	vand.u32 $0x7FFC, v10;
	v4 =	vshrl.u32 v4, $0xD  }
0xaf: {  	v1 =	vor.u32 v8, v1;
	[tilespmem:s8+$0x380] =	vst v2;
	v0 =	vor.u32 v0, v10;
	v2 =	vand.u32 $0x3, v4  }
0xb0: {  	s2 =	sshra.s32 s13, $0x2;
	v1 =	vor.u32 v9, v1;
	[tilespmem:s8+$0x390] =	vst v7;
	v0 =	vor.u32 v2, v0;
	v2 =	vshll.u32 v5, $0x2  }
0xb1: {  	v4 =	vld [tilespmem:s2+$0x0];
	[tilespmem:s8+$0x3A0] =	vst v6;
	v6 =	vand.u32 $0xFFFF8000, v5;
	v2 =	vand.u32 $0x7FFC, v2;
	v5 =	vshrl.u32 v5, $0xD  }
0xb2: {  	v7 =	vld [tilespmem:s2+$0x10];
	[tilespmem:s8+$0x3B0] =	vst v3;
	v2 =	vor.u32 v6, v2;
	v3 =	vand.u32 $0x3, v5;
	v5 =	vshll.u32 v11, $0x2  }
0xb3: {  	v6 =	vshrl.u32 v11, $0xD;
	[tilespmem:s8+$0x3C0] =	vst v1;
	v1 =	vand.u32 $0xFFFF8000, v11;
	v5 =	vand.u32 $0x7FFC, v5  }
0xb4: {  	[tilespmem:s8+$0x3D0] =	vst v0;
	v0 =	vor.u32 v3, v2;
	v1 =	vor.u32 v1, v5;
	v2 =	vand.u32 $0x3, v6  }
0xb5: {  	v3 =	vld [tilespmem:s2+$0x20];
	[tilespmem:s8+$0x3E0] =	vst v0;
	v0 =	vor.u32 v2, v1  }
0xb6: {  	v1 =	vand.u32 $0xFFFF8000, v4;
	v2 =	vshll.u32 v4, $0x2;
	v4 =	vshrl.u32 v4, $0xD;
	[tilespmem:s8+$0x3F0] =	vst v0;
	s8 =	smov.u32 s2  }
0xb7: {  	v0 =	vand.u32 $0x7FFC, v2;
	v2 =	vand.u32 $0x3, v4;
	v4 =	vshll.u32 v7, $0x2;
	v5 =	vld [tilespmem:s8+$0x30]  }
0xb8: {  	v6 =	vand.u32 $0xFFFF8000, v7;
	v7 =	vshrl.u32 v7, $0xD;
	v4 =	vand.u32 $0x7FFC, v4  }
0xb9: {  	v0 =	vor.u32 v1, v0;
	v4 =	vor.u32 v6, v4;
	v6 =	vand.u32 $0x3, v7  }
0xba: {  	v1 =	vor.u32 v2, v0;
	v0 =	vor.u32 v6, v4;
	v2 =	vshll.u32 v3, $0x2;
	v4 =	vld [tilespmem:s8+$0x40]  }
0xbb: {  	v6 =	vand.u32 $0xFFFF8000, v3;
	v3 =	vshrl.u32 v3, $0xD;
	v2 =	vand.u32 $0x7FFC, v2;
	v7 =	vld [tilespmem:s8+$0x50]  }
0xbc: {  	v3 =	vand.u32 $0x3, v3;
	v2 =	vor.u32 v6, v2;
	v6 =	vshll.u32 v5, $0x2  }
0xbd: {  	v8 =	vand.u32 $0xFFFF8000, v5;
	v5 =	vshrl.u32 v5, $0xD;
	v6 =	vand.u32 $0x7FFC, v6  }
0xbe: {  	v2 =	vor.u32 v3, v2;
	v5 =	vand.u32 $0x3, v5;
	v3 =	vor.u32 v8, v6  }
0xbf: {  	v6 =	vand.u32 $0xFFFF8000, v4;
	v8 =	vshll.u32 v4, $0x2;
	v4 =	vshrl.u32 v4, $0xD;
	v9 =	vld [tilespmem:s8+$0x60]  }
0xc0: {  	v8 =	vand.u32 $0x7FFC, v8;
	v4 =	vand.u32 $0x3, v4;
	v10 =	vshll.u32 v7, $0x2;
	v11 =	vld [tilespmem:s8+$0x70]  }
0xc1: {  	v12 =	vand.u32 $0xFFFF8000, v7;
	v7 =	vshrl.u32 v7, $0xD;
	v10 =	vand.u32 $0x7FFC, v10  }
0xc2: {  	v6 =	vor.u32 v6, v8;
	v7 =	vand.u32 $0x3, v7;
	v8 =	vor.u32 v12, v10  }
0xc3: {  	v5 =	vor.u32 v5, v3;
	v4 =	vor.u32 v4, v6;
	v3 =	vor.u32 v7, v8;
	v8 =	vld [tilespmem:s8+$0x80]  }
0xc4: {  	v6 =	vand.u32 $0xFFFF8000, v9;
	v7 =	vshll.u32 v9, $0x2;
	v9 =	vshrl.u32 v9, $0xD  }
0xc5: {  	v7 =	vand.u32 $0x7FFC, v7;
	v9 =	vand.u32 $0x3, v9;
	v10 =	vshll.u32 v11, $0x2;
	v12 =	vld [tilespmem:s8+$0x90]  }
0xc6: {  	v13 =	vand.u32 $0xFFFF8000, v11;
	v11 =	vshrl.u32 v11, $0xD;
	v10 =	vand.u32 $0x7FFC, v10  }
0xc7: {  	v6 =	vor.u32 v6, v7;
	v11 =	vand.u32 $0x3, v11;
	v10 =	vor.u32 v13, v10  }
0xc8: {  	v7 =	vor.u32 v9, v6;
	v6 =	vor.u32 v11, v10;
	v9 =	vshll.u32 v8, $0x2;
	v10 =	vld [tilespmem:s8+$0xA0]  }
0xc9: {  	v11 =	vand.u32 $0xFFFF8000, v8;
	v8 =	vshrl.u32 v8, $0xD;
	v9 =	vand.u32 $0x7FFC, v9;
	v13 =	vld [tilespmem:s8+$0xB0]  }
0xca: {  	v8 =	vand.u32 $0x3, v8;
	v9 =	vor.u32 v11, v9;
	v11 =	vshll.u32 v12, $0x2  }
0xcb: {  	v14 =	vand.u32 $0xFFFF8000, v12;
	v12 =	vshrl.u32 v12, $0xD;
	v11 =	vand.u32 $0x7FFC, v11  }
0xcc: {  	v8 =	vor.u32 v8, v9;
	v9 =	vor.u32 v14, v11;
	v11 =	vand.u32 $0x3, v12  }
0xcd: {  	v12 =	vand.u32 $0xFFFF8000, v10;
	v14 =	vshll.u32 v10, $0x2;
	v10 =	vshrl.u32 v10, $0xD;
	v15 =	vld [tilespmem:s8+$0xC0]  }
0xce: {  	v14 =	vand.u32 $0x7FFC, v14;
	v10 =	vand.u32 $0x3, v10;
	v16 =	vshll.u32 v13, $0x2;
	v17 =	vld [tilespmem:s8+$0xD0]  }
0xcf: {  	v18 =	vand.u32 $0xFFFF8000, v13;
	v13 =	vshrl.u32 v13, $0xD;
	v16 =	vand.u32 $0x7FFC, v16  }
0xd0: {  	v12 =	vor.u32 v12, v14;
	v13 =	vand.u32 $0x3, v13;
	v14 =	vor.u32 v18, v16  }
0xd1: {  	v11 =	vor.u32 v11, v9;
	v10 =	vor.u32 v10, v12;
	v9 =	vor.u32 v13, v14;
	v14 =	vld [tilespmem:s8+$0xE0]  }
0xd2: {  	v12 =	vand.u32 $0xFFFF8000, v15;
	v13 =	vshll.u32 v15, $0x2;
	v15 =	vshrl.u32 v15, $0xD  }
0xd3: {  	v13 =	vand.u32 $0x7FFC, v13;
	v15 =	vand.u32 $0x3, v15;
	v16 =	vshll.u32 v17, $0x2;
	v18 =	vld [tilespmem:s8+$0xF0]  }
0xd4: {  	v19 =	vand.u32 $0xFFFF8000, v17;
	v17 =	vshrl.u32 v17, $0xD;
	v16 =	vand.u32 $0x7FFC, v16  }
0xd5: {  	v12 =	vor.u32 v12, v13;
	v17 =	vand.u32 $0x3, v17;
	v16 =	vor.u32 v19, v16  }
0xd6: {  	v13 =	vor.u32 v15, v12;
	v12 =	vor.u32 v17, v16;
	v15 =	vshll.u32 v14, $0x2;
	v16 =	vld [tilespmem:s8+$0x100]  }
0xd7: {  	v17 =	vand.u32 $0xFFFF8000, v14;
	v14 =	vshrl.u32 v14, $0xD;
	v15 =	vand.u32 $0x7FFC, v15;
	v19 =	vld [tilespmem:s8+$0x110]  }
0xd8: {  	v14 =	vand.u32 $0x3, v14;
	v15 =	vor.u32 v17, v15;
	v17 =	vshll.u32 v18, $0x2  }
0xd9: {  	v20 =	vand.u32 $0xFFFF8000, v18;
	v18 =	vshrl.u32 v18, $0xD;
	v17 =	vand.u32 $0x7FFC, v17  }
0xda: {  	v14 =	vor.u32 v14, v15;
	v15 =	vor.u32 v20, v17;
	v17 =	vand.u32 $0x3, v18  }
0xdb: {  	v18 =	vand.u32 $0xFFFF8000, v16;
	v20 =	vshll.u32 v16, $0x2;
	v16 =	vshrl.u32 v16, $0xD;
	v21 =	vld [tilespmem:s8+$0x120]  }
0xdc: {  	v20 =	vand.u32 $0x7FFC, v20;
	v16 =	vand.u32 $0x3, v16;
	v22 =	vshll.u32 v19, $0x2;
	v23 =	vld [tilespmem:s8+$0x130]  }
0xdd: {  	v24 =	vand.u32 $0xFFFF8000, v19;
	v19 =	vshrl.u32 v19, $0xD;
	v22 =	vand.u32 $0x7FFC, v22  }
0xde: {  	v18 =	vor.u32 v18, v20;
	v19 =	vand.u32 $0x3, v19;
	v20 =	vor.u32 v24, v22  }
0xdf: {  	v17 =	vor.u32 v17, v15;
	v16 =	vor.u32 v16, v18;
	v15 =	vor.u32 v19, v20;
	v20 =	vld [tilespmem:s8+$0x140]  }
0xe0: {  	v18 =	vand.u32 $0xFFFF8000, v21;
	v19 =	vshll.u32 v21, $0x2;
	v21 =	vshrl.u32 v21, $0xD  }
0xe1: {  	v19 =	vand.u32 $0x7FFC, v19;
	v21 =	vand.u32 $0x3, v21;
	v22 =	vshll.u32 v23, $0x2;
	v24 =	vld [tilespmem:s8+$0x150]  }
0xe2: {  	v25 =	vand.u32 $0xFFFF8000, v23;
	v23 =	vshrl.u32 v23, $0xD;
	v22 =	vand.u32 $0x7FFC, v22  }
0xe3: {  	v18 =	vor.u32 v18, v19;
	v23 =	vand.u32 $0x3, v23;
	v22 =	vor.u32 v25, v22  }
0xe4: {  	v19 =	vor.u32 v21, v18;
	v18 =	vor.u32 v23, v22;
	v21 =	vshll.u32 v20, $0x2;
	v22 =	vld [tilespmem:s8+$0x160]  }
0xe5: {  	v23 =	vand.u32 $0xFFFF8000, v20;
	v20 =	vshrl.u32 v20, $0xD;
	v21 =	vand.u32 $0x7FFC, v21;
	v25 =	vld [tilespmem:s8+$0x170]  }
0xe6: {  	v20 =	vand.u32 $0x3, v20;
	v21 =	vor.u32 v23, v21;
	v23 =	vshll.u32 v24, $0x2  }
0xe7: {  	v26 =	vand.u32 $0xFFFF8000, v24;
	v24 =	vshrl.u32 v24, $0xD;
	v23 =	vand.u32 $0x7FFC, v23  }
0xe8: {  	v20 =	vor.u32 v20, v21;
	v21 =	vor.u32 v26, v23;
	v23 =	vand.u32 $0x3, v24  }
0xe9: {  	v24 =	vand.u32 $0xFFFF8000, v22;
	v26 =	vshll.u32 v22, $0x2;
	v22 =	vshrl.u32 v22, $0xD;
	v27 =	vld [tilespmem:s8+$0x180]  }
0xea: {  	v26 =	vand.u32 $0x7FFC, v26;
	v22 =	vand.u32 $0x3, v22;
	v28 =	vshll.u32 v25, $0x2;
	v29 =	vld [tilespmem:s8+$0x190]  }
0xeb: {  	v30 =	vand.u32 $0xFFFF8000, v25;
	v25 =	vshrl.u32 v25, $0xD;
	v28 =	vand.u32 $0x7FFC, v28  }
0xec: {  	v24 =	vor.u32 v24, v26;
	v25 =	vand.u32 $0x3, v25;
	v26 =	vor.u32 v30, v28  }
0xed: {  	v23 =	vor.u32 v23, v21;
	v22 =	vor.u32 v22, v24;
	v21 =	vor.u32 v25, v26;
	v26 =	vld [tilespmem:s8+$0x1A0]  }
0xee: {  	v24 =	vand.u32 $0xFFFF8000, v27;
	v25 =	vshll.u32 v27, $0x2;
	v27 =	vshrl.u32 v27, $0xD  }
0xef: {  	v25 =	vand.u32 $0x7FFC, v25;
	v27 =	vand.u32 $0x3, v27;
	v28 =	vshll.u32 v29, $0x2;
	v30 =	vld [tilespmem:s8+$0x1B0]  }
0xf0: {  	v31 =	vand.u32 $0xFFFF8000, v29;
	v29 =	vshrl.u32 v29, $0xD;
	v28 =	vand.u32 $0x7FFC, v28  }
0xf1: {  	v24 =	vor.u32 v24, v25;
	v29 =	vand.u32 $0x3, v29;
	v28 =	vor.u32 v31, v28  }
0xf2: {  	v25 =	vor.u32 v27, v24;
	v24 =	vor.u32 v29, v28;
	v27 =	vshll.u32 v26, $0x2;
	v28 =	vld [tilespmem:s8+$0x1C0]  }
0xf3: {  	v29 =	vand.u32 $0xFFFF8000, v26;
	v26 =	vshrl.u32 v26, $0xD;
	v27 =	vand.u32 $0x7FFC, v27;
	v31 =	vld [tilespmem:s8+$0x1D0]  }
0xf4: {  	v26 =	vand.u32 $0x3, v26;
	v27 =	vor.u32 v29, v27;
	v29 =	vshll.u32 v30, $0x2  }
0xf5: {  	v32 =	vand.u32 $0xFFFF8000, v30;
	v30 =	vshrl.u32 v30, $0xD;
	v29 =	vand.u32 $0x7FFC, v29  }
0xf6: {  	v26 =	vor.u32 v26, v27;
	v27 =	vor.u32 v32, v29;
	v29 =	vand.u32 $0x3, v30  }
0xf7: {  	v30 =	vand.u32 $0xFFFF8000, v28;
	v32 =	vshll.u32 v28, $0x2;
	v28 =	vshrl.u32 v28, $0xD;
	v33 =	vld [tilespmem:s8+$0x1E0]  }
0xf8: {  	v32 =	vand.u32 $0x7FFC, v32;
	v28 =	vand.u32 $0x3, v28;
	v34 =	vshll.u32 v31, $0x2;
	v35 =	vld [tilespmem:s8+$0x1F0]  }
0xf9: {  	v36 =	vand.u32 $0xFFFF8000, v31;
	v31 =	vshrl.u32 v31, $0xD;
	v34 =	vand.u32 $0x7FFC, v34  }
0xfa: {  	v30 =	vor.u32 v30, v32;
	v31 =	vand.u32 $0x3, v31;
	v32 =	vor.u32 v36, v34  }
0xfb: {  	v29 =	vor.u32 v29, v27;
	v28 =	vor.u32 v28, v30;
	v27 =	vor.u32 v31, v32;
	v32 =	vld [tilespmem:s8+$0x200]  }
0xfc: {  	v30 =	vand.u32 $0xFFFF8000, v33;
	v31 =	vshll.u32 v33, $0x2;
	v33 =	vshrl.u32 v33, $0xD  }
0xfd: {  	v31 =	vand.u32 $0x7FFC, v31;
	v33 =	vand.u32 $0x3, v33;
	v34 =	vshll.u32 v35, $0x2;
	v36 =	vld [tilespmem:s8+$0x210]  }
0xfe: {  	v37 =	vand.u32 $0xFFFF8000, v35;
	v35 =	vshrl.u32 v35, $0xD;
	v34 =	vand.u32 $0x7FFC, v34  }
0xff: {  	v30 =	vor.u32 v30, v31;
	v35 =	vand.u32 $0x3, v35;
	v34 =	vor.u32 v37, v34  }
0x100: {  	v31 =	vor.u32 v33, v30;
	v30 =	vor.u32 v35, v34;
	v33 =	vshll.u32 v32, $0x2;
	v34 =	vld [tilespmem:s8+$0x220]  }
0x101: {  	v35 =	vand.u32 $0xFFFF8000, v32;
	v32 =	vshrl.u32 v32, $0xD;
	v33 =	vand.u32 $0x7FFC, v33;
	v37 =	vld [tilespmem:s8+$0x230]  }
0x102: {  	v32 =	vand.u32 $0x3, v32;
	v33 =	vor.u32 v35, v33;
	v35 =	vshll.u32 v36, $0x2  }
0x103: {  	v38 =	vand.u32 $0xFFFF8000, v36;
	v36 =	vshrl.u32 v36, $0xD;
	v35 =	vand.u32 $0x7FFC, v35  }
0x104: {  	v32 =	vor.u32 v32, v33;
	v33 =	vor.u32 v38, v35;
	v35 =	vand.u32 $0x3, v36  }
0x105: {  	v36 =	vand.u32 $0xFFFF8000, v34;
	v38 =	vshll.u32 v34, $0x2;
	v34 =	vshrl.u32 v34, $0xD;
	v39 =	vld [tilespmem:s8+$0x240]  }
0x106: {  	v38 =	vand.u32 $0x7FFC, v38;
	v34 =	vand.u32 $0x3, v34;
	v40 =	vshll.u32 v37, $0x2;
	v41 =	vld [tilespmem:s8+$0x250]  }
0x107: {  	v42 =	vand.u32 $0xFFFF8000, v37;
	v37 =	vshrl.u32 v37, $0xD;
	v40 =	vand.u32 $0x7FFC, v40  }
0x108: {  	v36 =	vor.u32 v36, v38;
	v37 =	vand.u32 $0x3, v37;
	v38 =	vor.u32 v42, v40  }
0x109: {  	v35 =	vor.u32 v35, v33;
	v34 =	vor.u32 v34, v36;
	v33 =	vor.u32 v37, v38;
	v36 =	vld [tilespmem:s8+$0x260]  }
0x10a: {  	v37 =	vand.u32 $0xFFFF8000, v39;
	v38 =	vshll.u32 v39, $0x2;
	v39 =	vshrl.u32 v39, $0xD  }
0x10b: {  	v38 =	vand.u32 $0x7FFC, v38;
	v39 =	vand.u32 $0x3, v39;
	v40 =	vshll.u32 v41, $0x2;
	v42 =	vld [tilespmem:s8+$0x270]  }
0x10c: {  	v43 =	vand.u32 $0xFFFF8000, v41;
	v41 =	vshrl.u32 v41, $0xD;
	v40 =	vand.u32 $0x7FFC, v40  }
0x10d: {  	[tilespmem:s8+$0x0] =	vst v1;
	v1 =	vor.u32 v37, v38;
	v37 =	vor.u32 v43, v40;
	v38 =	vand.u32 $0x3, v41  }
0x10e: {  	[tilespmem:s8+$0x10] =	vst v0;
	v1 =	vor.u32 v39, v1;
	v0 =	vor.u32 v38, v37;
	v37 =	vshll.u32 v36, $0x2;
	v38 =	vld [tilespmem:s8+$0x280]  }
0x10f: {  	[tilespmem:s8+$0x20] =	vst v2;
	v2 =	vand.u32 $0xFFFF8000, v36;
	v37 =	vand.u32 $0x7FFC, v37;
	v36 =	vshrl.u32 v36, $0xD;
	v39 =	vld [tilespmem:s8+$0x290]  }
0x110: {  	[tilespmem:s8+$0x30] =	vst v5;
	v2 =	vor.u32 v2, v37;
	v5 =	vand.u32 $0x3, v36;
	v36 =	vshll.u32 v42, $0x2  }
0x111: {  	v37 =	vshrl.u32 v42, $0xD;
	[tilespmem:s8+$0x40] =	vst v4;
	v4 =	vand.u32 $0xFFFF8000, v42;
	v36 =	vand.u32 $0x7FFC, v36  }
0x112: {  	v2 =	vor.u32 v5, v2;
	[tilespmem:s8+$0x50] =	vst v3;
	v3 =	vor.u32 v4, v36;
	v4 =	vand.u32 $0x3, v37  }
0x113: {  	[tilespmem:s8+$0x60] =	vst v7;
	v5 =	vand.u32 $0xFFFF8000, v38;
	v7 =	vshll.u32 v38, $0x2;
	v36 =	vshrl.u32 v38, $0xD;
	v37 =	vld [tilespmem:s8+$0x2A0]  }
0x114: {  	[tilespmem:s8+$0x70] =	vst v6;
	v6 =	vand.u32 $0x7FFC, v7;
	v7 =	vand.u32 $0x3, v36;
	v36 =	vshll.u32 v39, $0x2;
	v38 =	vld [tilespmem:s8+$0x2B0]  }
0x115: {  	[tilespmem:s8+$0x80] =	vst v8;
	v8 =	vand.u32 $0xFFFF8000, v39;
	v36 =	vand.u32 $0x7FFC, v36;
	v39 =	vshrl.u32 v39, $0xD  }
0x116: {  	v6 =	vor.u32 v5, v6;
	[tilespmem:s8+$0x90] =	vst v11;
	v8 =	vor.u32 v8, v36;
	v11 =	vand.u32 $0x3, v39  }
0x117: {  	v5 =	vor.u32 v4, v3;
	v4 =	vor.u32 v7, v6;
	[tilespmem:s8+$0xA0] =	vst v10;
	v3 =	vor.u32 v11, v8;
	v8 =	vld [tilespmem:s8+$0x2C0]  }
0x118: {  	[tilespmem:s8+$0xB0] =	vst v9;
	v6 =	vand.u32 $0xFFFF8000, v37;
	v7 =	vshll.u32 v37, $0x2;
	v9 =	vshrl.u32 v37, $0xD  }
0x119: {  	[tilespmem:s8+$0xC0] =	vst v13;
	v7 =	vand.u32 $0x7FFC, v7;
	v9 =	vand.u32 $0x3, v9;
	v10 =	vshll.u32 v38, $0x2;
	v11 =	vld [tilespmem:s8+$0x2D0]  }
0x11a: {  	v13 =	vshrl.u32 v38, $0xD;
	[tilespmem:s8+$0xD0] =	vst v12;
	v12 =	vand.u32 $0xFFFF8000, v38;
	v10 =	vand.u32 $0x7FFC, v10  }
0x11b: {  	v6 =	vor.u32 v6, v7;
	[tilespmem:s8+$0xE0] =	vst v14;
	v10 =	vor.u32 v12, v10;
	v12 =	vand.u32 $0x3, v13  }
0x11c: {  	v7 =	vor.u32 v9, v6;
	[tilespmem:s8+$0xF0] =	vst v17;
	v6 =	vor.u32 v12, v10;
	v9 =	vshll.u32 v8, $0x2;
	v10 =	vld [tilespmem:s8+$0x2E0]  }
0x11d: {  	v12 =	vand.u32 $0xFFFF8000, v8;
	v8 =	vshrl.u32 v8, $0xD;
	[tilespmem:s8+$0x100] =	vst v16;
	v9 =	vand.u32 $0x7FFC, v9;
	v13 =	vld [tilespmem:s8+$0x2F0]  }
0x11e: {  	v8 =	vand.u32 $0x3, v8;
	[tilespmem:s8+$0x110] =	vst v15;
	v9 =	vor.u32 v12, v9;
	v12 =	vshll.u32 v11, $0x2  }
0x11f: {  	v14 =	vand.u32 $0xFFFF8000, v11;
	v11 =	vshrl.u32 v11, $0xD;
	[tilespmem:s8+$0x120] =	vst v19;
	v12 =	vand.u32 $0x7FFC, v12  }
0x120: {  	v8 =	vor.u32 v8, v9;
	v11 =	vand.u32 $0x3, v11;
	[tilespmem:s8+$0x130] =	vst v18;
	v9 =	vor.u32 v14, v12  }
0x121: {  	[tilespmem:s8+$0x140] =	vst v20;
	v12 =	vand.u32 $0xFFFF8000, v10;
	v14 =	vshll.u32 v10, $0x2;
	v10 =	vshrl.u32 v10, $0xD;
	v15 =	vld [tilespmem:s8+$0x300]  }
0x122: {  	[tilespmem:s8+$0x150] =	vst v23;
	v14 =	vand.u32 $0x7FFC, v14;
	v10 =	vand.u32 $0x3, v10;
	v16 =	vshll.u32 v13, $0x2;
	v17 =	vld [tilespmem:s8+$0x310]  }
0x123: {  	v18 =	vand.u32 $0xFFFF8000, v13;
	v13 =	vshrl.u32 v13, $0xD;
	[tilespmem:s8+$0x160] =	vst v22;
	v16 =	vand.u32 $0x7FFC, v16  }
0x124: {  	v12 =	vor.u32 v12, v14;
	v13 =	vand.u32 $0x3, v13;
	[tilespmem:s8+$0x170] =	vst v21;
	v14 =	vor.u32 v18, v16  }
0x125: {  	v9 =	vor.u32 v11, v9;
	v10 =	vor.u32 v10, v12;
	[tilespmem:s8+$0x180] =	vst v25;
	v11 =	vor.u32 v13, v14;
	v12 =	vld [tilespmem:s8+$0x320]  }
0x126: {  	[tilespmem:s8+$0x190] =	vst v24;
	v13 =	vand.u32 $0xFFFF8000, v15;
	v14 =	vshll.u32 v15, $0x2;
	v15 =	vshrl.u32 v15, $0xD  }
0x127: {  	[tilespmem:s8+$0x1A0] =	vst v26;
	v14 =	vand.u32 $0x7FFC, v14;
	v15 =	vand.u32 $0x3, v15;
	v16 =	vshll.u32 v17, $0x2;
	v18 =	vld [tilespmem:s8+$0x330]  }
0x128: {  	v19 =	vand.u32 $0xFFFF8000, v17;
	v17 =	vshrl.u32 v17, $0xD;
	[tilespmem:s8+$0x1B0] =	vst v29;
	v16 =	vand.u32 $0x7FFC, v16  }
0x129: {  	v13 =	vor.u32 v13, v14;
	[tilespmem:s8+$0x1C0] =	vst v28;
	v14 =	vor.u32 v19, v16;
	v16 =	vand.u32 $0x3, v17  }
0x12a: {  	v13 =	vor.u32 v15, v13;
	[tilespmem:s8+$0x1D0] =	vst v27;
	v14 =	vor.u32 v16, v14;
	v15 =	vshll.u32 v12, $0x2;
	v16 =	vld [tilespmem:s8+$0x340]  }
0x12b: {  	v17 =	vand.u32 $0xFFFF8000, v12;
	v12 =	vshrl.u32 v12, $0xD;
	[tilespmem:s8+$0x1E0] =	vst v31;
	v15 =	vand.u32 $0x7FFC, v15;
	v19 =	vld [tilespmem:s8+$0x350]  }
0x12c: {  	v12 =	vand.u32 $0x3, v12;
	[tilespmem:s8+$0x1F0] =	vst v30;
	v15 =	vor.u32 v17, v15;
	v17 =	vshll.u32 v18, $0x2  }
0x12d: {  	v20 =	vand.u32 $0xFFFF8000, v18;
	v18 =	vshrl.u32 v18, $0xD;
	[tilespmem:s8+$0x200] =	vst v32;
	v17 =	vand.u32 $0x7FFC, v17  }
0x12e: {  	v12 =	vor.u32 v12, v15;
	[tilespmem:s8+$0x210] =	vst v35;
	v15 =	vor.u32 v20, v17;
	v17 =	vand.u32 $0x3, v18  }
0x12f: {  	[tilespmem:s8+$0x220] =	vst v34;
	v18 =	vand.u32 $0xFFFF8000, v16;
	v20 =	vshll.u32 v16, $0x2;
	v16 =	vshrl.u32 v16, $0xD;
	v21 =	vld [tilespmem:s8+$0x360]  }
0x130: {  	[tilespmem:s8+$0x230] =	vst v33;
	v20 =	vand.u32 $0x7FFC, v20;
	v16 =	vand.u32 $0x3, v16;
	v22 =	vshll.u32 v19, $0x2;
	v23 =	vld [tilespmem:s8+$0x370]  }
0x131: {  	[tilespmem:s8+$0x240] =	vst v1;
	v1 =	vand.u32 $0xFFFF8000, v19;
	v22 =	vand.u32 $0x7FFC, v22;
	v19 =	vshrl.u32 v19, $0xD  }
0x132: {  	[tilespmem:s8+$0x250] =	vst v0;
	v0 =	vor.u32 v18, v20;
	v1 =	vor.u32 v1, v22;
	v18 =	vand.u32 $0x3, v19  }
0x133: {  	v15 =	vor.u32 v17, v15;
	[tilespmem:s8+$0x260] =	vst v2;
	v16 =	vor.u32 v16, v0;
	v17 =	vor.u32 v18, v1;
	v2 =	vld [tilespmem:s8+$0x380]  }
0x134: {  	[tilespmem:s8+$0x270] =	vst v5;
	v0 =	vand.u32 $0xFFFF8000, v21;
	v1 =	vshll.u32 v21, $0x2;
	v5 =	vshrl.u32 v21, $0xD  }
0x135: {  	[tilespmem:s8+$0x280] =	vst v4;
	v1 =	vand.u32 $0x7FFC, v1;
	v4 =	vand.u32 $0x3, v5;
	v5 =	vshll.u32 v23, $0x2;
	v18 =	vld [tilespmem:s8+$0x390]  }
0x136: {  	v19 =	vshrl.u32 v23, $0xD;
	[tilespmem:s8+$0x290] =	vst v3;
	v3 =	vand.u32 $0xFFFF8000, v23;
	v5 =	vand.u32 $0x7FFC, v5  }
0x137: {  	v0 =	vor.u32 v0, v1;
	[tilespmem:s8+$0x2A0] =	vst v7;
	v3 =	vor.u32 v3, v5;
	v5 =	vand.u32 $0x3, v19  }
0x138: {  	v1 =	vor.u32 v4, v0;
	[tilespmem:s8+$0x2B0] =	vst v6;
	v0 =	vor.u32 v5, v3;
	v3 =	vshll.u32 v2, $0x2;
	v4 =	vld [tilespmem:s8+$0x3A0]  }
0x139: {  	v5 =	vand.u32 $0xFFFF8000, v2;
	v2 =	vshrl.u32 v2, $0xD;
	[tilespmem:s8+$0x2C0] =	vst v8;
	v3 =	vand.u32 $0x7FFC, v3;
	v6 =	vld [tilespmem:s8+$0x3B0]  }
0x13a: {  	v2 =	vand.u32 $0x3, v2;
	[tilespmem:s8+$0x2D0] =	vst v9;
	v3 =	vor.u32 v5, v3;
	v5 =	vshll.u32 v18, $0x2  }
0x13b: {  	v7 =	vand.u32 $0xFFFF8000, v18;
	v8 =	vshrl.u32 v18, $0xD;
	[tilespmem:s8+$0x2E0] =	vst v10;
	v5 =	vand.u32 $0x7FFC, v5  }
0x13c: {  	v2 =	vor.u32 v2, v3;
	[tilespmem:s8+$0x2F0] =	vst v11;
	v3 =	vor.u32 v7, v5;
	v5 =	vand.u32 $0x3, v8  }
0x13d: {  	[tilespmem:s8+$0x300] =	vst v13;
	v7 =	vand.u32 $0xFFFF8000, v4;
	v8 =	vshll.u32 v4, $0x2;
	v4 =	vshrl.u32 v4, $0xD;
	v10 =	vld [tilespmem:s8+$0x3C0]  }
.Ltmp0:
0x13e: {  	[tilespmem:s8+$0x310] =	vst v14;
	v8 =	vand.u32 $0x7FFC, v8;
	v9 =	vand.u32 $0x3, v4;
	v11 =	vshll.u32 v6, $0x2;
	v4 =	vld [tilespmem:s8+$0x3D0];
	(pc) =	sbr.rel @p0 .LBB2_2-.Ltmp0, $4  }
0x13f: {  	[tilespmem:s8+$0x320] =	vst v12;
	v12 =	vand.u32 $0xFFFF8000, v6;
	v11 =	vand.u32 $0x7FFC, v11;
	v6 =	vshrl.u32 v6, $0xD  }
0x140: {  	v8 =	vor.u32 v7, v8;
	[tilespmem:s8+$0x330] =	vst v15;
	v11 =	vor.u32 v12, v11;
	v12 =	vand.u32 $0x3, v6  }
0x141: {  	v7 =	vor.u32 v5, v3;
	v6 =	vor.u32 v9, v8;
	[tilespmem:s8+$0x340] =	vst v16;
	v3 =	vor.u32 v12, v11;
	v5 =	vld [tilespmem:s8+$0x3E0]  }
0x142: {  	s13 =	sadd.s32 $0x1000, s13;
	[tilespmem:s8+$0x350] =	vst v17;
	v8 =	vand.u32 $0xFFFF8000, v10;
	v9 =	vshll.u32 v10, $0x2;
	v10 =	vshrl.u32 v10, $0xD  }
0x143: {  	[tilespmem:s8+$0x360] =	vst v1;
	v48 =	vand.u32 $0x7FFC, v9;
	v49 =	vand.u32 $0x3, v10;
	v50 =	vshll.u32 v4, $0x2;
	v11 =	vld [tilespmem:s8+$0x3F0]  }
0x144: {  	[tilespmem:s8+$0x370] =	vst v0;
	v51 =	vand.u32 $0xFFFF8000, v4;
	v52 =	vshrl.u32 v4, $0xD;
	v10 =	vand.u32 $0x7FFC, v50  }
0x145: {  	[tilespmem:s8+$0x380] =	vst v2;
	v1 =	vor.u32 v8, v48;
	v53 =	vand.u32 $0x3, v52;
	v0 =	vor.u32 v51, v10  }
0x146: {  	[tilespmem:s8+$0x390] =	vst v7;
	v1 =	vor.u32 v49, v1;
	v0 =	vor.u32 v53, v0;
	v54 =	vshll.u32 v5, $0x2  }
0x147: {  	[tilespmem:s8+$0x3A0] =	vst v6;
	v55 =	vand.u32 $0xFFFF8000, v5;
	v56 =	vshrl.u32 v5, $0xD;
	v2 =	vand.u32 $0x7FFC, v54  }
0x148: {  	[tilespmem:s8+$0x3B0] =	vst v3;
	v57 =	vand.u32 $0x3, v56;
	v2 =	vor.u32 v55, v2;
	v58 =	vshll.u32 v11, $0x2  }
0x149: {  	[tilespmem:s8+$0x3C0] =	vst v1;
	v59 =	vand.u32 $0xFFFF8000, v11;
	v60 =	vshrl.u32 v11, $0xD;
	v4 =	vand.u32 $0x7FFC, v58  }
0x14a: {  	[tilespmem:s8+$0x3D0] =	vst v0;
	v61 =	vor.u32 v57, v2;
	v62 =	vand.u32 $0x3, v60;
	v1 =	vor.u32 v59, v4  }
0x14b: {  	[tilespmem:s8+$0x3E0] =	vst v61;
	v63 =	vor.u32 v62, v1  }
0x14c: {  	s2 =	simm.s32 $0x0;
	[tilespmem:s8+$0x3F0] =	vst v63  }
0x14d: {  	[tilespmem:s11], [sflag:$0x1] =	stream.indirect.gather [hbm4b:s3+s10], $0x20, s2, s10, $0xb8;
	[tilespmem:$0xE400] =	vst v63  }
0x14e: {  	_ = 	snop  }
0x14f: {  	[tilespmem:s12], [sflag:$0x2] =	stream.indirect.gather [hbm4b:s3+s10], $0x20, s10, s10, $0xb8;
	[tilespmem:$0xE400] =	vst v63  }
0x150: {  	s15 =	simm.s32 $0x100  }
0x151: {  	[tilespmem:s14], [sflag:$0x3] =	stream.indirect.gather [hbm4b:s3+s10], $0x20, s15, s10, $0xb8;
	[tilespmem:$0xE400] =	vst v63  }
0x152: {  	s17 =	simm.s32 $0x180  }
0x153: {  	[tilespmem:s16], [sflag:$0x4] =	stream.indirect.gather [hbm4b:s3+s10], $0x20, s17, s10, $0xb8;
	[tilespmem:$0xE400] =	vst v63  }
0x154: {  	s19 =	simm.s32 $0x200  }
0x155: {  	[tilespmem:s18], [sflag:$0x5] =	stream.indirect.gather [hbm4b:s3+s10], $0x20, s19, s10, $0xb8;
	[tilespmem:$0xE400] =	vst v63  }
0x156: {  	s21 =	simm.s32 $0x280  }
0x157: {  	[tilespmem:s20], [sflag:$0x6] =	stream.indirect.gather [hbm4b:s3+s10], $0x20, s21, s10, $0xb8;
	[tilespmem:$0xE400] =	vst v63  }
0x158: {  	s23 =	simm.s32 $0x300  }
0x159: {  	[tilespmem:s22], [sflag:$0x7] =	stream.indirect.gather [hbm4b:s3+s10], $0x20, s23, s10, $0xb8;
	[tilespmem:$0xE400] =	vst v63  }
0x15a: {  	s4 =	simm.s32 $0x380  }
0x15b: {  	[tilespmem:s24], [sflag:$0x8] =	stream.indirect.gather [hbm4b:s3+s10], $0x20, s4, s10, $0xb8;
	[tilespmem:$0xE400] =	vst v63  }
0x15c: {  	_ =	swait.ge [sflag:s25], $0x1000  }
0x15d: {  	[sflag:s25] =	ssyncset.done $0x0  }
0x15e: {  	s8 =	simm.s32 $0x400;
	[sflag:s25] =	ssyncadd.s32 $0xFFFFF000  }
0x15f: {  	[tilespmem:s11], [sflag:$0x1] =	stream.indirect.gather.add.f32 [hbm:s3], $0x20, s8, s10, $0xb8;
	[tilespmem:$0xE400] =	vst v63  }
0x160: {  	_ =	swait.ge [sflag:s26], $0x1000  }
0x161: {  	[sflag:s26] =	ssyncset.done $0x0  }
0x162: {  	s13 =	simm.s32 $0x480;
	[sflag:s26] =	ssyncadd.s32 $0xFFFFF000  }
0x163: {  	[tilespmem:s12], [sflag:$0x2] =	stream.indirect.gather.add.f32 [hbm:s3], $0x20, s13, s10, $0xb8;
	[tilespmem:$0xE400] =	vst v63  }
0x164: {  	_ =	swait.ge [sflag:s28], $0x1000  }
0x165: {  	[sflag:s28] =	ssyncset.done $0x0  }
0x166: {  	s15 =	simm.s32 $0x500;
	[sflag:s28] =	ssyncadd.s32 $0xFFFFF000  }
0x167: {  	[tilespmem:s14], [sflag:$0x3] =	stream.indirect.gather.add.f32 [hbm:s3], $0x20, s15, s10, $0xb8;
	[tilespmem:$0xE400] =	vst v63  }
0x168: {  	_ =	swait.ge [sflag:s29], $0x1000  }
0x169: {  	[sflag:s29] =	ssyncset.done $0x0  }
0x16a: {  	s17 =	simm.s32 $0x580;
	[sflag:s29] =	ssyncadd.s32 $0xFFFFF000  }
0x16b: {  	[tilespmem:s16], [sflag:$0x4] =	stream.indirect.gather.add.f32 [hbm:s3], $0x20, s17, s10, $0xb8;
	[tilespmem:$0xE400] =	vst v63  }
0x16c: {  	_ =	swait.ge [sflag:s30], $0x1000  }
0x16d: {  	[sflag:s30] =	ssyncset.done $0x0  }
0x16e: {  	s19 =	simm.s32 $0x600;
	[sflag:s30] =	ssyncadd.s32 $0xFFFFF000  }
0x16f: {  	[tilespmem:s18], [sflag:$0x5] =	stream.indirect.gather.add.f32 [hbm:s3], $0x20, s19, s10, $0xb8;
	[tilespmem:$0xE400] =	vst v63  }
0x170: {  	_ =	swait.ge [sflag:s31], $0x1000  }
0x171: {  	[sflag:s31] =	ssyncset.done $0x0  }
0x172: {  	s21 =	simm.s32 $0x680;
	[sflag:s31] =	ssyncadd.s32 $0xFFFFF000  }
0x173: {  	[tilespmem:s20], [sflag:$0x6] =	stream.indirect.gather.add.f32 [hbm:s3], $0x20, s21, s10, $0xb8;
	[tilespmem:$0xE400] =	vst v63  }
0x174: {  	_ =	swait.ge [sflag:s0], $0x1000  }
0x175: {  	[sflag:s0] =	ssyncset.done $0x0  }
0x176: {  	s23 =	simm.s32 $0x700;
	[sflag:s0] =	ssyncadd.s32 $0xFFFFF000  }
0x177: {  	[tilespmem:s22], [sflag:$0x7] =	stream.indirect.gather.add.f32 [hbm:s3], $0x20, s23, s10, $0xb8;
	[tilespmem:$0xE400] =	vst v63  }
0x178: {  	_ =	swait.ge [sflag:s1], $0x1000  }
0x179: {  	[sflag:s1] =	ssyncset.done $0x0  }
0x17a: {  	s2 =	simm.s32 $0x1000;
	s4 =	simm.s32 $0x780;
	[sflag:s1] =	ssyncadd.s32 $0xFFFFF000  }
.LBB2_4:
0x17b: {  	[tilespmem:s24], [sflag:$0x8] =	stream.indirect.gather.add.f32 [hbm:s3], $0x20, s4, s10, $0xb8;
	[tilespmem:$0xE400] =	vst v63  }
0x17c: {  	s4 =	smov.u32 s2  }
0x17d: {  	p0 =	sne.s32 s2, $0x17000;
	s2 =	sadd.s32 $0x1000, s2;
	_ =	swait.ge [sflag:s25], $0x1000  }
0x17e: {  	s4 =	sshra.s32 s4, $0x2;
	[sflag:s25] =	ssyncset.done $0x0  }
0x17f: {  	s8 =	sadd.s32 $0x400, s4;
	[sflag:s25] =	ssyncadd.s32 $0xFFFFF000  }
0x180: {  	[tilespmem:s11], [sflag:$0x1] =	stream.indirect.gather.add.f32 [hbm:s3], $0x20, s8, s10, $0xb8;
	[tilespmem:$0xE400] =	vst v63  }
0x181: {  	_ =	swait.ge [sflag:s26], $0x1000  }
0x182: {  	[sflag:s26] =	ssyncset.done $0x0  }
0x183: {  	s8 =	sadd.s32 $0x480, s4;
	[sflag:s26] =	ssyncadd.s32 $0xFFFFF000  }
0x184: {  	[tilespmem:s12], [sflag:$0x2] =	stream.indirect.gather.add.f32 [hbm:s3], $0x20, s8, s10, $0xb8;
	[tilespmem:$0xE400] =	vst v63  }
0x185: {  	_ =	swait.ge [sflag:s28], $0x1000  }
0x186: {  	[sflag:s28] =	ssyncset.done $0x0  }
0x187: {  	s8 =	sadd.s32 $0x500, s4;
	[sflag:s28] =	ssyncadd.s32 $0xFFFFF000  }
0x188: {  	[tilespmem:s14], [sflag:$0x3] =	stream.indirect.gather.add.f32 [hbm:s3], $0x20, s8, s10, $0xb8;
	[tilespmem:$0xE400] =	vst v63  }
0x189: {  	_ =	swait.ge [sflag:s29], $0x1000  }
0x18a: {  	[sflag:s29] =	ssyncset.done $0x0  }
0x18b: {  	s8 =	sadd.s32 $0x580, s4;
	[sflag:s29] =	ssyncadd.s32 $0xFFFFF000  }
0x18c: {  	[tilespmem:s16], [sflag:$0x4] =	stream.indirect.gather.add.f32 [hbm:s3], $0x20, s8, s10, $0xb8;
	[tilespmem:$0xE400] =	vst v63  }
0x18d: {  	_ =	swait.ge [sflag:s30], $0x1000  }
0x18e: {  	[sflag:s30] =	ssyncset.done $0x0  }
0x18f: {  	s8 =	sadd.s32 $0x600, s4;
	[sflag:s30] =	ssyncadd.s32 $0xFFFFF000  }
0x190: {  	[tilespmem:s18], [sflag:$0x5] =	stream.indirect.gather.add.f32 [hbm:s3], $0x20, s8, s10, $0xb8;
	[tilespmem:$0xE400] =	vst v63  }
0x191: {  	_ =	swait.ge [sflag:s31], $0x1000  }
0x192: {  	[sflag:s31] =	ssyncset.done $0x0  }
0x193: {  	s8 =	sadd.s32 $0x680, s4;
	[sflag:s31] =	ssyncadd.s32 $0xFFFFF000  }
0x194: {  	[tilespmem:s20], [sflag:$0x6] =	stream.indirect.gather.add.f32 [hbm:s3], $0x20, s8, s10, $0xb8;
	[tilespmem:$0xE400] =	vst v63  }
0x195: {  	_ =	swait.ge [sflag:s0], $0x1000  }
0x196: {  	[sflag:s0] =	ssyncset.done $0x0  }
.Ltmp1:
0x197: {  	s8 =	sadd.s32 $0x700, s4;
	[sflag:s0] =	ssyncadd.s32 $0xFFFFF000;
	(pc) =	sbr.rel @p0 .LBB2_4-.Ltmp1, $4  }
0x198: {  	[tilespmem:s22], [sflag:$0x7] =	stream.indirect.gather.add.f32 [hbm:s3], $0x20, s8, s10, $0xb8;
	[tilespmem:$0xE400] =	vst v63  }
0x199: {  	_ =	swait.ge [sflag:s1], $0x1000  }
0x19a: {  	[sflag:s1] =	ssyncset.done $0x0  }
0x19b: {  	s4 =	sadd.s32 $0x780, s4;
	[sflag:s1] =	ssyncadd.s32 $0xFFFFF000  }
0x19c: {  	[tilespmem:s24], [sflag:$0x8] =	stream.indirect.gather.add.f32 [hbm:s3], $0x20, s4, s10, $0xb8;
	[tilespmem:$0xE400] =	vst v63  }
0x19d: {  	_ =	swait.ge [sflag:s25], $0x1000  }
0x19e: {  	[sflag:s25] =	ssyncset.done $0x0  }
0x19f: {  	[sflag:s25] =	ssyncadd.s32 $0xFFFFF000  }
0x1a0: {  	_ =	swait.ge [sflag:s26], $0x1000  }
0x1a1: {  	[sflag:s26] =	ssyncset.done $0x0  }
0x1a2: {  	[sflag:s26] =	ssyncadd.s32 $0xFFFFF000  }
0x1a3: {  	_ =	swait.ge [sflag:s28], $0x1000  }
0x1a4: {  	[sflag:s28] =	ssyncset.done $0x0  }
0x1a5: {  	[sflag:s28] =	ssyncadd.s32 $0xFFFFF000  }
0x1a6: {  	_ =	swait.ge [sflag:s29], $0x1000  }
0x1a7: {  	[sflag:s29] =	ssyncset.done $0x0  }
0x1a8: {  	[sflag:s29] =	ssyncadd.s32 $0xFFFFF000  }
0x1a9: {  	_ =	swait.ge [sflag:s30], $0x1000  }
0x1aa: {  	[sflag:s30] =	ssyncset.done $0x0  }
0x1ab: {  	[sflag:s30] =	ssyncadd.s32 $0xFFFFF000  }
0x1ac: {  	_ =	swait.ge [sflag:s31], $0x1000  }
0x1ad: {  	[sflag:s31] =	ssyncset.done $0x0  }
0x1ae: {  	[sflag:s31] =	ssyncadd.s32 $0xFFFFF000  }
0x1af: {  	_ =	swait.ge [sflag:s0], $0x1000  }
0x1b0: {  	s8 =	simm.s32 $0xFFFFFFF8;
	[sflag:s0] =	ssyncset.done $0x0  }
0x1b1: {  	s13 =	simm.s32 $0x6480;
	s15 =	simm.s32 $0x7480;
	[sflag:s0] =	ssyncadd.s32 $0xFFFFF000  }
0x1b2: {  	s17 =	simm.s32 $0x8480;
	s19 =	simm.s32 $0x9480;
	_ =	swait.ge [sflag:s1], $0x1000  }
0x1b3: {  	s21 =	simm.s32 $0xA480;
	s23 =	simm.s32 $0xB480;
	[sflag:s1] =	ssyncset.done $0x0  }
0x1b4: {  	s2 =	simm.s32 $0xC480;
	s4 =	simm.s32 $0xD480;
	[sflag:s1] =	ssyncadd.s32 $0xFFFFF000  }
.LBB2_6:
0x1b5: {  	v0 =	vld [tilespmem:s13+$0xFFFFFF80]  }
0x1b6: {  	v1 =	vld [tilespmem:s15+$0xFFFFFF80]  }
0x1b7: {  	v2 =	vld [tilespmem:s17+$0xFFFFFF80]  }
0x1b8: {  	v3 =	vld [tilespmem:s19+$0xFFFFFF80]  }
0x1b9: {  	v4 =	vld [tilespmem:s21+$0xFFFFFF80]  }
0x1ba: {  	v5 =	vld [tilespmem:s23+$0xFFFFFF80]  }
0x1bb: {  	v6 =	vld [tilespmem:s2+$0xFFFFFF80]  }
0x1bc: {  	v7 =	vld [tilespmem:s4+$0xFFFFFF80];
	_ =	sdelay $0x3  }
0x1bd: {  	v0 =	vadd.f32 v1, v0;
	v46 =	vadd.f32 v3, v2  }
0x1be: {  	v47 =	vadd.f32 v5, v4;
	v48 =	vadd.f32 v7, v6;
	_ =	sdelay $0x1  }
0x1bf: {  	v0 =	vadd.f32 v46, v0;
	v49 =	vadd.f32 v48, v47;
	_ =	sdelay $0x1  }
0x1c0: {  	v0 =	vadd.f32 v49, v0;
	_ =	sdelay $0x1  }
0x1c1: {  	v0 =	vmul.f32 $4.999999890e-03, v0;
	_ =	sdelay $0x1  }
0x1c2: {  	v50 =	vld [tilespmem:s13+$0xFFFFFF90];
	[tilespmem:s13+$0xFFFFFF80] =	vst v0  }
0x1c3: {  	v51 =	vld [tilespmem:s15+$0xFFFFFF90]  }
0x1c4: {  	v52 =	vld [tilespmem:s17+$0xFFFFFF90]  }
0x1c5: {  	v53 =	vld [tilespmem:s19+$0xFFFFFF90]  }
0x1c6: {  	v54 =	vld [tilespmem:s21+$0xFFFFFF90]  }
0x1c7: {  	v55 =	vld [tilespmem:s23+$0xFFFFFF90]  }
0x1c8: {  	v56 =	vld [tilespmem:s2+$0xFFFFFF90]  }
0x1c9: {  	v57 =	vld [tilespmem:s4+$0xFFFFFF90];
	_ =	sdelay $0x3  }
0x1ca: {  	v0 =	vadd.f32 v51, v50;
	v58 =	vadd.f32 v53, v52  }
0x1cb: {  	v59 =	vadd.f32 v55, v54;
	v60 =	vadd.f32 v57, v56;
	_ =	sdelay $0x1  }
0x1cc: {  	v0 =	vadd.f32 v58, v0;
	v61 =	vadd.f32 v60, v59;
	_ =	sdelay $0x1  }
0x1cd: {  	v0 =	vadd.f32 v61, v0;
	_ =	sdelay $0x1  }
0x1ce: {  	v0 =	vmul.f32 $4.999999890e-03, v0;
	_ =	sdelay $0x1  }
0x1cf: {  	v62 =	vld [tilespmem:s13+$0xFFFFFFA0];
	[tilespmem:s13+$0xFFFFFF90] =	vst v0  }
0x1d0: {  	v63 =	vld [tilespmem:s15+$0xFFFFFFA0]  }
0x1d1: {  	v9 =	vld [tilespmem:s17+$0xFFFFFFA0]  }
0x1d2: {  	v10 =	vld [tilespmem:s19+$0xFFFFFFA0]  }
0x1d3: {  	v11 =	vld [tilespmem:s21+$0xFFFFFFA0]  }
0x1d4: {  	v12 =	vld [tilespmem:s23+$0xFFFFFFA0]  }
0x1d5: {  	v13 =	vld [tilespmem:s2+$0xFFFFFFA0]  }
0x1d6: {  	v14 =	vld [tilespmem:s4+$0xFFFFFFA0];
	_ =	sdelay $0x3  }
0x1d7: {  	v0 =	vadd.f32 v63, v62;
	v15 =	vadd.f32 v10, v9  }
0x1d8: {  	v16 =	vadd.f32 v12, v11;
	v17 =	vadd.f32 v14, v13;
	_ =	sdelay $0x1  }
0x1d9: {  	v0 =	vadd.f32 v15, v0;
	v18 =	vadd.f32 v17, v16;
	_ =	sdelay $0x1  }
0x1da: {  	v0 =	vadd.f32 v18, v0;
	_ =	sdelay $0x1  }
0x1db: {  	v0 =	vmul.f32 $4.999999890e-03, v0;
	_ =	sdelay $0x1  }
0x1dc: {  	v19 =	vld [tilespmem:s13+$0xFFFFFFB0];
	[tilespmem:s13+$0xFFFFFFA0] =	vst v0  }
0x1dd: {  	v20 =	vld [tilespmem:s15+$0xFFFFFFB0]  }
0x1de: {  	v21 =	vld [tilespmem:s17+$0xFFFFFFB0]  }
0x1df: {  	v22 =	vld [tilespmem:s19+$0xFFFFFFB0]  }
0x1e0: {  	v23 =	vld [tilespmem:s21+$0xFFFFFFB0]  }
0x1e1: {  	v24 =	vld [tilespmem:s23+$0xFFFFFFB0]  }
0x1e2: {  	v25 =	vld [tilespmem:s2+$0xFFFFFFB0]  }
0x1e3: {  	v26 =	vld [tilespmem:s4+$0xFFFFFFB0];
	_ =	sdelay $0x3  }
0x1e4: {  	v0 =	vadd.f32 v20, v19;
	v27 =	vadd.f32 v22, v21  }
0x1e5: {  	v28 =	vadd.f32 v24, v23;
	v29 =	vadd.f32 v26, v25;
	_ =	sdelay $0x1  }
0x1e6: {  	v0 =	vadd.f32 v27, v0;
	v30 =	vadd.f32 v29, v28;
	_ =	sdelay $0x1  }
0x1e7: {  	v0 =	vadd.f32 v30, v0;
	_ =	sdelay $0x1  }
0x1e8: {  	v0 =	vmul.f32 $4.999999890e-03, v0;
	_ =	sdelay $0x1  }
0x1e9: {  	v31 =	vld [tilespmem:s13+$0xFFFFFFC0];
	[tilespmem:s13+$0xFFFFFFB0] =	vst v0  }
0x1ea: {  	v32 =	vld [tilespmem:s15+$0xFFFFFFC0]  }
0x1eb: {  	v33 =	vld [tilespmem:s17+$0xFFFFFFC0]  }
0x1ec: {  	v34 =	vld [tilespmem:s19+$0xFFFFFFC0]  }
0x1ed: {  	v35 =	vld [tilespmem:s21+$0xFFFFFFC0]  }
0x1ee: {  	v36 =	vld [tilespmem:s23+$0xFFFFFFC0]  }
0x1ef: {  	v37 =	vld [tilespmem:s2+$0xFFFFFFC0]  }
0x1f0: {  	v38 =	vld [tilespmem:s4+$0xFFFFFFC0];
	_ =	sdelay $0x3  }
0x1f1: {  	v0 =	vadd.f32 v32, v31;
	v39 =	vadd.f32 v34, v33  }
0x1f2: {  	v40 =	vadd.f32 v36, v35;
	v41 =	vadd.f32 v38, v37;
	_ =	sdelay $0x1  }
0x1f3: {  	v0 =	vadd.f32 v39, v0;
	v42 =	vadd.f32 v41, v40;
	_ =	sdelay $0x1  }
0x1f4: {  	v0 =	vadd.f32 v42, v0;
	_ =	sdelay $0x1  }
0x1f5: {  	v0 =	vmul.f32 $4.999999890e-03, v0;
	_ =	sdelay $0x1  }
0x1f6: {  	v43 =	vld [tilespmem:s13+$0xFFFFFFD0];
	[tilespmem:s13+$0xFFFFFFC0] =	vst v0  }
0x1f7: {  	v44 =	vld [tilespmem:s15+$0xFFFFFFD0]  }
0x1f8: {  	v45 =	vld [tilespmem:s17+$0xFFFFFFD0]  }
0x1f9: {  	v46 =	vld [tilespmem:s19+$0xFFFFFFD0]  }
0x1fa: {  	v47 =	vld [tilespmem:s21+$0xFFFFFFD0]  }
0x1fb: {  	v48 =	vld [tilespmem:s23+$0xFFFFFFD0]  }
0x1fc: {  	v49 =	vld [tilespmem:s2+$0xFFFFFFD0]  }
0x1fd: {  	v50 =	vld [tilespmem:s4+$0xFFFFFFD0];
	_ =	sdelay $0x3  }
0x1fe: {  	v0 =	vadd.f32 v44, v43;
	v51 =	vadd.f32 v46, v45  }
0x1ff: {  	v52 =	vadd.f32 v48, v47;
	v53 =	vadd.f32 v50, v49;
	_ =	sdelay $0x1  }
0x200: {  	v0 =	vadd.f32 v51, v0;
	v54 =	vadd.f32 v53, v52;
	_ =	sdelay $0x1  }
0x201: {  	v0 =	vadd.f32 v54, v0;
	_ =	sdelay $0x1  }
0x202: {  	v0 =	vmul.f32 $4.999999890e-03, v0;
	_ =	sdelay $0x1  }
0x203: {  	v55 =	vld [tilespmem:s13+$0xFFFFFFE0];
	[tilespmem:s13+$0xFFFFFFD0] =	vst v0  }
0x204: {  	v56 =	vld [tilespmem:s15+$0xFFFFFFE0]  }
0x205: {  	v57 =	vld [tilespmem:s17+$0xFFFFFFE0]  }
0x206: {  	v58 =	vld [tilespmem:s19+$0xFFFFFFE0]  }
0x207: {  	v59 =	vld [tilespmem:s21+$0xFFFFFFE0]  }
0x208: {  	v60 =	vld [tilespmem:s23+$0xFFFFFFE0]  }
0x209: {  	v61 =	vld [tilespmem:s2+$0xFFFFFFE0]  }
0x20a: {  	v62 =	vld [tilespmem:s4+$0xFFFFFFE0];
	_ =	sdelay $0x3  }
0x20b: {  	v0 =	vadd.f32 v56, v55;
	v63 =	vadd.f32 v58, v57  }
0x20c: {  	v8 =	vadd.f32 v60, v59;
	v9 =	vadd.f32 v62, v61;
	_ =	sdelay $0x1  }
0x20d: {  	v0 =	vadd.f32 v63, v0;
	v10 =	vadd.f32 v9, v8;
	_ =	sdelay $0x1  }
0x20e: {  	v0 =	vadd.f32 v10, v0;
	_ =	sdelay $0x1  }
0x20f: {  	v0 =	vmul.f32 $4.999999890e-03, v0;
	_ =	sdelay $0x1  }
0x210: {  	v11 =	vld [tilespmem:s13+$0xFFFFFFF0];
	[tilespmem:s13+$0xFFFFFFE0] =	vst v0  }
0x211: {  	v12 =	vld [tilespmem:s15+$0xFFFFFFF0]  }
0x212: {  	v13 =	vld [tilespmem:s17+$0xFFFFFFF0]  }
0x213: {  	v14 =	vld [tilespmem:s19+$0xFFFFFFF0]  }
0x214: {  	v15 =	vld [tilespmem:s21+$0xFFFFFFF0]  }
0x215: {  	v16 =	vld [tilespmem:s23+$0xFFFFFFF0]  }
0x216: {  	v17 =	vld [tilespmem:s2+$0xFFFFFFF0]  }
0x217: {  	v18 =	vld [tilespmem:s4+$0xFFFFFFF0];
	_ =	sdelay $0x3  }
0x218: {  	v0 =	vadd.f32 v12, v11;
	v19 =	vadd.f32 v14, v13  }
0x219: {  	v20 =	vadd.f32 v16, v15;
	v21 =	vadd.f32 v18, v17;
	_ =	sdelay $0x1  }
0x21a: {  	v0 =	vadd.f32 v19, v0;
	v22 =	vadd.f32 v21, v20;
	_ =	sdelay $0x1  }
0x21b: {  	v0 =	vadd.f32 v22, v0;
	_ =	sdelay $0x1  }
0x21c: {  	v0 =	vmul.f32 $4.999999890e-03, v0;
	_ =	sdelay $0x1  }
0x21d: {  	v23 =	vld [tilespmem:s13+$0x0];
	[tilespmem:s13+$0xFFFFFFF0] =	vst v0  }
0x21e: {  	v24 =	vld [tilespmem:s15+$0x0]  }
0x21f: {  	v25 =	vld [tilespmem:s17+$0x0]  }
0x220: {  	v26 =	vld [tilespmem:s19+$0x0]  }
0x221: {  	v27 =	vld [tilespmem:s21+$0x0]  }
0x222: {  	v28 =	vld [tilespmem:s23+$0x0]  }
0x223: {  	v29 =	vld [tilespmem:s2+$0x0]  }
0x224: {  	v30 =	vld [tilespmem:s4+$0x0];
	_ =	sdelay $0x3  }
0x225: {  	v0 =	vadd.f32 v24, v23;
	v31 =	vadd.f32 v26, v25  }
0x226: {  	v32 =	vadd.f32 v28, v27;
	v33 =	vadd.f32 v30, v29;
	_ =	sdelay $0x1  }
0x227: {  	v0 =	vadd.f32 v31, v0;
	v34 =	vadd.f32 v33, v32;
	_ =	sdelay $0x1  }
0x228: {  	v0 =	vadd.f32 v34, v0;
	_ =	sdelay $0x1  }
0x229: {  	v0 =	vmul.f32 $4.999999890e-03, v0;
	_ =	sdelay $0x1  }
0x22a: {  	v35 =	vld [tilespmem:s13+$0x10];
	[tilespmem:s13+$0x0] =	vst v0  }
0x22b: {  	v36 =	vld [tilespmem:s15+$0x10]  }
0x22c: {  	v37 =	vld [tilespmem:s17+$0x10]  }
0x22d: {  	v38 =	vld [tilespmem:s19+$0x10]  }
0x22e: {  	v39 =	vld [tilespmem:s21+$0x10]  }
0x22f: {  	v40 =	vld [tilespmem:s23+$0x10]  }
0x230: {  	v41 =	vld [tilespmem:s2+$0x10]  }
0x231: {  	v42 =	vld [tilespmem:s4+$0x10];
	_ =	sdelay $0x3  }
0x232: {  	v0 =	vadd.f32 v36, v35;
	v43 =	vadd.f32 v38, v37  }
0x233: {  	v44 =	vadd.f32 v40, v39;
	v45 =	vadd.f32 v42, v41;
	_ =	sdelay $0x1  }
0x234: {  	v0 =	vadd.f32 v43, v0;
	v46 =	vadd.f32 v45, v44;
	_ =	sdelay $0x1  }
0x235: {  	v0 =	vadd.f32 v46, v0;
	_ =	sdelay $0x1  }
0x236: {  	v0 =	vmul.f32 $4.999999890e-03, v0;
	_ =	sdelay $0x1  }
0x237: {  	v47 =	vld [tilespmem:s13+$0x20];
	[tilespmem:s13+$0x10] =	vst v0  }
0x238: {  	v48 =	vld [tilespmem:s15+$0x20]  }
0x239: {  	v49 =	vld [tilespmem:s17+$0x20]  }
0x23a: {  	v50 =	vld [tilespmem:s19+$0x20]  }
0x23b: {  	v51 =	vld [tilespmem:s21+$0x20]  }
0x23c: {  	v52 =	vld [tilespmem:s23+$0x20]  }
0x23d: {  	v53 =	vld [tilespmem:s2+$0x20]  }
0x23e: {  	v54 =	vld [tilespmem:s4+$0x20];
	_ =	sdelay $0x3  }
0x23f: {  	v0 =	vadd.f32 v48, v47;
	v55 =	vadd.f32 v50, v49  }
0x240: {  	v56 =	vadd.f32 v52, v51;
	v57 =	vadd.f32 v54, v53;
	_ =	sdelay $0x1  }
0x241: {  	v0 =	vadd.f32 v55, v0;
	v58 =	vadd.f32 v57, v56;
	_ =	sdelay $0x1  }
0x242: {  	v0 =	vadd.f32 v58, v0;
	_ =	sdelay $0x1  }
0x243: {  	v0 =	vmul.f32 $4.999999890e-03, v0;
	_ =	sdelay $0x1  }
0x244: {  	v59 =	vld [tilespmem:s13+$0x30];
	[tilespmem:s13+$0x20] =	vst v0  }
0x245: {  	v60 =	vld [tilespmem:s15+$0x30]  }
0x246: {  	v61 =	vld [tilespmem:s17+$0x30]  }
0x247: {  	v62 =	vld [tilespmem:s19+$0x30]  }
0x248: {  	v63 =	vld [tilespmem:s21+$0x30]  }
0x249: {  	v9 =	vld [tilespmem:s23+$0x30]  }
0x24a: {  	v10 =	vld [tilespmem:s2+$0x30]  }
0x24b: {  	v11 =	vld [tilespmem:s4+$0x30];
	_ =	sdelay $0x3  }
0x24c: {  	v0 =	vadd.f32 v60, v59;
	v12 =	vadd.f32 v62, v61  }
0x24d: {  	v13 =	vadd.f32 v9, v63;
	v14 =	vadd.f32 v11, v10;
	_ =	sdelay $0x1  }
0x24e: {  	v0 =	vadd.f32 v12, v0;
	v15 =	vadd.f32 v14, v13;
	_ =	sdelay $0x1  }
0x24f: {  	v0 =	vadd.f32 v15, v0;
	_ =	sdelay $0x1  }
0x250: {  	v0 =	vmul.f32 $4.999999890e-03, v0;
	_ =	sdelay $0x1  }
0x251: {  	v16 =	vld [tilespmem:s13+$0x40];
	[tilespmem:s13+$0x30] =	vst v0  }
0x252: {  	v17 =	vld [tilespmem:s15+$0x40]  }
0x253: {  	v18 =	vld [tilespmem:s17+$0x40]  }
0x254: {  	v19 =	vld [tilespmem:s19+$0x40]  }
0x255: {  	v20 =	vld [tilespmem:s21+$0x40]  }
0x256: {  	v21 =	vld [tilespmem:s23+$0x40]  }
0x257: {  	v22 =	vld [tilespmem:s2+$0x40]  }
0x258: {  	v23 =	vld [tilespmem:s4+$0x40];
	_ =	sdelay $0x3  }
0x259: {  	v0 =	vadd.f32 v17, v16;
	v24 =	vadd.f32 v19, v18  }
0x25a: {  	v25 =	vadd.f32 v21, v20;
	v26 =	vadd.f32 v23, v22;
	_ =	sdelay $0x1  }
0x25b: {  	v0 =	vadd.f32 v24, v0;
	v27 =	vadd.f32 v26, v25;
	_ =	sdelay $0x1  }
0x25c: {  	v0 =	vadd.f32 v27, v0;
	_ =	sdelay $0x1  }
0x25d: {  	v0 =	vmul.f32 $4.999999890e-03, v0;
	_ =	sdelay $0x1  }
0x25e: {  	v28 =	vld [tilespmem:s13+$0x50];
	[tilespmem:s13+$0x40] =	vst v0  }
0x25f: {  	v29 =	vld [tilespmem:s15+$0x50]  }
0x260: {  	v30 =	vld [tilespmem:s17+$0x50]  }
0x261: {  	v31 =	vld [tilespmem:s19+$0x50]  }
0x262: {  	v32 =	vld [tilespmem:s21+$0x50]  }
0x263: {  	v33 =	vld [tilespmem:s23+$0x50]  }
0x264: {  	v34 =	vld [tilespmem:s2+$0x50]  }
0x265: {  	v35 =	vld [tilespmem:s4+$0x50];
	_ =	sdelay $0x3  }
0x266: {  	v0 =	vadd.f32 v29, v28;
	v36 =	vadd.f32 v31, v30  }
0x267: {  	v37 =	vadd.f32 v33, v32;
	v38 =	vadd.f32 v35, v34;
	_ =	sdelay $0x1  }
0x268: {  	v0 =	vadd.f32 v36, v0;
	v39 =	vadd.f32 v38, v37;
	_ =	sdelay $0x1  }
0x269: {  	v0 =	vadd.f32 v39, v0;
	_ =	sdelay $0x1  }
0x26a: {  	v0 =	vmul.f32 $4.999999890e-03, v0;
	_ =	sdelay $0x1  }
0x26b: {  	v40 =	vld [tilespmem:s13+$0x60];
	[tilespmem:s13+$0x50] =	vst v0  }
0x26c: {  	v41 =	vld [tilespmem:s15+$0x60]  }
0x26d: {  	v42 =	vld [tilespmem:s17+$0x60]  }
0x26e: {  	v43 =	vld [tilespmem:s19+$0x60]  }
0x26f: {  	v44 =	vld [tilespmem:s21+$0x60]  }
0x270: {  	v45 =	vld [tilespmem:s23+$0x60]  }
0x271: {  	v46 =	vld [tilespmem:s2+$0x60]  }
0x272: {  	v47 =	vld [tilespmem:s4+$0x60];
	_ =	sdelay $0x3  }
0x273: {  	v0 =	vadd.f32 v41, v40;
	v48 =	vadd.f32 v43, v42  }
0x274: {  	v49 =	vadd.f32 v45, v44;
	v50 =	vadd.f32 v47, v46;
	_ =	sdelay $0x1  }
0x275: {  	v0 =	vadd.f32 v48, v0;
	v51 =	vadd.f32 v50, v49;
	_ =	sdelay $0x1  }
0x276: {  	v0 =	vadd.f32 v51, v0;
	_ =	sdelay $0x1  }
0x277: {  	v0 =	vmul.f32 $4.999999890e-03, v0;
	_ =	sdelay $0x1  }
0x278: {  	v52 =	vld [tilespmem:s13+$0x70];
	[tilespmem:s13+$0x60] =	vst v0  }
0x279: {  	v53 =	vld [tilespmem:s15+$0x70]  }
0x27a: {  	v54 =	vld [tilespmem:s17+$0x70]  }
0x27b: {  	v55 =	vld [tilespmem:s19+$0x70]  }
0x27c: {  	v56 =	vld [tilespmem:s21+$0x70]  }
0x27d: {  	v57 =	vld [tilespmem:s23+$0x70]  }
0x27e: {  	v58 =	vld [tilespmem:s2+$0x70]  }
0x27f: {  	v59 =	vld [tilespmem:s4+$0x70];
	_ =	sdelay $0x3  }
0x280: {  	v0 =	vadd.f32 v53, v52;
	v60 =	vadd.f32 v55, v54  }
0x281: {  	v61 =	vadd.f32 v57, v56;
	v62 =	vadd.f32 v59, v58;
	_ =	sdelay $0x1  }
0x282: {  	s8 =	sadd.s32 $0x8, s8;
	v0 =	vadd.f32 v60, v0;
	v63 =	vadd.f32 v62, v61  }
0x283: {  	p0 =	slt.u32 s8, $0x78  }
.Ltmp2:
0x284: {  	v0 =	vadd.f32 v63, v0;
	(pc) =	sbr.rel @p0 .LBB2_6-.Ltmp2, $4  }
0x285: {  	_ = 	snop  }
0x286: {  	s15 =	sadd.s32 $0x100, s15;
	s17 =	sadd.s32 $0x100, s17;
	v0 =	vmul.f32 $4.999999890e-03, v0  }
0x287: {  	s19 =	sadd.s32 $0x100, s19;
	s21 =	sadd.s32 $0x100, s21;
	s23 =	sadd.s32 $0x100, s23  }
0x288: {  	s2 =	sadd.s32 $0x100, s2;
	s4 =	sadd.s32 $0x100, s4;
	[tilespmem:s13+$0x70] =	vst v0;
	s13 =	sadd.s32 $0x100, s13  }
0x289: {  	s7 =	sadd.s32 $0x1, s7  }
0x28a: {  	p0 =	sne.s32 s7, s6  }
.Ltmp3:
0x28b: {  	s8 =	simm.s32 $0x0;
	(pc) =	sbr.rel @p0 .LBB2_1-.Ltmp3, $4  }
0x28c: {  	[hbm4b:s5+s8] =	stream.linear.scatter [tilespmem:s11], [sflag:$0x9], $0x1000, $0x38;
	[tilespmem:$0xE400] =	vst v63  }
0x28d: {  	_ =	swait.ge [sflag:s9], $0x1000  }
0x28e: {  	[sflag:s9] =	ssyncset.done $0x0  }
0x28f: {  	[sflag:s9] =	ssyncadd.s32 $0xFFFFF000  }
0x290: {  	_ =	sfence.sel $0x180000  }
0x291: {  	[bflag:$0x0] =	sbarrier.arrive $0xFFFF  }
0x292: {  	_ =	strace $0x90000047  }
0x293: {  	s0 =	stileid.u32;
	[bflag:$0x2] =	sbarrier.arrive $0xFFFF  }
0x294: {  	p0 =	sne.s32 s0, $0x0;
	s0 =	rddreg [dreg:$0x3]  }
0x295: {  	s0 =	sadd.s32 @!p0 $0x100000, s0  }
0x296: {  	[sflag:s0] =	ssyncadd.tile.s32 @!p0 $0x1;
	_ =	shalt  }
.Lfunc_end2:
_tile_overlayer_lowered:
.L_overlay_start_2:
0x297: {  	(tag) =	ssettag $0x2  }
0x298: {  	s0 =	rddreg [dreg:$0x0];
	s2 =	stileid.u32  }
0x299: {  	s1 =	rddreg [dreg:$0x1];
	p0 =	sne.s32 s2, $0x0  }
0x29a: {  	s3 =	rddreg [dreg:$0x2];
	[bflag:$0x3] =	sbarrier.arrive $0xFFFF;
	s2 =	simm.s32 @!p0 $0x1C09  }
0x29b: {  	[timem:s3], [sflag:s2] =	dma.local @!p0 [hbm:s0], s1  }
0x29c: {  	s0 =	simm.s32 @!p0 $0x9  }
0x29d: {  	_ =	swait.ge @!p0 [sflag:s0], s1  }
0x29e: {  	s1 =	ssub.s32 @!p0 $0x0, s1;
	[sflag:s0] =	ssyncset.done @!p0 $0x0  }
0x29f: {  	[sflag:s0] =	ssyncadd.s32 @!p0 s1  }
0x2a0: {  	[bflag:$0x3] =	sbarrier.arrive $0xFFFF  }
0x2a1: {  	_ =	shalt  }

</sc_bundles>
